<compile_context>
chip_gen: v7x
topology: tpu7x:2x2x1
jax: 0.10.2.dev20260603
libtpu: 0.0.44.dev20260713+nightly
codegen_flags: <defaults>
</compile_context>

<pallas_src>
import functools

import jax
import jax.numpy as jnp
from jax import lax
from jax.experimental import pallas as pl
from jax.experimental.pallas import tpu as pltpu
from jax.experimental.pallas import tpu_sc as plsc

N_NODES = 10000
D_IN = 128
D_HID = 128
D_OUT = 64
N_EDGES = 160000

NC = 2
NS = 16
LANES = 128

N_PAD = 10240
ROWS_PT = N_PAD // NS
E_PAD = 163840
EROWS = E_PAD // LANES
EROWS_PT = EROWS // NS
ICHUNK = 40
ZROWS = 32
HBATCH = 8
BLK = 2000

_sc_mesh = functools.partial(
    plsc.VectorSubcoreMesh, core_axis_name="c", subcore_axis_name="s")


@functools.partial(
    pl.kernel,
    out_type=[jax.ShapeDtypeStruct((N_PAD,), jnp.float32) for _ in range(4)],
    mesh=_sc_mesh(),
    scratch_types=[
        pltpu.VMEM((EROWS_PT, LANES), jnp.int32),
        pltpu.VMEM((EROWS_PT, LANES), jnp.int32),
        pltpu.VMEM((LANES,), jnp.float32),
        pltpu.VMEM((ROWS_PT,), jnp.float32),
        pltpu.VMEM_SHARED((N_PAD,), jnp.float32),
        pltpu.VMEM_SHARED((N_PAD,), jnp.float32),
        pltpu.SemaphoreType.DMA,
    ],
)
def _hist_k(src1, dst1, src2, dst2, d0, d1, d2, d3,
            sidx, didx, ones_v, zbuf, acc_a, acc_b, sem):
    cid = lax.axis_index("c")
    tid = lax.axis_index("s")
    for i in range(LANES // 16):
        ones_v[pl.ds(i * 16, 16)] = jnp.ones((16,), jnp.float32)

    def zb(i, c):
        zbuf[pl.ds(i * 16, 16)] = jnp.zeros((16,), jnp.float32)
        return c

    lax.fori_loop(0, ROWS_PT // 16, zb, 0)
    sl = pl.ds(tid * ROWS_PT, ROWS_PT)
    pltpu.async_copy(zbuf, acc_a.at[sl], sem)
    pltpu.async_copy(zbuf, acc_b.at[sl], sem)
    pltpu.make_async_copy(zbuf, acc_a.at[sl], sem).wait()
    pltpu.make_async_copy(zbuf, acc_b.at[sl], sem).wait()
    plsc.subcore_barrier()

    def run(src_hbm, dst_hbm):
        esl = pl.ds(tid * EROWS_PT, EROWS_PT)
        pltpu.sync_copy(src_hbm.at[esl], sidx)
        pltpu.sync_copy(dst_hbm.at[esl], didx)

        def w(i, c):
            r = i * HBATCH
            for j in range(HBATCH):
                pltpu.async_copy(ones_v, acc_a.at[sidx.at[r + j]], sem,
                                 add=True)
                pltpu.async_copy(ones_v, acc_b.at[didx.at[r + j]], sem,
                                 add=True)
            for j in range(HBATCH):
                pltpu.make_async_copy(ones_v, acc_a.at[sidx.at[r + j]],
                                      sem).wait()
                pltpu.make_async_copy(ones_v, acc_b.at[didx.at[r + j]],
                                      sem).wait()
            return c

        lax.fori_loop(0, EROWS_PT // HBATCH, w, 0)

    pl.when(cid == 0)(lambda: run(src1, dst1))
    pl.when(cid == 1)(lambda: run(src2, dst2))
    plsc.subcore_barrier()

    def out0():
        pltpu.sync_copy(acc_a.at[sl], d0.at[sl])
        pltpu.sync_copy(acc_b.at[sl], d1.at[sl])

    def out1():
        pltpu.sync_copy(acc_a.at[sl], d2.at[sl])
        pltpu.sync_copy(acc_b.at[sl], d3.at[sl])

    pl.when(cid == 0)(out0)
    pl.when(cid == 1)(out1)


def _make_agg(d):
    deep = d == D_OUT
    nbuf = 4 if deep else 2
    irows = EROWS_PT if deep else ICHUNK
    scratch = [
        pltpu.VMEM((irows, LANES), jnp.int32),
        pltpu.VMEM((irows, LANES), jnp.int32),
    ]
    scratch += [pltpu.VMEM((LANES, d), jnp.float32)] * nbuf
    scratch += [pltpu.VMEM((ZROWS, d), jnp.float32)]
    scratch += [pltpu.VMEM_SHARED((N_PAD, d), jnp.float32)]
    scratch += [pltpu.SemaphoreType.DMA] * (2 * nbuf if deep else nbuf)

    @functools.partial(
        pl.kernel,
        out_type=[jax.ShapeDtypeStruct((N_PAD, d), jnp.float32),
                  jax.ShapeDtypeStruct((N_PAD, d), jnp.float32)],
        mesh=_sc_mesh(),
        scratch_types=scratch,
        compiler_params=pltpu.CompilerParams(use_tc_tiling_on_sc=False),
    )
    def agg_k(h_a, h_b, src1, dst1, src2, dst2, out_a, out_b,
              sidx, didx, *rest):
        bufs = rest[:nbuf]
        zbuf = rest[nbuf]
        acc = rest[nbuf + 1]
        sems = rest[nbuf + 2:]
        cid = lax.axis_index("c")
        tid = lax.axis_index("s")
        sl = pl.ds(tid * ROWS_PT, ROWS_PT)

        def zb(r, c):
            for j in range(d // 16):
                zbuf[r, pl.ds(j * 16, 16)] = jnp.zeros((16,), jnp.float32)
            return c

        lax.fori_loop(0, ZROWS, zb, 0)

        def zcp(j, c):
            pltpu.async_copy(
                zbuf, acc.at[pl.ds(tid * ROWS_PT + j * ZROWS, ZROWS)],
                sems[0])
            return c

        lax.fori_loop(0, ROWS_PT // ZROWS, zcp, 0)

        def zwait(j, c):
            pltpu.make_async_copy(
                zbuf, acc.at[pl.ds(tid * ROWS_PT + j * ZROWS, ZROWS)],
                sems[0]).wait()
            return c

        lax.fori_loop(0, ROWS_PT // ZROWS, zwait, 0)
        plsc.subcore_barrier()

        def run2(h_hbm, src_hbm, dst_hbm):
            buf0, buf1 = bufs
            sem0, sem1 = sems

            def chunk(off, sz):
                base = tid * EROWS_PT + off
                pltpu.sync_copy(src_hbm.at[pl.ds(base, sz)], sidx)
                pltpu.sync_copy(dst_hbm.at[pl.ds(base, sz)], didx)
                pltpu.async_copy(h_hbm.at[sidx.at[0]], buf0, sem0)

                def w(i, cc):
                    r = 2 * i
                    pltpu.async_copy(h_hbm.at[sidx.at[r + 1]], buf1, sem1)
                    pltpu.make_async_copy(
                        h_hbm.at[sidx.at[r]], buf0, sem0).wait()
                    pltpu.sync_copy(buf0, acc.at[didx.at[r]], add=True)

                    @pl.when(r + 2 < sz)
                    def _():
                        pltpu.async_copy(h_hbm.at[sidx.at[r + 2]], buf0, sem0)

                    pltpu.make_async_copy(
                        h_hbm.at[sidx.at[r + 1]], buf1, sem1).wait()
                    pltpu.sync_copy(buf1, acc.at[didx.at[r + 1]], add=True)
                    return cc

                lax.fori_loop(0, sz // 2, w, 0)

            chunk(0, ICHUNK)
            chunk(ICHUNK, ICHUNK)

        def run4(h_hbm, src_hbm, dst_hbm):
            gsems = sems[:nbuf]
            ssems = sems[nbuf:]

            esl = pl.ds(tid * EROWS_PT, EROWS_PT)
            pltpu.sync_copy(src_hbm.at[esl], sidx)
            pltpu.sync_copy(dst_hbm.at[esl], didx)
            pltpu.async_copy(h_hbm.at[sidx.at[0]], bufs[0], gsems[0])
            pltpu.async_copy(h_hbm.at[sidx.at[1]], bufs[1], gsems[1])

            def w(i, cc):
                for j in range(nbuf):
                    r = nbuf * i + j
                    j2 = (j + 2) % nbuf

                    @pl.when(r + 2 < EROWS_PT)
                    def _():
                        @pl.when(r >= 2)
                        def _():
                            pltpu.make_async_copy(
                                bufs[j2], acc.at[didx.at[r - 2]],
                                ssems[j2]).wait()

                        pltpu.async_copy(h_hbm.at[sidx.at[r + 2]],
                                         bufs[j2], gsems[j2])

                    pltpu.make_async_copy(
                        h_hbm.at[sidx.at[r]], bufs[j], gsems[j]).wait()
                    pltpu.async_copy(bufs[j], acc.at[didx.at[r]],
                                     ssems[j], add=True)
                return cc

            lax.fori_loop(0, EROWS_PT // nbuf, w, 0)
            for rr in range(EROWS_PT - 4, EROWS_PT):
                jj = rr % nbuf
                pltpu.make_async_copy(
                    bufs[jj], acc.at[didx.at[rr]], ssems[jj]).wait()

        run = run4 if deep else run2
        pl.when(cid == 0)(lambda: run(h_a, src1, dst1))
        pl.when(cid == 1)(lambda: run(h_b, src2, dst2))
        plsc.subcore_barrier()
        pl.when(cid == 0)(lambda: pltpu.sync_copy(acc.at[sl], out_a.at[sl]))
        pl.when(cid == 1)(lambda: pltpu.sync_copy(acc.at[sl], out_b.at[sl]))

    return agg_k


_agg128 = _make_agg(D_HID)
_agg64 = _make_agg(D_OUT)


def _norm_from_deg(dref):
    dg = dref[...]
    return jnp.where(dg > 0, lax.rsqrt(jnp.maximum(dg, 1.0)), 0.0)


def _mm_body(x_ref, w_ref, y_ref):
    y_ref[...] = jnp.dot(x_ref[...], w_ref[...],
                         preferred_element_type=jnp.float32)


def _matmul(x, w):
    n, k = x.shape
    m = w.shape[1]
    return pl.pallas_call(
        _mm_body,
        grid=(n // BLK,),
        in_specs=[pl.BlockSpec((BLK, k), lambda i: (i, 0)),
                  pl.BlockSpec((k, m), lambda i: (0, 0))],
        out_specs=pl.BlockSpec((BLK, m), lambda i: (i, 0)),
        out_shape=jax.ShapeDtypeStruct((n, m), jnp.float32),
    )(x, w)


def _prescale_body(y_ref, d0, d2, h_a, h_b):
    y = y_ref[...]
    h_a[...] = y * _norm_from_deg(d0)
    h_b[...] = y * _norm_from_deg(d2)


def _prescale(y, d0, d2):
    col = pl.BlockSpec((BLK, 1), lambda i: (i, 0))
    big = pl.BlockSpec((BLK, D_HID), lambda i: (i, 0))
    return pl.pallas_call(
        _prescale_body,
        grid=(N_NODES // BLK,),
        in_specs=[big, col, col],
        out_specs=[big, big],
        out_shape=[jax.ShapeDtypeStruct((N_PAD, D_HID), jnp.float32)] * 2,
    )(y, d0, d2)


def _tc2_body(agg_a, agg_b, d0, d1, d2, d3, attn, b1_ref, w2_ref, h_a, h_b):
    a0 = attn[0]
    a1 = attn[1]
    x1 = (a0 * (agg_a[...] * _norm_from_deg(d1))
          + a1 * (agg_b[...] * _norm_from_deg(d3))
          + (a0 + a1) * b1_ref[...])
    y2 = jnp.dot(x1, w2_ref[...], preferred_element_type=jnp.float32)
    h_a[...] = y2 * _norm_from_deg(d0)
    h_b[...] = y2 * _norm_from_deg(d2)


def _tc2(agg_a, agg_b, d0, d1, d2, d3, attn, b1, w2):
    col = pl.BlockSpec((BLK, 1), lambda i: (i, 0))
    big = pl.BlockSpec((BLK, D_HID), lambda i: (i, 0))
    return pl.pallas_call(
        _tc2_body,
        grid=(N_NODES // BLK,),
        in_specs=[
            big, big, col, col, col, col,
            pl.BlockSpec(memory_space=pltpu.SMEM),
            pl.BlockSpec((1, D_HID), lambda i: (0, 0)),
            pl.BlockSpec((D_HID, D_OUT), lambda i: (0, 0)),
        ],
        out_specs=[pl.BlockSpec((BLK, D_OUT), lambda i: (i, 0)),
                   pl.BlockSpec((BLK, D_OUT), lambda i: (i, 0))],
        out_shape=[jax.ShapeDtypeStruct((N_PAD, D_OUT), jnp.float32)] * 2,
    )(agg_a, agg_b, d0, d1, d2, d3, attn, b1, w2)


def _tc3_body(agg_a, agg_b, d1, d3, attn, b2_ref, out):
    a0 = attn[0]
    a1 = attn[1]
    out[...] = (a0 * (agg_a[...] * _norm_from_deg(d1))
                + a1 * (agg_b[...] * _norm_from_deg(d3))
                + (a0 + a1) * b2_ref[...])


def _tc3(agg_a, agg_b, d1, d3, attn, b2):
    col = pl.BlockSpec((BLK, 1), lambda i: (i, 0))
    big = pl.BlockSpec((BLK, D_OUT), lambda i: (i, 0))
    return pl.pallas_call(
        _tc3_body,
        grid=(N_NODES // BLK,),
        in_specs=[big, big, col, col,
                  pl.BlockSpec(memory_space=pltpu.SMEM),
                  pl.BlockSpec((1, D_OUT), lambda i: (0, 0))],
        out_specs=big,
        out_shape=jax.ShapeDtypeStruct((N_NODES, D_OUT), jnp.float32),
    )(agg_a, agg_b, d1, d3, attn, b2)


def _pad_edges(idx, fill):
    return jnp.concatenate(
        [idx.astype(jnp.int32), fill]).reshape(EROWS, LANES)


def kernel(features, edge_index1, edge_index2, order_attn, W1, b1, W2, b2):
    npad = E_PAD - N_EDGES
    pad = N_NODES + (jnp.arange(npad, dtype=jnp.int32) % (N_PAD - N_NODES))

    src1h = _pad_edges(edge_index1[0], pad)
    dst1h = _pad_edges(edge_index1[1], pad)
    src2h = _pad_edges(edge_index2[0], pad)
    dst2h = _pad_edges(edge_index2[1], pad)

    d0, d1, d2, d3 = _hist_k(src1h, dst1h, src2h, dst2h)
    y1 = _matmul(features, W1)
    d0 = d0.reshape(N_PAD, 1)
    d1 = d1.reshape(N_PAD, 1)
    d2 = d2.reshape(N_PAD, 1)
    d3 = d3.reshape(N_PAD, 1)

    h_a, h_b = _prescale(y1, d0, d2)

    agg1_a, agg1_b = _agg128(h_a, h_b, src1h, dst1h, src2h, dst2h)

    h2_a, h2_b = _tc2(agg1_a, agg1_b, d0, d1, d2, d3, order_attn,
                      b1.reshape(1, D_HID), W2)

    agg2_a, agg2_b = _agg64(h2_a, h2_b, src1h, dst1h, src2h, dst2h)

    return _tc3(agg2_a, agg2_b, d1, d3, order_attn, b2.reshape(1, D_OUT))

# --- scband reference (transcript-rebuilt; emitter-appended) ---
"""Pipeline reference for scband-dgl-gcn-1099511628218 (READ-ONLY COPY).

The authoritative reference and input builder live on the scoring server;
editing this copy changes nothing except your own understanding.
"""

import jax, jax.numpy as jnp
import numpy as np

N_NODES = 10000
D_IN = 128
D_HID = 128
D_OUT = 64
N_EDGES = 160000


def _graph_conv(x, src, dst, W, b, n_nodes):
    # DGL GraphConv with norm='both', allow_zero_in_degree=True:
    # h = D_in^{-1/2} * A * (D_out^{-1/2} * x) @ W + b
    ones = jnp.ones(src.shape, dtype=x.dtype)
    deg_out = jax.ops.segment_sum(ones, src, num_segments=n_nodes)
    deg_in = jax.ops.segment_sum(ones, dst, num_segments=n_nodes)
    norm_out = jnp.where(deg_out > 0, 1.0 / jnp.sqrt(jnp.maximum(deg_out, 1.0)), 0.0)
    norm_in = jnp.where(deg_in > 0, 1.0 / jnp.sqrt(jnp.maximum(deg_in, 1.0)), 0.0)
    h = x * norm_out[:, None]
    msg = jnp.take(h, src, axis=0)
    agg = jax.ops.segment_sum(msg, dst, num_segments=n_nodes)
    agg = agg * norm_in[:, None]
    return agg @ W + b


def setup_inputs(seed: int = 0) -> dict:
    key = jax.random.key(seed)
    k1, k2, k3, k4, k5, k6, k7, k8 = jax.random.split(key, 8)
    edge_index1 = jax.random.randint(k1, (2, N_EDGES), 0, N_NODES, dtype=jnp.int64 if jax.config.read('jax_enable_x64') else jnp.int32)
    edge_index2 = jax.random.randint(k2, (2, N_EDGES), 0, N_NODES, dtype=jnp.int64 if jax.config.read('jax_enable_x64') else jnp.int32)
    features = jax.random.normal(k3, (N_NODES, D_IN), dtype=jnp.float32)
    order_attn = jax.random.uniform(k4, (2,), dtype=jnp.float32)
    W1 = jax.random.normal(k5, (D_IN, D_HID), dtype=jnp.float32) * (1.0 / np.sqrt(D_IN))
    b1 = jnp.zeros((D_HID,), dtype=jnp.float32)
    W2 = jax.random.normal(k6, (D_HID, D_OUT), dtype=jnp.float32) * (1.0 / np.sqrt(D_HID))
    b2 = jnp.zeros((D_OUT,), dtype=jnp.float32)
    return {"features": features, "edge_index1": edge_index1, "edge_index2": edge_index2,
            "order_attn": order_attn, "W1": W1, "b1": b1, "W2": W2, "b2": b2}


def reference(features, edge_index1, edge_index2, order_attn, W1, b1, W2, b2):
    src1, dst1 = edge_index1[0], edge_index1[1]
    src2, dst2 = edge_index2[0], edge_index2[1]
    # layer 1 applied to both graphs
    x11 = _graph_conv(features, src1, dst1, W1, b1, N_NODES)
    x12 = _graph_conv(features, src2, dst2, W1, b1, N_NODES)
    x1 = order_attn[0] * x11 + order_attn[1] * x12
    # layer 2 applied to both graphs
    x21 = _graph_conv(x1, src1, dst1, W2, b2, N_NODES)
    x22 = _graph_conv(x1, src2, dst2, W2, b2, N_NODES)
    x2 = order_attn[0] * x21 + order_attn[1] * x22
    return x2

if __name__ == "__main__":
    import jax
    _d = setup_inputs()
    print(jax.jit(kernel)(*tuple(_d.values())))

</pallas_src>

<mosaic_0001>
#map = affine_map<(d0, d1) -> (0, 0)>
#map1 = affine_map<(d0, d1) -> (0)>
module attributes {stable_mosaic.version = 14 : i64} {
  func.func @_hist_k(%arg0: i32, %arg1: i32, %arg2: memref<1280x128xi32, #tpu.memory_space<hbm>>, %arg3: memref<1280x128xi32, #tpu.memory_space<hbm>>, %arg4: memref<1280x128xi32, #tpu.memory_space<hbm>>, %arg5: memref<1280x128xi32, #tpu.memory_space<hbm>>, %arg6: memref<10240xf32, #tpu.memory_space<hbm>>, %arg7: memref<10240xf32, #tpu.memory_space<hbm>>, %arg8: memref<10240xf32, #tpu.memory_space<hbm>>, %arg9: memref<10240xf32, #tpu.memory_space<hbm>>, %arg10: memref<80x128xi32, #tpu.memory_space<vmem>>, %arg11: memref<80x128xi32, #tpu.memory_space<vmem>>, %arg12: memref<128xf32, #tpu.memory_space<vmem>>, %arg13: memref<640xf32, #tpu.memory_space<vmem>>, %arg14: memref<10240xf32, #tpu.memory_space<vmem_shared>>, %arg15: memref<10240xf32, #tpu.memory_space<vmem_shared>>, %arg16: memref<!tpu.dma_semaphore, #tpu.memory_space<semaphore_mem>>) attributes {dimension_semantics = [#tpu.dimension_semantics<core_parallel>, #tpu.dimension_semantics<subcore_parallel>], iteration_bounds = array<i64: 2, 16>, scalar_prefetch = 0 : i64, scratch_operands = 7 : i64, tpu.core_type = #tpu.core_type<sc_vector_subcore>, window_params = [{transform_indices = #map}, {transform_indices = #map}, {transform_indices = #map}, {transform_indices = #map}, {transform_indices = #map1}, {transform_indices = #map1}, {transform_indices = #map1}, {transform_indices = #map1}]} {
    %broadcast_in_dim3A = arith.constant 1.000000e+00 : f32
    %broadcast_in_dim3A_0 = vector.broadcast %broadcast_in_dim3A : f32 to vector<16xf32>
    %swap3A = arith.constant 0 : index
    %swap3A_1 = tpu.vector_load %arg12[%swap3A] {strides = array<i32>} : memref<128xf32, #tpu.memory_space<vmem>>, vector<16xf32>,
    %swap3A_2 = vector.shape_cast %swap3A_1 : vector<16xf32> to vector<16xf32>
    %swap3A_3 = vector.shape_cast %broadcast_in_dim3A_0 : vector<16xf32> to vector<16xf32>
    tpu.vector_store %arg12[%swap3A], %swap3A_3 {strides = array<i32>} : memref<128xf32, #tpu.memory_space<vmem>>, vector<16xf32>,
    %broadcast_in_dim3A_4 = arith.constant 1.000000e+00 : f32
    %broadcast_in_dim3A_5 = vector.broadcast %broadcast_in_dim3A_4 : f32 to vector<16xf32>
    %swap3A_6 = arith.constant 16 : index
    %swap3A_7 = tpu.vector_load %arg12[%swap3A_6] {strides = array<i32>} : memref<128xf32, #tpu.memory_space<vmem>>, vector<16xf32>,
    %swap3A_8 = vector.shape_cast %swap3A_7 : vector<16xf32> to vector<16xf32>
    %swap3A_9 = vector.shape_cast %broadcast_in_dim3A_5 : vector<16xf32> to vector<16xf32>
    tpu.vector_store %arg12[%swap3A_6], %swap3A_9 {strides = array<i32>} : memref<128xf32, #tpu.memory_space<vmem>>, vector<16xf32>,
    %broadcast_in_dim3A_10 = arith.constant 1.000000e+00 : f32
    %broadcast_in_dim3A_11 = vector.broadcast %broadcast_in_dim3A_10 : f32 to vector<16xf32>
    %swap3A_12 = arith.constant 32 : index
    %swap3A_13 = tpu.vector_load %arg12[%swap3A_12] {strides = array<i32>} : memref<128xf32, #tpu.memory_space<vmem>>, vector<16xf32>,
    %swap3A_14 = vector.shape_cast %swap3A_13 : vector<16xf32> to vector<16xf32>
    %swap3A_15 = vector.shape_cast %broadcast_in_dim3A_11 : vector<16xf32> to vector<16xf32>
    tpu.vector_store %arg12[%swap3A_12], %swap3A_15 {strides = array<i32>} : memref<128xf32, #tpu.memory_space<vmem>>, vector<16xf32>,
    %broadcast_in_dim3A_16 = arith.constant 1.000000e+00 : f32
    %broadcast_in_dim3A_17 = vector.broadcast %broadcast_in_dim3A_16 : f32 to vector<16xf32>
    %swap3A_18 = arith.constant 48 : index
    %swap3A_19 = tpu.vector_load %arg12[%swap3A_18] {strides = array<i32>} : memref<128xf32, #tpu.memory_space<vmem>>, vector<16xf32>,
    %swap3A_20 = vector.shape_cast %swap3A_19 : vector<16xf32> to vector<16xf32>
    %swap3A_21 = vector.shape_cast %broadcast_in_dim3A_17 : vector<16xf32> to vector<16xf32>
    tpu.vector_store %arg12[%swap3A_18], %swap3A_21 {strides = array<i32>} : memref<128xf32, #tpu.memory_space<vmem>>, vector<16xf32>,
    %broadcast_in_dim3A_22 = arith.constant 1.000000e+00 : f32
    %broadcast_in_dim3A_23 = vector.broadcast %broadcast_in_dim3A_22 : f32 to vector<16xf32>
    %swap3A_24 = arith.constant 64 : index
    %swap3A_25 = tpu.vector_load %arg12[%swap3A_24] {strides = array<i32>} : memref<128xf32, #tpu.memory_space<vmem>>, vector<16xf32>,
    %swap3A_26 = vector.shape_cast %swap3A_25 : vector<16xf32> to vector<16xf32>
    %swap3A_27 = vector.shape_cast %broadcast_in_dim3A_23 : vector<16xf32> to vector<16xf32>
    tpu.vector_store %arg12[%swap3A_24], %swap3A_27 {strides = array<i32>} : memref<128xf32, #tpu.memory_space<vmem>>, vector<16xf32>,
    %broadcast_in_dim3A_28 = arith.constant 1.000000e+00 : f32
    %broadcast_in_dim3A_29 = vector.broadcast %broadcast_in_dim3A_28 : f32 to vector<16xf32>
    %swap3A_30 = arith.constant 80 : index
    %swap3A_31 = tpu.vector_load %arg12[%swap3A_30] {strides = array<i32>} : memref<128xf32, #tpu.memory_space<vmem>>, vector<16xf32>,
    %swap3A_32 = vector.shape_cast %swap3A_31 : vector<16xf32> to vector<16xf32>
    %swap3A_33 = vector.shape_cast %broadcast_in_dim3A_29 : vector<16xf32> to vector<16xf32>
    tpu.vector_store %arg12[%swap3A_30], %swap3A_33 {strides = array<i32>} : memref<128xf32, #tpu.memory_space<vmem>>, vector<16xf32>,
    %broadcast_in_dim3A_34 = arith.constant 1.000000e+00 : f32
    %broadcast_in_dim3A_35 = vector.broadcast %broadcast_in_dim3A_34 : f32 to vector<16xf32>
    %swap3A_36 = arith.constant 96 : index
    %swap3A_37 = tpu.vector_load %arg12[%swap3A_36] {strides = array<i32>} : memref<128xf32, #tpu.memory_space<vmem>>, vector<16xf32>,
    %swap3A_38 = vector.shape_cast %swap3A_37 : vector<16xf32> to vector<16xf32>
    %swap3A_39 = vector.shape_cast %broadcast_in_dim3A_35 : vector<16xf32> to vector<16xf32>
    tpu.vector_store %arg12[%swap3A_36], %swap3A_39 {strides = array<i32>} : memref<128xf32, #tpu.memory_space<vmem>>, vector<16xf32>,
    %broadcast_in_dim3A_40 = arith.constant 1.000000e+00 : f32
    %broadcast_in_dim3A_41 = vector.broadcast %broadcast_in_dim3A_40 : f32 to vector<16xf32>
    %swap3A_42 = arith.constant 112 : index
    %swap3A_43 = tpu.vector_load %arg12[%swap3A_42] {strides = array<i32>} : memref<128xf32, #tpu.memory_space<vmem>>, vector<16xf32>,
    %swap3A_44 = vector.shape_cast %swap3A_43 : vector<16xf32> to vector<16xf32>
    %swap3A_45 = vector.shape_cast %broadcast_in_dim3A_41 : vector<16xf32> to vector<16xf32>
    tpu.vector_store %arg12[%swap3A_42], %swap3A_45 {strides = array<i32>} : memref<128xf32, #tpu.memory_space<vmem>>, vector<16xf32>,
    %scan3A = arith.constant 0 : i32
    %scan3A_46 = arith.constant 0 : i32
    %scan3A_47 = arith.constant 40 : i32
    %scan3A_48 = arith.addi %scan3A_46, %scan3A_47 : i32
    %scan3A_49 = arith.constant 1 : i32
    scf.for %scan3A_76 = %scan3A_46 to %scan3A_48 step %scan3A_49  : i32 {
      %broadcast_in_dim3A_77 = arith.constant 0.000000e+00 : f32
      %broadcast_in_dim3A_78 = vector.broadcast %broadcast_in_dim3A_77 : f32 to vector<16xf32>
      %mul3A_79 = arith.constant 16 : i32
      %mul3A_80 = arith.muli %scan3A_76, %mul3A_79 : i32
      %swap3A_81 = arith.index_cast %mul3A_80 : i32 to index
      %swap3A_82 = tpu.vector_load %arg13[%swap3A_81] {strides = array<i32>} : memref<640xf32, #tpu.memory_space<vmem>>, vector<16xf32>,
      %swap3A_83 = vector.shape_cast %swap3A_82 : vector<16xf32> to vector<16xf32>
      %swap3A_84 = vector.shape_cast %broadcast_in_dim3A_78 : vector<16xf32> to vector<16xf32>
      tpu.vector_store %arg13[%swap3A_81], %swap3A_84 {strides = array<i32>} : memref<640xf32, #tpu.memory_space<vmem>>, vector<16xf32>,
    }
    %scan3A_50 = arith.constant 40 : i32
    %mul3A = arith.constant 640 : i32
    %mul3A_51 = arith.muli %arg1, %mul3A : i32
    %dma_start3A = tpu.memref_slice %arg14[%mul3A_51] : memref<10240xf32, #tpu.memory_space<vmem_shared>> -> memref<640xf32, #tpu.memory_space<vmem_shared>>
    %dma_start3A_52 = tpu.memref_slice %arg14[%mul3A_51] : memref<10240xf32, #tpu.memory_space<vmem_shared>> -> memref<640xf32, #tpu.memory_space<vmem_shared>>
    tpu.enqueue_dma source(%arg13 : memref<640xf32, #tpu.memory_space<vmem>>) target(%dma_start3A_52 : memref<640xf32, #tpu.memory_space<vmem_shared>>) target_semaphore(%arg16 : memref<!tpu.dma_semaphore, #tpu.memory_space<semaphore_mem>>)
    %dma_start3A_53 = tpu.memref_slice %arg15[%mul3A_51] : memref<10240xf32, #tpu.memory_space<vmem_shared>> -> memref<640xf32, #tpu.memory_space<vmem_shared>>
    %dma_start3A_54 = tpu.memref_slice %arg15[%mul3A_51] : memref<10240xf32, #tpu.memory_space<vmem_shared>> -> memref<640xf32, #tpu.memory_space<vmem_shared>>
    tpu.enqueue_dma source(%arg13 : memref<640xf32, #tpu.memory_space<vmem>>) target(%dma_start3A_54 : memref<640xf32, #tpu.memory_space<vmem_shared>>) target_semaphore(%arg16 : memref<!tpu.dma_semaphore, #tpu.memory_space<semaphore_mem>>)
    %dma_wait3A = tpu.memref_slice %arg14[%mul3A_51] : memref<10240xf32, #tpu.memory_space<vmem_shared>> -> memref<640xf32, #tpu.memory_space<vmem_shared>>
    %dma_wait3A_55 = tpu.memref_slice %arg14[%mul3A_51] : memref<10240xf32, #tpu.memory_space<vmem_shared>> -> memref<640xf32, #tpu.memory_space<vmem_shared>>
    tpu.wait_dma2 semaphore(%arg16 : memref<!tpu.dma_semaphore, #tpu.memory_space<semaphore_mem>>) src(%arg13 : memref<640xf32, #tpu.memory_space<vmem>>) dst(%dma_wait3A_55 : memref<640xf32, #tpu.memory_space<vmem_shared>>)
    %dma_wait3A_56 = tpu.memref_slice %arg15[%mul3A_51] : memref<10240xf32, #tpu.memory_space<vmem_shared>> -> memref<640xf32, #tpu.memory_space<vmem_shared>>
    %dma_wait3A_57 = tpu.memref_slice %arg15[%mul3A_51] : memref<10240xf32, #tpu.memory_space<vmem_shared>> -> memref<640xf32, #tpu.memory_space<vmem_shared>>
    tpu.wait_dma2 semaphore(%arg16 : memref<!tpu.dma_semaphore, #tpu.memory_space<semaphore_mem>>) src(%arg13 : memref<640xf32, #tpu.memory_space<vmem>>) dst(%dma_wait3A_57 : memref<640xf32, #tpu.memory_space<vmem_shared>>)
    %barrier3A = arith.constant 0 : index
    tpu.barrier barrier_id(%barrier3A)
    %eq3A = arith.constant 0 : i32
    %eq3A_58 = arith.cmpi eq, %arg0, %eq3A : i32
    %convert_element_type3A = arith.extui %eq3A_58 : i1 to i32
    %cond3A = arith.constant 0 : i32
    %cond3A_59 = arith.cmpi ne, %convert_element_type3A, %cond3A : i32
    scf.if %cond3A_59 {
      %mul3A_76 = arith.constant 80 : i32
      %mul3A_77 = arith.muli %arg1, %mul3A_76 : i32
      "tpu.region"() ({
        %run_scoped3A = tpu.sem_alloc : memref<!tpu.dma_semaphore, #tpu.memory_space<semaphore_mem>>
        %dma_start3A_84 = arith.constant 0 : i32
        %dma_start3A_85 = tpu.memref_slice %arg2[%mul3A_77, %dma_start3A_84] : memref<1280x128xi32, #tpu.memory_space<hbm>> -> memref<80x128xi32, #tpu.memory_space<hbm>>
        %dma_start3A_86 = arith.constant 0 : i32
        %dma_start3A_87 = tpu.memref_slice %arg2[%mul3A_77, %dma_start3A_86] : memref<1280x128xi32, #tpu.memory_space<hbm>> -> memref<80x128xi32, #tpu.memory_space<hbm>>
        tpu.enqueue_dma source(%dma_start3A_87 : memref<80x128xi32, #tpu.memory_space<hbm>>) target(%arg10 : memref<80x128xi32, #tpu.memory_space<vmem>>) target_semaphore(%run_scoped3A : memref<!tpu.dma_semaphore, #tpu.memory_space<semaphore_mem>>)
        %dma_wait3A_88 = arith.constant 0 : i32
        %dma_wait3A_89 = tpu.memref_slice %arg2[%mul3A_77, %dma_wait3A_88] : memref<1280x128xi32, #tpu.memory_space<hbm>> -> memref<80x128xi32, #tpu.memory_space<hbm>>
        %dma_wait3A_90 = arith.constant 0 : i32
        %dma_wait3A_91 = tpu.memref_slice %arg2[%mul3A_77, %dma_wait3A_90] : memref<1280x128xi32, #tpu.memory_space<hbm>> -> memref<80x128xi32, #tpu.memory_space<hbm>>
        tpu.wait_dma2 semaphore(%run_scoped3A : memref<!tpu.dma_semaphore, #tpu.memory_space<semaphore_mem>>) src(%dma_wait3A_91 : memref<80x128xi32, #tpu.memory_space<hbm>>) dst(%arg10 : memref<80x128xi32, #tpu.memory_space<vmem>>)
        tpu.yield
      }) : () -> ()
      "tpu.region"() ({
        %run_scoped3A = tpu.sem_alloc : memref<!tpu.dma_semaphore, #tpu.memory_space<semaphore_mem>>
        %dma_start3A_84 = arith.constant 0 : i32
        %dma_start3A_85 = tpu.memref_slice %arg3[%mul3A_77, %dma_start3A_84] : memref<1280x128xi32, #tpu.memory_space<hbm>> -> memref<80x128xi32, #tpu.memory_space<hbm>>
        %dma_start3A_86 = arith.constant 0 : i32
        %dma_start3A_87 = tpu.memref_slice %arg3[%mul3A_77, %dma_start3A_86] : memref<1280x128xi32, #tpu.memory_space<hbm>> -> memref<80x128xi32, #tpu.memory_space<hbm>>
        tpu.enqueue_dma source(%dma_start3A_87 : memref<80x128xi32, #tpu.memory_space<hbm>>) target(%arg11 : memref<80x128xi32, #tpu.memory_space<vmem>>) target_semaphore(%run_scoped3A : memref<!tpu.dma_semaphore, #tpu.memory_space<semaphore_mem>>)
        %dma_wait3A_88 = arith.constant 0 : i32
        %dma_wait3A_89 = tpu.memref_slice %arg3[%mul3A_77, %dma_wait3A_88] : memref<1280x128xi32, #tpu.memory_space<hbm>> -> memref<80x128xi32, #tpu.memory_space<hbm>>
        %dma_wait3A_90 = arith.constant 0 : i32
        %dma_wait3A_91 = tpu.memref_slice %arg3[%mul3A_77, %dma_wait3A_90] : memref<1280x128xi32, #tpu.memory_space<hbm>> -> memref<80x128xi32, #tpu.memory_space<hbm>>
        tpu.wait_dma2 semaphore(%run_scoped3A : memref<!tpu.dma_semaphore, #tpu.memory_space<semaphore_mem>>) src(%dma_wait3A_91 : memref<80x128xi32, #tpu.memory_space<hbm>>) dst(%arg11 : memref<80x128xi32, #tpu.memory_space<vmem>>)
        tpu.yield
      }) : () -> ()
      %scan3A_78 = arith.constant 0 : i32
      %scan3A_79 = arith.constant 0 : i32
      %scan3A_80 = arith.constant 10 : i32
      %scan3A_81 = arith.addi %scan3A_79, %scan3A_80 : i32
      %scan3A_82 = arith.constant 1 : i32
      scf.for %scan3A_84 = %scan3A_79 to %scan3A_81 step %scan3A_82  : i32 {
        %mul3A_85 = arith.constant 8 : i32
        %mul3A_86 = arith.muli %scan3A_84, %mul3A_85 : i32
        %add3A = arith.constant 0 : i32
        %add3A_87 = arith.addi %mul3A_86, %add3A : i32
        %dma_start3A_88 = arith.constant 0 : i32
        %dma_start3A_89 = tpu.memref_slice %arg10[%add3A_87, %dma_start3A_88] : memref<80x128xi32, #tpu.memory_space<vmem>> -> memref<1x128xi32, #tpu.memory_space<vmem>>
        %dma_start3A_90 = tpu.memref_squeeze %dma_start3A_89 : memref<1x128xi32, #tpu.memory_space<vmem>> -> memref<128xi32, #tpu.memory_space<vmem>>
        %dma_start3A_91 = arith.constant 0 : i32
        %dma_start3A_92 = tpu.memref_slice %arg14[%dma_start3A_91] : memref<10240xf32, #tpu.memory_space<vmem_shared>> -> memref<10240xf32, #tpu.memory_space<vmem_shared>>
        tpu.enqueue_indirect_dma source(%arg12 : memref<128xf32, #tpu.memory_space<vmem>>) target(%dma_start3A_92 : memref<10240xf32, #tpu.memory_space<vmem_shared>>) offsets(%dma_start3A_90 : memref<128xi32, #tpu.memory_space<vmem>>) semaphore(%arg16 : memref<!tpu.dma_semaphore, #tpu.memory_space<semaphore_mem>>) {add = true}
        %add3A_93 = arith.constant 0 : i32
        %add3A_94 = arith.addi %mul3A_86, %add3A_93 : i32
        %dma_start3A_95 = arith.constant 0 : i32
        %dma_start3A_96 = tpu.memref_slice %arg11[%add3A_94, %dma_start3A_95] : memref<80x128xi32, #tpu.memory_space<vmem>> -> memref<1x128xi32, #tpu.memory_space<vmem>>
        %dma_start3A_97 = tpu.memref_squeeze %dma_start3A_96 : memref<1x128xi32, #tpu.memory_space<vmem>> -> memref<128xi32, #tpu.memory_space<vmem>>
        %dma_start3A_98 = arith.constant 0 : i32
        %dma_start3A_99 = tpu.memref_slice %arg15[%dma_start3A_98] : memref<10240xf32, #tpu.memory_space<vmem_shared>> -> memref<10240xf32, #tpu.memory_space<vmem_shared>>
        tpu.enqueue_indirect_dma source(%arg12 : memref<128xf32, #tpu.memory_space<vmem>>) target(%dma_start3A_99 : memref<10240xf32, #tpu.memory_space<vmem_shared>>) offsets(%dma_start3A_97 : memref<128xi32, #tpu.memory_space<vmem>>) semaphore(%arg16 : memref<!tpu.dma_semaphore, #tpu.memory_space<semaphore_mem>>) {add = true}
        %add3A_100 = arith.constant 1 : i32
        %add3A_101 = arith.addi %mul3A_86, %add3A_100 : i32
        %dma_start3A_102 = arith.constant 0 : i32
        %dma_start3A_103 = tpu.memref_slice %arg10[%add3A_101, %dma_start3A_102] : memref<80x128xi32, #tpu.memory_space<vmem>> -> memref<1x128xi32, #tpu.memory_space<vmem>>
        %dma_start3A_104 = tpu.memref_squeeze %dma_start3A_103 : memref<1x128xi32, #tpu.memory_space<vmem>> -> memref<128xi32, #tpu.memory_space<vmem>>
        %dma_start3A_105 = arith.constant 0 : i32
        %dma_start3A_106 = tpu.memref_slice %arg14[%dma_start3A_105] : memref<10240xf32, #tpu.memory_space<vmem_shared>> -> memref<10240xf32, #tpu.memory_space<vmem_shared>>
        tpu.enqueue_indirect_dma source(%arg12 : memref<128xf32, #tpu.memory_space<vmem>>) target(%dma_start3A_106 : memref<10240xf32, #tpu.memory_space<vmem_shared>>) offsets(%dma_start3A_104 : memref<128xi32, #tpu.memory_space<vmem>>) semaphore(%arg16 : memref<!tpu.dma_semaphore, #tpu.memory_space<semaphore_mem>>) {add = true}
        %add3A_107 = arith.constant 1 : i32
        %add3A_108 = arith.addi %mul3A_86, %add3A_107 : i32
        %dma_start3A_109 = arith.constant 0 : i32
        %dma_start3A_110 = tpu.memref_slice %arg11[%add3A_108, %dma_start3A_109] : memref<80x128xi32, #tpu.memory_space<vmem>> -> memref<1x128xi32, #tpu.memory_space<vmem>>
        %dma_start3A_111 = tpu.memref_squeeze %dma_start3A_110 : memref<1x128xi32, #tpu.memory_space<vmem>> -> memref<128xi32, #tpu.memory_space<vmem>>
        %dma_start3A_112 = arith.constant 0 : i32
        %dma_start3A_113 = tpu.memref_slice %arg15[%dma_start3A_112] : memref<10240xf32, #tpu.memory_space<vmem_shared>> -> memref<10240xf32, #tpu.memory_space<vmem_shared>>
        tpu.enqueue_indirect_dma source(%arg12 : memref<128xf32, #tpu.memory_space<vmem>>) target(%dma_start3A_113 : memref<10240xf32, #tpu.memory_space<vmem_shared>>) offsets(%dma_start3A_111 : memref<128xi32, #tpu.memory_space<vmem>>) semaphore(%arg16 : memref<!tpu.dma_semaphore, #tpu.memory_space<semaphore_mem>>) {add = true}
        %add3A_114 = arith.constant 2 : i32
        %add3A_115 = arith.addi %mul3A_86, %add3A_114 : i32
        %dma_start3A_116 = arith.constant 0 : i32
        %dma_start3A_117 = tpu.memref_slice %arg10[%add3A_115, %dma_start3A_116] : memref<80x128xi32, #tpu.memory_space<vmem>> -> memref<1x128xi32, #tpu.memory_space<vmem>>
        %dma_start3A_118 = tpu.memref_squeeze %dma_start3A_117 : memref<1x128xi32, #tpu.memory_space<vmem>> -> memref<128xi32, #tpu.memory_space<vmem>>
        %dma_start3A_119 = arith.constant 0 : i32
        %dma_start3A_120 = tpu.memref_slice %arg14[%dma_start3A_119] : memref<10240xf32, #tpu.memory_space<vmem_shared>> -> memref<10240xf32, #tpu.memory_space<vmem_shared>>
        tpu.enqueue_indirect_dma source(%arg12 : memref<128xf32, #tpu.memory_space<vmem>>) target(%dma_start3A_120 : memref<10240xf32, #tpu.memory_space<vmem_shared>>) offsets(%dma_start3A_118 : memref<128xi32, #tpu.memory_space<vmem>>) semaphore(%arg16 : memref<!tpu.dma_semaphore, #tpu.memory_space<semaphore_mem>>) {add = true}
        %add3A_121 = arith.constant 2 : i32
        %add3A_122 = arith.addi %mul3A_86, %add3A_121 : i32
        %dma_start3A_123 = arith.constant 0 : i32
        %dma_start3A_124 = tpu.memref_slice %arg11[%add3A_122, %dma_start3A_123] : memref<80x128xi32, #tpu.memory_space<vmem>> -> memref<1x128xi32, #tpu.memory_space<vmem>>
        %dma_start3A_125 = tpu.memref_squeeze %dma_start3A_124 : memref<1x128xi32, #tpu.memory_space<vmem>> -> memref<128xi32, #tpu.memory_space<vmem>>
        %dma_start3A_126 = arith.constant 0 : i32
        %dma_start3A_127 = tpu.memref_slice %arg15[%dma_start3A_126] : memref<10240xf32, #tpu.memory_space<vmem_shared>> -> memref<10240xf32, #tpu.memory_space<vmem_shared>>
        tpu.enqueue_indirect_dma source(%arg12 : memref<128xf32, #tpu.memory_space<vmem>>) target(%dma_start3A_127 : memref<10240xf32, #tpu.memory_space<vmem_shared>>) offsets(%dma_start3A_125 : memref<128xi32, #tpu.memory_space<vmem>>) semaphore(%arg16 : memref<!tpu.dma_semaphore, #tpu.memory_space<semaphore_mem>>) {add = true}
        %add3A_128 = arith.constant 3 : i32
        %add3A_129 = arith.addi %mul3A_86, %add3A_128 : i32
        %dma_start3A_130 = arith.constant 0 : i32
        %dma_start3A_131 = tpu.memref_slice %arg10[%add3A_129, %dma_start3A_130] : memref<80x128xi32, #tpu.memory_space<vmem>> -> memref<1x128xi32, #tpu.memory_space<vmem>>
        %dma_start3A_132 = tpu.memref_squeeze %dma_start3A_131 : memref<1x128xi32, #tpu.memory_space<vmem>> -> memref<128xi32, #tpu.memory_space<vmem>>
        %dma_start3A_133 = arith.constant 0 : i32
        %dma_start3A_134 = tpu.memref_slice %arg14[%dma_start3A_133] : memref<10240xf32, #tpu.memory_space<vmem_shared>> -> memref<10240xf32, #tpu.memory_space<vmem_shared>>
        tpu.enqueue_indirect_dma source(%arg12 : memref<128xf32, #tpu.memory_space<vmem>>) target(%dma_start3A_134 : memref<10240xf32, #tpu.memory_space<vmem_shared>>) offsets(%dma_start3A_132 : memref<128xi32, #tpu.memory_space<vmem>>) semaphore(%arg16 : memref<!tpu.dma_semaphore, #tpu.memory_space<semaphore_mem>>) {add = true}
        %add3A_135 = arith.constant 3 : i32
        %add3A_136 = arith.addi %mul3A_86, %add3A_135 : i32
        %dma_start3A_137 = arith.constant 0 : i32
        %dma_start3A_138 = tpu.memref_slice %arg11[%add3A_136, %dma_start3A_137] : memref<80x128xi32, #tpu.memory_space<vmem>> -> memref<1x128xi32, #tpu.memory_space<vmem>>
        %dma_start3A_139 = tpu.memref_squeeze %dma_start3A_138 : memref<1x128xi32, #tpu.memory_space<vmem>> -> memref<128xi32, #tpu.memory_space<vmem>>
        %dma_start3A_140 = arith.constant 0 : i32
        %dma_start3A_141 = tpu.memref_slice %arg15[%dma_start3A_140] : memref<10240xf32, #tpu.memory_space<vmem_shared>> -> memref<10240xf32, #tpu.memory_space<vmem_shared>>
        tpu.enqueue_indirect_dma source(%arg12 : memref<128xf32, #tpu.memory_space<vmem>>) target(%dma_start3A_141 : memref<10240xf32, #tpu.memory_space<vmem_shared>>) offsets(%dma_start3A_139 : memref<128xi32, #tpu.memory_space<vmem>>) semaphore(%arg16 : memref<!tpu.dma_semaphore, #tpu.memory_space<semaphore_mem>>) {add = true}
        %add3A_142 = arith.constant 4 : i32
        %add3A_143 = arith.addi %mul3A_86, %add3A_142 : i32
        %dma_start3A_144 = arith.constant 0 : i32
        %dma_start3A_145 = tpu.memref_slice %arg10[%add3A_143, %dma_start3A_144] : memref<80x128xi32, #tpu.memory_space<vmem>> -> memref<1x128xi32, #tpu.memory_space<vmem>>
        %dma_start3A_146 = tpu.memref_squeeze %dma_start3A_145 : memref<1x128xi32, #tpu.memory_space<vmem>> -> memref<128xi32, #tpu.memory_space<vmem>>
        %dma_start3A_147 = arith.constant 0 : i32
        %dma_start3A_148 = tpu.memref_slice %arg14[%dma_start3A_147] : memref<10240xf32, #tpu.memory_space<vmem_shared>> -> memref<10240xf32, #tpu.memory_space<vmem_shared>>
        tpu.enqueue_indirect_dma source(%arg12 : memref<128xf32, #tpu.memory_space<vmem>>) target(%dma_start3A_148 : memref<10240xf32, #tpu.memory_space<vmem_shared>>) offsets(%dma_start3A_146 : memref<128xi32, #tpu.memory_space<vmem>>) semaphore(%arg16 : memref<!tpu.dma_semaphore, #tpu.memory_space<semaphore_mem>>) {add = true}
        %add3A_149 = arith.constant 4 : i32
        %add3A_150 = arith.addi %mul3A_86, %add3A_149 : i32
        %dma_start3A_151 = arith.constant 0 : i32
        %dma_start3A_152 = tpu.memref_slice %arg11[%add3A_150, %dma_start3A_151] : memref<80x128xi32, #tpu.memory_space<vmem>> -> memref<1x128xi32, #tpu.memory_space<vmem>>
        %dma_start3A_153 = tpu.memref_squeeze %dma_start3A_152 : memref<1x128xi32, #tpu.memory_space<vmem>> -> memref<128xi32, #tpu.memory_space<vmem>>
        %dma_start3A_154 = arith.constant 0 : i32
        %dma_start3A_155 = tpu.memref_slice %arg15[%dma_start3A_154] : memref<10240xf32, #tpu.memory_space<vmem_shared>> -> memref<10240xf32, #tpu.memory_space<vmem_shared>>
        tpu.enqueue_indirect_dma source(%arg12 : memref<128xf32, #tpu.memory_space<vmem>>) target(%dma_start3A_155 : memref<10240xf32, #tpu.memory_space<vmem_shared>>) offsets(%dma_start3A_153 : memref<128xi32, #tpu.memory_space<vmem>>) semaphore(%arg16 : memref<!tpu.dma_semaphore, #tpu.memory_space<semaphore_mem>>) {add = true}
        %add3A_156 = arith.constant 5 : i32
        %add3A_157 = arith.addi %mul3A_86, %add3A_156 : i32
        %dma_start3A_158 = arith.constant 0 : i32
        %dma_start3A_159 = tpu.memref_slice %arg10[%add3A_157, %dma_start3A_158] : memref<80x128xi32, #tpu.memory_space<vmem>> -> memref<1x128xi32, #tpu.memory_space<vmem>>
        %dma_start3A_160 = tpu.memref_squeeze %dma_start3A_159 : memref<1x128xi32, #tpu.memory_space<vmem>> -> memref<128xi32, #tpu.memory_space<vmem>>
        %dma_start3A_161 = arith.constant 0 : i32
        %dma_start3A_162 = tpu.memref_slice %arg14[%dma_start3A_161] : memref<10240xf32, #tpu.memory_space<vmem_shared>> -> memref<10240xf32, #tpu.memory_space<vmem_shared>>
        tpu.enqueue_indirect_dma source(%arg12 : memref<128xf32, #tpu.memory_space<vmem>>) target(%dma_start3A_162 : memref<10240xf32, #tpu.memory_space<vmem_shared>>) offsets(%dma_start3A_160 : memref<128xi32, #tpu.memory_space<vmem>>) semaphore(%arg16 : memref<!tpu.dma_semaphore, #tpu.memory_space<semaphore_mem>>) {add = true}
        %add3A_163 = arith.constant 5 : i32
        %add3A_164 = arith.addi %mul3A_86, %add3A_163 : i32
        %dma_start3A_165 = arith.constant 0 : i32
        %dma_start3A_166 = tpu.memref_slice %arg11[%add3A_164, %dma_start3A_165] : memref<80x128xi32, #tpu.memory_space<vmem>> -> memref<1x128xi32, #tpu.memory_space<vmem>>
        %dma_start3A_167 = tpu.memref_squeeze %dma_start3A_166 : memref<1x128xi32, #tpu.memory_space<vmem>> -> memref<128xi32, #tpu.memory_space<vmem>>
        %dma_start3A_168 = arith.constant 0 : i32
        %dma_start3A_169 = tpu.memref_slice %arg15[%dma_start3A_168] : memref<10240xf32, #tpu.memory_space<vmem_shared>> -> memref<10240xf32, #tpu.memory_space<vmem_shared>>
        tpu.enqueue_indirect_dma source(%arg12 : memref<128xf32, #tpu.memory_space<vmem>>) target(%dma_start3A_169 : memref<10240xf32, #tpu.memory_space<vmem_shared>>) offsets(%dma_start3A_167 : memref<128xi32, #tpu.memory_space<vmem>>) semaphore(%arg16 : memref<!tpu.dma_semaphore, #tpu.memory_space<semaphore_mem>>) {add = true}
        %add3A_170 = arith.constant 6 : i32
        %add3A_171 = arith.addi %mul3A_86, %add3A_170 : i32
        %dma_start3A_172 = arith.constant 0 : i32
        %dma_start3A_173 = tpu.memref_slice %arg10[%add3A_171, %dma_start3A_172] : memref<80x128xi32, #tpu.memory_space<vmem>> -> memref<1x128xi32, #tpu.memory_space<vmem>>
        %dma_start3A_174 = tpu.memref_squeeze %dma_start3A_173 : memref<1x128xi32, #tpu.memory_space<vmem>> -> memref<128xi32, #tpu.memory_space<vmem>>
        %dma_start3A_175 = arith.constant 0 : i32
        %dma_start3A_176 = tpu.memref_slice %arg14[%dma_start3A_175] : memref<10240xf32, #tpu.memory_space<vmem_shared>> -> memref<10240xf32, #tpu.memory_space<vmem_shared>>
        tpu.enqueue_indirect_dma source(%arg12 : memref<128xf32, #tpu.memory_space<vmem>>) target(%dma_start3A_176 : memref<10240xf32, #tpu.memory_space<vmem_shared>>) offsets(%dma_start3A_174 : memref<128xi32, #tpu.memory_space<vmem>>) semaphore(%arg16 : memref<!tpu.dma_semaphore, #tpu.memory_space<semaphore_mem>>) {add = true}
        %add3A_177 = arith.constant 6 : i32
        %add3A_178 = arith.addi %mul3A_86, %add3A_177 : i32
        %dma_start3A_179 = arith.constant 0 : i32
        %dma_start3A_180 = tpu.memref_slice %arg11[%add3A_178, %dma_start3A_179] : memref<80x128xi32, #tpu.memory_space<vmem>> -> memref<1x128xi32, #tpu.memory_space<vmem>>
        %dma_start3A_181 = tpu.memref_squeeze %dma_start3A_180 : memref<1x128xi32, #tpu.memory_space<vmem>> -> memref<128xi32, #tpu.memory_space<vmem>>
        %dma_start3A_182 = arith.constant 0 : i32
        %dma_start3A_183 = tpu.memref_slice %arg15[%dma_start3A_182] : memref<10240xf32, #tpu.memory_space<vmem_shared>> -> memref<10240xf32, #tpu.memory_space<vmem_shared>>
        tpu.enqueue_indirect_dma source(%arg12 : memref<128xf32, #tpu.memory_space<vmem>>) target(%dma_start3A_183 : memref<10240xf32, #tpu.memory_space<vmem_shared>>) offsets(%dma_start3A_181 : memref<128xi32, #tpu.memory_space<vmem>>) semaphore(%arg16 : memref<!tpu.dma_semaphore, #tpu.memory_space<semaphore_mem>>) {add = true}
        %add3A_184 = arith.constant 7 : i32
        %add3A_185 = arith.addi %mul3A_86, %add3A_184 : i32
        %dma_start3A_186 = arith.constant 0 : i32
        %dma_start3A_187 = tpu.memref_slice %arg10[%add3A_185, %dma_start3A_186] : memref<80x128xi32, #tpu.memory_space<vmem>> -> memref<1x128xi32, #tpu.memory_space<vmem>>
        %dma_start3A_188 = tpu.memref_squeeze %dma_start3A_187 : memref<1x128xi32, #tpu.memory_space<vmem>> -> memref<128xi32, #tpu.memory_space<vmem>>
        %dma_start3A_189 = arith.constant 0 : i32
        %dma_start3A_190 = tpu.memref_slice %arg14[%dma_start3A_189] : memref<10240xf32, #tpu.memory_space<vmem_shared>> -> memref<10240xf32, #tpu.memory_space<vmem_shared>>
        tpu.enqueue_indirect_dma source(%arg12 : memref<128xf32, #tpu.memory_space<vmem>>) target(%dma_start3A_190 : memref<10240xf32, #tpu.memory_space<vmem_shared>>) offsets(%dma_start3A_188 : memref<128xi32, #tpu.memory_space<vmem>>) semaphore(%arg16 : memref<!tpu.dma_semaphore, #tpu.memory_space<semaphore_mem>>) {add = true}
        %add3A_191 = arith.constant 7 : i32
        %add3A_192 = arith.addi %mul3A_86, %add3A_191 : i32
        %dma_start3A_193 = arith.constant 0 : i32
        %dma_start3A_194 = tpu.memref_slice %arg11[%add3A_192, %dma_start3A_193] : memref<80x128xi32, #tpu.memory_space<vmem>> -> memref<1x128xi32, #tpu.memory_space<vmem>>
        %dma_start3A_195 = tpu.memref_squeeze %dma_start3A_194 : memref<1x128xi32, #tpu.memory_space<vmem>> -> memref<128xi32, #tpu.memory_space<vmem>>
        %dma_start3A_196 = arith.constant 0 : i32
        %dma_start3A_197 = tpu.memref_slice %arg15[%dma_start3A_196] : memref<10240xf32, #tpu.memory_space<vmem_shared>> -> memref<10240xf32, #tpu.memory_space<vmem_shared>>
        tpu.enqueue_indirect_dma source(%arg12 : memref<128xf32, #tpu.memory_space<vmem>>) target(%dma_start3A_197 : memref<10240xf32, #tpu.memory_space<vmem_shared>>) offsets(%dma_start3A_195 : memref<128xi32, #tpu.memory_space<vmem>>) semaphore(%arg16 : memref<!tpu.dma_semaphore, #tpu.memory_space<semaphore_mem>>) {add = true}
        %add3A_198 = arith.constant 0 : i32
        %add3A_199 = arith.addi %mul3A_86, %add3A_198 : i32
        %dma_wait3A_200 = arith.constant 0 : i32
        %dma_wait3A_201 = tpu.memref_slice %arg10[%add3A_199, %dma_wait3A_200] : memref<80x128xi32, #tpu.memory_space<vmem>> -> memref<1x128xi32, #tpu.memory_space<vmem>>
        %dma_wait3A_202 = tpu.memref_squeeze %dma_wait3A_201 : memref<1x128xi32, #tpu.memory_space<vmem>> -> memref<128xi32, #tpu.memory_space<vmem>>
        %dma_wait3A_203 = arith.constant 0 : i32
        %dma_wait3A_204 = tpu.memref_slice %arg14[%dma_wait3A_203] : memref<10240xf32, #tpu.memory_space<vmem_shared>> -> memref<10240xf32, #tpu.memory_space<vmem_shared>>
        tpu.wait_indirect_dma semaphore(%arg16 : memref<!tpu.dma_semaphore, #tpu.memory_space<semaphore_mem>>) src(%arg12 : memref<128xf32, #tpu.memory_space<vmem>>) dst(%dma_wait3A_204 : memref<10240xf32, #tpu.memory_space<vmem_shared>>)
        %add3A_205 = arith.constant 0 : i32
        %add3A_206 = arith.addi %mul3A_86, %add3A_205 : i32
        %dma_wait3A_207 = arith.constant 0 : i32
        %dma_wait3A_208 = tpu.memref_slice %arg11[%add3A_206, %dma_wait3A_207] : memref<80x128xi32, #tpu.memory_space<vmem>> -> memref<1x128xi32, #tpu.memory_space<vmem>>
        %dma_wait3A_209 = tpu.memref_squeeze %dma_wait3A_208 : memref<1x128xi32, #tpu.memory_space<vmem>> -> memref<128xi32, #tpu.memory_space<vmem>>
        %dma_wait3A_210 = arith.constant 0 : i32
        %dma_wait3A_211 = tpu.memref_slice %arg15[%dma_wait3A_210] : memref<10240xf32, #tpu.memory_space<vmem_shared>> -> memref<10240xf32, #tpu.memory_space<vmem_shared>>
        tpu.wait_indirect_dma semaphore(%arg16 : memref<!tpu.dma_semaphore, #tpu.memory_space<semaphore_mem>>) src(%arg12 : memref<128xf32, #tpu.memory_space<vmem>>) dst(%dma_wait3A_211 : memref<10240xf32, #tpu.memory_space<vmem_shared>>)
        %add3A_212 = arith.constant 1 : i32
        %add3A_213 = arith.addi %mul3A_86, %add3A_212 : i32
        %dma_wait3A_214 = arith.constant 0 : i32
        %dma_wait3A_215 = tpu.memref_slice %arg10[%add3A_213, %dma_wait3A_214] : memref<80x128xi32, #tpu.memory_space<vmem>> -> memref<1x128xi32, #tpu.memory_space<vmem>>
        %dma_wait3A_216 = tpu.memref_squeeze %dma_wait3A_215 : memref<1x128xi32, #tpu.memory_space<vmem>> -> memref<128xi32, #tpu.memory_space<vmem>>
        %dma_wait3A_217 = arith.constant 0 : i32
        %dma_wait3A_218 = tpu.memref_slice %arg14[%dma_wait3A_217] : memref<10240xf32, #tpu.memory_space<vmem_shared>> -> memref<10240xf32, #tpu.memory_space<vmem_shared>>
        tpu.wait_indirect_dma semaphore(%arg16 : memref<!tpu.dma_semaphore, #tpu.memory_space<semaphore_mem>>) src(%arg12 : memref<128xf32, #tpu.memory_space<vmem>>) dst(%dma_wait3A_218 : memref<10240xf32, #tpu.memory_space<vmem_shared>>)
        %add3A_219 = arith.constant 1 : i32
        %add3A_220 = arith.addi %mul3A_86, %add3A_219 : i32
        %dma_wait3A_221 = arith.constant 0 : i32
        %dma_wait3A_222 = tpu.memref_slice %arg11[%add3A_220, %dma_wait3A_221] : memref<80x128xi32, #tpu.memory_space<vmem>> -> memref<1x128xi32, #tpu.memory_space<vmem>>
        %dma_wait3A_223 = tpu.memref_squeeze %dma_wait3A_222 : memref<1x128xi32, #tpu.memory_space<vmem>> -> memref<128xi32, #tpu.memory_space<vmem>>
        %dma_wait3A_224 = arith.constant 0 : i32
        %dma_wait3A_225 = tpu.memref_slice %arg15[%dma_wait3A_224] : memref<10240xf32, #tpu.memory_space<vmem_shared>> -> memref<10240xf32, #tpu.memory_space<vmem_shared>>
        tpu.wait_indirect_dma semaphore(%arg16 : memref<!tpu.dma_semaphore, #tpu.memory_space<semaphore_mem>>) src(%arg12 : memref<128xf32, #tpu.memory_space<vmem>>) dst(%dma_wait3A_225 : memref<10240xf32, #tpu.memory_space<vmem_shared>>)
        %add3A_226 = arith.constant 2 : i32
        %add3A_227 = arith.addi %mul3A_86, %add3A_226 : i32
        %dma_wait3A_228 = arith.constant 0 : i32
        %dma_wait3A_229 = tpu.memref_slice %arg10[%add3A_227, %dma_wait3A_228] : memref<80x128xi32, #tpu.memory_space<vmem>> -> memref<1x128xi32, #tpu.memory_space<vmem>>
        %dma_wait3A_230 = tpu.memref_squeeze %dma_wait3A_229 : memref<1x128xi32, #tpu.memory_space<vmem>> -> memref<128xi32, #tpu.memory_space<vmem>>
        %dma_wait3A_231 = arith.constant 0 : i32
        %dma_wait3A_232 = tpu.memref_slice %arg14[%dma_wait3A_231] : memref<10240xf32, #tpu.memory_space<vmem_shared>> -> memref<10240xf32, #tpu.memory_space<vmem_shared>>
        tpu.wait_indirect_dma semaphore(%arg16 : memref<!tpu.dma_semaphore, #tpu.memory_space<semaphore_mem>>) src(%arg12 : memref<128xf32, #tpu.memory_space<vmem>>) dst(%dma_wait3A_232 : memref<10240xf32, #tpu.memory_space<vmem_shared>>)
        %add3A_233 = arith.constant 2 : i32
        %add3A_234 = arith.addi %mul3A_86, %add3A_233 : i32
        %dma_wait3A_235 = arith.constant 0 : i32
        %dma_wait3A_236 = tpu.memref_slice %arg11[%add3A_234, %dma_wait3A_235] : memref<80x128xi32, #tpu.memory_space<vmem>> -> memref<1x128xi32, #tpu.memory_space<vmem>>
        %dma_wait3A_237 = tpu.memref_squeeze %dma_wait3A_236 : memref<1x128xi32, #tpu.memory_space<vmem>> -> memref<128xi32, #tpu.memory_space<vmem>>
        %dma_wait3A_238 = arith.constant 0 : i32
        %dma_wait3A_239 = tpu.memref_slice %arg15[%dma_wait3A_238] : memref<10240xf32, #tpu.memory_space<vmem_shared>> -> memref<10240xf32, #tpu.memory_space<vmem_shared>>
        tpu.wait_indirect_dma semaphore(%arg16 : memref<!tpu.dma_semaphore, #tpu.memory_space<semaphore_mem>>) src(%arg12 : memref<128xf32, #tpu.memory_space<vmem>>) dst(%dma_wait3A_239 : memref<10240xf32, #tpu.memory_space<vmem_shared>>)
        %add3A_240 = arith.constant 3 : i32
        %add3A_241 = arith.addi %mul3A_86, %add3A_240 : i32
        %dma_wait3A_242 = arith.constant 0 : i32
        %dma_wait3A_243 = tpu.memref_slice %arg10[%add3A_241, %dma_wait3A_242] : memref<80x128xi32, #tpu.memory_space<vmem>> -> memref<1x128xi32, #tpu.memory_space<vmem>>
        %dma_wait3A_244 = tpu.memref_squeeze %dma_wait3A_243 : memref<1x128xi32, #tpu.memory_space<vmem>> -> memref<128xi32, #tpu.memory_space<vmem>>
        %dma_wait3A_245 = arith.constant 0 : i32
        %dma_wait3A_246 = tpu.memref_slice %arg14[%dma_wait3A_245] : memref<10240xf32, #tpu.memory_space<vmem_shared>> -> memref<10240xf32, #tpu.memory_space<vmem_shared>>
        tpu.wait_indirect_dma semaphore(%arg16 : memref<!tpu.dma_semaphore, #tpu.memory_space<semaphore_mem>>) src(%arg12 : memref<128xf32, #tpu.memory_space<vmem>>) dst(%dma_wait3A_246 : memref<10240xf32, #tpu.memory_space<vmem_shared>>)
        %add3A_247 = arith.constant 3 : i32
        %add3A_248 = arith.addi %mul3A_86, %add3A_247 : i32
        %dma_wait3A_249 = arith.constant 0 : i32
        %dma_wait3A_250 = tpu.memref_slice %arg11[%add3A_248, %dma_wait3A_249] : memref<80x128xi32, #tpu.memory_space<vmem>> -> memref<1x128xi32, #tpu.memory_space<vmem>>
        %dma_wait3A_251 = tpu.memref_squeeze %dma_wait3A_250 : memref<1x128xi32, #tpu.memory_space<vmem>> -> memref<128xi32, #tpu.memory_space<vmem>>
        %dma_wait3A_252 = arith.constant 0 : i32
        %dma_wait3A_253 = tpu.memref_slice %arg15[%dma_wait3A_252] : memref<10240xf32, #tpu.memory_space<vmem_shared>> -> memref<10240xf32, #tpu.memory_space<vmem_shared>>
        tpu.wait_indirect_dma semaphore(%arg16 : memref<!tpu.dma_semaphore, #tpu.memory_space<semaphore_mem>>) src(%arg12 : memref<128xf32, #tpu.memory_space<vmem>>) dst(%dma_wait3A_253 : memref<10240xf32, #tpu.memory_space<vmem_shared>>)
        %add3A_254 = arith.constant 4 : i32
        %add3A_255 = arith.addi %mul3A_86, %add3A_254 : i32
        %dma_wait3A_256 = arith.constant 0 : i32
        %dma_wait3A_257 = tpu.memref_slice %arg10[%add3A_255, %dma_wait3A_256] : memref<80x128xi32, #tpu.memory_space<vmem>> -> memref<1x128xi32, #tpu.memory_space<vmem>>
        %dma_wait3A_258 = tpu.memref_squeeze %dma_wait3A_257 : memref<1x128xi32, #tpu.memory_space<vmem>> -> memref<128xi32, #tpu.memory_space<vmem>>
        %dma_wait3A_259 = arith.constant 0 : i32
        %dma_wait3A_260 = tpu.memref_slice %arg14[%dma_wait3A_259] : memref<10240xf32, #tpu.memory_space<vmem_shared>> -> memref<10240xf32, #tpu.memory_space<vmem_shared>>
        tpu.wait_indirect_dma semaphore(%arg16 : memref<!tpu.dma_semaphore, #tpu.memory_space<semaphore_mem>>) src(%arg12 : memref<128xf32, #tpu.memory_space<vmem>>) dst(%dma_wait3A_260 : memref<10240xf32, #tpu.memory_space<vmem_shared>>)
        %add3A_261 = arith.constant 4 : i32
        %add3A_262 = arith.addi %mul3A_86, %add3A_261 : i32
        %dma_wait3A_263 = arith.constant 0 : i32
        %dma_wait3A_264 = tpu.memref_slice %arg11[%add3A_262, %dma_wait3A_263] : memref<80x128xi32, #tpu.memory_space<vmem>> -> memref<1x128xi32, #tpu.memory_space<vmem>>
        %dma_wait3A_265 = tpu.memref_squeeze %dma_wait3A_264 : memref<1x128xi32, #tpu.memory_space<vmem>> -> memref<128xi32, #tpu.memory_space<vmem>>
        %dma_wait3A_266 = arith.constant 0 : i32
        %dma_wait3A_267 = tpu.memref_slice %arg15[%dma_wait3A_266] : memref<10240xf32, #tpu.memory_space<vmem_shared>> -> memref<10240xf32, #tpu.memory_space<vmem_shared>>
        tpu.wait_indirect_dma semaphore(%arg16 : memref<!tpu.dma_semaphore, #tpu.memory_space<semaphore_mem>>) src(%arg12 : memref<128xf32, #tpu.memory_space<vmem>>) dst(%dma_wait3A_267 : memref<10240xf32, #tpu.memory_space<vmem_shared>>)
        %add3A_268 = arith.constant 5 : i32
        %add3A_269 = arith.addi %mul3A_86, %add3A_268 : i32
        %dma_wait3A_270 = arith.constant 0 : i32
        %dma_wait3A_271 = tpu.memref_slice %arg10[%add3A_269, %dma_wait3A_270] : memref<80x128xi32, #tpu.memory_space<vmem>> -> memref<1x128xi32, #tpu.memory_space<vmem>>
        %dma_wait3A_272 = tpu.memref_squeeze %dma_wait3A_271 : memref<1x128xi32, #tpu.memory_space<vmem>> -> memref<128xi32, #tpu.memory_space<vmem>>
        %dma_wait3A_273 = arith.constant 0 : i32
        %dma_wait3A_274 = tpu.memref_slice %arg14[%dma_wait3A_273] : memref<10240xf32, #tpu.memory_space<vmem_shared>> -> memref<10240xf32, #tpu.memory_space<vmem_shared>>
        tpu.wait_indirect_dma semaphore(%arg16 : memref<!tpu.dma_semaphore, #tpu.memory_space<semaphore_mem>>) src(%arg12 : memref<128xf32, #tpu.memory_space<vmem>>) dst(%dma_wait3A_274 : memref<10240xf32, #tpu.memory_space<vmem_shared>>)
        %add3A_275 = arith.constant 5 : i32
        %add3A_276 = arith.addi %mul3A_86, %add3A_275 : i32
        %dma_wait3A_277 = arith.constant 0 : i32
        %dma_wait3A_278 = tpu.memref_slice %arg11[%add3A_276, %dma_wait3A_277] : memref<80x128xi32, #tpu.memory_space<vmem>> -> memref<1x128xi32, #tpu.memory_space<vmem>>
        %dma_wait3A_279 = tpu.memref_squeeze %dma_wait3A_278 : memref<1x128xi32, #tpu.memory_space<vmem>> -> memref<128xi32, #tpu.memory_space<vmem>>
        %dma_wait3A_280 = arith.constant 0 : i32
        %dma_wait3A_281 = tpu.memref_slice %arg15[%dma_wait3A_280] : memref<10240xf32, #tpu.memory_space<vmem_shared>> -> memref<10240xf32, #tpu.memory_space<vmem_shared>>
        tpu.wait_indirect_dma semaphore(%arg16 : memref<!tpu.dma_semaphore, #tpu.memory_space<semaphore_mem>>) src(%arg12 : memref<128xf32, #tpu.memory_space<vmem>>) dst(%dma_wait3A_281 : memref<10240xf32, #tpu.memory_space<vmem_shared>>)
        %add3A_282 = arith.constant 6 : i32
        %add3A_283 = arith.addi %mul3A_86, %add3A_282 : i32
        %dma_wait3A_284 = arith.constant 0 : i32
        %dma_wait3A_285 = tpu.memref_slice %arg10[%add3A_283, %dma_wait3A_284] : memref<80x128xi32, #tpu.memory_space<vmem>> -> memref<1x128xi32, #tpu.memory_space<vmem>>
        %dma_wait3A_286 = tpu.memref_squeeze %dma_wait3A_285 : memref<1x128xi32, #tpu.memory_space<vmem>> -> memref<128xi32, #tpu.memory_space<vmem>>
        %dma_wait3A_287 = arith.constant 0 : i32
        %dma_wait3A_288 = tpu.memref_slice %arg14[%dma_wait3A_287] : memref<10240xf32, #tpu.memory_space<vmem_shared>> -> memref<10240xf32, #tpu.memory_space<vmem_shared>>
        tpu.wait_indirect_dma semaphore(%arg16 : memref<!tpu.dma_semaphore, #tpu.memory_space<semaphore_mem>>) src(%arg12 : memref<128xf32, #tpu.memory_space<vmem>>) dst(%dma_wait3A_288 : memref<10240xf32, #tpu.memory_space<vmem_shared>>)
        %add3A_289 = arith.constant 6 : i32
        %add3A_290 = arith.addi %mul3A_86, %add3A_289 : i32
        %dma_wait3A_291 = arith.constant 0 : i32
        %dma_wait3A_292 = tpu.memref_slice %arg11[%add3A_290, %dma_wait3A_291] : memref<80x128xi32, #tpu.memory_space<vmem>> -> memref<1x128xi32, #tpu.memory_space<vmem>>
        %dma_wait3A_293 = tpu.memref_squeeze %dma_wait3A_292 : memref<1x128xi32, #tpu.memory_space<vmem>> -> memref<128xi32, #tpu.memory_space<vmem>>
        %dma_wait3A_294 = arith.constant 0 : i32
        %dma_wait3A_295 = tpu.memref_slice %arg15[%dma_wait3A_294] : memref<10240xf32, #tpu.memory_space<vmem_shared>> -> memref<10240xf32, #tpu.memory_space<vmem_shared>>
        tpu.wait_indirect_dma semaphore(%arg16 : memref<!tpu.dma_semaphore, #tpu.memory_space<semaphore_mem>>) src(%arg12 : memref<128xf32, #tpu.memory_space<vmem>>) dst(%dma_wait3A_295 : memref<10240xf32, #tpu.memory_space<vmem_shared>>)
        %add3A_296 = arith.constant 7 : i32
        %add3A_297 = arith.addi %mul3A_86, %add3A_296 : i32
        %dma_wait3A_298 = arith.constant 0 : i32
        %dma_wait3A_299 = tpu.memref_slice %arg10[%add3A_297, %dma_wait3A_298] : memref<80x128xi32, #tpu.memory_space<vmem>> -> memref<1x128xi32, #tpu.memory_space<vmem>>
        %dma_wait3A_300 = tpu.memref_squeeze %dma_wait3A_299 : memref<1x128xi32, #tpu.memory_space<vmem>> -> memref<128xi32, #tpu.memory_space<vmem>>
        %dma_wait3A_301 = arith.constant 0 : i32
        %dma_wait3A_302 = tpu.memref_slice %arg14[%dma_wait3A_301] : memref<10240xf32, #tpu.memory_space<vmem_shared>> -> memref<10240xf32, #tpu.memory_space<vmem_shared>>
        tpu.wait_indirect_dma semaphore(%arg16 : memref<!tpu.dma_semaphore, #tpu.memory_space<semaphore_mem>>) src(%arg12 : memref<128xf32, #tpu.memory_space<vmem>>) dst(%dma_wait3A_302 : memref<10240xf32, #tpu.memory_space<vmem_shared>>)
        %add3A_303 = arith.constant 7 : i32
        %add3A_304 = arith.addi %mul3A_86, %add3A_303 : i32
        %dma_wait3A_305 = arith.constant 0 : i32
        %dma_wait3A_306 = tpu.memref_slice %arg11[%add3A_304, %dma_wait3A_305] : memref<80x128xi32, #tpu.memory_space<vmem>> -> memref<1x128xi32, #tpu.memory_space<vmem>>
        %dma_wait3A_307 = tpu.memref_squeeze %dma_wait3A_306 : memref<1x128xi32, #tpu.memory_space<vmem>> -> memref<128xi32, #tpu.memory_space<vmem>>
        %dma_wait3A_308 = arith.constant 0 : i32
        %dma_wait3A_309 = tpu.memref_slice %arg15[%dma_wait3A_308] : memref<10240xf32, #tpu.memory_space<vmem_shared>> -> memref<10240xf32, #tpu.memory_space<vmem_shared>>
        tpu.wait_indirect_dma semaphore(%arg16 : memref<!tpu.dma_semaphore, #tpu.memory_space<semaphore_mem>>) src(%arg12 : memref<128xf32, #tpu.memory_space<vmem>>) dst(%dma_wait3A_309 : memref<10240xf32, #tpu.memory_space<vmem_shared>>)
      }
      %scan3A_83 = arith.constant 10 : i32
    } else {
    }
    %eq3A_60 = arith.constant 1 : i32
    %eq3A_61 = arith.cmpi eq, %arg0, %eq3A_60 : i32
    %convert_element_type3A_62 = arith.extui %eq3A_61 : i1 to i32
    %cond3A_63 = arith.constant 0 : i32
    %cond3A_64 = arith.cmpi ne, %convert_element_type3A_62, %cond3A_63 : i32
    scf.if %cond3A_64 {
      %mul3A_76 = arith.constant 80 : i32
      %mul3A_77 = arith.muli %arg1, %mul3A_76 : i32
      "tpu.region"() ({
        %run_scoped3A = tpu.sem_alloc : memref<!tpu.dma_semaphore, #tpu.memory_space<semaphore_mem>>
        %dma_start3A_84 = arith.constant 0 : i32
        %dma_start3A_85 = tpu.memref_slice %arg4[%mul3A_77, %dma_start3A_84] : memref<1280x128xi32, #tpu.memory_space<hbm>> -> memref<80x128xi32, #tpu.memory_space<hbm>>
        %dma_start3A_86 = arith.constant 0 : i32
        %dma_start3A_87 = tpu.memref_slice %arg4[%mul3A_77, %dma_start3A_86] : memref<1280x128xi32, #tpu.memory_space<hbm>> -> memref<80x128xi32, #tpu.memory_space<hbm>>
        tpu.enqueue_dma source(%dma_start3A_87 : memref<80x128xi32, #tpu.memory_space<hbm>>) target(%arg10 : memref<80x128xi32, #tpu.memory_space<vmem>>) target_semaphore(%run_scoped3A : memref<!tpu.dma_semaphore, #tpu.memory_space<semaphore_mem>>)
        %dma_wait3A_88 = arith.constant 0 : i32
        %dma_wait3A_89 = tpu.memref_slice %arg4[%mul3A_77, %dma_wait3A_88] : memref<1280x128xi32, #tpu.memory_space<hbm>> -> memref<80x128xi32, #tpu.memory_space<hbm>>
        %dma_wait3A_90 = arith.constant 0 : i32
        %dma_wait3A_91 = tpu.memref_slice %arg4[%mul3A_77, %dma_wait3A_90] : memref<1280x128xi32, #tpu.memory_space<hbm>> -> memref<80x128xi32, #tpu.memory_space<hbm>>
        tpu.wait_dma2 semaphore(%run_scoped3A : memref<!tpu.dma_semaphore, #tpu.memory_space<semaphore_mem>>) src(%dma_wait3A_91 : memref<80x128xi32, #tpu.memory_space<hbm>>) dst(%arg10 : memref<80x128xi32, #tpu.memory_space<vmem>>)
        tpu.yield
      }) : () -> ()
      "tpu.region"() ({
        %run_scoped3A = tpu.sem_alloc : memref<!tpu.dma_semaphore, #tpu.memory_space<semaphore_mem>>
        %dma_start3A_84 = arith.constant 0 : i32
        %dma_start3A_85 = tpu.memref_slice %arg5[%mul3A_77, %dma_start3A_84] : memref<1280x128xi32, #tpu.memory_space<hbm>> -> memref<80x128xi32, #tpu.memory_space<hbm>>
        %dma_start3A_86 = arith.constant 0 : i32
        %dma_start3A_87 = tpu.memref_slice %arg5[%mul3A_77, %dma_start3A_86] : memref<1280x128xi32, #tpu.memory_space<hbm>> -> memref<80x128xi32, #tpu.memory_space<hbm>>
        tpu.enqueue_dma source(%dma_start3A_87 : memref<80x128xi32, #tpu.memory_space<hbm>>) target(%arg11 : memref<80x128xi32, #tpu.memory_space<vmem>>) target_semaphore(%run_scoped3A : memref<!tpu.dma_semaphore, #tpu.memory_space<semaphore_mem>>)
        %dma_wait3A_88 = arith.constant 0 : i32
        %dma_wait3A_89 = tpu.memref_slice %arg5[%mul3A_77, %dma_wait3A_88] : memref<1280x128xi32, #tpu.memory_space<hbm>> -> memref<80x128xi32, #tpu.memory_space<hbm>>
        %dma_wait3A_90 = arith.constant 0 : i32
        %dma_wait3A_91 = tpu.memref_slice %arg5[%mul3A_77, %dma_wait3A_90] : memref<1280x128xi32, #tpu.memory_space<hbm>> -> memref<80x128xi32, #tpu.memory_space<hbm>>
        tpu.wait_dma2 semaphore(%run_scoped3A : memref<!tpu.dma_semaphore, #tpu.memory_space<semaphore_mem>>) src(%dma_wait3A_91 : memref<80x128xi32, #tpu.memory_space<hbm>>) dst(%arg11 : memref<80x128xi32, #tpu.memory_space<vmem>>)
        tpu.yield
      }) : () -> ()
      %scan3A_78 = arith.constant 0 : i32
      %scan3A_79 = arith.constant 0 : i32
      %scan3A_80 = arith.constant 10 : i32
      %scan3A_81 = arith.addi %scan3A_79, %scan3A_80 : i32
      %scan3A_82 = arith.constant 1 : i32
      scf.for %scan3A_84 = %scan3A_79 to %scan3A_81 step %scan3A_82  : i32 {
        %mul3A_85 = arith.constant 8 : i32
        %mul3A_86 = arith.muli %scan3A_84, %mul3A_85 : i32
        %add3A = arith.constant 0 : i32
        %add3A_87 = arith.addi %mul3A_86, %add3A : i32
        %dma_start3A_88 = arith.constant 0 : i32
        %dma_start3A_89 = tpu.memref_slice %arg10[%add3A_87, %dma_start3A_88] : memref<80x128xi32, #tpu.memory_space<vmem>> -> memref<1x128xi32, #tpu.memory_space<vmem>>
        %dma_start3A_90 = tpu.memref_squeeze %dma_start3A_89 : memref<1x128xi32, #tpu.memory_space<vmem>> -> memref<128xi32, #tpu.memory_space<vmem>>
        %dma_start3A_91 = arith.constant 0 : i32
        %dma_start3A_92 = tpu.memref_slice %arg14[%dma_start3A_91] : memref<10240xf32, #tpu.memory_space<vmem_shared>> -> memref<10240xf32, #tpu.memory_space<vmem_shared>>
        tpu.enqueue_indirect_dma source(%arg12 : memref<128xf32, #tpu.memory_space<vmem>>) target(%dma_start3A_92 : memref<10240xf32, #tpu.memory_space<vmem_shared>>) offsets(%dma_start3A_90 : memref<128xi32, #tpu.memory_space<vmem>>) semaphore(%arg16 : memref<!tpu.dma_semaphore, #tpu.memory_space<semaphore_mem>>) {add = true}
        %add3A_93 = arith.constant 0 : i32
        %add3A_94 = arith.addi %mul3A_86, %add3A_93 : i32
        %dma_start3A_95 = arith.constant 0 : i32
        %dma_start3A_96 = tpu.memref_slice %arg11[%add3A_94, %dma_start3A_95] : memref<80x128xi32, #tpu.memory_space<vmem>> -> memref<1x128xi32, #tpu.memory_space<vmem>>
        %dma_start3A_97 = tpu.memref_squeeze %dma_start3A_96 : memref<1x128xi32, #tpu.memory_space<vmem>> -> memref<128xi32, #tpu.memory_space<vmem>>
        %dma_start3A_98 = arith.constant 0 : i32
        %dma_start3A_99 = tpu.memref_slice %arg15[%dma_start3A_98] : memref<10240xf32, #tpu.memory_space<vmem_shared>> -> memref<10240xf32, #tpu.memory_space<vmem_shared>>
        tpu.enqueue_indirect_dma source(%arg12 : memref<128xf32, #tpu.memory_space<vmem>>) target(%dma_start3A_99 : memref<10240xf32, #tpu.memory_space<vmem_shared>>) offsets(%dma_start3A_97 : memref<128xi32, #tpu.memory_space<vmem>>) semaphore(%arg16 : memref<!tpu.dma_semaphore, #tpu.memory_space<semaphore_mem>>) {add = true}
        %add3A_100 = arith.constant 1 : i32
        %add3A_101 = arith.addi %mul3A_86, %add3A_100 : i32
        %dma_start3A_102 = arith.constant 0 : i32
        %dma_start3A_103 = tpu.memref_slice %arg10[%add3A_101, %dma_start3A_102] : memref<80x128xi32, #tpu.memory_space<vmem>> -> memref<1x128xi32, #tpu.memory_space<vmem>>
        %dma_start3A_104 = tpu.memref_squeeze %dma_start3A_103 : memref<1x128xi32, #tpu.memory_space<vmem>> -> memref<128xi32, #tpu.memory_space<vmem>>
        %dma_start3A_105 = arith.constant 0 : i32
        %dma_start3A_106 = tpu.memref_slice %arg14[%dma_start3A_105] : memref<10240xf32, #tpu.memory_space<vmem_shared>> -> memref<10240xf32, #tpu.memory_space<vmem_shared>>
        tpu.enqueue_indirect_dma source(%arg12 : memref<128xf32, #tpu.memory_space<vmem>>) target(%dma_start3A_106 : memref<10240xf32, #tpu.memory_space<vmem_shared>>) offsets(%dma_start3A_104 : memref<128xi32, #tpu.memory_space<vmem>>) semaphore(%arg16 : memref<!tpu.dma_semaphore, #tpu.memory_space<semaphore_mem>>) {add = true}
        %add3A_107 = arith.constant 1 : i32
        %add3A_108 = arith.addi %mul3A_86, %add3A_107 : i32
        %dma_start3A_109 = arith.constant 0 : i32
        %dma_start3A_110 = tpu.memref_slice %arg11[%add3A_108, %dma_start3A_109] : memref<80x128xi32, #tpu.memory_space<vmem>> -> memref<1x128xi32, #tpu.memory_space<vmem>>
        %dma_start3A_111 = tpu.memref_squeeze %dma_start3A_110 : memref<1x128xi32, #tpu.memory_space<vmem>> -> memref<128xi32, #tpu.memory_space<vmem>>
        %dma_start3A_112 = arith.constant 0 : i32
        %dma_start3A_113 = tpu.memref_slice %arg15[%dma_start3A_112] : memref<10240xf32, #tpu.memory_space<vmem_shared>> -> memref<10240xf32, #tpu.memory_space<vmem_shared>>
        tpu.enqueue_indirect_dma source(%arg12 : memref<128xf32, #tpu.memory_space<vmem>>) target(%dma_start3A_113 : memref<10240xf32, #tpu.memory_space<vmem_shared>>) offsets(%dma_start3A_111 : memref<128xi32, #tpu.memory_space<vmem>>) semaphore(%arg16 : memref<!tpu.dma_semaphore, #tpu.memory_space<semaphore_mem>>) {add = true}
        %add3A_114 = arith.constant 2 : i32
        %add3A_115 = arith.addi %mul3A_86, %add3A_114 : i32
        %dma_start3A_116 = arith.constant 0 : i32
        %dma_start3A_117 = tpu.memref_slice %arg10[%add3A_115, %dma_start3A_116] : memref<80x128xi32, #tpu.memory_space<vmem>> -> memref<1x128xi32, #tpu.memory_space<vmem>>
        %dma_start3A_118 = tpu.memref_squeeze %dma_start3A_117 : memref<1x128xi32, #tpu.memory_space<vmem>> -> memref<128xi32, #tpu.memory_space<vmem>>
        %dma_start3A_119 = arith.constant 0 : i32
        %dma_start3A_120 = tpu.memref_slice %arg14[%dma_start3A_119] : memref<10240xf32, #tpu.memory_space<vmem_shared>> -> memref<10240xf32, #tpu.memory_space<vmem_shared>>
        tpu.enqueue_indirect_dma source(%arg12 : memref<128xf32, #tpu.memory_space<vmem>>) target(%dma_start3A_120 : memref<10240xf32, #tpu.memory_space<vmem_shared>>) offsets(%dma_start3A_118 : memref<128xi32, #tpu.memory_space<vmem>>) semaphore(%arg16 : memref<!tpu.dma_semaphore, #tpu.memory_space<semaphore_mem>>) {add = true}
        %add3A_121 = arith.constant 2 : i32
        %add3A_122 = arith.addi %mul3A_86, %add3A_121 : i32
        %dma_start3A_123 = arith.constant 0 : i32
        %dma_start3A_124 = tpu.memref_slice %arg11[%add3A_122, %dma_start3A_123] : memref<80x128xi32, #tpu.memory_space<vmem>> -> memref<1x128xi32, #tpu.memory_space<vmem>>
        %dma_start3A_125 = tpu.memref_squeeze %dma_start3A_124 : memref<1x128xi32, #tpu.memory_space<vmem>> -> memref<128xi32, #tpu.memory_space<vmem>>
        %dma_start3A_126 = arith.constant 0 : i32
        %dma_start3A_127 = tpu.memref_slice %arg15[%dma_start3A_126] : memref<10240xf32, #tpu.memory_space<vmem_shared>> -> memref<10240xf32, #tpu.memory_space<vmem_shared>>
        tpu.enqueue_indirect_dma source(%arg12 : memref<128xf32, #tpu.memory_space<vmem>>) target(%dma_start3A_127 : memref<10240xf32, #tpu.memory_space<vmem_shared>>) offsets(%dma_start3A_125 : memref<128xi32, #tpu.memory_space<vmem>>) semaphore(%arg16 : memref<!tpu.dma_semaphore, #tpu.memory_space<semaphore_mem>>) {add = true}
        %add3A_128 = arith.constant 3 : i32
        %add3A_129 = arith.addi %mul3A_86, %add3A_128 : i32
        %dma_start3A_130 = arith.constant 0 : i32
        %dma_start3A_131 = tpu.memref_slice %arg10[%add3A_129, %dma_start3A_130] : memref<80x128xi32, #tpu.memory_space<vmem>> -> memref<1x128xi32, #tpu.memory_space<vmem>>
        %dma_start3A_132 = tpu.memref_squeeze %dma_start3A_131 : memref<1x128xi32, #tpu.memory_space<vmem>> -> memref<128xi32, #tpu.memory_space<vmem>>
        %dma_start3A_133 = arith.constant 0 : i32
        %dma_start3A_134 = tpu.memref_slice %arg14[%dma_start3A_133] : memref<10240xf32, #tpu.memory_space<vmem_shared>> -> memref<10240xf32, #tpu.memory_space<vmem_shared>>
        tpu.enqueue_indirect_dma source(%arg12 : memref<128xf32, #tpu.memory_space<vmem>>) target(%dma_start3A_134 : memref<10240xf32, #tpu.memory_space<vmem_shared>>) offsets(%dma_start3A_132 : memref<128xi32, #tpu.memory_space<vmem>>) semaphore(%arg16 : memref<!tpu.dma_semaphore, #tpu.memory_space<semaphore_mem>>) {add = true}
        %add3A_135 = arith.constant 3 : i32
        %add3A_136 = arith.addi %mul3A_86, %add3A_135 : i32
        %dma_start3A_137 = arith.constant 0 : i32
        %dma_start3A_138 = tpu.memref_slice %arg11[%add3A_136, %dma_start3A_137] : memref<80x128xi32, #tpu.memory_space<vmem>> -> memref<1x128xi32, #tpu.memory_space<vmem>>
        %dma_start3A_139 = tpu.memref_squeeze %dma_start3A_138 : memref<1x128xi32, #tpu.memory_space<vmem>> -> memref<128xi32, #tpu.memory_space<vmem>>
        %dma_start3A_140 = arith.constant 0 : i32
        %dma_start3A_141 = tpu.memref_slice %arg15[%dma_start3A_140] : memref<10240xf32, #tpu.memory_space<vmem_shared>> -> memref<10240xf32, #tpu.memory_space<vmem_shared>>
        tpu.enqueue_indirect_dma source(%arg12 : memref<128xf32, #tpu.memory_space<vmem>>) target(%dma_start3A_141 : memref<10240xf32, #tpu.memory_space<vmem_shared>>) offsets(%dma_start3A_139 : memref<128xi32, #tpu.memory_space<vmem>>) semaphore(%arg16 : memref<!tpu.dma_semaphore, #tpu.memory_space<semaphore_mem>>) {add = true}
        %add3A_142 = arith.constant 4 : i32
        %add3A_143 = arith.addi %mul3A_86, %add3A_142 : i32
        %dma_start3A_144 = arith.constant 0 : i32
        %dma_start3A_145 = tpu.memref_slice %arg10[%add3A_143, %dma_start3A_144] : memref<80x128xi32, #tpu.memory_space<vmem>> -> memref<1x128xi32, #tpu.memory_space<vmem>>
        %dma_start3A_146 = tpu.memref_squeeze %dma_start3A_145 : memref<1x128xi32, #tpu.memory_space<vmem>> -> memref<128xi32, #tpu.memory_space<vmem>>
        %dma_start3A_147 = arith.constant 0 : i32
        %dma_start3A_148 = tpu.memref_slice %arg14[%dma_start3A_147] : memref<10240xf32, #tpu.memory_space<vmem_shared>> -> memref<10240xf32, #tpu.memory_space<vmem_shared>>
        tpu.enqueue_indirect_dma source(%arg12 : memref<128xf32, #tpu.memory_space<vmem>>) target(%dma_start3A_148 : memref<10240xf32, #tpu.memory_space<vmem_shared>>) offsets(%dma_start3A_146 : memref<128xi32, #tpu.memory_space<vmem>>) semaphore(%arg16 : memref<!tpu.dma_semaphore, #tpu.memory_space<semaphore_mem>>) {add = true}
        %add3A_149 = arith.constant 4 : i32
        %add3A_150 = arith.addi %mul3A_86, %add3A_149 : i32
        %dma_start3A_151 = arith.constant 0 : i32
        %dma_start3A_152 = tpu.memref_slice %arg11[%add3A_150, %dma_start3A_151] : memref<80x128xi32, #tpu.memory_space<vmem>> -> memref<1x128xi32, #tpu.memory_space<vmem>>
        %dma_start3A_153 = tpu.memref_squeeze %dma_start3A_152 : memref<1x128xi32, #tpu.memory_space<vmem>> -> memref<128xi32, #tpu.memory_space<vmem>>
        %dma_start3A_154 = arith.constant 0 : i32
        %dma_start3A_155 = tpu.memref_slice %arg15[%dma_start3A_154] : memref<10240xf32, #tpu.memory_space<vmem_shared>> -> memref<10240xf32, #tpu.memory_space<vmem_shared>>
        tpu.enqueue_indirect_dma source(%arg12 : memref<128xf32, #tpu.memory_space<vmem>>) target(%dma_start3A_155 : memref<10240xf32, #tpu.memory_space<vmem_shared>>) offsets(%dma_start3A_153 : memref<128xi32, #tpu.memory_space<vmem>>) semaphore(%arg16 : memref<!tpu.dma_semaphore, #tpu.memory_space<semaphore_mem>>) {add = true}
        %add3A_156 = arith.constant 5 : i32
        %add3A_157 = arith.addi %mul3A_86, %add3A_156 : i32
        %dma_start3A_158 = arith.constant 0 : i32
        %dma_start3A_159 = tpu.memref_slice %arg10[%add3A_157, %dma_start3A_158] : memref<80x128xi32, #tpu.memory_space<vmem>> -> memref<1x128xi32, #tpu.memory_space<vmem>>
        %dma_start3A_160 = tpu.memref_squeeze %dma_start3A_159 : memref<1x128xi32, #tpu.memory_space<vmem>> -> memref<128xi32, #tpu.memory_space<vmem>>
        %dma_start3A_161 = arith.constant 0 : i32
        %dma_start3A_162 = tpu.memref_slice %arg14[%dma_start3A_161] : memref<10240xf32, #tpu.memory_space<vmem_shared>> -> memref<10240xf32, #tpu.memory_space<vmem_shared>>
        tpu.enqueue_indirect_dma source(%arg12 : memref<128xf32, #tpu.memory_space<vmem>>) target(%dma_start3A_162 : memref<10240xf32, #tpu.memory_space<vmem_shared>>) offsets(%dma_start3A_160 : memref<128xi32, #tpu.memory_space<vmem>>) semaphore(%arg16 : memref<!tpu.dma_semaphore, #tpu.memory_space<semaphore_mem>>) {add = true}
        %add3A_163 = arith.constant 5 : i32
        %add3A_164 = arith.addi %mul3A_86, %add3A_163 : i32
        %dma_start3A_165 = arith.constant 0 : i32
        %dma_start3A_166 = tpu.memref_slice %arg11[%add3A_164, %dma_start3A_165] : memref<80x128xi32, #tpu.memory_space<vmem>> -> memref<1x128xi32, #tpu.memory_space<vmem>>
        %dma_start3A_167 = tpu.memref_squeeze %dma_start3A_166 : memref<1x128xi32, #tpu.memory_space<vmem>> -> memref<128xi32, #tpu.memory_space<vmem>>
        %dma_start3A_168 = arith.constant 0 : i32
        %dma_start3A_169 = tpu.memref_slice %arg15[%dma_start3A_168] : memref<10240xf32, #tpu.memory_space<vmem_shared>> -> memref<10240xf32, #tpu.memory_space<vmem_shared>>
        tpu.enqueue_indirect_dma source(%arg12 : memref<128xf32, #tpu.memory_space<vmem>>) target(%dma_start3A_169 : memref<10240xf32, #tpu.memory_space<vmem_shared>>) offsets(%dma_start3A_167 : memref<128xi32, #tpu.memory_space<vmem>>) semaphore(%arg16 : memref<!tpu.dma_semaphore, #tpu.memory_space<semaphore_mem>>) {add = true}
        %add3A_170 = arith.constant 6 : i32
        %add3A_171 = arith.addi %mul3A_86, %add3A_170 : i32
        %dma_start3A_172 = arith.constant 0 : i32
        %dma_start3A_173 = tpu.memref_slice %arg10[%add3A_171, %dma_start3A_172] : memref<80x128xi32, #tpu.memory_space<vmem>> -> memref<1x128xi32, #tpu.memory_space<vmem>>
        %dma_start3A_174 = tpu.memref_squeeze %dma_start3A_173 : memref<1x128xi32, #tpu.memory_space<vmem>> -> memref<128xi32, #tpu.memory_space<vmem>>
        %dma_start3A_175 = arith.constant 0 : i32
        %dma_start3A_176 = tpu.memref_slice %arg14[%dma_start3A_175] : memref<10240xf32, #tpu.memory_space<vmem_shared>> -> memref<10240xf32, #tpu.memory_space<vmem_shared>>
        tpu.enqueue_indirect_dma source(%arg12 : memref<128xf32, #tpu.memory_space<vmem>>) target(%dma_start3A_176 : memref<10240xf32, #tpu.memory_space<vmem_shared>>) offsets(%dma_start3A_174 : memref<128xi32, #tpu.memory_space<vmem>>) semaphore(%arg16 : memref<!tpu.dma_semaphore, #tpu.memory_space<semaphore_mem>>) {add = true}
        %add3A_177 = arith.constant 6 : i32
        %add3A_178 = arith.addi %mul3A_86, %add3A_177 : i32
        %dma_start3A_179 = arith.constant 0 : i32
        %dma_start3A_180 = tpu.memref_slice %arg11[%add3A_178, %dma_start3A_179] : memref<80x128xi32, #tpu.memory_space<vmem>> -> memref<1x128xi32, #tpu.memory_space<vmem>>
        %dma_start3A_181 = tpu.memref_squeeze %dma_start3A_180 : memref<1x128xi32, #tpu.memory_space<vmem>> -> memref<128xi32, #tpu.memory_space<vmem>>
        %dma_start3A_182 = arith.constant 0 : i32
        %dma_start3A_183 = tpu.memref_slice %arg15[%dma_start3A_182] : memref<10240xf32, #tpu.memory_space<vmem_shared>> -> memref<10240xf32, #tpu.memory_space<vmem_shared>>
        tpu.enqueue_indirect_dma source(%arg12 : memref<128xf32, #tpu.memory_space<vmem>>) target(%dma_start3A_183 : memref<10240xf32, #tpu.memory_space<vmem_shared>>) offsets(%dma_start3A_181 : memref<128xi32, #tpu.memory_space<vmem>>) semaphore(%arg16 : memref<!tpu.dma_semaphore, #tpu.memory_space<semaphore_mem>>) {add = true}
        %add3A_184 = arith.constant 7 : i32
        %add3A_185 = arith.addi %mul3A_86, %add3A_184 : i32
        %dma_start3A_186 = arith.constant 0 : i32
        %dma_start3A_187 = tpu.memref_slice %arg10[%add3A_185, %dma_start3A_186] : memref<80x128xi32, #tpu.memory_space<vmem>> -> memref<1x128xi32, #tpu.memory_space<vmem>>
        %dma_start3A_188 = tpu.memref_squeeze %dma_start3A_187 : memref<1x128xi32, #tpu.memory_space<vmem>> -> memref<128xi32, #tpu.memory_space<vmem>>
        %dma_start3A_189 = arith.constant 0 : i32
        %dma_start3A_190 = tpu.memref_slice %arg14[%dma_start3A_189] : memref<10240xf32, #tpu.memory_space<vmem_shared>> -> memref<10240xf32, #tpu.memory_space<vmem_shared>>
        tpu.enqueue_indirect_dma source(%arg12 : memref<128xf32, #tpu.memory_space<vmem>>) target(%dma_start3A_190 : memref<10240xf32, #tpu.memory_space<vmem_shared>>) offsets(%dma_start3A_188 : memref<128xi32, #tpu.memory_space<vmem>>) semaphore(%arg16 : memref<!tpu.dma_semaphore, #tpu.memory_space<semaphore_mem>>) {add = true}
        %add3A_191 = arith.constant 7 : i32
        %add3A_192 = arith.addi %mul3A_86, %add3A_191 : i32
        %dma_start3A_193 = arith.constant 0 : i32
        %dma_start3A_194 = tpu.memref_slice %arg11[%add3A_192, %dma_start3A_193] : memref<80x128xi32, #tpu.memory_space<vmem>> -> memref<1x128xi32, #tpu.memory_space<vmem>>
        %dma_start3A_195 = tpu.memref_squeeze %dma_start3A_194 : memref<1x128xi32, #tpu.memory_space<vmem>> -> memref<128xi32, #tpu.memory_space<vmem>>
        %dma_start3A_196 = arith.constant 0 : i32
        %dma_start3A_197 = tpu.memref_slice %arg15[%dma_start3A_196] : memref<10240xf32, #tpu.memory_space<vmem_shared>> -> memref<10240xf32, #tpu.memory_space<vmem_shared>>
        tpu.enqueue_indirect_dma source(%arg12 : memref<128xf32, #tpu.memory_space<vmem>>) target(%dma_start3A_197 : memref<10240xf32, #tpu.memory_space<vmem_shared>>) offsets(%dma_start3A_195 : memref<128xi32, #tpu.memory_space<vmem>>) semaphore(%arg16 : memref<!tpu.dma_semaphore, #tpu.memory_space<semaphore_mem>>) {add = true}
        %add3A_198 = arith.constant 0 : i32
        %add3A_199 = arith.addi %mul3A_86, %add3A_198 : i32
        %dma_wait3A_200 = arith.constant 0 : i32
        %dma_wait3A_201 = tpu.memref_slice %arg10[%add3A_199, %dma_wait3A_200] : memref<80x128xi32, #tpu.memory_space<vmem>> -> memref<1x128xi32, #tpu.memory_space<vmem>>
        %dma_wait3A_202 = tpu.memref_squeeze %dma_wait3A_201 : memref<1x128xi32, #tpu.memory_space<vmem>> -> memref<128xi32, #tpu.memory_space<vmem>>
        %dma_wait3A_203 = arith.constant 0 : i32
        %dma_wait3A_204 = tpu.memref_slice %arg14[%dma_wait3A_203] : memref<10240xf32, #tpu.memory_space<vmem_shared>> -> memref<10240xf32, #tpu.memory_space<vmem_shared>>
        tpu.wait_indirect_dma semaphore(%arg16 : memref<!tpu.dma_semaphore, #tpu.memory_space<semaphore_mem>>) src(%arg12 : memref<128xf32, #tpu.memory_space<vmem>>) dst(%dma_wait3A_204 : memref<10240xf32, #tpu.memory_space<vmem_shared>>)
        %add3A_205 = arith.constant 0 : i32
        %add3A_206 = arith.addi %mul3A_86, %add3A_205 : i32
        %dma_wait3A_207 = arith.constant 0 : i32
        %dma_wait3A_208 = tpu.memref_slice %arg11[%add3A_206, %dma_wait3A_207] : memref<80x128xi32, #tpu.memory_space<vmem>> -> memref<1x128xi32, #tpu.memory_space<vmem>>
        %dma_wait3A_209 = tpu.memref_squeeze %dma_wait3A_208 : memref<1x128xi32, #tpu.memory_space<vmem>> -> memref<128xi32, #tpu.memory_space<vmem>>
        %dma_wait3A_210 = arith.constant 0 : i32
        %dma_wait3A_211 = tpu.memref_slice %arg15[%dma_wait3A_210] : memref<10240xf32, #tpu.memory_space<vmem_shared>> -> memref<10240xf32, #tpu.memory_space<vmem_shared>>
        tpu.wait_indirect_dma semaphore(%arg16 : memref<!tpu.dma_semaphore, #tpu.memory_space<semaphore_mem>>) src(%arg12 : memref<128xf32, #tpu.memory_space<vmem>>) dst(%dma_wait3A_211 : memref<10240xf32, #tpu.memory_space<vmem_shared>>)
        %add3A_212 = arith.constant 1 : i32
        %add3A_213 = arith.addi %mul3A_86, %add3A_212 : i32
        %dma_wait3A_214 = arith.constant 0 : i32
        %dma_wait3A_215 = tpu.memref_slice %arg10[%add3A_213, %dma_wait3A_214] : memref<80x128xi32, #tpu.memory_space<vmem>> -> memref<1x128xi32, #tpu.memory_space<vmem>>
        %dma_wait3A_216 = tpu.memref_squeeze %dma_wait3A_215 : memref<1x128xi32, #tpu.memory_space<vmem>> -> memref<128xi32, #tpu.memory_space<vmem>>
        %dma_wait3A_217 = arith.constant 0 : i32
        %dma_wait3A_218 = tpu.memref_slice %arg14[%dma_wait3A_217] : memref<10240xf32, #tpu.memory_space<vmem_shared>> -> memref<10240xf32, #tpu.memory_space<vmem_shared>>
        tpu.wait_indirect_dma semaphore(%arg16 : memref<!tpu.dma_semaphore, #tpu.memory_space<semaphore_mem>>) src(%arg12 : memref<128xf32, #tpu.memory_space<vmem>>) dst(%dma_wait3A_218 : memref<10240xf32, #tpu.memory_space<vmem_shared>>)
        %add3A_219 = arith.constant 1 : i32
        %add3A_220 = arith.addi %mul3A_86, %add3A_219 : i32
        %dma_wait3A_221 = arith.constant 0 : i32
        %dma_wait3A_222 = tpu.memref_slice %arg11[%add3A_220, %dma_wait3A_221] : memref<80x128xi32, #tpu.memory_space<vmem>> -> memref<1x128xi32, #tpu.memory_space<vmem>>
        %dma_wait3A_223 = tpu.memref_squeeze %dma_wait3A_222 : memref<1x128xi32, #tpu.memory_space<vmem>> -> memref<128xi32, #tpu.memory_space<vmem>>
        %dma_wait3A_224 = arith.constant 0 : i32
        %dma_wait3A_225 = tpu.memref_slice %arg15[%dma_wait3A_224] : memref<10240xf32, #tpu.memory_space<vmem_shared>> -> memref<10240xf32, #tpu.memory_space<vmem_shared>>
        tpu.wait_indirect_dma semaphore(%arg16 : memref<!tpu.dma_semaphore, #tpu.memory_space<semaphore_mem>>) src(%arg12 : memref<128xf32, #tpu.memory_space<vmem>>) dst(%dma_wait3A_225 : memref<10240xf32, #tpu.memory_space<vmem_shared>>)
        %add3A_226 = arith.constant 2 : i32
        %add3A_227 = arith.addi %mul3A_86, %add3A_226 : i32
        %dma_wait3A_228 = arith.constant 0 : i32
        %dma_wait3A_229 = tpu.memref_slice %arg10[%add3A_227, %dma_wait3A_228] : memref<80x128xi32, #tpu.memory_space<vmem>> -> memref<1x128xi32, #tpu.memory_space<vmem>>
        %dma_wait3A_230 = tpu.memref_squeeze %dma_wait3A_229 : memref<1x128xi32, #tpu.memory_space<vmem>> -> memref<128xi32, #tpu.memory_space<vmem>>
        %dma_wait3A_231 = arith.constant 0 : i32
        %dma_wait3A_232 = tpu.memref_slice %arg14[%dma_wait3A_231] : memref<10240xf32, #tpu.memory_space<vmem_shared>> -> memref<10240xf32, #tpu.memory_space<vmem_shared>>
        tpu.wait_indirect_dma semaphore(%arg16 : memref<!tpu.dma_semaphore, #tpu.memory_space<semaphore_mem>>) src(%arg12 : memref<128xf32, #tpu.memory_space<vmem>>) dst(%dma_wait3A_232 : memref<10240xf32, #tpu.memory_space<vmem_shared>>)
        %add3A_233 = arith.constant 2 : i32
        %add3A_234 = arith.addi %mul3A_86, %add3A_233 : i32
        %dma_wait3A_235 = arith.constant 0 : i32
        %dma_wait3A_236 = tpu.memref_slice %arg11[%add3A_234, %dma_wait3A_235] : memref<80x128xi32, #tpu.memory_space<vmem>> -> memref<1x128xi32, #tpu.memory_space<vmem>>
        %dma_wait3A_237 = tpu.memref_squeeze %dma_wait3A_236 : memref<1x128xi32, #tpu.memory_space<vmem>> -> memref<128xi32, #tpu.memory_space<vmem>>
        %dma_wait3A_238 = arith.constant 0 : i32
        %dma_wait3A_239 = tpu.memref_slice %arg15[%dma_wait3A_238] : memref<10240xf32, #tpu.memory_space<vmem_shared>> -> memref<10240xf32, #tpu.memory_space<vmem_shared>>
        tpu.wait_indirect_dma semaphore(%arg16 : memref<!tpu.dma_semaphore, #tpu.memory_space<semaphore_mem>>) src(%arg12 : memref<128xf32, #tpu.memory_space<vmem>>) dst(%dma_wait3A_239 : memref<10240xf32, #tpu.memory_space<vmem_shared>>)
        %add3A_240 = arith.constant 3 : i32
        %add3A_241 = arith.addi %mul3A_86, %add3A_240 : i32
        %dma_wait3A_242 = arith.constant 0 : i32
        %dma_wait3A_243 = tpu.memref_slice %arg10[%add3A_241, %dma_wait3A_242] : memref<80x128xi32, #tpu.memory_space<vmem>> -> memref<1x128xi32, #tpu.memory_space<vmem>>
        %dma_wait3A_244 = tpu.memref_squeeze %dma_wait3A_243 : memref<1x128xi32, #tpu.memory_space<vmem>> -> memref<128xi32, #tpu.memory_space<vmem>>
        %dma_wait3A_245 = arith.constant 0 : i32
        %dma_wait3A_246 = tpu.memref_slice %arg14[%dma_wait3A_245] : memref<10240xf32, #tpu.memory_space<vmem_shared>> -> memref<10240xf32, #tpu.memory_space<vmem_shared>>
        tpu.wait_indirect_dma semaphore(%arg16 : memref<!tpu.dma_semaphore, #tpu.memory_space<semaphore_mem>>) src(%arg12 : memref<128xf32, #tpu.memory_space<vmem>>) dst(%dma_wait3A_246 : memref<10240xf32, #tpu.memory_space<vmem_shared>>)
        %add3A_247 = arith.constant 3 : i32
        %add3A_248 = arith.addi %mul3A_86, %add3A_247 : i32
        %dma_wait3A_249 = arith.constant 0 : i32
        %dma_wait3A_250 = tpu.memref_slice %arg11[%add3A_248, %dma_wait3A_249] : memref<80x128xi32, #tpu.memory_space<vmem>> -> memref<1x128xi32, #tpu.memory_space<vmem>>
        %dma_wait3A_251 = tpu.memref_squeeze %dma_wait3A_250 : memref<1x128xi32, #tpu.memory_space<vmem>> -> memref<128xi32, #tpu.memory_space<vmem>>
        %dma_wait3A_252 = arith.constant 0 : i32
        %dma_wait3A_253 = tpu.memref_slice %arg15[%dma_wait3A_252] : memref<10240xf32, #tpu.memory_space<vmem_shared>> -> memref<10240xf32, #tpu.memory_space<vmem_shared>>
        tpu.wait_indirect_dma semaphore(%arg16 : memref<!tpu.dma_semaphore, #tpu.memory_space<semaphore_mem>>) src(%arg12 : memref<128xf32, #tpu.memory_space<vmem>>) dst(%dma_wait3A_253 : memref<10240xf32, #tpu.memory_space<vmem_shared>>)
        %add3A_254 = arith.constant 4 : i32
        %add3A_255 = arith.addi %mul3A_86, %add3A_254 : i32
        %dma_wait3A_256 = arith.constant 0 : i32
        %dma_wait3A_257 = tpu.memref_slice %arg10[%add3A_255, %dma_wait3A_256] : memref<80x128xi32, #tpu.memory_space<vmem>> -> memref<1x128xi32, #tpu.memory_space<vmem>>
        %dma_wait3A_258 = tpu.memref_squeeze %dma_wait3A_257 : memref<1x128xi32, #tpu.memory_space<vmem>> -> memref<128xi32, #tpu.memory_space<vmem>>
        %dma_wait3A_259 = arith.constant 0 : i32
        %dma_wait3A_260 = tpu.memref_slice %arg14[%dma_wait3A_259] : memref<10240xf32, #tpu.memory_space<vmem_shared>> -> memref<10240xf32, #tpu.memory_space<vmem_shared>>
        tpu.wait_indirect_dma semaphore(%arg16 : memref<!tpu.dma_semaphore, #tpu.memory_space<semaphore_mem>>) src(%arg12 : memref<128xf32, #tpu.memory_space<vmem>>) dst(%dma_wait3A_260 : memref<10240xf32, #tpu.memory_space<vmem_shared>>)
        %add3A_261 = arith.constant 4 : i32
        %add3A_262 = arith.addi %mul3A_86, %add3A_261 : i32
        %dma_wait3A_263 = arith.constant 0 : i32
        %dma_wait3A_264 = tpu.memref_slice %arg11[%add3A_262, %dma_wait3A_263] : memref<80x128xi32, #tpu.memory_space<vmem>> -> memref<1x128xi32, #tpu.memory_space<vmem>>
        %dma_wait3A_265 = tpu.memref_squeeze %dma_wait3A_264 : memref<1x128xi32, #tpu.memory_space<vmem>> -> memref<128xi32, #tpu.memory_space<vmem>>
        %dma_wait3A_266 = arith.constant 0 : i32
        %dma_wait3A_267 = tpu.memref_slice %arg15[%dma_wait3A_266] : memref<10240xf32, #tpu.memory_space<vmem_shared>> -> memref<10240xf32, #tpu.memory_space<vmem_shared>>
        tpu.wait_indirect_dma semaphore(%arg16 : memref<!tpu.dma_semaphore, #tpu.memory_space<semaphore_mem>>) src(%arg12 : memref<128xf32, #tpu.memory_space<vmem>>) dst(%dma_wait3A_267 : memref<10240xf32, #tpu.memory_space<vmem_shared>>)
        %add3A_268 = arith.constant 5 : i32
        %add3A_269 = arith.addi %mul3A_86, %add3A_268 : i32
        %dma_wait3A_270 = arith.constant 0 : i32
        %dma_wait3A_271 = tpu.memref_slice %arg10[%add3A_269, %dma_wait3A_270] : memref<80x128xi32, #tpu.memory_space<vmem>> -> memref<1x128xi32, #tpu.memory_space<vmem>>
        %dma_wait3A_272 = tpu.memref_squeeze %dma_wait3A_271 : memref<1x128xi32, #tpu.memory_space<vmem>> -> memref<128xi32, #tpu.memory_space<vmem>>
        %dma_wait3A_273 = arith.constant 0 : i32
        %dma_wait3A_274 = tpu.memref_slice %arg14[%dma_wait3A_273] : memref<10240xf32, #tpu.memory_space<vmem_shared>> -> memref<10240xf32, #tpu.memory_space<vmem_shared>>
        tpu.wait_indirect_dma semaphore(%arg16 : memref<!tpu.dma_semaphore, #tpu.memory_space<semaphore_mem>>) src(%arg12 : memref<128xf32, #tpu.memory_space<vmem>>) dst(%dma_wait3A_274 : memref<10240xf32, #tpu.memory_space<vmem_shared>>)
        %add3A_275 = arith.constant 5 : i32
        %add3A_276 = arith.addi %mul3A_86, %add3A_275 : i32
        %dma_wait3A_277 = arith.constant 0 : i32
        %dma_wait3A_278 = tpu.memref_slice %arg11[%add3A_276, %dma_wait3A_277] : memref<80x128xi32, #tpu.memory_space<vmem>> -> memref<1x128xi32, #tpu.memory_space<vmem>>
        %dma_wait3A_279 = tpu.memref_squeeze %dma_wait3A_278 : memref<1x128xi32, #tpu.memory_space<vmem>> -> memref<128xi32, #tpu.memory_space<vmem>>
        %dma_wait3A_280 = arith.constant 0 : i32
        %dma_wait3A_281 = tpu.memref_slice %arg15[%dma_wait3A_280] : memref<10240xf32, #tpu.memory_space<vmem_shared>> -> memref<10240xf32, #tpu.memory_space<vmem_shared>>
        tpu.wait_indirect_dma semaphore(%arg16 : memref<!tpu.dma_semaphore, #tpu.memory_space<semaphore_mem>>) src(%arg12 : memref<128xf32, #tpu.memory_space<vmem>>) dst(%dma_wait3A_281 : memref<10240xf32, #tpu.memory_space<vmem_shared>>)
        %add3A_282 = arith.constant 6 : i32
        %add3A_283 = arith.addi %mul3A_86, %add3A_282 : i32
        %dma_wait3A_284 = arith.constant 0 : i32
        %dma_wait3A_285 = tpu.memref_slice %arg10[%add3A_283, %dma_wait3A_284] : memref<80x128xi32, #tpu.memory_space<vmem>> -> memref<1x128xi32, #tpu.memory_space<vmem>>
        %dma_wait3A_286 = tpu.memref_squeeze %dma_wait3A_285 : memref<1x128xi32, #tpu.memory_space<vmem>> -> memref<128xi32, #tpu.memory_space<vmem>>
        %dma_wait3A_287 = arith.constant 0 : i32
        %dma_wait3A_288 = tpu.memref_slice %arg14[%dma_wait3A_287] : memref<10240xf32, #tpu.memory_space<vmem_shared>> -> memref<10240xf32, #tpu.memory_space<vmem_shared>>
        tpu.wait_indirect_dma semaphore(%arg16 : memref<!tpu.dma_semaphore, #tpu.memory_space<semaphore_mem>>) src(%arg12 : memref<128xf32, #tpu.memory_space<vmem>>) dst(%dma_wait3A_288 : memref<10240xf32, #tpu.memory_space<vmem_shared>>)
        %add3A_289 = arith.constant 6 : i32
        %add3A_290 = arith.addi %mul3A_86, %add3A_289 : i32
        %dma_wait3A_291 = arith.constant 0 : i32
        %dma_wait3A_292 = tpu.memref_slice %arg11[%add3A_290, %dma_wait3A_291] : memref<80x128xi32, #tpu.memory_space<vmem>> -> memref<1x128xi32, #tpu.memory_space<vmem>>
        %dma_wait3A_293 = tpu.memref_squeeze %dma_wait3A_292 : memref<1x128xi32, #tpu.memory_space<vmem>> -> memref<128xi32, #tpu.memory_space<vmem>>
        %dma_wait3A_294 = arith.constant 0 : i32
        %dma_wait3A_295 = tpu.memref_slice %arg15[%dma_wait3A_294] : memref<10240xf32, #tpu.memory_space<vmem_shared>> -> memref<10240xf32, #tpu.memory_space<vmem_shared>>
        tpu.wait_indirect_dma semaphore(%arg16 : memref<!tpu.dma_semaphore, #tpu.memory_space<semaphore_mem>>) src(%arg12 : memref<128xf32, #tpu.memory_space<vmem>>) dst(%dma_wait3A_295 : memref<10240xf32, #tpu.memory_space<vmem_shared>>)
        %add3A_296 = arith.constant 7 : i32
        %add3A_297 = arith.addi %mul3A_86, %add3A_296 : i32
        %dma_wait3A_298 = arith.constant 0 : i32
        %dma_wait3A_299 = tpu.memref_slice %arg10[%add3A_297, %dma_wait3A_298] : memref<80x128xi32, #tpu.memory_space<vmem>> -> memref<1x128xi32, #tpu.memory_space<vmem>>
        %dma_wait3A_300 = tpu.memref_squeeze %dma_wait3A_299 : memref<1x128xi32, #tpu.memory_space<vmem>> -> memref<128xi32, #tpu.memory_space<vmem>>
        %dma_wait3A_301 = arith.constant 0 : i32
        %dma_wait3A_302 = tpu.memref_slice %arg14[%dma_wait3A_301] : memref<10240xf32, #tpu.memory_space<vmem_shared>> -> memref<10240xf32, #tpu.memory_space<vmem_shared>>
        tpu.wait_indirect_dma semaphore(%arg16 : memref<!tpu.dma_semaphore, #tpu.memory_space<semaphore_mem>>) src(%arg12 : memref<128xf32, #tpu.memory_space<vmem>>) dst(%dma_wait3A_302 : memref<10240xf32, #tpu.memory_space<vmem_shared>>)
        %add3A_303 = arith.constant 7 : i32
        %add3A_304 = arith.addi %mul3A_86, %add3A_303 : i32
        %dma_wait3A_305 = arith.constant 0 : i32
        %dma_wait3A_306 = tpu.memref_slice %arg11[%add3A_304, %dma_wait3A_305] : memref<80x128xi32, #tpu.memory_space<vmem>> -> memref<1x128xi32, #tpu.memory_space<vmem>>
        %dma_wait3A_307 = tpu.memref_squeeze %dma_wait3A_306 : memref<1x128xi32, #tpu.memory_space<vmem>> -> memref<128xi32, #tpu.memory_space<vmem>>
        %dma_wait3A_308 = arith.constant 0 : i32
        %dma_wait3A_309 = tpu.memref_slice %arg15[%dma_wait3A_308] : memref<10240xf32, #tpu.memory_space<vmem_shared>> -> memref<10240xf32, #tpu.memory_space<vmem_shared>>
        tpu.wait_indirect_dma semaphore(%arg16 : memref<!tpu.dma_semaphore, #tpu.memory_space<semaphore_mem>>) src(%arg12 : memref<128xf32, #tpu.memory_space<vmem>>) dst(%dma_wait3A_309 : memref<10240xf32, #tpu.memory_space<vmem_shared>>)
      }
      %scan3A_83 = arith.constant 10 : i32
    } else {
    }
    %barrier3A_65 = arith.constant 0 : index
    tpu.barrier barrier_id(%barrier3A_65)
    %eq3A_66 = arith.constant 0 : i32
    %eq3A_67 = arith.cmpi eq, %arg0, %eq3A_66 : i32
    %convert_element_type3A_68 = arith.extui %eq3A_67 : i1 to i32
    %cond3A_69 = arith.constant 0 : i32
    %cond3A_70 = arith.cmpi ne, %convert_element_type3A_68, %cond3A_69 : i32
    scf.if %cond3A_70 {
      "tpu.region"() ({
        %run_scoped3A = tpu.sem_alloc : memref<!tpu.dma_semaphore, #tpu.memory_space<semaphore_mem>>
        %dma_start3A_76 = tpu.memref_slice %arg6[%mul3A_51] : memref<10240xf32, #tpu.memory_space<hbm>> -> memref<640xf32, #tpu.memory_space<hbm>>
        %dma_start3A_77 = tpu.memref_slice %arg14[%mul3A_51] : memref<10240xf32, #tpu.memory_space<vmem_shared>> -> memref<640xf32, #tpu.memory_space<vmem_shared>>
        tpu.enqueue_dma source(%dma_start3A_77 : memref<640xf32, #tpu.memory_space<vmem_shared>>) target(%dma_start3A_76 : memref<640xf32, #tpu.memory_space<hbm>>) target_semaphore(%run_scoped3A : memref<!tpu.dma_semaphore, #tpu.memory_space<semaphore_mem>>)
        %dma_wait3A_78 = tpu.memref_slice %arg6[%mul3A_51] : memref<10240xf32, #tpu.memory_space<hbm>> -> memref<640xf32, #tpu.memory_space<hbm>>
        %dma_wait3A_79 = tpu.memref_slice %arg14[%mul3A_51] : memref<10240xf32, #tpu.memory_space<vmem_shared>> -> memref<640xf32, #tpu.memory_space<vmem_shared>>
        tpu.wait_dma2 semaphore(%run_scoped3A : memref<!tpu.dma_semaphore, #tpu.memory_space<semaphore_mem>>) src(%dma_wait3A_79 : memref<640xf32, #tpu.memory_space<vmem_shared>>) dst(%dma_wait3A_78 : memref<640xf32, #tpu.memory_space<hbm>>)
        tpu.yield
      }) : () -> ()
      "tpu.region"() ({
        %run_scoped3A = tpu.sem_alloc : memref<!tpu.dma_semaphore, #tpu.memory_space<semaphore_mem>>
        %dma_start3A_76 = tpu.memref_slice %arg7[%mul3A_51] : memref<10240xf32, #tpu.memory_space<hbm>> -> memref<640xf32, #tpu.memory_space<hbm>>
        %dma_start3A_77 = tpu.memref_slice %arg15[%mul3A_51] : memref<10240xf32, #tpu.memory_space<vmem_shared>> -> memref<640xf32, #tpu.memory_space<vmem_shared>>
        tpu.enqueue_dma source(%dma_start3A_77 : memref<640xf32, #tpu.memory_space<vmem_shared>>) target(%dma_start3A_76 : memref<640xf32, #tpu.memory_space<hbm>>) target_semaphore(%run_scoped3A : memref<!tpu.dma_semaphore, #tpu.memory_space<semaphore_mem>>)
        %dma_wait3A_78 = tpu.memref_slice %arg7[%mul3A_51] : memref<10240xf32, #tpu.memory_space<hbm>> -> memref<640xf32, #tpu.memory_space<hbm>>
        %dma_wait3A_79 = tpu.memref_slice %arg15[%mul3A_51] : memref<10240xf32, #tpu.memory_space<vmem_shared>> -> memref<640xf32, #tpu.memory_space<vmem_shared>>
        tpu.wait_dma2 semaphore(%run_scoped3A : memref<!tpu.dma_semaphore, #tpu.memory_space<semaphore_mem>>) src(%dma_wait3A_79 : memref<640xf32, #tpu.memory_space<vmem_shared>>) dst(%dma_wait3A_78 : memref<640xf32, #tpu.memory_space<hbm>>)
        tpu.yield
      }) : () -> ()
    } else {
    }
    %eq3A_71 = arith.constant 1 : i32
    %eq3A_72 = arith.cmpi eq, %arg0, %eq3A_71 : i32
    %convert_element_type3A_73 = arith.extui %eq3A_72 : i1 to i32
    %cond3A_74 = arith.constant 0 : i32
    %cond3A_75 = arith.cmpi ne, %convert_element_type3A_73, %cond3A_74 : i32
    scf.if %cond3A_75 {
      "tpu.region"() ({
        %run_scoped3A = tpu.sem_alloc : memref<!tpu.dma_semaphore, #tpu.memory_space<semaphore_mem>>
        %dma_start3A_76 = tpu.memref_slice %arg8[%mul3A_51] : memref<10240xf32, #tpu.memory_space<hbm>> -> memref<640xf32, #tpu.memory_space<hbm>>
        %dma_start3A_77 = tpu.memref_slice %arg14[%mul3A_51] : memref<10240xf32, #tpu.memory_space<vmem_shared>> -> memref<640xf32, #tpu.memory_space<vmem_shared>>
        tpu.enqueue_dma source(%dma_start3A_77 : memref<640xf32, #tpu.memory_space<vmem_shared>>) target(%dma_start3A_76 : memref<640xf32, #tpu.memory_space<hbm>>) target_semaphore(%run_scoped3A : memref<!tpu.dma_semaphore, #tpu.memory_space<semaphore_mem>>)
        %dma_wait3A_78 = tpu.memref_slice %arg8[%mul3A_51] : memref<10240xf32, #tpu.memory_space<hbm>> -> memref<640xf32, #tpu.memory_space<hbm>>
        %dma_wait3A_79 = tpu.memref_slice %arg14[%mul3A_51] : memref<10240xf32, #tpu.memory_space<vmem_shared>> -> memref<640xf32, #tpu.memory_space<vmem_shared>>
        tpu.wait_dma2 semaphore(%run_scoped3A : memref<!tpu.dma_semaphore, #tpu.memory_space<semaphore_mem>>) src(%dma_wait3A_79 : memref<640xf32, #tpu.memory_space<vmem_shared>>) dst(%dma_wait3A_78 : memref<640xf32, #tpu.memory_space<hbm>>)
        tpu.yield
      }) : () -> ()
      "tpu.region"() ({
        %run_scoped3A = tpu.sem_alloc : memref<!tpu.dma_semaphore, #tpu.memory_space<semaphore_mem>>
        %dma_start3A_76 = tpu.memref_slice %arg9[%mul3A_51] : memref<10240xf32, #tpu.memory_space<hbm>> -> memref<640xf32, #tpu.memory_space<hbm>>
        %dma_start3A_77 = tpu.memref_slice %arg15[%mul3A_51] : memref<10240xf32, #tpu.memory_space<vmem_shared>> -> memref<640xf32, #tpu.memory_space<vmem_shared>>
        tpu.enqueue_dma source(%dma_start3A_77 : memref<640xf32, #tpu.memory_space<vmem_shared>>) target(%dma_start3A_76 : memref<640xf32, #tpu.memory_space<hbm>>) target_semaphore(%run_scoped3A : memref<!tpu.dma_semaphore, #tpu.memory_space<semaphore_mem>>)
        %dma_wait3A_78 = tpu.memref_slice %arg9[%mul3A_51] : memref<10240xf32, #tpu.memory_space<hbm>> -> memref<640xf32, #tpu.memory_space<hbm>>
        %dma_wait3A_79 = tpu.memref_slice %arg15[%mul3A_51] : memref<10240xf32, #tpu.memory_space<vmem_shared>> -> memref<640xf32, #tpu.memory_space<vmem_shared>>
        tpu.wait_dma2 semaphore(%run_scoped3A : memref<!tpu.dma_semaphore, #tpu.memory_space<semaphore_mem>>) src(%dma_wait3A_79 : memref<640xf32, #tpu.memory_space<vmem_shared>>) dst(%dma_wait3A_78 : memref<640xf32, #tpu.memory_space<hbm>>)
        tpu.yield
      }) : () -> ()
    } else {
    }
    return
  }
}

#map = affine_map<(d0, d1) -> (0, 0)>
module attributes {stable_mosaic.version = 14 : i64} {
  func.func @agg_k(%arg0: i32, %arg1: i32, %arg2: memref<10240x64xf32, #tpu.memory_space<hbm>>, %arg3: memref<10240x64xf32, #tpu.memory_space<hbm>>, %arg4: memref<1280x128xi32, #tpu.memory_space<hbm>>, %arg5: memref<1280x128xi32, #tpu.memory_space<hbm>>, %arg6: memref<1280x128xi32, #tpu.memory_space<hbm>>, %arg7: memref<1280x128xi32, #tpu.memory_space<hbm>>, %arg8: memref<10240x64xf32, #tpu.memory_space<hbm>>, %arg9: memref<10240x64xf32, #tpu.memory_space<hbm>>, %arg10: memref<80x128xi32, #tpu.memory_space<vmem>>, %arg11: memref<80x128xi32, #tpu.memory_space<vmem>>, %arg12: memref<128x64xf32, #tpu.memory_space<vmem>>, %arg13: memref<128x64xf32, #tpu.memory_space<vmem>>, %arg14: memref<128x64xf32, #tpu.memory_space<vmem>>, %arg15: memref<128x64xf32, #tpu.memory_space<vmem>>, %arg16: memref<32x64xf32, #tpu.memory_space<vmem>>, %arg17: memref<10240x64xf32, #tpu.memory_space<vmem_shared>>, %arg18: memref<!tpu.dma_semaphore, #tpu.memory_space<semaphore_mem>>, %arg19: memref<!tpu.dma_semaphore, #tpu.memory_space<semaphore_mem>>, %arg20: memref<!tpu.dma_semaphore, #tpu.memory_space<semaphore_mem>>, %arg21: memref<!tpu.dma_semaphore, #tpu.memory_space<semaphore_mem>>, %arg22: memref<!tpu.dma_semaphore, #tpu.memory_space<semaphore_mem>>, %arg23: memref<!tpu.dma_semaphore, #tpu.memory_space<semaphore_mem>>, %arg24: memref<!tpu.dma_semaphore, #tpu.memory_space<semaphore_mem>>, %arg25: memref<!tpu.dma_semaphore, #tpu.memory_space<semaphore_mem>>) attributes {dimension_semantics = [#tpu.dimension_semantics<core_parallel>, #tpu.dimension_semantics<subcore_parallel>], iteration_bounds = array<i64: 2, 16>, scalar_prefetch = 0 : i64, scratch_operands = 16 : i64, tpu.core_type = #tpu.core_type<sc_vector_subcore>, window_params = [{transform_indices = #map}, {transform_indices = #map}, {transform_indices = #map}, {transform_indices = #map}, {transform_indices = #map}, {transform_indices = #map}, {transform_indices = #map}, {transform_indices = #map}]} {
    %mul3A = arith.constant 640 : i32
    %mul3A_0 = arith.muli %arg1, %mul3A : i32
    %scan3A = arith.constant 0 : i32
    %scan3A_1 = arith.constant 0 : i32
    %scan3A_2 = arith.constant 32 : i32
    %scan3A_3 = arith.addi %scan3A_1, %scan3A_2 : i32
    %scan3A_4 = arith.constant 1 : i32
    scf.for %scan3A_36 = %scan3A_1 to %scan3A_3 step %scan3A_4  : i32 {
      %broadcast_in_dim3A = arith.constant 0.000000e+00 : f32
      %broadcast_in_dim3A_37 = vector.broadcast %broadcast_in_dim3A : f32 to vector<16xf32>
      %swap3A = arith.index_cast %scan3A_36 : i32 to index
      %swap3A_38 = arith.constant 0 : index
      %swap3A_39 = tpu.vector_load %arg16[%swap3A, %swap3A_38] {strides = array<i32>} : memref<32x64xf32, #tpu.memory_space<vmem>>, vector<1x16xf32>,
      %swap3A_40 = vector.shape_cast %swap3A_39 : vector<1x16xf32> to vector<16xf32>
      %swap3A_41 = vector.shape_cast %broadcast_in_dim3A_37 : vector<16xf32> to vector<1x16xf32>
      tpu.vector_store %arg16[%swap3A, %swap3A_38], %swap3A_41 {strides = array<i32>} : memref<32x64xf32, #tpu.memory_space<vmem>>, vector<1x16xf32>,
      %broadcast_in_dim3A_42 = arith.constant 0.000000e+00 : f32
      %broadcast_in_dim3A_43 = vector.broadcast %broadcast_in_dim3A_42 : f32 to vector<16xf32>
      %swap3A_44 = arith.index_cast %scan3A_36 : i32 to index
      %swap3A_45 = arith.constant 16 : index
      %swap3A_46 = tpu.vector_load %arg16[%swap3A_44, %swap3A_45] {strides = array<i32>} : memref<32x64xf32, #tpu.memory_space<vmem>>, vector<1x16xf32>,
      %swap3A_47 = vector.shape_cast %swap3A_46 : vector<1x16xf32> to vector<16xf32>
      %swap3A_48 = vector.shape_cast %broadcast_in_dim3A_43 : vector<16xf32> to vector<1x16xf32>
      tpu.vector_store %arg16[%swap3A_44, %swap3A_45], %swap3A_48 {strides = array<i32>} : memref<32x64xf32, #tpu.memory_space<vmem>>, vector<1x16xf32>,
      %broadcast_in_dim3A_49 = arith.constant 0.000000e+00 : f32
      %broadcast_in_dim3A_50 = vector.broadcast %broadcast_in_dim3A_49 : f32 to vector<16xf32>
      %swap3A_51 = arith.index_cast %scan3A_36 : i32 to index
      %swap3A_52 = arith.constant 32 : index
      %swap3A_53 = tpu.vector_load %arg16[%swap3A_51, %swap3A_52] {strides = array<i32>} : memref<32x64xf32, #tpu.memory_space<vmem>>, vector<1x16xf32>,
      %swap3A_54 = vector.shape_cast %swap3A_53 : vector<1x16xf32> to vector<16xf32>
      %swap3A_55 = vector.shape_cast %broadcast_in_dim3A_50 : vector<16xf32> to vector<1x16xf32>
      tpu.vector_store %arg16[%swap3A_51, %swap3A_52], %swap3A_55 {strides = array<i32>} : memref<32x64xf32, #tpu.memory_space<vmem>>, vector<1x16xf32>,
      %broadcast_in_dim3A_56 = arith.constant 0.000000e+00 : f32
      %broadcast_in_dim3A_57 = vector.broadcast %broadcast_in_dim3A_56 : f32 to vector<16xf32>
      %swap3A_58 = arith.index_cast %scan3A_36 : i32 to index
      %swap3A_59 = arith.constant 48 : index
      %swap3A_60 = tpu.vector_load %arg16[%swap3A_58, %swap3A_59] {strides = array<i32>} : memref<32x64xf32, #tpu.memory_space<vmem>>, vector<1x16xf32>,
      %swap3A_61 = vector.shape_cast %swap3A_60 : vector<1x16xf32> to vector<16xf32>
      %swap3A_62 = vector.shape_cast %broadcast_in_dim3A_57 : vector<16xf32> to vector<1x16xf32>
      tpu.vector_store %arg16[%swap3A_58, %swap3A_59], %swap3A_62 {strides = array<i32>} : memref<32x64xf32, #tpu.memory_space<vmem>>, vector<1x16xf32>,
    }
    %scan3A_5 = arith.constant 32 : i32
    %scan3A_6 = arith.constant 0 : i32
    %scan3A_7 = arith.constant 0 : i32
    %scan3A_8 = arith.constant 20 : i32
    %scan3A_9 = arith.addi %scan3A_7, %scan3A_8 : i32
    %scan3A_10 = arith.constant 1 : i32
    scf.for %scan3A_36 = %scan3A_7 to %scan3A_9 step %scan3A_10  : i32 {
      %mul3A_37 = arith.constant 640 : i32
      %mul3A_38 = arith.muli %arg1, %mul3A_37 : i32
      %mul3A_39 = arith.constant 32 : i32
      %mul3A_40 = arith.muli %scan3A_36, %mul3A_39 : i32
      %add3A = arith.addi %mul3A_38, %mul3A_40 : i32
      %dma_start3A = arith.constant 0 : i32
      %dma_start3A_41 = tpu.memref_slice %arg17[%add3A, %dma_start3A] : memref<10240x64xf32, #tpu.memory_space<vmem_shared>> -> memref<32x64xf32, #tpu.memory_space<vmem_shared>>
      %dma_start3A_42 = arith.constant 0 : i32
      %dma_start3A_43 = tpu.memref_slice %arg17[%add3A, %dma_start3A_42] : memref<10240x64xf32, #tpu.memory_space<vmem_shared>> -> memref<32x64xf32, #tpu.memory_space<vmem_shared>>
      tpu.enqueue_dma source(%arg16 : memref<32x64xf32, #tpu.memory_space<vmem>>) target(%dma_start3A_43 : memref<32x64xf32, #tpu.memory_space<vmem_shared>>) target_semaphore(%arg18 : memref<!tpu.dma_semaphore, #tpu.memory_space<semaphore_mem>>)
    }
    %scan3A_11 = arith.constant 20 : i32
    %scan3A_12 = arith.constant 0 : i32
    %scan3A_13 = arith.constant 0 : i32
    %scan3A_14 = arith.constant 20 : i32
    %scan3A_15 = arith.addi %scan3A_13, %scan3A_14 : i32
    %scan3A_16 = arith.constant 1 : i32
    scf.for %scan3A_36 = %scan3A_13 to %scan3A_15 step %scan3A_16  : i32 {
      %mul3A_37 = arith.constant 640 : i32
      %mul3A_38 = arith.muli %arg1, %mul3A_37 : i32
      %mul3A_39 = arith.constant 32 : i32
      %mul3A_40 = arith.muli %scan3A_36, %mul3A_39 : i32
      %add3A = arith.addi %mul3A_38, %mul3A_40 : i32
      %dma_wait3A = arith.constant 0 : i32
      %dma_wait3A_41 = tpu.memref_slice %arg17[%add3A, %dma_wait3A] : memref<10240x64xf32, #tpu.memory_space<vmem_shared>> -> memref<32x64xf32, #tpu.memory_space<vmem_shared>>
      %dma_wait3A_42 = arith.constant 0 : i32
      %dma_wait3A_43 = tpu.memref_slice %arg17[%add3A, %dma_wait3A_42] : memref<10240x64xf32, #tpu.memory_space<vmem_shared>> -> memref<32x64xf32, #tpu.memory_space<vmem_shared>>
      tpu.wait_dma2 semaphore(%arg18 : memref<!tpu.dma_semaphore, #tpu.memory_space<semaphore_mem>>) src(%arg16 : memref<32x64xf32, #tpu.memory_space<vmem>>) dst(%dma_wait3A_43 : memref<32x64xf32, #tpu.memory_space<vmem_shared>>)
    }
    %scan3A_17 = arith.constant 20 : i32
    %barrier3A = arith.constant 0 : index
    tpu.barrier barrier_id(%barrier3A)
    %eq3A = arith.constant 0 : i32
    %eq3A_18 = arith.cmpi eq, %arg0, %eq3A : i32
    %convert_element_type3A = arith.extui %eq3A_18 : i1 to i32
    %cond3A = arith.constant 0 : i32
    %cond3A_19 = arith.cmpi ne, %convert_element_type3A, %cond3A : i32
    scf.if %cond3A_19 {
      %mul3A_36 = arith.constant 80 : i32
      %mul3A_37 = arith.muli %arg1, %mul3A_36 : i32
      "tpu.region"() ({
        %run_scoped3A = tpu.sem_alloc : memref<!tpu.dma_semaphore, #tpu.memory_space<semaphore_mem>>
        %dma_start3A_84 = arith.constant 0 : i32
        %dma_start3A_85 = tpu.memref_slice %arg4[%mul3A_37, %dma_start3A_84] : memref<1280x128xi32, #tpu.memory_space<hbm>> -> memref<80x128xi32, #tpu.memory_space<hbm>>
        %dma_start3A_86 = arith.constant 0 : i32
        %dma_start3A_87 = tpu.memref_slice %arg4[%mul3A_37, %dma_start3A_86] : memref<1280x128xi32, #tpu.memory_space<hbm>> -> memref<80x128xi32, #tpu.memory_space<hbm>>
        tpu.enqueue_dma source(%dma_start3A_87 : memref<80x128xi32, #tpu.memory_space<hbm>>) target(%arg10 : memref<80x128xi32, #tpu.memory_space<vmem>>) target_semaphore(%run_scoped3A : memref<!tpu.dma_semaphore, #tpu.memory_space<semaphore_mem>>)
        %dma_wait3A_88 = arith.constant 0 : i32
        %dma_wait3A_89 = tpu.memref_slice %arg4[%mul3A_37, %dma_wait3A_88] : memref<1280x128xi32, #tpu.memory_space<hbm>> -> memref<80x128xi32, #tpu.memory_space<hbm>>
        %dma_wait3A_90 = arith.constant 0 : i32
        %dma_wait3A_91 = tpu.memref_slice %arg4[%mul3A_37, %dma_wait3A_90] : memref<1280x128xi32, #tpu.memory_space<hbm>> -> memref<80x128xi32, #tpu.memory_space<hbm>>
        tpu.wait_dma2 semaphore(%run_scoped3A : memref<!tpu.dma_semaphore, #tpu.memory_space<semaphore_mem>>) src(%dma_wait3A_91 : memref<80x128xi32, #tpu.memory_space<hbm>>) dst(%arg10 : memref<80x128xi32, #tpu.memory_space<vmem>>)
        tpu.yield
      }) : () -> ()
      "tpu.region"() ({
        %run_scoped3A = tpu.sem_alloc : memref<!tpu.dma_semaphore, #tpu.memory_space<semaphore_mem>>
        %dma_start3A_84 = arith.constant 0 : i32
        %dma_start3A_85 = tpu.memref_slice %arg5[%mul3A_37, %dma_start3A_84] : memref<1280x128xi32, #tpu.memory_space<hbm>> -> memref<80x128xi32, #tpu.memory_space<hbm>>
        %dma_start3A_86 = arith.constant 0 : i32
        %dma_start3A_87 = tpu.memref_slice %arg5[%mul3A_37, %dma_start3A_86] : memref<1280x128xi32, #tpu.memory_space<hbm>> -> memref<80x128xi32, #tpu.memory_space<hbm>>
        tpu.enqueue_dma source(%dma_start3A_87 : memref<80x128xi32, #tpu.memory_space<hbm>>) target(%arg11 : memref<80x128xi32, #tpu.memory_space<vmem>>) target_semaphore(%run_scoped3A : memref<!tpu.dma_semaphore, #tpu.memory_space<semaphore_mem>>)
        %dma_wait3A_88 = arith.constant 0 : i32
        %dma_wait3A_89 = tpu.memref_slice %arg5[%mul3A_37, %dma_wait3A_88] : memref<1280x128xi32, #tpu.memory_space<hbm>> -> memref<80x128xi32, #tpu.memory_space<hbm>>
        %dma_wait3A_90 = arith.constant 0 : i32
        %dma_wait3A_91 = tpu.memref_slice %arg5[%mul3A_37, %dma_wait3A_90] : memref<1280x128xi32, #tpu.memory_space<hbm>> -> memref<80x128xi32, #tpu.memory_space<hbm>>
        tpu.wait_dma2 semaphore(%run_scoped3A : memref<!tpu.dma_semaphore, #tpu.memory_space<semaphore_mem>>) src(%dma_wait3A_91 : memref<80x128xi32, #tpu.memory_space<hbm>>) dst(%arg11 : memref<80x128xi32, #tpu.memory_space<vmem>>)
        tpu.yield
      }) : () -> ()
      %dma_start3A = arith.constant 0 : i32
      %dma_start3A_38 = arith.constant 0 : i32
      %dma_start3A_39 = tpu.memref_slice %arg10[%dma_start3A, %dma_start3A_38] : memref<80x128xi32, #tpu.memory_space<vmem>> -> memref<1x128xi32, #tpu.memory_space<vmem>>
      %dma_start3A_40 = tpu.memref_squeeze %dma_start3A_39 : memref<1x128xi32, #tpu.memory_space<vmem>> -> memref<128xi32, #tpu.memory_space<vmem>>
      %dma_start3A_41 = arith.constant 0 : i32
      %dma_start3A_42 = arith.constant 0 : i32
      %dma_start3A_43 = tpu.memref_slice %arg2[%dma_start3A_41, %dma_start3A_42] : memref<10240x64xf32, #tpu.memory_space<hbm>> -> memref<10240x64xf32, #tpu.memory_space<hbm>>
      tpu.enqueue_indirect_dma source(%dma_start3A_43 : memref<10240x64xf32, #tpu.memory_space<hbm>>) target(%arg12 : memref<128x64xf32, #tpu.memory_space<vmem>>) offsets(%dma_start3A_40 : memref<128xi32, #tpu.memory_space<vmem>>) semaphore(%arg18 : memref<!tpu.dma_semaphore, #tpu.memory_space<semaphore_mem>>)
      %dma_start3A_44 = arith.constant 1 : i32
      %dma_start3A_45 = arith.constant 0 : i32
      %dma_start3A_46 = tpu.memref_slice %arg10[%dma_start3A_44, %dma_start3A_45] : memref<80x128xi32, #tpu.memory_space<vmem>> -> memref<1x128xi32, #tpu.memory_space<vmem>>
      %dma_start3A_47 = tpu.memref_squeeze %dma_start3A_46 : memref<1x128xi32, #tpu.memory_space<vmem>> -> memref<128xi32, #tpu.memory_space<vmem>>
      %dma_start3A_48 = arith.constant 0 : i32
      %dma_start3A_49 = arith.constant 0 : i32
      %dma_start3A_50 = tpu.memref_slice %arg2[%dma_start3A_48, %dma_start3A_49] : memref<10240x64xf32, #tpu.memory_space<hbm>> -> memref<10240x64xf32, #tpu.memory_space<hbm>>
      tpu.enqueue_indirect_dma source(%dma_start3A_50 : memref<10240x64xf32, #tpu.memory_space<hbm>>) target(%arg13 : memref<128x64xf32, #tpu.memory_space<vmem>>) offsets(%dma_start3A_47 : memref<128xi32, #tpu.memory_space<vmem>>) semaphore(%arg19 : memref<!tpu.dma_semaphore, #tpu.memory_space<semaphore_mem>>)
      %scan3A_51 = arith.constant 0 : i32
      %scan3A_52 = arith.constant 0 : i32
      %scan3A_53 = arith.constant 20 : i32
      %scan3A_54 = arith.addi %scan3A_52, %scan3A_53 : i32
      %scan3A_55 = arith.constant 1 : i32
      scf.for %scan3A_84 = %scan3A_52 to %scan3A_54 step %scan3A_55  : i32 {
        %mul3A_85 = arith.constant 4 : i32
        %mul3A_86 = arith.muli %mul3A_85, %scan3A_84 : i32
        %add3A = arith.constant 0 : i32
        %add3A_87 = arith.addi %mul3A_86, %add3A : i32
        %add3A_88 = arith.constant 2 : i32
        %add3A_89 = arith.addi %add3A_87, %add3A_88 : i32
        %lt3A = arith.constant 80 : i32
        %lt3A_90 = arith.cmpi slt, %add3A_89, %lt3A : i32
        %convert_element_type3A_91 = arith.extui %lt3A_90 : i1 to i32
        %cond3A_92 = arith.constant 0 : i32
        %cond3A_93 = arith.cmpi ne, %convert_element_type3A_91, %cond3A_92 : i32
        scf.if %cond3A_93 {
          %ge3A = arith.constant 2 : i32
          %ge3A_175 = arith.cmpi sge, %add3A_87, %ge3A : i32
          %convert_element_type3A_176 = arith.extui %ge3A_175 : i1 to i32
          %cond3A_177 = arith.constant 0 : i32
          %cond3A_178 = arith.cmpi ne, %convert_element_type3A_176, %cond3A_177 : i32
          scf.if %cond3A_178 {
            %sub3A = arith.constant 2 : i32
            %sub3A_187 = arith.subi %add3A_87, %sub3A : i32
            %dma_wait3A_188 = arith.constant 0 : i32
            %dma_wait3A_189 = tpu.memref_slice %arg11[%sub3A_187, %dma_wait3A_188] : memref<80x128xi32, #tpu.memory_space<vmem>> -> memref<1x128xi32, #tpu.memory_space<vmem>>
            %dma_wait3A_190 = tpu.memref_squeeze %dma_wait3A_189 : memref<1x128xi32, #tpu.memory_space<vmem>> -> memref<128xi32, #tpu.memory_space<vmem>>
            %dma_wait3A_191 = arith.constant 0 : i32
            %dma_wait3A_192 = arith.constant 0 : i32
            %dma_wait3A_193 = tpu.memref_slice %arg17[%dma_wait3A_191, %dma_wait3A_192] : memref<10240x64xf32, #tpu.memory_space<vmem_shared>> -> memref<10240x64xf32, #tpu.memory_space<vmem_shared>>
            tpu.wait_indirect_dma semaphore(%arg24 : memref<!tpu.dma_semaphore, #tpu.memory_space<semaphore_mem>>) src(%arg14 : memref<128x64xf32, #tpu.memory_space<vmem>>) dst(%dma_wait3A_193 : memref<10240x64xf32, #tpu.memory_space<vmem_shared>>)
          } else {
          }
          %add3A_179 = arith.constant 2 : i32
          %add3A_180 = arith.addi %add3A_87, %add3A_179 : i32
          %dma_start3A_181 = arith.constant 0 : i32
          %dma_start3A_182 = tpu.memref_slice %arg10[%add3A_180, %dma_start3A_181] : memref<80x128xi32, #tpu.memory_space<vmem>> -> memref<1x128xi32, #tpu.memory_space<vmem>>
          %dma_start3A_183 = tpu.memref_squeeze %dma_start3A_182 : memref<1x128xi32, #tpu.memory_space<vmem>> -> memref<128xi32, #tpu.memory_space<vmem>>
          %dma_start3A_184 = arith.constant 0 : i32
          %dma_start3A_185 = arith.constant 0 : i32
          %dma_start3A_186 = tpu.memref_slice %arg2[%dma_start3A_184, %dma_start3A_185] : memref<10240x64xf32, #tpu.memory_space<hbm>> -> memref<10240x64xf32, #tpu.memory_space<hbm>>
          tpu.enqueue_indirect_dma source(%dma_start3A_186 : memref<10240x64xf32, #tpu.memory_space<hbm>>) target(%arg14 : memref<128x64xf32, #tpu.memory_space<vmem>>) offsets(%dma_start3A_183 : memref<128xi32, #tpu.memory_space<vmem>>) semaphore(%arg20 : memref<!tpu.dma_semaphore, #tpu.memory_space<semaphore_mem>>)
        } else {
        }
        %dma_wait3A_94 = arith.constant 0 : i32
        %dma_wait3A_95 = tpu.memref_slice %arg10[%add3A_87, %dma_wait3A_94] : memref<80x128xi32, #tpu.memory_space<vmem>> -> memref<1x128xi32, #tpu.memory_space<vmem>>
        %dma_wait3A_96 = tpu.memref_squeeze %dma_wait3A_95 : memref<1x128xi32, #tpu.memory_space<vmem>> -> memref<128xi32, #tpu.memory_space<vmem>>
        %dma_wait3A_97 = arith.constant 0 : i32
        %dma_wait3A_98 = arith.constant 0 : i32
        %dma_wait3A_99 = tpu.memref_slice %arg2[%dma_wait3A_97, %dma_wait3A_98] : memref<10240x64xf32, #tpu.memory_space<hbm>> -> memref<10240x64xf32, #tpu.memory_space<hbm>>
        tpu.wait_indirect_dma semaphore(%arg18 : memref<!tpu.dma_semaphore, #tpu.memory_space<semaphore_mem>>) src(%dma_wait3A_99 : memref<10240x64xf32, #tpu.memory_space<hbm>>) dst(%arg12 : memref<128x64xf32, #tpu.memory_space<vmem>>)
        %dma_start3A_100 = arith.constant 0 : i32
        %dma_start3A_101 = tpu.memref_slice %arg11[%add3A_87, %dma_start3A_100] : memref<80x128xi32, #tpu.memory_space<vmem>> -> memref<1x128xi32, #tpu.memory_space<vmem>>
        %dma_start3A_102 = tpu.memref_squeeze %dma_start3A_101 : memref<1x128xi32, #tpu.memory_space<vmem>> -> memref<128xi32, #tpu.memory_space<vmem>>
        %dma_start3A_103 = arith.constant 0 : i32
        %dma_start3A_104 = arith.constant 0 : i32
        %dma_start3A_105 = tpu.memref_slice %arg17[%dma_start3A_103, %dma_start3A_104] : memref<10240x64xf32, #tpu.memory_space<vmem_shared>> -> memref<10240x64xf32, #tpu.memory_space<vmem_shared>>
        tpu.enqueue_indirect_dma source(%arg12 : memref<128x64xf32, #tpu.memory_space<vmem>>) target(%dma_start3A_105 : memref<10240x64xf32, #tpu.memory_space<vmem_shared>>) offsets(%dma_start3A_102 : memref<128xi32, #tpu.memory_space<vmem>>) semaphore(%arg22 : memref<!tpu.dma_semaphore, #tpu.memory_space<semaphore_mem>>) {add = true}
        %mul3A_106 = arith.constant 4 : i32
        %mul3A_107 = arith.muli %mul3A_106, %scan3A_84 : i32
        %add3A_108 = arith.constant 1 : i32
        %add3A_109 = arith.addi %mul3A_107, %add3A_108 : i32
        %add3A_110 = arith.constant 2 : i32
        %add3A_111 = arith.addi %add3A_109, %add3A_110 : i32
        %lt3A_112 = arith.constant 80 : i32
        %lt3A_113 = arith.cmpi slt, %add3A_111, %lt3A_112 : i32
        %convert_element_type3A_114 = arith.extui %lt3A_113 : i1 to i32
        %cond3A_115 = arith.constant 0 : i32
        %cond3A_116 = arith.cmpi ne, %convert_element_type3A_114, %cond3A_115 : i32
        scf.if %cond3A_116 {
          %ge3A = arith.constant 2 : i32
          %ge3A_175 = arith.cmpi sge, %add3A_109, %ge3A : i32
          %convert_element_type3A_176 = arith.extui %ge3A_175 : i1 to i32
          %cond3A_177 = arith.constant 0 : i32
          %cond3A_178 = arith.cmpi ne, %convert_element_type3A_176, %cond3A_177 : i32
          scf.if %cond3A_178 {
            %sub3A = arith.constant 2 : i32
            %sub3A_187 = arith.subi %add3A_109, %sub3A : i32
            %dma_wait3A_188 = arith.constant 0 : i32
            %dma_wait3A_189 = tpu.memref_slice %arg11[%sub3A_187, %dma_wait3A_188] : memref<80x128xi32, #tpu.memory_space<vmem>> -> memref<1x128xi32, #tpu.memory_space<vmem>>
            %dma_wait3A_190 = tpu.memref_squeeze %dma_wait3A_189 : memref<1x128xi32, #tpu.memory_space<vmem>> -> memref<128xi32, #tpu.memory_space<vmem>>
            %dma_wait3A_191 = arith.constant 0 : i32
            %dma_wait3A_192 = arith.constant 0 : i32
            %dma_wait3A_193 = tpu.memref_slice %arg17[%dma_wait3A_191, %dma_wait3A_192] : memref<10240x64xf32, #tpu.memory_space<vmem_shared>> -> memref<10240x64xf32, #tpu.memory_space<vmem_shared>>
            tpu.wait_indirect_dma semaphore(%arg25 : memref<!tpu.dma_semaphore, #tpu.memory_space<semaphore_mem>>) src(%arg15 : memref<128x64xf32, #tpu.memory_space<vmem>>) dst(%dma_wait3A_193 : memref<10240x64xf32, #tpu.memory_space<vmem_shared>>)
          } else {
          }
          %add3A_179 = arith.constant 2 : i32
          %add3A_180 = arith.addi %add3A_109, %add3A_179 : i32
          %dma_start3A_181 = arith.constant 0 : i32
          %dma_start3A_182 = tpu.memref_slice %arg10[%add3A_180, %dma_start3A_181] : memref<80x128xi32, #tpu.memory_space<vmem>> -> memref<1x128xi32, #tpu.memory_space<vmem>>
          %dma_start3A_183 = tpu.memref_squeeze %dma_start3A_182 : memref<1x128xi32, #tpu.memory_space<vmem>> -> memref<128xi32, #tpu.memory_space<vmem>>
          %dma_start3A_184 = arith.constant 0 : i32
          %dma_start3A_185 = arith.constant 0 : i32
          %dma_start3A_186 = tpu.memref_slice %arg2[%dma_start3A_184, %dma_start3A_185] : memref<10240x64xf32, #tpu.memory_space<hbm>> -> memref<10240x64xf32, #tpu.memory_space<hbm>>
          tpu.enqueue_indirect_dma source(%dma_start3A_186 : memref<10240x64xf32, #tpu.memory_space<hbm>>) target(%arg15 : memref<128x64xf32, #tpu.memory_space<vmem>>) offsets(%dma_start3A_183 : memref<128xi32, #tpu.memory_space<vmem>>) semaphore(%arg21 : memref<!tpu.dma_semaphore, #tpu.memory_space<semaphore_mem>>)
        } else {
        }
        %dma_wait3A_117 = arith.constant 0 : i32
        %dma_wait3A_118 = tpu.memref_slice %arg10[%add3A_109, %dma_wait3A_117] : memref<80x128xi32, #tpu.memory_space<vmem>> -> memref<1x128xi32, #tpu.memory_space<vmem>>
        %dma_wait3A_119 = tpu.memref_squeeze %dma_wait3A_118 : memref<1x128xi32, #tpu.memory_space<vmem>> -> memref<128xi32, #tpu.memory_space<vmem>>
        %dma_wait3A_120 = arith.constant 0 : i32
        %dma_wait3A_121 = arith.constant 0 : i32
        %dma_wait3A_122 = tpu.memref_slice %arg2[%dma_wait3A_120, %dma_wait3A_121] : memref<10240x64xf32, #tpu.memory_space<hbm>> -> memref<10240x64xf32, #tpu.memory_space<hbm>>
        tpu.wait_indirect_dma semaphore(%arg19 : memref<!tpu.dma_semaphore, #tpu.memory_space<semaphore_mem>>) src(%dma_wait3A_122 : memref<10240x64xf32, #tpu.memory_space<hbm>>) dst(%arg13 : memref<128x64xf32, #tpu.memory_space<vmem>>)
        %dma_start3A_123 = arith.constant 0 : i32
        %dma_start3A_124 = tpu.memref_slice %arg11[%add3A_109, %dma_start3A_123] : memref<80x128xi32, #tpu.memory_space<vmem>> -> memref<1x128xi32, #tpu.memory_space<vmem>>
        %dma_start3A_125 = tpu.memref_squeeze %dma_start3A_124 : memref<1x128xi32, #tpu.memory_space<vmem>> -> memref<128xi32, #tpu.memory_space<vmem>>
        %dma_start3A_126 = arith.constant 0 : i32
        %dma_start3A_127 = arith.constant 0 : i32
        %dma_start3A_128 = tpu.memref_slice %arg17[%dma_start3A_126, %dma_start3A_127] : memref<10240x64xf32, #tpu.memory_space<vmem_shared>> -> memref<10240x64xf32, #tpu.memory_space<vmem_shared>>
        tpu.enqueue_indirect_dma source(%arg13 : memref<128x64xf32, #tpu.memory_space<vmem>>) target(%dma_start3A_128 : memref<10240x64xf32, #tpu.memory_space<vmem_shared>>) offsets(%dma_start3A_125 : memref<128xi32, #tpu.memory_space<vmem>>) semaphore(%arg23 : memref<!tpu.dma_semaphore, #tpu.memory_space<semaphore_mem>>) {add = true}
        %mul3A_129 = arith.constant 4 : i32
        %mul3A_130 = arith.muli %mul3A_129, %scan3A_84 : i32
        %add3A_131 = arith.constant 2 : i32
        %add3A_132 = arith.addi %mul3A_130, %add3A_131 : i32
        %add3A_133 = arith.constant 2 : i32
        %add3A_134 = arith.addi %add3A_132, %add3A_133 : i32
        %lt3A_135 = arith.constant 80 : i32
        %lt3A_136 = arith.cmpi slt, %add3A_134, %lt3A_135 : i32
        %convert_element_type3A_137 = arith.extui %lt3A_136 : i1 to i32
        %cond3A_138 = arith.constant 0 : i32
        %cond3A_139 = arith.cmpi ne, %convert_element_type3A_137, %cond3A_138 : i32
        scf.if %cond3A_139 {
          %ge3A = arith.constant 2 : i32
          %ge3A_175 = arith.cmpi sge, %add3A_132, %ge3A : i32
          %convert_element_type3A_176 = arith.extui %ge3A_175 : i1 to i32
          %cond3A_177 = arith.constant 0 : i32
          %cond3A_178 = arith.cmpi ne, %convert_element_type3A_176, %cond3A_177 : i32
          scf.if %cond3A_178 {
            %sub3A = arith.constant 2 : i32
            %sub3A_187 = arith.subi %add3A_132, %sub3A : i32
            %dma_wait3A_188 = arith.constant 0 : i32
            %dma_wait3A_189 = tpu.memref_slice %arg11[%sub3A_187, %dma_wait3A_188] : memref<80x128xi32, #tpu.memory_space<vmem>> -> memref<1x128xi32, #tpu.memory_space<vmem>>
            %dma_wait3A_190 = tpu.memref_squeeze %dma_wait3A_189 : memref<1x128xi32, #tpu.memory_space<vmem>> -> memref<128xi32, #tpu.memory_space<vmem>>
            %dma_wait3A_191 = arith.constant 0 : i32
            %dma_wait3A_192 = arith.constant 0 : i32
            %dma_wait3A_193 = tpu.memref_slice %arg17[%dma_wait3A_191, %dma_wait3A_192] : memref<10240x64xf32, #tpu.memory_space<vmem_shared>> -> memref<10240x64xf32, #tpu.memory_space<vmem_shared>>
            tpu.wait_indirect_dma semaphore(%arg22 : memref<!tpu.dma_semaphore, #tpu.memory_space<semaphore_mem>>) src(%arg12 : memref<128x64xf32, #tpu.memory_space<vmem>>) dst(%dma_wait3A_193 : memref<10240x64xf32, #tpu.memory_space<vmem_shared>>)
          } else {
          }
          %add3A_179 = arith.constant 2 : i32
          %add3A_180 = arith.addi %add3A_132, %add3A_179 : i32
          %dma_start3A_181 = arith.constant 0 : i32
          %dma_start3A_182 = tpu.memref_slice %arg10[%add3A_180, %dma_start3A_181] : memref<80x128xi32, #tpu.memory_space<vmem>> -> memref<1x128xi32, #tpu.memory_space<vmem>>
          %dma_start3A_183 = tpu.memref_squeeze %dma_start3A_182 : memref<1x128xi32, #tpu.memory_space<vmem>> -> memref<128xi32, #tpu.memory_space<vmem>>
          %dma_start3A_184 = arith.constant 0 : i32
          %dma_start3A_185 = arith.constant 0 : i32
          %dma_start3A_186 = tpu.memref_slice %arg2[%dma_start3A_184, %dma_start3A_185] : memref<10240x64xf32, #tpu.memory_space<hbm>> -> memref<10240x64xf32, #tpu.memory_space<hbm>>
          tpu.enqueue_indirect_dma source(%dma_start3A_186 : memref<10240x64xf32, #tpu.memory_space<hbm>>) target(%arg12 : memref<128x64xf32, #tpu.memory_space<vmem>>) offsets(%dma_start3A_183 : memref<128xi32, #tpu.memory_space<vmem>>) semaphore(%arg18 : memref<!tpu.dma_semaphore, #tpu.memory_space<semaphore_mem>>)
        } else {
        }
        %dma_wait3A_140 = arith.constant 0 : i32
        %dma_wait3A_141 = tpu.memref_slice %arg10[%add3A_132, %dma_wait3A_140] : memref<80x128xi32, #tpu.memory_space<vmem>> -> memref<1x128xi32, #tpu.memory_space<vmem>>
        %dma_wait3A_142 = tpu.memref_squeeze %dma_wait3A_141 : memref<1x128xi32, #tpu.memory_space<vmem>> -> memref<128xi32, #tpu.memory_space<vmem>>
        %dma_wait3A_143 = arith.constant 0 : i32
        %dma_wait3A_144 = arith.constant 0 : i32
        %dma_wait3A_145 = tpu.memref_slice %arg2[%dma_wait3A_143, %dma_wait3A_144] : memref<10240x64xf32, #tpu.memory_space<hbm>> -> memref<10240x64xf32, #tpu.memory_space<hbm>>
        tpu.wait_indirect_dma semaphore(%arg20 : memref<!tpu.dma_semaphore, #tpu.memory_space<semaphore_mem>>) src(%dma_wait3A_145 : memref<10240x64xf32, #tpu.memory_space<hbm>>) dst(%arg14 : memref<128x64xf32, #tpu.memory_space<vmem>>)
        %dma_start3A_146 = arith.constant 0 : i32
        %dma_start3A_147 = tpu.memref_slice %arg11[%add3A_132, %dma_start3A_146] : memref<80x128xi32, #tpu.memory_space<vmem>> -> memref<1x128xi32, #tpu.memory_space<vmem>>
        %dma_start3A_148 = tpu.memref_squeeze %dma_start3A_147 : memref<1x128xi32, #tpu.memory_space<vmem>> -> memref<128xi32, #tpu.memory_space<vmem>>
        %dma_start3A_149 = arith.constant 0 : i32
        %dma_start3A_150 = arith.constant 0 : i32
        %dma_start3A_151 = tpu.memref_slice %arg17[%dma_start3A_149, %dma_start3A_150] : memref<10240x64xf32, #tpu.memory_space<vmem_shared>> -> memref<10240x64xf32, #tpu.memory_space<vmem_shared>>
        tpu.enqueue_indirect_dma source(%arg14 : memref<128x64xf32, #tpu.memory_space<vmem>>) target(%dma_start3A_151 : memref<10240x64xf32, #tpu.memory_space<vmem_shared>>) offsets(%dma_start3A_148 : memref<128xi32, #tpu.memory_space<vmem>>) semaphore(%arg24 : memref<!tpu.dma_semaphore, #tpu.memory_space<semaphore_mem>>) {add = true}
        %mul3A_152 = arith.constant 4 : i32
        %mul3A_153 = arith.muli %mul3A_152, %scan3A_84 : i32
        %add3A_154 = arith.constant 3 : i32
        %add3A_155 = arith.addi %mul3A_153, %add3A_154 : i32
        %add3A_156 = arith.constant 2 : i32
        %add3A_157 = arith.addi %add3A_155, %add3A_156 : i32
        %lt3A_158 = arith.constant 80 : i32
        %lt3A_159 = arith.cmpi slt, %add3A_157, %lt3A_158 : i32
        %convert_element_type3A_160 = arith.extui %lt3A_159 : i1 to i32
        %cond3A_161 = arith.constant 0 : i32
        %cond3A_162 = arith.cmpi ne, %convert_element_type3A_160, %cond3A_161 : i32
        scf.if %cond3A_162 {
          %ge3A = arith.constant 2 : i32
          %ge3A_175 = arith.cmpi sge, %add3A_155, %ge3A : i32
          %convert_element_type3A_176 = arith.extui %ge3A_175 : i1 to i32
          %cond3A_177 = arith.constant 0 : i32
          %cond3A_178 = arith.cmpi ne, %convert_element_type3A_176, %cond3A_177 : i32
          scf.if %cond3A_178 {
            %sub3A = arith.constant 2 : i32
            %sub3A_187 = arith.subi %add3A_155, %sub3A : i32
            %dma_wait3A_188 = arith.constant 0 : i32
            %dma_wait3A_189 = tpu.memref_slice %arg11[%sub3A_187, %dma_wait3A_188] : memref<80x128xi32, #tpu.memory_space<vmem>> -> memref<1x128xi32, #tpu.memory_space<vmem>>
            %dma_wait3A_190 = tpu.memref_squeeze %dma_wait3A_189 : memref<1x128xi32, #tpu.memory_space<vmem>> -> memref<128xi32, #tpu.memory_space<vmem>>
            %dma_wait3A_191 = arith.constant 0 : i32
            %dma_wait3A_192 = arith.constant 0 : i32
            %dma_wait3A_193 = tpu.memref_slice %arg17[%dma_wait3A_191, %dma_wait3A_192] : memref<10240x64xf32, #tpu.memory_space<vmem_shared>> -> memref<10240x64xf32, #tpu.memory_space<vmem_shared>>
            tpu.wait_indirect_dma semaphore(%arg23 : memref<!tpu.dma_semaphore, #tpu.memory_space<semaphore_mem>>) src(%arg13 : memref<128x64xf32, #tpu.memory_space<vmem>>) dst(%dma_wait3A_193 : memref<10240x64xf32, #tpu.memory_space<vmem_shared>>)
          } else {
          }
          %add3A_179 = arith.constant 2 : i32
          %add3A_180 = arith.addi %add3A_155, %add3A_179 : i32
          %dma_start3A_181 = arith.constant 0 : i32
          %dma_start3A_182 = tpu.memref_slice %arg10[%add3A_180, %dma_start3A_181] : memref<80x128xi32, #tpu.memory_space<vmem>> -> memref<1x128xi32, #tpu.memory_space<vmem>>
          %dma_start3A_183 = tpu.memref_squeeze %dma_start3A_182 : memref<1x128xi32, #tpu.memory_space<vmem>> -> memref<128xi32, #tpu.memory_space<vmem>>
          %dma_start3A_184 = arith.constant 0 : i32
          %dma_start3A_185 = arith.constant 0 : i32
          %dma_start3A_186 = tpu.memref_slice %arg2[%dma_start3A_184, %dma_start3A_185] : memref<10240x64xf32, #tpu.memory_space<hbm>> -> memref<10240x64xf32, #tpu.memory_space<hbm>>
          tpu.enqueue_indirect_dma source(%dma_start3A_186 : memref<10240x64xf32, #tpu.memory_space<hbm>>) target(%arg13 : memref<128x64xf32, #tpu.memory_space<vmem>>) offsets(%dma_start3A_183 : memref<128xi32, #tpu.memory_space<vmem>>) semaphore(%arg19 : memref<!tpu.dma_semaphore, #tpu.memory_space<semaphore_mem>>)
        } else {
        }
        %dma_wait3A_163 = arith.constant 0 : i32
        %dma_wait3A_164 = tpu.memref_slice %arg10[%add3A_155, %dma_wait3A_163] : memref<80x128xi32, #tpu.memory_space<vmem>> -> memref<1x128xi32, #tpu.memory_space<vmem>>
        %dma_wait3A_165 = tpu.memref_squeeze %dma_wait3A_164 : memref<1x128xi32, #tpu.memory_space<vmem>> -> memref<128xi32, #tpu.memory_space<vmem>>
        %dma_wait3A_166 = arith.constant 0 : i32
        %dma_wait3A_167 = arith.constant 0 : i32
        %dma_wait3A_168 = tpu.memref_slice %arg2[%dma_wait3A_166, %dma_wait3A_167] : memref<10240x64xf32, #tpu.memory_space<hbm>> -> memref<10240x64xf32, #tpu.memory_space<hbm>>
        tpu.wait_indirect_dma semaphore(%arg21 : memref<!tpu.dma_semaphore, #tpu.memory_space<semaphore_mem>>) src(%dma_wait3A_168 : memref<10240x64xf32, #tpu.memory_space<hbm>>) dst(%arg15 : memref<128x64xf32, #tpu.memory_space<vmem>>)
        %dma_start3A_169 = arith.constant 0 : i32
        %dma_start3A_170 = tpu.memref_slice %arg11[%add3A_155, %dma_start3A_169] : memref<80x128xi32, #tpu.memory_space<vmem>> -> memref<1x128xi32, #tpu.memory_space<vmem>>
        %dma_start3A_171 = tpu.memref_squeeze %dma_start3A_170 : memref<1x128xi32, #tpu.memory_space<vmem>> -> memref<128xi32, #tpu.memory_space<vmem>>
        %dma_start3A_172 = arith.constant 0 : i32
        %dma_start3A_173 = arith.constant 0 : i32
        %dma_start3A_174 = tpu.memref_slice %arg17[%dma_start3A_172, %dma_start3A_173] : memref<10240x64xf32, #tpu.memory_space<vmem_shared>> -> memref<10240x64xf32, #tpu.memory_space<vmem_shared>>
        tpu.enqueue_indirect_dma source(%arg15 : memref<128x64xf32, #tpu.memory_space<vmem>>) target(%dma_start3A_174 : memref<10240x64xf32, #tpu.memory_space<vmem_shared>>) offsets(%dma_start3A_171 : memref<128xi32, #tpu.memory_space<vmem>>) semaphore(%arg25 : memref<!tpu.dma_semaphore, #tpu.memory_space<semaphore_mem>>) {add = true}
      }
      %scan3A_56 = arith.constant 20 : i32
      %dma_wait3A = arith.constant 76 : i32
      %dma_wait3A_57 = arith.constant 0 : i32
      %dma_wait3A_58 = tpu.memref_slice %arg11[%dma_wait3A, %dma_wait3A_57] : memref<80x128xi32, #tpu.memory_space<vmem>> -> memref<1x128xi32, #tpu.memory_space<vmem>>
      %dma_wait3A_59 = tpu.memref_squeeze %dma_wait3A_58 : memref<1x128xi32, #tpu.memory_space<vmem>> -> memref<128xi32, #tpu.memory_space<vmem>>
      %dma_wait3A_60 = arith.constant 0 : i32
      %dma_wait3A_61 = arith.constant 0 : i32
      %dma_wait3A_62 = tpu.memref_slice %arg17[%dma_wait3A_60, %dma_wait3A_61] : memref<10240x64xf32, #tpu.memory_space<vmem_shared>> -> memref<10240x64xf32, #tpu.memory_space<vmem_shared>>
      tpu.wait_indirect_dma semaphore(%arg22 : memref<!tpu.dma_semaphore, #tpu.memory_space<semaphore_mem>>) src(%arg12 : memref<128x64xf32, #tpu.memory_space<vmem>>) dst(%dma_wait3A_62 : memref<10240x64xf32, #tpu.memory_space<vmem_shared>>)
      %dma_wait3A_63 = arith.constant 77 : i32
      %dma_wait3A_64 = arith.constant 0 : i32
      %dma_wait3A_65 = tpu.memref_slice %arg11[%dma_wait3A_63, %dma_wait3A_64] : memref<80x128xi32, #tpu.memory_space<vmem>> -> memref<1x128xi32, #tpu.memory_space<vmem>>
      %dma_wait3A_66 = tpu.memref_squeeze %dma_wait3A_65 : memref<1x128xi32, #tpu.memory_space<vmem>> -> memref<128xi32, #tpu.memory_space<vmem>>
      %dma_wait3A_67 = arith.constant 0 : i32
      %dma_wait3A_68 = arith.constant 0 : i32
      %dma_wait3A_69 = tpu.memref_slice %arg17[%dma_wait3A_67, %dma_wait3A_68] : memref<10240x64xf32, #tpu.memory_space<vmem_shared>> -> memref<10240x64xf32, #tpu.memory_space<vmem_shared>>
      tpu.wait_indirect_dma semaphore(%arg23 : memref<!tpu.dma_semaphore, #tpu.memory_space<semaphore_mem>>) src(%arg13 : memref<128x64xf32, #tpu.memory_space<vmem>>) dst(%dma_wait3A_69 : memref<10240x64xf32, #tpu.memory_space<vmem_shared>>)
      %dma_wait3A_70 = arith.constant 78 : i32
      %dma_wait3A_71 = arith.constant 0 : i32
      %dma_wait3A_72 = tpu.memref_slice %arg11[%dma_wait3A_70, %dma_wait3A_71] : memref<80x128xi32, #tpu.memory_space<vmem>> -> memref<1x128xi32, #tpu.memory_space<vmem>>
      %dma_wait3A_73 = tpu.memref_squeeze %dma_wait3A_72 : memref<1x128xi32, #tpu.memory_space<vmem>> -> memref<128xi32, #tpu.memory_space<vmem>>
      %dma_wait3A_74 = arith.constant 0 : i32
      %dma_wait3A_75 = arith.constant 0 : i32
      %dma_wait3A_76 = tpu.memref_slice %arg17[%dma_wait3A_74, %dma_wait3A_75] : memref<10240x64xf32, #tpu.memory_space<vmem_shared>> -> memref<10240x64xf32, #tpu.memory_space<vmem_shared>>
      tpu.wait_indirect_dma semaphore(%arg24 : memref<!tpu.dma_semaphore, #tpu.memory_space<semaphore_mem>>) src(%arg14 : memref<128x64xf32, #tpu.memory_space<vmem>>) dst(%dma_wait3A_76 : memref<10240x64xf32, #tpu.memory_space<vmem_shared>>)
      %dma_wait3A_77 = arith.constant 79 : i32
      %dma_wait3A_78 = arith.constant 0 : i32
      %dma_wait3A_79 = tpu.memref_slice %arg11[%dma_wait3A_77, %dma_wait3A_78] : memref<80x128xi32, #tpu.memory_space<vmem>> -> memref<1x128xi32, #tpu.memory_space<vmem>>
      %dma_wait3A_80 = tpu.memref_squeeze %dma_wait3A_79 : memref<1x128xi32, #tpu.memory_space<vmem>> -> memref<128xi32, #tpu.memory_space<vmem>>
      %dma_wait3A_81 = arith.constant 0 : i32
      %dma_wait3A_82 = arith.constant 0 : i32
      %dma_wait3A_83 = tpu.memref_slice %arg17[%dma_wait3A_81, %dma_wait3A_82] : memref<10240x64xf32, #tpu.memory_space<vmem_shared>> -> memref<10240x64xf32, #tpu.memory_space<vmem_shared>>
      tpu.wait_indirect_dma semaphore(%arg25 : memref<!tpu.dma_semaphore, #tpu.memory_space<semaphore_mem>>) src(%arg15 : memref<128x64xf32, #tpu.memory_space<vmem>>) dst(%dma_wait3A_83 : memref<10240x64xf32, #tpu.memory_space<vmem_shared>>)
    } else {
    }
    %eq3A_20 = arith.constant 1 : i32
    %eq3A_21 = arith.cmpi eq, %arg0, %eq3A_20 : i32
    %convert_element_type3A_22 = arith.extui %eq3A_21 : i1 to i32
    %cond3A_23 = arith.constant 0 : i32
    %cond3A_24 = arith.cmpi ne, %convert_element_type3A_22, %cond3A_23 : i32
    scf.if %cond3A_24 {
      %mul3A_36 = arith.constant 80 : i32
      %mul3A_37 = arith.muli %arg1, %mul3A_36 : i32
      "tpu.region"() ({
        %run_scoped3A = tpu.sem_alloc : memref<!tpu.dma_semaphore, #tpu.memory_space<semaphore_mem>>
        %dma_start3A_84 = arith.constant 0 : i32
        %dma_start3A_85 = tpu.memref_slice %arg6[%mul3A_37, %dma_start3A_84] : memref<1280x128xi32, #tpu.memory_space<hbm>> -> memref<80x128xi32, #tpu.memory_space<hbm>>
        %dma_start3A_86 = arith.constant 0 : i32
        %dma_start3A_87 = tpu.memref_slice %arg6[%mul3A_37, %dma_start3A_86] : memref<1280x128xi32, #tpu.memory_space<hbm>> -> memref<80x128xi32, #tpu.memory_space<hbm>>
        tpu.enqueue_dma source(%dma_start3A_87 : memref<80x128xi32, #tpu.memory_space<hbm>>) target(%arg10 : memref<80x128xi32, #tpu.memory_space<vmem>>) target_semaphore(%run_scoped3A : memref<!tpu.dma_semaphore, #tpu.memory_space<semaphore_mem>>)
        %dma_wait3A_88 = arith.constant 0 : i32
        %dma_wait3A_89 = tpu.memref_slice %arg6[%mul3A_37, %dma_wait3A_88] : memref<1280x128xi32, #tpu.memory_space<hbm>> -> memref<80x128xi32, #tpu.memory_space<hbm>>
        %dma_wait3A_90 = arith.constant 0 : i32
        %dma_wait3A_91 = tpu.memref_slice %arg6[%mul3A_37, %dma_wait3A_90] : memref<1280x128xi32, #tpu.memory_space<hbm>> -> memref<80x128xi32, #tpu.memory_space<hbm>>
        tpu.wait_dma2 semaphore(%run_scoped3A : memref<!tpu.dma_semaphore, #tpu.memory_space<semaphore_mem>>) src(%dma_wait3A_91 : memref<80x128xi32, #tpu.memory_space<hbm>>) dst(%arg10 : memref<80x128xi32, #tpu.memory_space<vmem>>)
        tpu.yield
      }) : () -> ()
      "tpu.region"() ({
        %run_scoped3A = tpu.sem_alloc : memref<!tpu.dma_semaphore, #tpu.memory_space<semaphore_mem>>
        %dma_start3A_84 = arith.constant 0 : i32
        %dma_start3A_85 = tpu.memref_slice %arg7[%mul3A_37, %dma_start3A_84] : memref<1280x128xi32, #tpu.memory_space<hbm>> -> memref<80x128xi32, #tpu.memory_space<hbm>>
        %dma_start3A_86 = arith.constant 0 : i32
        %dma_start3A_87 = tpu.memref_slice %arg7[%mul3A_37, %dma_start3A_86] : memref<1280x128xi32, #tpu.memory_space<hbm>> -> memref<80x128xi32, #tpu.memory_space<hbm>>
        tpu.enqueue_dma source(%dma_start3A_87 : memref<80x128xi32, #tpu.memory_space<hbm>>) target(%arg11 : memref<80x128xi32, #tpu.memory_space<vmem>>) target_semaphore(%run_scoped3A : memref<!tpu.dma_semaphore, #tpu.memory_space<semaphore_mem>>)
        %dma_wait3A_88 = arith.constant 0 : i32
        %dma_wait3A_89 = tpu.memref_slice %arg7[%mul3A_37, %dma_wait3A_88] : memref<1280x128xi32, #tpu.memory_space<hbm>> -> memref<80x128xi32, #tpu.memory_space<hbm>>
        %dma_wait3A_90 = arith.constant 0 : i32
        %dma_wait3A_91 = tpu.memref_slice %arg7[%mul3A_37, %dma_wait3A_90] : memref<1280x128xi32, #tpu.memory_space<hbm>> -> memref<80x128xi32, #tpu.memory_space<hbm>>
        tpu.wait_dma2 semaphore(%run_scoped3A : memref<!tpu.dma_semaphore, #tpu.memory_space<semaphore_mem>>) src(%dma_wait3A_91 : memref<80x128xi32, #tpu.memory_space<hbm>>) dst(%arg11 : memref<80x128xi32, #tpu.memory_space<vmem>>)
        tpu.yield
      }) : () -> ()
      %dma_start3A = arith.constant 0 : i32
      %dma_start3A_38 = arith.constant 0 : i32
      %dma_start3A_39 = tpu.memref_slice %arg10[%dma_start3A, %dma_start3A_38] : memref<80x128xi32, #tpu.memory_space<vmem>> -> memref<1x128xi32, #tpu.memory_space<vmem>>
      %dma_start3A_40 = tpu.memref_squeeze %dma_start3A_39 : memref<1x128xi32, #tpu.memory_space<vmem>> -> memref<128xi32, #tpu.memory_space<vmem>>
      %dma_start3A_41 = arith.constant 0 : i32
      %dma_start3A_42 = arith.constant 0 : i32
      %dma_start3A_43 = tpu.memref_slice %arg3[%dma_start3A_41, %dma_start3A_42] : memref<10240x64xf32, #tpu.memory_space<hbm>> -> memref<10240x64xf32, #tpu.memory_space<hbm>>
      tpu.enqueue_indirect_dma source(%dma_start3A_43 : memref<10240x64xf32, #tpu.memory_space<hbm>>) target(%arg12 : memref<128x64xf32, #tpu.memory_space<vmem>>) offsets(%dma_start3A_40 : memref<128xi32, #tpu.memory_space<vmem>>) semaphore(%arg18 : memref<!tpu.dma_semaphore, #tpu.memory_space<semaphore_mem>>)
      %dma_start3A_44 = arith.constant 1 : i32
      %dma_start3A_45 = arith.constant 0 : i32
      %dma_start3A_46 = tpu.memref_slice %arg10[%dma_start3A_44, %dma_start3A_45] : memref<80x128xi32, #tpu.memory_space<vmem>> -> memref<1x128xi32, #tpu.memory_space<vmem>>
      %dma_start3A_47 = tpu.memref_squeeze %dma_start3A_46 : memref<1x128xi32, #tpu.memory_space<vmem>> -> memref<128xi32, #tpu.memory_space<vmem>>
      %dma_start3A_48 = arith.constant 0 : i32
      %dma_start3A_49 = arith.constant 0 : i32
      %dma_start3A_50 = tpu.memref_slice %arg3[%dma_start3A_48, %dma_start3A_49] : memref<10240x64xf32, #tpu.memory_space<hbm>> -> memref<10240x64xf32, #tpu.memory_space<hbm>>
      tpu.enqueue_indirect_dma source(%dma_start3A_50 : memref<10240x64xf32, #tpu.memory_space<hbm>>) target(%arg13 : memref<128x64xf32, #tpu.memory_space<vmem>>) offsets(%dma_start3A_47 : memref<128xi32, #tpu.memory_space<vmem>>) semaphore(%arg19 : memref<!tpu.dma_semaphore, #tpu.memory_space<semaphore_mem>>)
      %scan3A_51 = arith.constant 0 : i32
      %scan3A_52 = arith.constant 0 : i32
      %scan3A_53 = arith.constant 20 : i32
      %scan3A_54 = arith.addi %scan3A_52, %scan3A_53 : i32
      %scan3A_55 = arith.constant 1 : i32
      scf.for %scan3A_84 = %scan3A_52 to %scan3A_54 step %scan3A_55  : i32 {
        %mul3A_85 = arith.constant 4 : i32
        %mul3A_86 = arith.muli %mul3A_85, %scan3A_84 : i32
        %add3A = arith.constant 0 : i32
        %add3A_87 = arith.addi %mul3A_86, %add3A : i32
        %add3A_88 = arith.constant 2 : i32
        %add3A_89 = arith.addi %add3A_87, %add3A_88 : i32
        %lt3A = arith.constant 80 : i32
        %lt3A_90 = arith.cmpi slt, %add3A_89, %lt3A : i32
        %convert_element_type3A_91 = arith.extui %lt3A_90 : i1 to i32
        %cond3A_92 = arith.constant 0 : i32
        %cond3A_93 = arith.cmpi ne, %convert_element_type3A_91, %cond3A_92 : i32
        scf.if %cond3A_93 {
          %ge3A = arith.constant 2 : i32
          %ge3A_175 = arith.cmpi sge, %add3A_87, %ge3A : i32
          %convert_element_type3A_176 = arith.extui %ge3A_175 : i1 to i32
          %cond3A_177 = arith.constant 0 : i32
          %cond3A_178 = arith.cmpi ne, %convert_element_type3A_176, %cond3A_177 : i32
          scf.if %cond3A_178 {
            %sub3A = arith.constant 2 : i32
            %sub3A_187 = arith.subi %add3A_87, %sub3A : i32
            %dma_wait3A_188 = arith.constant 0 : i32
            %dma_wait3A_189 = tpu.memref_slice %arg11[%sub3A_187, %dma_wait3A_188] : memref<80x128xi32, #tpu.memory_space<vmem>> -> memref<1x128xi32, #tpu.memory_space<vmem>>
            %dma_wait3A_190 = tpu.memref_squeeze %dma_wait3A_189 : memref<1x128xi32, #tpu.memory_space<vmem>> -> memref<128xi32, #tpu.memory_space<vmem>>
            %dma_wait3A_191 = arith.constant 0 : i32
            %dma_wait3A_192 = arith.constant 0 : i32
            %dma_wait3A_193 = tpu.memref_slice %arg17[%dma_wait3A_191, %dma_wait3A_192] : memref<10240x64xf32, #tpu.memory_space<vmem_shared>> -> memref<10240x64xf32, #tpu.memory_space<vmem_shared>>
            tpu.wait_indirect_dma semaphore(%arg24 : memref<!tpu.dma_semaphore, #tpu.memory_space<semaphore_mem>>) src(%arg14 : memref<128x64xf32, #tpu.memory_space<vmem>>) dst(%dma_wait3A_193 : memref<10240x64xf32, #tpu.memory_space<vmem_shared>>)
          } else {
          }
          %add3A_179 = arith.constant 2 : i32
          %add3A_180 = arith.addi %add3A_87, %add3A_179 : i32
          %dma_start3A_181 = arith.constant 0 : i32
          %dma_start3A_182 = tpu.memref_slice %arg10[%add3A_180, %dma_start3A_181] : memref<80x128xi32, #tpu.memory_space<vmem>> -> memref<1x128xi32, #tpu.memory_space<vmem>>
          %dma_start3A_183 = tpu.memref_squeeze %dma_start3A_182 : memref<1x128xi32, #tpu.memory_space<vmem>> -> memref<128xi32, #tpu.memory_space<vmem>>
          %dma_start3A_184 = arith.constant 0 : i32
          %dma_start3A_185 = arith.constant 0 : i32
          %dma_start3A_186 = tpu.memref_slice %arg3[%dma_start3A_184, %dma_start3A_185] : memref<10240x64xf32, #tpu.memory_space<hbm>> -> memref<10240x64xf32, #tpu.memory_space<hbm>>
          tpu.enqueue_indirect_dma source(%dma_start3A_186 : memref<10240x64xf32, #tpu.memory_space<hbm>>) target(%arg14 : memref<128x64xf32, #tpu.memory_space<vmem>>) offsets(%dma_start3A_183 : memref<128xi32, #tpu.memory_space<vmem>>) semaphore(%arg20 : memref<!tpu.dma_semaphore, #tpu.memory_space<semaphore_mem>>)
        } else {
        }
        %dma_wait3A_94 = arith.constant 0 : i32
        %dma_wait3A_95 = tpu.memref_slice %arg10[%add3A_87, %dma_wait3A_94] : memref<80x128xi32, #tpu.memory_space<vmem>> -> memref<1x128xi32, #tpu.memory_space<vmem>>
        %dma_wait3A_96 = tpu.memref_squeeze %dma_wait3A_95 : memref<1x128xi32, #tpu.memory_space<vmem>> -> memref<128xi32, #tpu.memory_space<vmem>>
        %dma_wait3A_97 = arith.constant 0 : i32
        %dma_wait3A_98 = arith.constant 0 : i32
        %dma_wait3A_99 = tpu.memref_slice %arg3[%dma_wait3A_97, %dma_wait3A_98] : memref<10240x64xf32, #tpu.memory_space<hbm>> -> memref<10240x64xf32, #tpu.memory_space<hbm>>
        tpu.wait_indirect_dma semaphore(%arg18 : memref<!tpu.dma_semaphore, #tpu.memory_space<semaphore_mem>>) src(%dma_wait3A_99 : memref<10240x64xf32, #tpu.memory_space<hbm>>) dst(%arg12 : memref<128x64xf32, #tpu.memory_space<vmem>>)
        %dma_start3A_100 = arith.constant 0 : i32
        %dma_start3A_101 = tpu.memref_slice %arg11[%add3A_87, %dma_start3A_100] : memref<80x128xi32, #tpu.memory_space<vmem>> -> memref<1x128xi32, #tpu.memory_space<vmem>>
        %dma_start3A_102 = tpu.memref_squeeze %dma_start3A_101 : memref<1x128xi32, #tpu.memory_space<vmem>> -> memref<128xi32, #tpu.memory_space<vmem>>
        %dma_start3A_103 = arith.constant 0 : i32
        %dma_start3A_104 = arith.constant 0 : i32
        %dma_start3A_105 = tpu.memref_slice %arg17[%dma_start3A_103, %dma_start3A_104] : memref<10240x64xf32, #tpu.memory_space<vmem_shared>> -> memref<10240x64xf32, #tpu.memory_space<vmem_shared>>
        tpu.enqueue_indirect_dma source(%arg12 : memref<128x64xf32, #tpu.memory_space<vmem>>) target(%dma_start3A_105 : memref<10240x64xf32, #tpu.memory_space<vmem_shared>>) offsets(%dma_start3A_102 : memref<128xi32, #tpu.memory_space<vmem>>) semaphore(%arg22 : memref<!tpu.dma_semaphore, #tpu.memory_space<semaphore_mem>>) {add = true}
        %mul3A_106 = arith.constant 4 : i32
        %mul3A_107 = arith.muli %mul3A_106, %scan3A_84 : i32
        %add3A_108 = arith.constant 1 : i32
        %add3A_109 = arith.addi %mul3A_107, %add3A_108 : i32
        %add3A_110 = arith.constant 2 : i32
        %add3A_111 = arith.addi %add3A_109, %add3A_110 : i32
        %lt3A_112 = arith.constant 80 : i32
        %lt3A_113 = arith.cmpi slt, %add3A_111, %lt3A_112 : i32
        %convert_element_type3A_114 = arith.extui %lt3A_113 : i1 to i32
        %cond3A_115 = arith.constant 0 : i32
        %cond3A_116 = arith.cmpi ne, %convert_element_type3A_114, %cond3A_115 : i32
        scf.if %cond3A_116 {
          %ge3A = arith.constant 2 : i32
          %ge3A_175 = arith.cmpi sge, %add3A_109, %ge3A : i32
          %convert_element_type3A_176 = arith.extui %ge3A_175 : i1 to i32
          %cond3A_177 = arith.constant 0 : i32
          %cond3A_178 = arith.cmpi ne, %convert_element_type3A_176, %cond3A_177 : i32
          scf.if %cond3A_178 {
            %sub3A = arith.constant 2 : i32
            %sub3A_187 = arith.subi %add3A_109, %sub3A : i32
            %dma_wait3A_188 = arith.constant 0 : i32
            %dma_wait3A_189 = tpu.memref_slice %arg11[%sub3A_187, %dma_wait3A_188] : memref<80x128xi32, #tpu.memory_space<vmem>> -> memref<1x128xi32, #tpu.memory_space<vmem>>
            %dma_wait3A_190 = tpu.memref_squeeze %dma_wait3A_189 : memref<1x128xi32, #tpu.memory_space<vmem>> -> memref<128xi32, #tpu.memory_space<vmem>>
            %dma_wait3A_191 = arith.constant 0 : i32
            %dma_wait3A_192 = arith.constant 0 : i32
            %dma_wait3A_193 = tpu.memref_slice %arg17[%dma_wait3A_191, %dma_wait3A_192] : memref<10240x64xf32, #tpu.memory_space<vmem_shared>> -> memref<10240x64xf32, #tpu.memory_space<vmem_shared>>
            tpu.wait_indirect_dma semaphore(%arg25 : memref<!tpu.dma_semaphore, #tpu.memory_space<semaphore_mem>>) src(%arg15 : memref<128x64xf32, #tpu.memory_space<vmem>>) dst(%dma_wait3A_193 : memref<10240x64xf32, #tpu.memory_space<vmem_shared>>)
          } else {
          }
          %add3A_179 = arith.constant 2 : i32
          %add3A_180 = arith.addi %add3A_109, %add3A_179 : i32
          %dma_start3A_181 = arith.constant 0 : i32
          %dma_start3A_182 = tpu.memref_slice %arg10[%add3A_180, %dma_start3A_181] : memref<80x128xi32, #tpu.memory_space<vmem>> -> memref<1x128xi32, #tpu.memory_space<vmem>>
          %dma_start3A_183 = tpu.memref_squeeze %dma_start3A_182 : memref<1x128xi32, #tpu.memory_space<vmem>> -> memref<128xi32, #tpu.memory_space<vmem>>
          %dma_start3A_184 = arith.constant 0 : i32
          %dma_start3A_185 = arith.constant 0 : i32
          %dma_start3A_186 = tpu.memref_slice %arg3[%dma_start3A_184, %dma_start3A_185] : memref<10240x64xf32, #tpu.memory_space<hbm>> -> memref<10240x64xf32, #tpu.memory_space<hbm>>
          tpu.enqueue_indirect_dma source(%dma_start3A_186 : memref<10240x64xf32, #tpu.memory_space<hbm>>) target(%arg15 : memref<128x64xf32, #tpu.memory_space<vmem>>) offsets(%dma_start3A_183 : memref<128xi32, #tpu.memory_space<vmem>>) semaphore(%arg21 : memref<!tpu.dma_semaphore, #tpu.memory_space<semaphore_mem>>)
        } else {
        }
        %dma_wait3A_117 = arith.constant 0 : i32
        %dma_wait3A_118 = tpu.memref_slice %arg10[%add3A_109, %dma_wait3A_117] : memref<80x128xi32, #tpu.memory_space<vmem>> -> memref<1x128xi32, #tpu.memory_space<vmem>>
        %dma_wait3A_119 = tpu.memref_squeeze %dma_wait3A_118 : memref<1x128xi32, #tpu.memory_space<vmem>> -> memref<128xi32, #tpu.memory_space<vmem>>
        %dma_wait3A_120 = arith.constant 0 : i32
        %dma_wait3A_121 = arith.constant 0 : i32
        %dma_wait3A_122 = tpu.memref_slice %arg3[%dma_wait3A_120, %dma_wait3A_121] : memref<10240x64xf32, #tpu.memory_space<hbm>> -> memref<10240x64xf32, #tpu.memory_space<hbm>>
        tpu.wait_indirect_dma semaphore(%arg19 : memref<!tpu.dma_semaphore, #tpu.memory_space<semaphore_mem>>) src(%dma_wait3A_122 : memref<10240x64xf32, #tpu.memory_space<hbm>>) dst(%arg13 : memref<128x64xf32, #tpu.memory_space<vmem>>)
        %dma_start3A_123 = arith.constant 0 : i32
        %dma_start3A_124 = tpu.memref_slice %arg11[%add3A_109, %dma_start3A_123] : memref<80x128xi32, #tpu.memory_space<vmem>> -> memref<1x128xi32, #tpu.memory_space<vmem>>
        %dma_start3A_125 = tpu.memref_squeeze %dma_start3A_124 : memref<1x128xi32, #tpu.memory_space<vmem>> -> memref<128xi32, #tpu.memory_space<vmem>>
        %dma_start3A_126 = arith.constant 0 : i32
        %dma_start3A_127 = arith.constant 0 : i32
        %dma_start3A_128 = tpu.memref_slice %arg17[%dma_start3A_126, %dma_start3A_127] : memref<10240x64xf32, #tpu.memory_space<vmem_shared>> -> memref<10240x64xf32, #tpu.memory_space<vmem_shared>>
        tpu.enqueue_indirect_dma source(%arg13 : memref<128x64xf32, #tpu.memory_space<vmem>>) target(%dma_start3A_128 : memref<10240x64xf32, #tpu.memory_space<vmem_shared>>) offsets(%dma_start3A_125 : memref<128xi32, #tpu.memory_space<vmem>>) semaphore(%arg23 : memref<!tpu.dma_semaphore, #tpu.memory_space<semaphore_mem>>) {add = true}
        %mul3A_129 = arith.constant 4 : i32
        %mul3A_130 = arith.muli %mul3A_129, %scan3A_84 : i32
        %add3A_131 = arith.constant 2 : i32
        %add3A_132 = arith.addi %mul3A_130, %add3A_131 : i32
        %add3A_133 = arith.constant 2 : i32
        %add3A_134 = arith.addi %add3A_132, %add3A_133 : i32
        %lt3A_135 = arith.constant 80 : i32
        %lt3A_136 = arith.cmpi slt, %add3A_134, %lt3A_135 : i32
        %convert_element_type3A_137 = arith.extui %lt3A_136 : i1 to i32
        %cond3A_138 = arith.constant 0 : i32
        %cond3A_139 = arith.cmpi ne, %convert_element_type3A_137, %cond3A_138 : i32
        scf.if %cond3A_139 {
          %ge3A = arith.constant 2 : i32
          %ge3A_175 = arith.cmpi sge, %add3A_132, %ge3A : i32
          %convert_element_type3A_176 = arith.extui %ge3A_175 : i1 to i32
          %cond3A_177 = arith.constant 0 : i32
          %cond3A_178 = arith.cmpi ne, %convert_element_type3A_176, %cond3A_177 : i32
          scf.if %cond3A_178 {
            %sub3A = arith.constant 2 : i32
            %sub3A_187 = arith.subi %add3A_132, %sub3A : i32
            %dma_wait3A_188 = arith.constant 0 : i32
            %dma_wait3A_189 = tpu.memref_slice %arg11[%sub3A_187, %dma_wait3A_188] : memref<80x128xi32, #tpu.memory_space<vmem>> -> memref<1x128xi32, #tpu.memory_space<vmem>>
            %dma_wait3A_190 = tpu.memref_squeeze %dma_wait3A_189 : memref<1x128xi32, #tpu.memory_space<vmem>> -> memref<128xi32, #tpu.memory_space<vmem>>
            %dma_wait3A_191 = arith.constant 0 : i32
            %dma_wait3A_192 = arith.constant 0 : i32
            %dma_wait3A_193 = tpu.memref_slice %arg17[%dma_wait3A_191, %dma_wait3A_192] : memref<10240x64xf32, #tpu.memory_space<vmem_shared>> -> memref<10240x64xf32, #tpu.memory_space<vmem_shared>>
            tpu.wait_indirect_dma semaphore(%arg22 : memref<!tpu.dma_semaphore, #tpu.memory_space<semaphore_mem>>) src(%arg12 : memref<128x64xf32, #tpu.memory_space<vmem>>) dst(%dma_wait3A_193 : memref<10240x64xf32, #tpu.memory_space<vmem_shared>>)
          } else {
          }
          %add3A_179 = arith.constant 2 : i32
          %add3A_180 = arith.addi %add3A_132, %add3A_179 : i32
          %dma_start3A_181 = arith.constant 0 : i32
          %dma_start3A_182 = tpu.memref_slice %arg10[%add3A_180, %dma_start3A_181] : memref<80x128xi32, #tpu.memory_space<vmem>> -> memref<1x128xi32, #tpu.memory_space<vmem>>
          %dma_start3A_183 = tpu.memref_squeeze %dma_start3A_182 : memref<1x128xi32, #tpu.memory_space<vmem>> -> memref<128xi32, #tpu.memory_space<vmem>>
          %dma_start3A_184 = arith.constant 0 : i32
          %dma_start3A_185 = arith.constant 0 : i32
          %dma_start3A_186 = tpu.memref_slice %arg3[%dma_start3A_184, %dma_start3A_185] : memref<10240x64xf32, #tpu.memory_space<hbm>> -> memref<10240x64xf32, #tpu.memory_space<hbm>>
          tpu.enqueue_indirect_dma source(%dma_start3A_186 : memref<10240x64xf32, #tpu.memory_space<hbm>>) target(%arg12 : memref<128x64xf32, #tpu.memory_space<vmem>>) offsets(%dma_start3A_183 : memref<128xi32, #tpu.memory_space<vmem>>) semaphore(%arg18 : memref<!tpu.dma_semaphore, #tpu.memory_space<semaphore_mem>>)
        } else {
        }
        %dma_wait3A_140 = arith.constant 0 : i32
        %dma_wait3A_141 = tpu.memref_slice %arg10[%add3A_132, %dma_wait3A_140] : memref<80x128xi32, #tpu.memory_space<vmem>> -> memref<1x128xi32, #tpu.memory_space<vmem>>
        %dma_wait3A_142 = tpu.memref_squeeze %dma_wait3A_141 : memref<1x128xi32, #tpu.memory_space<vmem>> -> memref<128xi32, #tpu.memory_space<vmem>>
        %dma_wait3A_143 = arith.constant 0 : i32
        %dma_wait3A_144 = arith.constant 0 : i32
        %dma_wait3A_145 = tpu.memref_slice %arg3[%dma_wait3A_143, %dma_wait3A_144] : memref<10240x64xf32, #tpu.memory_space<hbm>> -> memref<10240x64xf32, #tpu.memory_space<hbm>>
        tpu.wait_indirect_dma semaphore(%arg20 : memref<!tpu.dma_semaphore, #tpu.memory_space<semaphore_mem>>) src(%dma_wait3A_145 : memref<10240x64xf32, #tpu.memory_space<hbm>>) dst(%arg14 : memref<128x64xf32, #tpu.memory_space<vmem>>)
        %dma_start3A_146 = arith.constant 0 : i32
        %dma_start3A_147 = tpu.memref_slice %arg11[%add3A_132, %dma_start3A_146] : memref<80x128xi32, #tpu.memory_space<vmem>> -> memref<1x128xi32, #tpu.memory_space<vmem>>
        %dma_start3A_148 = tpu.memref_squeeze %dma_start3A_147 : memref<1x128xi32, #tpu.memory_space<vmem>> -> memref<128xi32, #tpu.memory_space<vmem>>
        %dma_start3A_149 = arith.constant 0 : i32
        %dma_start3A_150 = arith.constant 0 : i32
        %dma_start3A_151 = tpu.memref_slice %arg17[%dma_start3A_149, %dma_start3A_150] : memref<10240x64xf32, #tpu.memory_space<vmem_shared>> -> memref<10240x64xf32, #tpu.memory_space<vmem_shared>>
        tpu.enqueue_indirect_dma source(%arg14 : memref<128x64xf32, #tpu.memory_space<vmem>>) target(%dma_start3A_151 : memref<10240x64xf32, #tpu.memory_space<vmem_shared>>) offsets(%dma_start3A_148 : memref<128xi32, #tpu.memory_space<vmem>>) semaphore(%arg24 : memref<!tpu.dma_semaphore, #tpu.memory_space<semaphore_mem>>) {add = true}
        %mul3A_152 = arith.constant 4 : i32
        %mul3A_153 = arith.muli %mul3A_152, %scan3A_84 : i32
        %add3A_154 = arith.constant 3 : i32
        %add3A_155 = arith.addi %mul3A_153, %add3A_154 : i32
        %add3A_156 = arith.constant 2 : i32
        %add3A_157 = arith.addi %add3A_155, %add3A_156 : i32
        %lt3A_158 = arith.constant 80 : i32
        %lt3A_159 = arith.cmpi slt, %add3A_157, %lt3A_158 : i32
        %convert_element_type3A_160 = arith.extui %lt3A_159 : i1 to i32
        %cond3A_161 = arith.constant 0 : i32
        %cond3A_162 = arith.cmpi ne, %convert_element_type3A_160, %cond3A_161 : i32
        scf.if %cond3A_162 {
          %ge3A = arith.constant 2 : i32
          %ge3A_175 = arith.cmpi sge, %add3A_155, %ge3A : i32
          %convert_element_type3A_176 = arith.extui %ge3A_175 : i1 to i32
          %cond3A_177 = arith.constant 0 : i32
          %cond3A_178 = arith.cmpi ne, %convert_element_type3A_176, %cond3A_177 : i32
          scf.if %cond3A_178 {
            %sub3A = arith.constant 2 : i32
            %sub3A_187 = arith.subi %add3A_155, %sub3A : i32
            %dma_wait3A_188 = arith.constant 0 : i32
            %dma_wait3A_189 = tpu.memref_slice %arg11[%sub3A_187, %dma_wait3A_188] : memref<80x128xi32, #tpu.memory_space<vmem>> -> memref<1x128xi32, #tpu.memory_space<vmem>>
            %dma_wait3A_190 = tpu.memref_squeeze %dma_wait3A_189 : memref<1x128xi32, #tpu.memory_space<vmem>> -> memref<128xi32, #tpu.memory_space<vmem>>
            %dma_wait3A_191 = arith.constant 0 : i32
            %dma_wait3A_192 = arith.constant 0 : i32
            %dma_wait3A_193 = tpu.memref_slice %arg17[%dma_wait3A_191, %dma_wait3A_192] : memref<10240x64xf32, #tpu.memory_space<vmem_shared>> -> memref<10240x64xf32, #tpu.memory_space<vmem_shared>>
            tpu.wait_indirect_dma semaphore(%arg23 : memref<!tpu.dma_semaphore, #tpu.memory_space<semaphore_mem>>) src(%arg13 : memref<128x64xf32, #tpu.memory_space<vmem>>) dst(%dma_wait3A_193 : memref<10240x64xf32, #tpu.memory_space<vmem_shared>>)
          } else {
          }
          %add3A_179 = arith.constant 2 : i32
          %add3A_180 = arith.addi %add3A_155, %add3A_179 : i32
          %dma_start3A_181 = arith.constant 0 : i32
          %dma_start3A_182 = tpu.memref_slice %arg10[%add3A_180, %dma_start3A_181] : memref<80x128xi32, #tpu.memory_space<vmem>> -> memref<1x128xi32, #tpu.memory_space<vmem>>
          %dma_start3A_183 = tpu.memref_squeeze %dma_start3A_182 : memref<1x128xi32, #tpu.memory_space<vmem>> -> memref<128xi32, #tpu.memory_space<vmem>>
          %dma_start3A_184 = arith.constant 0 : i32
          %dma_start3A_185 = arith.constant 0 : i32
          %dma_start3A_186 = tpu.memref_slice %arg3[%dma_start3A_184, %dma_start3A_185] : memref<10240x64xf32, #tpu.memory_space<hbm>> -> memref<10240x64xf32, #tpu.memory_space<hbm>>
          tpu.enqueue_indirect_dma source(%dma_start3A_186 : memref<10240x64xf32, #tpu.memory_space<hbm>>) target(%arg13 : memref<128x64xf32, #tpu.memory_space<vmem>>) offsets(%dma_start3A_183 : memref<128xi32, #tpu.memory_space<vmem>>) semaphore(%arg19 : memref<!tpu.dma_semaphore, #tpu.memory_space<semaphore_mem>>)
        } else {
        }
        %dma_wait3A_163 = arith.constant 0 : i32
        %dma_wait3A_164 = tpu.memref_slice %arg10[%add3A_155, %dma_wait3A_163] : memref<80x128xi32, #tpu.memory_space<vmem>> -> memref<1x128xi32, #tpu.memory_space<vmem>>
        %dma_wait3A_165 = tpu.memref_squeeze %dma_wait3A_164 : memref<1x128xi32, #tpu.memory_space<vmem>> -> memref<128xi32, #tpu.memory_space<vmem>>
        %dma_wait3A_166 = arith.constant 0 : i32
        %dma_wait3A_167 = arith.constant 0 : i32
        %dma_wait3A_168 = tpu.memref_slice %arg3[%dma_wait3A_166, %dma_wait3A_167] : memref<10240x64xf32, #tpu.memory_space<hbm>> -> memref<10240x64xf32, #tpu.memory_space<hbm>>
        tpu.wait_indirect_dma semaphore(%arg21 : memref<!tpu.dma_semaphore, #tpu.memory_space<semaphore_mem>>) src(%dma_wait3A_168 : memref<10240x64xf32, #tpu.memory_space<hbm>>) dst(%arg15 : memref<128x64xf32, #tpu.memory_space<vmem>>)
        %dma_start3A_169 = arith.constant 0 : i32
        %dma_start3A_170 = tpu.memref_slice %arg11[%add3A_155, %dma_start3A_169] : memref<80x128xi32, #tpu.memory_space<vmem>> -> memref<1x128xi32, #tpu.memory_space<vmem>>
        %dma_start3A_171 = tpu.memref_squeeze %dma_start3A_170 : memref<1x128xi32, #tpu.memory_space<vmem>> -> memref<128xi32, #tpu.memory_space<vmem>>
        %dma_start3A_172 = arith.constant 0 : i32
        %dma_start3A_173 = arith.constant 0 : i32
        %dma_start3A_174 = tpu.memref_slice %arg17[%dma_start3A_172, %dma_start3A_173] : memref<10240x64xf32, #tpu.memory_space<vmem_shared>> -> memref<10240x64xf32, #tpu.memory_space<vmem_shared>>
        tpu.enqueue_indirect_dma source(%arg15 : memref<128x64xf32, #tpu.memory_space<vmem>>) target(%dma_start3A_174 : memref<10240x64xf32, #tpu.memory_space<vmem_shared>>) offsets(%dma_start3A_171 : memref<128xi32, #tpu.memory_space<vmem>>) semaphore(%arg25 : memref<!tpu.dma_semaphore, #tpu.memory_space<semaphore_mem>>) {add = true}
      }
      %scan3A_56 = arith.constant 20 : i32
      %dma_wait3A = arith.constant 76 : i32
      %dma_wait3A_57 = arith.constant 0 : i32
      %dma_wait3A_58 = tpu.memref_slice %arg11[%dma_wait3A, %dma_wait3A_57] : memref<80x128xi32, #tpu.memory_space<vmem>> -> memref<1x128xi32, #tpu.memory_space<vmem>>
      %dma_wait3A_59 = tpu.memref_squeeze %dma_wait3A_58 : memref<1x128xi32, #tpu.memory_space<vmem>> -> memref<128xi32, #tpu.memory_space<vmem>>
      %dma_wait3A_60 = arith.constant 0 : i32
      %dma_wait3A_61 = arith.constant 0 : i32
      %dma_wait3A_62 = tpu.memref_slice %arg17[%dma_wait3A_60, %dma_wait3A_61] : memref<10240x64xf32, #tpu.memory_space<vmem_shared>> -> memref<10240x64xf32, #tpu.memory_space<vmem_shared>>
      tpu.wait_indirect_dma semaphore(%arg22 : memref<!tpu.dma_semaphore, #tpu.memory_space<semaphore_mem>>) src(%arg12 : memref<128x64xf32, #tpu.memory_space<vmem>>) dst(%dma_wait3A_62 : memref<10240x64xf32, #tpu.memory_space<vmem_shared>>)
      %dma_wait3A_63 = arith.constant 77 : i32
      %dma_wait3A_64 = arith.constant 0 : i32
      %dma_wait3A_65 = tpu.memref_slice %arg11[%dma_wait3A_63, %dma_wait3A_64] : memref<80x128xi32, #tpu.memory_space<vmem>> -> memref<1x128xi32, #tpu.memory_space<vmem>>
      %dma_wait3A_66 = tpu.memref_squeeze %dma_wait3A_65 : memref<1x128xi32, #tpu.memory_space<vmem>> -> memref<128xi32, #tpu.memory_space<vmem>>
      %dma_wait3A_67 = arith.constant 0 : i32
      %dma_wait3A_68 = arith.constant 0 : i32
      %dma_wait3A_69 = tpu.memref_slice %arg17[%dma_wait3A_67, %dma_wait3A_68] : memref<10240x64xf32, #tpu.memory_space<vmem_shared>> -> memref<10240x64xf32, #tpu.memory_space<vmem_shared>>
      tpu.wait_indirect_dma semaphore(%arg23 : memref<!tpu.dma_semaphore, #tpu.memory_space<semaphore_mem>>) src(%arg13 : memref<128x64xf32, #tpu.memory_space<vmem>>) dst(%dma_wait3A_69 : memref<10240x64xf32, #tpu.memory_space<vmem_shared>>)
      %dma_wait3A_70 = arith.constant 78 : i32
      %dma_wait3A_71 = arith.constant 0 : i32
      %dma_wait3A_72 = tpu.memref_slice %arg11[%dma_wait3A_70, %dma_wait3A_71] : memref<80x128xi32, #tpu.memory_space<vmem>> -> memref<1x128xi32, #tpu.memory_space<vmem>>
      %dma_wait3A_73 = tpu.memref_squeeze %dma_wait3A_72 : memref<1x128xi32, #tpu.memory_space<vmem>> -> memref<128xi32, #tpu.memory_space<vmem>>
      %dma_wait3A_74 = arith.constant 0 : i32
      %dma_wait3A_75 = arith.constant 0 : i32
      %dma_wait3A_76 = tpu.memref_slice %arg17[%dma_wait3A_74, %dma_wait3A_75] : memref<10240x64xf32, #tpu.memory_space<vmem_shared>> -> memref<10240x64xf32, #tpu.memory_space<vmem_shared>>
      tpu.wait_indirect_dma semaphore(%arg24 : memref<!tpu.dma_semaphore, #tpu.memory_space<semaphore_mem>>) src(%arg14 : memref<128x64xf32, #tpu.memory_space<vmem>>) dst(%dma_wait3A_76 : memref<10240x64xf32, #tpu.memory_space<vmem_shared>>)
      %dma_wait3A_77 = arith.constant 79 : i32
      %dma_wait3A_78 = arith.constant 0 : i32
      %dma_wait3A_79 = tpu.memref_slice %arg11[%dma_wait3A_77, %dma_wait3A_78] : memref<80x128xi32, #tpu.memory_space<vmem>> -> memref<1x128xi32, #tpu.memory_space<vmem>>
      %dma_wait3A_80 = tpu.memref_squeeze %dma_wait3A_79 : memref<1x128xi32, #tpu.memory_space<vmem>> -> memref<128xi32, #tpu.memory_space<vmem>>
      %dma_wait3A_81 = arith.constant 0 : i32
      %dma_wait3A_82 = arith.constant 0 : i32
      %dma_wait3A_83 = tpu.memref_slice %arg17[%dma_wait3A_81, %dma_wait3A_82] : memref<10240x64xf32, #tpu.memory_space<vmem_shared>> -> memref<10240x64xf32, #tpu.memory_space<vmem_shared>>
      tpu.wait_indirect_dma semaphore(%arg25 : memref<!tpu.dma_semaphore, #tpu.memory_space<semaphore_mem>>) src(%arg15 : memref<128x64xf32, #tpu.memory_space<vmem>>) dst(%dma_wait3A_83 : memref<10240x64xf32, #tpu.memory_space<vmem_shared>>)
    } else {
    }
    %barrier3A_25 = arith.constant 0 : index
    tpu.barrier barrier_id(%barrier3A_25)
    %eq3A_26 = arith.constant 0 : i32
    %eq3A_27 = arith.cmpi eq, %arg0, %eq3A_26 : i32
    %convert_element_type3A_28 = arith.extui %eq3A_27 : i1 to i32
    %cond3A_29 = arith.constant 0 : i32
    %cond3A_30 = arith.cmpi ne, %convert_element_type3A_28, %cond3A_29 : i32
    scf.if %cond3A_30 {
      "tpu.region"() ({
        %run_scoped3A = tpu.sem_alloc : memref<!tpu.dma_semaphore, #tpu.memory_space<semaphore_mem>>
        %dma_start3A = arith.constant 0 : i32
        %dma_start3A_36 = tpu.memref_slice %arg8[%mul3A_0, %dma_start3A] : memref<10240x64xf32, #tpu.memory_space<hbm>> -> memref<640x64xf32, #tpu.memory_space<hbm>>
        %dma_start3A_37 = arith.constant 0 : i32
        %dma_start3A_38 = tpu.memref_slice %arg17[%mul3A_0, %dma_start3A_37] : memref<10240x64xf32, #tpu.memory_space<vmem_shared>> -> memref<640x64xf32, #tpu.memory_space<vmem_shared>>
        tpu.enqueue_dma source(%dma_start3A_38 : memref<640x64xf32, #tpu.memory_space<vmem_shared>>) target(%dma_start3A_36 : memref<640x64xf32, #tpu.memory_space<hbm>>) target_semaphore(%run_scoped3A : memref<!tpu.dma_semaphore, #tpu.memory_space<semaphore_mem>>)
        %dma_wait3A = arith.constant 0 : i32
        %dma_wait3A_39 = tpu.memref_slice %arg8[%mul3A_0, %dma_wait3A] : memref<10240x64xf32, #tpu.memory_space<hbm>> -> memref<640x64xf32, #tpu.memory_space<hbm>>
        %dma_wait3A_40 = arith.constant 0 : i32
        %dma_wait3A_41 = tpu.memref_slice %arg17[%mul3A_0, %dma_wait3A_40] : memref<10240x64xf32, #tpu.memory_space<vmem_shared>> -> memref<640x64xf32, #tpu.memory_space<vmem_shared>>
        tpu.wait_dma2 semaphore(%run_scoped3A : memref<!tpu.dma_semaphore, #tpu.memory_space<semaphore_mem>>) src(%dma_wait3A_41 : memref<640x64xf32, #tpu.memory_space<vmem_shared>>) dst(%dma_wait3A_39 : memref<640x64xf32, #tpu.memory_space<hbm>>)
        tpu.yield
      }) : () -> ()
    } else {
    }
    %eq3A_31 = arith.constant 1 : i32
    %eq3A_32 = arith.cmpi eq, %arg0, %eq3A_31 : i32
    %convert_element_type3A_33 = arith.extui %eq3A_32 : i1 to i32
    %cond3A_34 = arith.constant 0 : i32
    %cond3A_35 = arith.cmpi ne, %convert_element_type3A_33, %cond3A_34 : i32
    scf.if %cond3A_35 {
      "tpu.region"() ({
        %run_scoped3A = tpu.sem_alloc : memref<!tpu.dma_semaphore, #tpu.memory_space<semaphore_mem>>
        %dma_start3A = arith.constant 0 : i32
        %dma_start3A_36 = tpu.memref_slice %arg9[%mul3A_0, %dma_start3A] : memref<10240x64xf32, #tpu.memory_space<hbm>> -> memref<640x64xf32, #tpu.memory_space<hbm>>
        %dma_start3A_37 = arith.constant 0 : i32
        %dma_start3A_38 = tpu.memref_slice %arg17[%mul3A_0, %dma_start3A_37] : memref<10240x64xf32, #tpu.memory_space<vmem_shared>> -> memref<640x64xf32, #tpu.memory_space<vmem_shared>>
        tpu.enqueue_dma source(%dma_start3A_38 : memref<640x64xf32, #tpu.memory_space<vmem_shared>>) target(%dma_start3A_36 : memref<640x64xf32, #tpu.memory_space<hbm>>) target_semaphore(%run_scoped3A : memref<!tpu.dma_semaphore, #tpu.memory_space<semaphore_mem>>)
        %dma_wait3A = arith.constant 0 : i32
        %dma_wait3A_39 = tpu.memref_slice %arg9[%mul3A_0, %dma_wait3A] : memref<10240x64xf32, #tpu.memory_space<hbm>> -> memref<640x64xf32, #tpu.memory_space<hbm>>
        %dma_wait3A_40 = arith.constant 0 : i32
        %dma_wait3A_41 = tpu.memref_slice %arg17[%mul3A_0, %dma_wait3A_40] : memref<10240x64xf32, #tpu.memory_space<vmem_shared>> -> memref<640x64xf32, #tpu.memory_space<vmem_shared>>
        tpu.wait_dma2 semaphore(%run_scoped3A : memref<!tpu.dma_semaphore, #tpu.memory_space<semaphore_mem>>) src(%dma_wait3A_41 : memref<640x64xf32, #tpu.memory_space<vmem_shared>>) dst(%dma_wait3A_39 : memref<640x64xf32, #tpu.memory_space<hbm>>)
        tpu.yield
      }) : () -> ()
    } else {
    }
    return
  }
}

#map = affine_map<(d0, d1) -> (0, 0)>
module attributes {stable_mosaic.version = 14 : i64} {
  func.func @agg_k(%arg0: i32, %arg1: i32, %arg2: memref<10240x128xf32, #tpu.memory_space<hbm>>, %arg3: memref<10240x128xf32, #tpu.memory_space<hbm>>, %arg4: memref<1280x128xi32, #tpu.memory_space<hbm>>, %arg5: memref<1280x128xi32, #tpu.memory_space<hbm>>, %arg6: memref<1280x128xi32, #tpu.memory_space<hbm>>, %arg7: memref<1280x128xi32, #tpu.memory_space<hbm>>, %arg8: memref<10240x128xf32, #tpu.memory_space<hbm>>, %arg9: memref<10240x128xf32, #tpu.memory_space<hbm>>, %arg10: memref<40x128xi32, #tpu.memory_space<vmem>>, %arg11: memref<40x128xi32, #tpu.memory_space<vmem>>, %arg12: memref<128x128xf32, #tpu.memory_space<vmem>>, %arg13: memref<128x128xf32, #tpu.memory_space<vmem>>, %arg14: memref<32x128xf32, #tpu.memory_space<vmem>>, %arg15: memref<10240x128xf32, #tpu.memory_space<vmem_shared>>, %arg16: memref<!tpu.dma_semaphore, #tpu.memory_space<semaphore_mem>>, %arg17: memref<!tpu.dma_semaphore, #tpu.memory_space<semaphore_mem>>) attributes {dimension_semantics = [#tpu.dimension_semantics<core_parallel>, #tpu.dimension_semantics<subcore_parallel>], iteration_bounds = array<i64: 2, 16>, scalar_prefetch = 0 : i64, scratch_operands = 8 : i64, tpu.core_type = #tpu.core_type<sc_vector_subcore>, window_params = [{transform_indices = #map}, {transform_indices = #map}, {transform_indices = #map}, {transform_indices = #map}, {transform_indices = #map}, {transform_indices = #map}, {transform_indices = #map}, {transform_indices = #map}]} {
    %mul3A = arith.constant 640 : i32
    %mul3A_0 = arith.muli %arg1, %mul3A : i32
    %scan3A = arith.constant 0 : i32
    %scan3A_1 = arith.constant 0 : i32
    %scan3A_2 = arith.constant 32 : i32
    %scan3A_3 = arith.addi %scan3A_1, %scan3A_2 : i32
    %scan3A_4 = arith.constant 1 : i32
    scf.for %scan3A_36 = %scan3A_1 to %scan3A_3 step %scan3A_4  : i32 {
      %broadcast_in_dim3A = arith.constant 0.000000e+00 : f32
      %broadcast_in_dim3A_37 = vector.broadcast %broadcast_in_dim3A : f32 to vector<16xf32>
      %swap3A = arith.index_cast %scan3A_36 : i32 to index
      %swap3A_38 = arith.constant 0 : index
      %swap3A_39 = tpu.vector_load %arg14[%swap3A, %swap3A_38] {strides = array<i32>} : memref<32x128xf32, #tpu.memory_space<vmem>>, vector<1x16xf32>,
      %swap3A_40 = vector.shape_cast %swap3A_39 : vector<1x16xf32> to vector<16xf32>
      %swap3A_41 = vector.shape_cast %broadcast_in_dim3A_37 : vector<16xf32> to vector<1x16xf32>
      tpu.vector_store %arg14[%swap3A, %swap3A_38], %swap3A_41 {strides = array<i32>} : memref<32x128xf32, #tpu.memory_space<vmem>>, vector<1x16xf32>,
      %broadcast_in_dim3A_42 = arith.constant 0.000000e+00 : f32
      %broadcast_in_dim3A_43 = vector.broadcast %broadcast_in_dim3A_42 : f32 to vector<16xf32>
      %swap3A_44 = arith.index_cast %scan3A_36 : i32 to index
      %swap3A_45 = arith.constant 16 : index
      %swap3A_46 = tpu.vector_load %arg14[%swap3A_44, %swap3A_45] {strides = array<i32>} : memref<32x128xf32, #tpu.memory_space<vmem>>, vector<1x16xf32>,
      %swap3A_47 = vector.shape_cast %swap3A_46 : vector<1x16xf32> to vector<16xf32>
      %swap3A_48 = vector.shape_cast %broadcast_in_dim3A_43 : vector<16xf32> to vector<1x16xf32>
      tpu.vector_store %arg14[%swap3A_44, %swap3A_45], %swap3A_48 {strides = array<i32>} : memref<32x128xf32, #tpu.memory_space<vmem>>, vector<1x16xf32>,
      %broadcast_in_dim3A_49 = arith.constant 0.000000e+00 : f32
      %broadcast_in_dim3A_50 = vector.broadcast %broadcast_in_dim3A_49 : f32 to vector<16xf32>
      %swap3A_51 = arith.index_cast %scan3A_36 : i32 to index
      %swap3A_52 = arith.constant 32 : index
      %swap3A_53 = tpu.vector_load %arg14[%swap3A_51, %swap3A_52] {strides = array<i32>} : memref<32x128xf32, #tpu.memory_space<vmem>>, vector<1x16xf32>,
      %swap3A_54 = vector.shape_cast %swap3A_53 : vector<1x16xf32> to vector<16xf32>
      %swap3A_55 = vector.shape_cast %broadcast_in_dim3A_50 : vector<16xf32> to vector<1x16xf32>
      tpu.vector_store %arg14[%swap3A_51, %swap3A_52], %swap3A_55 {strides = array<i32>} : memref<32x128xf32, #tpu.memory_space<vmem>>, vector<1x16xf32>,
      %broadcast_in_dim3A_56 = arith.constant 0.000000e+00 : f32
      %broadcast_in_dim3A_57 = vector.broadcast %broadcast_in_dim3A_56 : f32 to vector<16xf32>
      %swap3A_58 = arith.index_cast %scan3A_36 : i32 to index
      %swap3A_59 = arith.constant 48 : index
      %swap3A_60 = tpu.vector_load %arg14[%swap3A_58, %swap3A_59] {strides = array<i32>} : memref<32x128xf32, #tpu.memory_space<vmem>>, vector<1x16xf32>,
      %swap3A_61 = vector.shape_cast %swap3A_60 : vector<1x16xf32> to vector<16xf32>
      %swap3A_62 = vector.shape_cast %broadcast_in_dim3A_57 : vector<16xf32> to vector<1x16xf32>
      tpu.vector_store %arg14[%swap3A_58, %swap3A_59], %swap3A_62 {strides = array<i32>} : memref<32x128xf32, #tpu.memory_space<vmem>>, vector<1x16xf32>,
      %broadcast_in_dim3A_63 = arith.constant 0.000000e+00 : f32
      %broadcast_in_dim3A_64 = vector.broadcast %broadcast_in_dim3A_63 : f32 to vector<16xf32>
      %swap3A_65 = arith.index_cast %scan3A_36 : i32 to index
      %swap3A_66 = arith.constant 64 : index
      %swap3A_67 = tpu.vector_load %arg14[%swap3A_65, %swap3A_66] {strides = array<i32>} : memref<32x128xf32, #tpu.memory_space<vmem>>, vector<1x16xf32>,
      %swap3A_68 = vector.shape_cast %swap3A_67 : vector<1x16xf32> to vector<16xf32>
      %swap3A_69 = vector.shape_cast %broadcast_in_dim3A_64 : vector<16xf32> to vector<1x16xf32>
      tpu.vector_store %arg14[%swap3A_65, %swap3A_66], %swap3A_69 {strides = array<i32>} : memref<32x128xf32, #tpu.memory_space<vmem>>, vector<1x16xf32>,
      %broadcast_in_dim3A_70 = arith.constant 0.000000e+00 : f32
      %broadcast_in_dim3A_71 = vector.broadcast %broadcast_in_dim3A_70 : f32 to vector<16xf32>
      %swap3A_72 = arith.index_cast %scan3A_36 : i32 to index
      %swap3A_73 = arith.constant 80 : index
      %swap3A_74 = tpu.vector_load %arg14[%swap3A_72, %swap3A_73] {strides = array<i32>} : memref<32x128xf32, #tpu.memory_space<vmem>>, vector<1x16xf32>,
      %swap3A_75 = vector.shape_cast %swap3A_74 : vector<1x16xf32> to vector<16xf32>
      %swap3A_76 = vector.shape_cast %broadcast_in_dim3A_71 : vector<16xf32> to vector<1x16xf32>
      tpu.vector_store %arg14[%swap3A_72, %swap3A_73], %swap3A_76 {strides = array<i32>} : memref<32x128xf32, #tpu.memory_space<vmem>>, vector<1x16xf32>,
      %broadcast_in_dim3A_77 = arith.constant 0.000000e+00 : f32
      %broadcast_in_dim3A_78 = vector.broadcast %broadcast_in_dim3A_77 : f32 to vector<16xf32>
      %swap3A_79 = arith.index_cast %scan3A_36 : i32 to index
      %swap3A_80 = arith.constant 96 : index
      %swap3A_81 = tpu.vector_load %arg14[%swap3A_79, %swap3A_80] {strides = array<i32>} : memref<32x128xf32, #tpu.memory_space<vmem>>, vector<1x16xf32>,
      %swap3A_82 = vector.shape_cast %swap3A_81 : vector<1x16xf32> to vector<16xf32>
      %swap3A_83 = vector.shape_cast %broadcast_in_dim3A_78 : vector<16xf32> to vector<1x16xf32>
      tpu.vector_store %arg14[%swap3A_79, %swap3A_80], %swap3A_83 {strides = array<i32>} : memref<32x128xf32, #tpu.memory_space<vmem>>, vector<1x16xf32>,
      %broadcast_in_dim3A_84 = arith.constant 0.000000e+00 : f32
      %broadcast_in_dim3A_85 = vector.broadcast %broadcast_in_dim3A_84 : f32 to vector<16xf32>
      %swap3A_86 = arith.index_cast %scan3A_36 : i32 to index
      %swap3A_87 = arith.constant 112 : index
      %swap3A_88 = tpu.vector_load %arg14[%swap3A_86, %swap3A_87] {strides = array<i32>} : memref<32x128xf32, #tpu.memory_space<vmem>>, vector<1x16xf32>,
      %swap3A_89 = vector.shape_cast %swap3A_88 : vector<1x16xf32> to vector<16xf32>
      %swap3A_90 = vector.shape_cast %broadcast_in_dim3A_85 : vector<16xf32> to vector<1x16xf32>
      tpu.vector_store %arg14[%swap3A_86, %swap3A_87], %swap3A_90 {strides = array<i32>} : memref<32x128xf32, #tpu.memory_space<vmem>>, vector<1x16xf32>,
    }
    %scan3A_5 = arith.constant 32 : i32
    %scan3A_6 = arith.constant 0 : i32
    %scan3A_7 = arith.constant 0 : i32
    %scan3A_8 = arith.constant 20 : i32
    %scan3A_9 = arith.addi %scan3A_7, %scan3A_8 : i32
    %scan3A_10 = arith.constant 1 : i32
    scf.for %scan3A_36 = %scan3A_7 to %scan3A_9 step %scan3A_10  : i32 {
      %mul3A_37 = arith.constant 640 : i32
      %mul3A_38 = arith.muli %arg1, %mul3A_37 : i32
      %mul3A_39 = arith.constant 32 : i32
      %mul3A_40 = arith.muli %scan3A_36, %mul3A_39 : i32
      %add3A = arith.addi %mul3A_38, %mul3A_40 : i32
      %dma_start3A = arith.constant 0 : i32
      %dma_start3A_41 = tpu.memref_slice %arg15[%add3A, %dma_start3A] : memref<10240x128xf32, #tpu.memory_space<vmem_shared>> -> memref<32x128xf32, #tpu.memory_space<vmem_shared>>
      %dma_start3A_42 = arith.constant 0 : i32
      %dma_start3A_43 = tpu.memref_slice %arg15[%add3A, %dma_start3A_42] : memref<10240x128xf32, #tpu.memory_space<vmem_shared>> -> memref<32x128xf32, #tpu.memory_space<vmem_shared>>
      tpu.enqueue_dma source(%arg14 : memref<32x128xf32, #tpu.memory_space<vmem>>) target(%dma_start3A_43 : memref<32x128xf32, #tpu.memory_space<vmem_shared>>) target_semaphore(%arg16 : memref<!tpu.dma_semaphore, #tpu.memory_space<semaphore_mem>>)
    }
    %scan3A_11 = arith.constant 20 : i32
    %scan3A_12 = arith.constant 0 : i32
    %scan3A_13 = arith.constant 0 : i32
    %scan3A_14 = arith.constant 20 : i32
    %scan3A_15 = arith.addi %scan3A_13, %scan3A_14 : i32
    %scan3A_16 = arith.constant 1 : i32
    scf.for %scan3A_36 = %scan3A_13 to %scan3A_15 step %scan3A_16  : i32 {
      %mul3A_37 = arith.constant 640 : i32
      %mul3A_38 = arith.muli %arg1, %mul3A_37 : i32
      %mul3A_39 = arith.constant 32 : i32
      %mul3A_40 = arith.muli %scan3A_36, %mul3A_39 : i32
      %add3A = arith.addi %mul3A_38, %mul3A_40 : i32
      %dma_wait3A = arith.constant 0 : i32
      %dma_wait3A_41 = tpu.memref_slice %arg15[%add3A, %dma_wait3A] : memref<10240x128xf32, #tpu.memory_space<vmem_shared>> -> memref<32x128xf32, #tpu.memory_space<vmem_shared>>
      %dma_wait3A_42 = arith.constant 0 : i32
      %dma_wait3A_43 = tpu.memref_slice %arg15[%add3A, %dma_wait3A_42] : memref<10240x128xf32, #tpu.memory_space<vmem_shared>> -> memref<32x128xf32, #tpu.memory_space<vmem_shared>>
      tpu.wait_dma2 semaphore(%arg16 : memref<!tpu.dma_semaphore, #tpu.memory_space<semaphore_mem>>) src(%arg14 : memref<32x128xf32, #tpu.memory_space<vmem>>) dst(%dma_wait3A_43 : memref<32x128xf32, #tpu.memory_space<vmem_shared>>)
    }
    %scan3A_17 = arith.constant 20 : i32
    %barrier3A = arith.constant 0 : index
    tpu.barrier barrier_id(%barrier3A)
    %eq3A = arith.constant 0 : i32
    %eq3A_18 = arith.cmpi eq, %arg0, %eq3A : i32
    %convert_element_type3A = arith.extui %eq3A_18 : i1 to i32
    %cond3A = arith.constant 0 : i32
    %cond3A_19 = arith.cmpi ne, %convert_element_type3A, %cond3A : i32
    scf.if %cond3A_19 {
      %mul3A_36 = arith.constant 80 : i32
      %mul3A_37 = arith.muli %arg1, %mul3A_36 : i32
      %add3A = arith.constant 0 : i32
      %add3A_38 = arith.addi %mul3A_37, %add3A : i32
      "tpu.region"() ({
        %run_scoped3A = tpu.sem_alloc : memref<!tpu.dma_semaphore, #tpu.memory_space<semaphore_mem>>
        %dma_start3A_68 = arith.constant 0 : i32
        %dma_start3A_69 = tpu.memref_slice %arg4[%add3A_38, %dma_start3A_68] : memref<1280x128xi32, #tpu.memory_space<hbm>> -> memref<40x128xi32, #tpu.memory_space<hbm>>
        %dma_start3A_70 = arith.constant 0 : i32
        %dma_start3A_71 = tpu.memref_slice %arg4[%add3A_38, %dma_start3A_70] : memref<1280x128xi32, #tpu.memory_space<hbm>> -> memref<40x128xi32, #tpu.memory_space<hbm>>
        tpu.enqueue_dma source(%dma_start3A_71 : memref<40x128xi32, #tpu.memory_space<hbm>>) target(%arg10 : memref<40x128xi32, #tpu.memory_space<vmem>>) target_semaphore(%run_scoped3A : memref<!tpu.dma_semaphore, #tpu.memory_space<semaphore_mem>>)
        %dma_wait3A = arith.constant 0 : i32
        %dma_wait3A_72 = tpu.memref_slice %arg4[%add3A_38, %dma_wait3A] : memref<1280x128xi32, #tpu.memory_space<hbm>> -> memref<40x128xi32, #tpu.memory_space<hbm>>
        %dma_wait3A_73 = arith.constant 0 : i32
        %dma_wait3A_74 = tpu.memref_slice %arg4[%add3A_38, %dma_wait3A_73] : memref<1280x128xi32, #tpu.memory_space<hbm>> -> memref<40x128xi32, #tpu.memory_space<hbm>>
        tpu.wait_dma2 semaphore(%run_scoped3A : memref<!tpu.dma_semaphore, #tpu.memory_space<semaphore_mem>>) src(%dma_wait3A_74 : memref<40x128xi32, #tpu.memory_space<hbm>>) dst(%arg10 : memref<40x128xi32, #tpu.memory_space<vmem>>)
        tpu.yield
      }) : () -> ()
      "tpu.region"() ({
        %run_scoped3A = tpu.sem_alloc : memref<!tpu.dma_semaphore, #tpu.memory_space<semaphore_mem>>
        %dma_start3A_68 = arith.constant 0 : i32
        %dma_start3A_69 = tpu.memref_slice %arg5[%add3A_38, %dma_start3A_68] : memref<1280x128xi32, #tpu.memory_space<hbm>> -> memref<40x128xi32, #tpu.memory_space<hbm>>
        %dma_start3A_70 = arith.constant 0 : i32
        %dma_start3A_71 = tpu.memref_slice %arg5[%add3A_38, %dma_start3A_70] : memref<1280x128xi32, #tpu.memory_space<hbm>> -> memref<40x128xi32, #tpu.memory_space<hbm>>
        tpu.enqueue_dma source(%dma_start3A_71 : memref<40x128xi32, #tpu.memory_space<hbm>>) target(%arg11 : memref<40x128xi32, #tpu.memory_space<vmem>>) target_semaphore(%run_scoped3A : memref<!tpu.dma_semaphore, #tpu.memory_space<semaphore_mem>>)
        %dma_wait3A = arith.constant 0 : i32
        %dma_wait3A_72 = tpu.memref_slice %arg5[%add3A_38, %dma_wait3A] : memref<1280x128xi32, #tpu.memory_space<hbm>> -> memref<40x128xi32, #tpu.memory_space<hbm>>
        %dma_wait3A_73 = arith.constant 0 : i32
        %dma_wait3A_74 = tpu.memref_slice %arg5[%add3A_38, %dma_wait3A_73] : memref<1280x128xi32, #tpu.memory_space<hbm>> -> memref<40x128xi32, #tpu.memory_space<hbm>>
        tpu.wait_dma2 semaphore(%run_scoped3A : memref<!tpu.dma_semaphore, #tpu.memory_space<semaphore_mem>>) src(%dma_wait3A_74 : memref<40x128xi32, #tpu.memory_space<hbm>>) dst(%arg11 : memref<40x128xi32, #tpu.memory_space<vmem>>)
        tpu.yield
      }) : () -> ()
      %dma_start3A = arith.constant 0 : i32
      %dma_start3A_39 = arith.constant 0 : i32
      %dma_start3A_40 = tpu.memref_slice %arg10[%dma_start3A, %dma_start3A_39] : memref<40x128xi32, #tpu.memory_space<vmem>> -> memref<1x128xi32, #tpu.memory_space<vmem>>
      %dma_start3A_41 = tpu.memref_squeeze %dma_start3A_40 : memref<1x128xi32, #tpu.memory_space<vmem>> -> memref<128xi32, #tpu.memory_space<vmem>>
      %dma_start3A_42 = arith.constant 0 : i32
      %dma_start3A_43 = arith.constant 0 : i32
      %dma_start3A_44 = tpu.memref_slice %arg2[%dma_start3A_42, %dma_start3A_43] : memref<10240x128xf32, #tpu.memory_space<hbm>> -> memref<10240x128xf32, #tpu.memory_space<hbm>>
      tpu.enqueue_indirect_dma source(%dma_start3A_44 : memref<10240x128xf32, #tpu.memory_space<hbm>>) target(%arg12 : memref<128x128xf32, #tpu.memory_space<vmem>>) offsets(%dma_start3A_41 : memref<128xi32, #tpu.memory_space<vmem>>) semaphore(%arg16 : memref<!tpu.dma_semaphore, #tpu.memory_space<semaphore_mem>>)
      %scan3A_45 = arith.constant 0 : i32
      %scan3A_46 = arith.constant 0 : i32
      %scan3A_47 = arith.constant 20 : i32
      %scan3A_48 = arith.addi %scan3A_46, %scan3A_47 : i32
      %scan3A_49 = arith.constant 1 : i32
      scf.for %scan3A_68 = %scan3A_46 to %scan3A_48 step %scan3A_49  : i32 {
        %mul3A_69 = arith.constant 2 : i32
        %mul3A_70 = arith.muli %mul3A_69, %scan3A_68 : i32
        %add3A_71 = arith.constant 1 : i32
        %add3A_72 = arith.addi %mul3A_70, %add3A_71 : i32
        %dma_start3A_73 = arith.constant 0 : i32
        %dma_start3A_74 = tpu.memref_slice %arg10[%add3A_72, %dma_start3A_73] : memref<40x128xi32, #tpu.memory_space<vmem>> -> memref<1x128xi32, #tpu.memory_space<vmem>>
        %dma_start3A_75 = tpu.memref_squeeze %dma_start3A_74 : memref<1x128xi32, #tpu.memory_space<vmem>> -> memref<128xi32, #tpu.memory_space<vmem>>
        %dma_start3A_76 = arith.constant 0 : i32
        %dma_start3A_77 = arith.constant 0 : i32
        %dma_start3A_78 = tpu.memref_slice %arg2[%dma_start3A_76, %dma_start3A_77] : memref<10240x128xf32, #tpu.memory_space<hbm>> -> memref<10240x128xf32, #tpu.memory_space<hbm>>
        tpu.enqueue_indirect_dma source(%dma_start3A_78 : memref<10240x128xf32, #tpu.memory_space<hbm>>) target(%arg13 : memref<128x128xf32, #tpu.memory_space<vmem>>) offsets(%dma_start3A_75 : memref<128xi32, #tpu.memory_space<vmem>>) semaphore(%arg17 : memref<!tpu.dma_semaphore, #tpu.memory_space<semaphore_mem>>)
        %dma_wait3A = arith.constant 0 : i32
        %dma_wait3A_79 = tpu.memref_slice %arg10[%mul3A_70, %dma_wait3A] : memref<40x128xi32, #tpu.memory_space<vmem>> -> memref<1x128xi32, #tpu.memory_space<vmem>>
        %dma_wait3A_80 = tpu.memref_squeeze %dma_wait3A_79 : memref<1x128xi32, #tpu.memory_space<vmem>> -> memref<128xi32, #tpu.memory_space<vmem>>
        %dma_wait3A_81 = arith.constant 0 : i32
        %dma_wait3A_82 = arith.constant 0 : i32
        %dma_wait3A_83 = tpu.memref_slice %arg2[%dma_wait3A_81, %dma_wait3A_82] : memref<10240x128xf32, #tpu.memory_space<hbm>> -> memref<10240x128xf32, #tpu.memory_space<hbm>>
        tpu.wait_indirect_dma semaphore(%arg16 : memref<!tpu.dma_semaphore, #tpu.memory_space<semaphore_mem>>) src(%dma_wait3A_83 : memref<10240x128xf32, #tpu.memory_space<hbm>>) dst(%arg12 : memref<128x128xf32, #tpu.memory_space<vmem>>)
        "tpu.region"() ({
          %run_scoped3A = tpu.sem_alloc : memref<!tpu.dma_semaphore, #tpu.memory_space<semaphore_mem>>
          %dma_start3A_100 = arith.constant 0 : i32
          %dma_start3A_101 = tpu.memref_slice %arg11[%mul3A_70, %dma_start3A_100] : memref<40x128xi32, #tpu.memory_space<vmem>> -> memref<1x128xi32, #tpu.memory_space<vmem>>
          %dma_start3A_102 = tpu.memref_squeeze %dma_start3A_101 : memref<1x128xi32, #tpu.memory_space<vmem>> -> memref<128xi32, #tpu.memory_space<vmem>>
          %dma_start3A_103 = arith.constant 0 : i32
          %dma_start3A_104 = arith.constant 0 : i32
          %dma_start3A_105 = tpu.memref_slice %arg15[%dma_start3A_103, %dma_start3A_104] : memref<10240x128xf32, #tpu.memory_space<vmem_shared>> -> memref<10240x128xf32, #tpu.memory_space<vmem_shared>>
          tpu.enqueue_indirect_dma source(%arg12 : memref<128x128xf32, #tpu.memory_space<vmem>>) target(%dma_start3A_105 : memref<10240x128xf32, #tpu.memory_space<vmem_shared>>) offsets(%dma_start3A_102 : memref<128xi32, #tpu.memory_space<vmem>>) semaphore(%run_scoped3A : memref<!tpu.dma_semaphore, #tpu.memory_space<semaphore_mem>>) {add = true}
          %dma_wait3A_106 = arith.constant 0 : i32
          %dma_wait3A_107 = tpu.memref_slice %arg11[%mul3A_70, %dma_wait3A_106] : memref<40x128xi32, #tpu.memory_space<vmem>> -> memref<1x128xi32, #tpu.memory_space<vmem>>
          %dma_wait3A_108 = tpu.memref_squeeze %dma_wait3A_107 : memref<1x128xi32, #tpu.memory_space<vmem>> -> memref<128xi32, #tpu.memory_space<vmem>>
          %dma_wait3A_109 = arith.constant 0 : i32
          %dma_wait3A_110 = arith.constant 0 : i32
          %dma_wait3A_111 = tpu.memref_slice %arg15[%dma_wait3A_109, %dma_wait3A_110] : memref<10240x128xf32, #tpu.memory_space<vmem_shared>> -> memref<10240x128xf32, #tpu.memory_space<vmem_shared>>
          tpu.wait_indirect_dma semaphore(%run_scoped3A : memref<!tpu.dma_semaphore, #tpu.memory_space<semaphore_mem>>) src(%arg12 : memref<128x128xf32, #tpu.memory_space<vmem>>) dst(%dma_wait3A_111 : memref<10240x128xf32, #tpu.memory_space<vmem_shared>>)
          tpu.yield
        }) : () -> ()
        %add3A_84 = arith.constant 2 : i32
        %add3A_85 = arith.addi %mul3A_70, %add3A_84 : i32
        %lt3A = arith.constant 40 : i32
        %lt3A_86 = arith.cmpi slt, %add3A_85, %lt3A : i32
        %convert_element_type3A_87 = arith.extui %lt3A_86 : i1 to i32
        %cond3A_88 = arith.constant 0 : i32
        %cond3A_89 = arith.cmpi ne, %convert_element_type3A_87, %cond3A_88 : i32
        scf.if %cond3A_89 {
          %add3A_100 = arith.constant 2 : i32
          %add3A_101 = arith.addi %mul3A_70, %add3A_100 : i32
          %dma_start3A_102 = arith.constant 0 : i32
          %dma_start3A_103 = tpu.memref_slice %arg10[%add3A_101, %dma_start3A_102] : memref<40x128xi32, #tpu.memory_space<vmem>> -> memref<1x128xi32, #tpu.memory_space<vmem>>
          %dma_start3A_104 = tpu.memref_squeeze %dma_start3A_103 : memref<1x128xi32, #tpu.memory_space<vmem>> -> memref<128xi32, #tpu.memory_space<vmem>>
          %dma_start3A_105 = arith.constant 0 : i32
          %dma_start3A_106 = arith.constant 0 : i32
          %dma_start3A_107 = tpu.memref_slice %arg2[%dma_start3A_105, %dma_start3A_106] : memref<10240x128xf32, #tpu.memory_space<hbm>> -> memref<10240x128xf32, #tpu.memory_space<hbm>>
          tpu.enqueue_indirect_dma source(%dma_start3A_107 : memref<10240x128xf32, #tpu.memory_space<hbm>>) target(%arg12 : memref<128x128xf32, #tpu.memory_space<vmem>>) offsets(%dma_start3A_104 : memref<128xi32, #tpu.memory_space<vmem>>) semaphore(%arg16 : memref<!tpu.dma_semaphore, #tpu.memory_space<semaphore_mem>>)
        } else {
        }
        %add3A_90 = arith.constant 1 : i32
        %add3A_91 = arith.addi %mul3A_70, %add3A_90 : i32
        %dma_wait3A_92 = arith.constant 0 : i32
        %dma_wait3A_93 = tpu.memref_slice %arg10[%add3A_91, %dma_wait3A_92] : memref<40x128xi32, #tpu.memory_space<vmem>> -> memref<1x128xi32, #tpu.memory_space<vmem>>
        %dma_wait3A_94 = tpu.memref_squeeze %dma_wait3A_93 : memref<1x128xi32, #tpu.memory_space<vmem>> -> memref<128xi32, #tpu.memory_space<vmem>>
        %dma_wait3A_95 = arith.constant 0 : i32
        %dma_wait3A_96 = arith.constant 0 : i32
        %dma_wait3A_97 = tpu.memref_slice %arg2[%dma_wait3A_95, %dma_wait3A_96] : memref<10240x128xf32, #tpu.memory_space<hbm>> -> memref<10240x128xf32, #tpu.memory_space<hbm>>
        tpu.wait_indirect_dma semaphore(%arg17 : memref<!tpu.dma_semaphore, #tpu.memory_space<semaphore_mem>>) src(%dma_wait3A_97 : memref<10240x128xf32, #tpu.memory_space<hbm>>) dst(%arg13 : memref<128x128xf32, #tpu.memory_space<vmem>>)
        %add3A_98 = arith.constant 1 : i32
        %add3A_99 = arith.addi %mul3A_70, %add3A_98 : i32
        "tpu.region"() ({
          %run_scoped3A = tpu.sem_alloc : memref<!tpu.dma_semaphore, #tpu.memory_space<semaphore_mem>>
          %dma_start3A_100 = arith.constant 0 : i32
          %dma_start3A_101 = tpu.memref_slice %arg11[%add3A_99, %dma_start3A_100] : memref<40x128xi32, #tpu.memory_space<vmem>> -> memref<1x128xi32, #tpu.memory_space<vmem>>
          %dma_start3A_102 = tpu.memref_squeeze %dma_start3A_101 : memref<1x128xi32, #tpu.memory_space<vmem>> -> memref<128xi32, #tpu.memory_space<vmem>>
          %dma_start3A_103 = arith.constant 0 : i32
          %dma_start3A_104 = arith.constant 0 : i32
          %dma_start3A_105 = tpu.memref_slice %arg15[%dma_start3A_103, %dma_start3A_104] : memref<10240x128xf32, #tpu.memory_space<vmem_shared>> -> memref<10240x128xf32, #tpu.memory_space<vmem_shared>>
          tpu.enqueue_indirect_dma source(%arg13 : memref<128x128xf32, #tpu.memory_space<vmem>>) target(%dma_start3A_105 : memref<10240x128xf32, #tpu.memory_space<vmem_shared>>) offsets(%dma_start3A_102 : memref<128xi32, #tpu.memory_space<vmem>>) semaphore(%run_scoped3A : memref<!tpu.dma_semaphore, #tpu.memory_space<semaphore_mem>>) {add = true}
          %dma_wait3A_106 = arith.constant 0 : i32
          %dma_wait3A_107 = tpu.memref_slice %arg11[%add3A_99, %dma_wait3A_106] : memref<40x128xi32, #tpu.memory_space<vmem>> -> memref<1x128xi32, #tpu.memory_space<vmem>>
          %dma_wait3A_108 = tpu.memref_squeeze %dma_wait3A_107 : memref<1x128xi32, #tpu.memory_space<vmem>> -> memref<128xi32, #tpu.memory_space<vmem>>
          %dma_wait3A_109 = arith.constant 0 : i32
          %dma_wait3A_110 = arith.constant 0 : i32
          %dma_wait3A_111 = tpu.memref_slice %arg15[%dma_wait3A_109, %dma_wait3A_110] : memref<10240x128xf32, #tpu.memory_space<vmem_shared>> -> memref<10240x128xf32, #tpu.memory_space<vmem_shared>>
          tpu.wait_indirect_dma semaphore(%run_scoped3A : memref<!tpu.dma_semaphore, #tpu.memory_space<semaphore_mem>>) src(%arg13 : memref<128x128xf32, #tpu.memory_space<vmem>>) dst(%dma_wait3A_111 : memref<10240x128xf32, #tpu.memory_space<vmem_shared>>)
          tpu.yield
        }) : () -> ()
      }
      %scan3A_50 = arith.constant 20 : i32
      %mul3A_51 = arith.constant 80 : i32
      %mul3A_52 = arith.muli %arg1, %mul3A_51 : i32
      %add3A_53 = arith.constant 40 : i32
      %add3A_54 = arith.addi %mul3A_52, %add3A_53 : i32
      "tpu.region"() ({
        %run_scoped3A = tpu.sem_alloc : memref<!tpu.dma_semaphore, #tpu.memory_space<semaphore_mem>>
        %dma_start3A_68 = arith.constant 0 : i32
        %dma_start3A_69 = tpu.memref_slice %arg4[%add3A_54, %dma_start3A_68] : memref<1280x128xi32, #tpu.memory_space<hbm>> -> memref<40x128xi32, #tpu.memory_space<hbm>>
        %dma_start3A_70 = arith.constant 0 : i32
        %dma_start3A_71 = tpu.memref_slice %arg4[%add3A_54, %dma_start3A_70] : memref<1280x128xi32, #tpu.memory_space<hbm>> -> memref<40x128xi32, #tpu.memory_space<hbm>>
        tpu.enqueue_dma source(%dma_start3A_71 : memref<40x128xi32, #tpu.memory_space<hbm>>) target(%arg10 : memref<40x128xi32, #tpu.memory_space<vmem>>) target_semaphore(%run_scoped3A : memref<!tpu.dma_semaphore, #tpu.memory_space<semaphore_mem>>)
        %dma_wait3A = arith.constant 0 : i32
        %dma_wait3A_72 = tpu.memref_slice %arg4[%add3A_54, %dma_wait3A] : memref<1280x128xi32, #tpu.memory_space<hbm>> -> memref<40x128xi32, #tpu.memory_space<hbm>>
        %dma_wait3A_73 = arith.constant 0 : i32
        %dma_wait3A_74 = tpu.memref_slice %arg4[%add3A_54, %dma_wait3A_73] : memref<1280x128xi32, #tpu.memory_space<hbm>> -> memref<40x128xi32, #tpu.memory_space<hbm>>
        tpu.wait_dma2 semaphore(%run_scoped3A : memref<!tpu.dma_semaphore, #tpu.memory_space<semaphore_mem>>) src(%dma_wait3A_74 : memref<40x128xi32, #tpu.memory_space<hbm>>) dst(%arg10 : memref<40x128xi32, #tpu.memory_space<vmem>>)
        tpu.yield
      }) : () -> ()
      "tpu.region"() ({
        %run_scoped3A = tpu.sem_alloc : memref<!tpu.dma_semaphore, #tpu.memory_space<semaphore_mem>>
        %dma_start3A_68 = arith.constant 0 : i32
        %dma_start3A_69 = tpu.memref_slice %arg5[%add3A_54, %dma_start3A_68] : memref<1280x128xi32, #tpu.memory_space<hbm>> -> memref<40x128xi32, #tpu.memory_space<hbm>>
        %dma_start3A_70 = arith.constant 0 : i32
        %dma_start3A_71 = tpu.memref_slice %arg5[%add3A_54, %dma_start3A_70] : memref<1280x128xi32, #tpu.memory_space<hbm>> -> memref<40x128xi32, #tpu.memory_space<hbm>>
        tpu.enqueue_dma source(%dma_start3A_71 : memref<40x128xi32, #tpu.memory_space<hbm>>) target(%arg11 : memref<40x128xi32, #tpu.memory_space<vmem>>) target_semaphore(%run_scoped3A : memref<!tpu.dma_semaphore, #tpu.memory_space<semaphore_mem>>)
        %dma_wait3A = arith.constant 0 : i32
        %dma_wait3A_72 = tpu.memref_slice %arg5[%add3A_54, %dma_wait3A] : memref<1280x128xi32, #tpu.memory_space<hbm>> -> memref<40x128xi32, #tpu.memory_space<hbm>>
        %dma_wait3A_73 = arith.constant 0 : i32
        %dma_wait3A_74 = tpu.memref_slice %arg5[%add3A_54, %dma_wait3A_73] : memref<1280x128xi32, #tpu.memory_space<hbm>> -> memref<40x128xi32, #tpu.memory_space<hbm>>
        tpu.wait_dma2 semaphore(%run_scoped3A : memref<!tpu.dma_semaphore, #tpu.memory_space<semaphore_mem>>) src(%dma_wait3A_74 : memref<40x128xi32, #tpu.memory_space<hbm>>) dst(%arg11 : memref<40x128xi32, #tpu.memory_space<vmem>>)
        tpu.yield
      }) : () -> ()
      %dma_start3A_55 = arith.constant 0 : i32
      %dma_start3A_56 = arith.constant 0 : i32
      %dma_start3A_57 = tpu.memref_slice %arg10[%dma_start3A_55, %dma_start3A_56] : memref<40x128xi32, #tpu.memory_space<vmem>> -> memref<1x128xi32, #tpu.memory_space<vmem>>
      %dma_start3A_58 = tpu.memref_squeeze %dma_start3A_57 : memref<1x128xi32, #tpu.memory_space<vmem>> -> memref<128xi32, #tpu.memory_space<vmem>>
      %dma_start3A_59 = arith.constant 0 : i32
      %dma_start3A_60 = arith.constant 0 : i32
      %dma_start3A_61 = tpu.memref_slice %arg2[%dma_start3A_59, %dma_start3A_60] : memref<10240x128xf32, #tpu.memory_space<hbm>> -> memref<10240x128xf32, #tpu.memory_space<hbm>>
      tpu.enqueue_indirect_dma source(%dma_start3A_61 : memref<10240x128xf32, #tpu.memory_space<hbm>>) target(%arg12 : memref<128x128xf32, #tpu.memory_space<vmem>>) offsets(%dma_start3A_58 : memref<128xi32, #tpu.memory_space<vmem>>) semaphore(%arg16 : memref<!tpu.dma_semaphore, #tpu.memory_space<semaphore_mem>>)
      %scan3A_62 = arith.constant 0 : i32
      %scan3A_63 = arith.constant 0 : i32
      %scan3A_64 = arith.constant 20 : i32
      %scan3A_65 = arith.addi %scan3A_63, %scan3A_64 : i32
      %scan3A_66 = arith.constant 1 : i32
      scf.for %scan3A_68 = %scan3A_63 to %scan3A_65 step %scan3A_66  : i32 {
        %mul3A_69 = arith.constant 2 : i32
        %mul3A_70 = arith.muli %mul3A_69, %scan3A_68 : i32
        %add3A_71 = arith.constant 1 : i32
        %add3A_72 = arith.addi %mul3A_70, %add3A_71 : i32
        %dma_start3A_73 = arith.constant 0 : i32
        %dma_start3A_74 = tpu.memref_slice %arg10[%add3A_72, %dma_start3A_73] : memref<40x128xi32, #tpu.memory_space<vmem>> -> memref<1x128xi32, #tpu.memory_space<vmem>>
        %dma_start3A_75 = tpu.memref_squeeze %dma_start3A_74 : memref<1x128xi32, #tpu.memory_space<vmem>> -> memref<128xi32, #tpu.memory_space<vmem>>
        %dma_start3A_76 = arith.constant 0 : i32
        %dma_start3A_77 = arith.constant 0 : i32
        %dma_start3A_78 = tpu.memref_slice %arg2[%dma_start3A_76, %dma_start3A_77] : memref<10240x128xf32, #tpu.memory_space<hbm>> -> memref<10240x128xf32, #tpu.memory_space<hbm>>
        tpu.enqueue_indirect_dma source(%dma_start3A_78 : memref<10240x128xf32, #tpu.memory_space<hbm>>) target(%arg13 : memref<128x128xf32, #tpu.memory_space<vmem>>) offsets(%dma_start3A_75 : memref<128xi32, #tpu.memory_space<vmem>>) semaphore(%arg17 : memref<!tpu.dma_semaphore, #tpu.memory_space<semaphore_mem>>)
        %dma_wait3A = arith.constant 0 : i32
        %dma_wait3A_79 = tpu.memref_slice %arg10[%mul3A_70, %dma_wait3A] : memref<40x128xi32, #tpu.memory_space<vmem>> -> memref<1x128xi32, #tpu.memory_space<vmem>>
        %dma_wait3A_80 = tpu.memref_squeeze %dma_wait3A_79 : memref<1x128xi32, #tpu.memory_space<vmem>> -> memref<128xi32, #tpu.memory_space<vmem>>
        %dma_wait3A_81 = arith.constant 0 : i32
        %dma_wait3A_82 = arith.constant 0 : i32
        %dma_wait3A_83 = tpu.memref_slice %arg2[%dma_wait3A_81, %dma_wait3A_82] : memref<10240x128xf32, #tpu.memory_space<hbm>> -> memref<10240x128xf32, #tpu.memory_space<hbm>>
        tpu.wait_indirect_dma semaphore(%arg16 : memref<!tpu.dma_semaphore, #tpu.memory_space<semaphore_mem>>) src(%dma_wait3A_83 : memref<10240x128xf32, #tpu.memory_space<hbm>>) dst(%arg12 : memref<128x128xf32, #tpu.memory_space<vmem>>)
        "tpu.region"() ({
          %run_scoped3A = tpu.sem_alloc : memref<!tpu.dma_semaphore, #tpu.memory_space<semaphore_mem>>
          %dma_start3A_100 = arith.constant 0 : i32
          %dma_start3A_101 = tpu.memref_slice %arg11[%mul3A_70, %dma_start3A_100] : memref<40x128xi32, #tpu.memory_space<vmem>> -> memref<1x128xi32, #tpu.memory_space<vmem>>
          %dma_start3A_102 = tpu.memref_squeeze %dma_start3A_101 : memref<1x128xi32, #tpu.memory_space<vmem>> -> memref<128xi32, #tpu.memory_space<vmem>>
          %dma_start3A_103 = arith.constant 0 : i32
          %dma_start3A_104 = arith.constant 0 : i32
          %dma_start3A_105 = tpu.memref_slice %arg15[%dma_start3A_103, %dma_start3A_104] : memref<10240x128xf32, #tpu.memory_space<vmem_shared>> -> memref<10240x128xf32, #tpu.memory_space<vmem_shared>>
          tpu.enqueue_indirect_dma source(%arg12 : memref<128x128xf32, #tpu.memory_space<vmem>>) target(%dma_start3A_105 : memref<10240x128xf32, #tpu.memory_space<vmem_shared>>) offsets(%dma_start3A_102 : memref<128xi32, #tpu.memory_space<vmem>>) semaphore(%run_scoped3A : memref<!tpu.dma_semaphore, #tpu.memory_space<semaphore_mem>>) {add = true}
          %dma_wait3A_106 = arith.constant 0 : i32
          %dma_wait3A_107 = tpu.memref_slice %arg11[%mul3A_70, %dma_wait3A_106] : memref<40x128xi32, #tpu.memory_space<vmem>> -> memref<1x128xi32, #tpu.memory_space<vmem>>
          %dma_wait3A_108 = tpu.memref_squeeze %dma_wait3A_107 : memref<1x128xi32, #tpu.memory_space<vmem>> -> memref<128xi32, #tpu.memory_space<vmem>>
          %dma_wait3A_109 = arith.constant 0 : i32
          %dma_wait3A_110 = arith.constant 0 : i32
          %dma_wait3A_111 = tpu.memref_slice %arg15[%dma_wait3A_109, %dma_wait3A_110] : memref<10240x128xf32, #tpu.memory_space<vmem_shared>> -> memref<10240x128xf32, #tpu.memory_space<vmem_shared>>
          tpu.wait_indirect_dma semaphore(%run_scoped3A : memref<!tpu.dma_semaphore, #tpu.memory_space<semaphore_mem>>) src(%arg12 : memref<128x128xf32, #tpu.memory_space<vmem>>) dst(%dma_wait3A_111 : memref<10240x128xf32, #tpu.memory_space<vmem_shared>>)
          tpu.yield
        }) : () -> ()
        %add3A_84 = arith.constant 2 : i32
        %add3A_85 = arith.addi %mul3A_70, %add3A_84 : i32
        %lt3A = arith.constant 40 : i32
        %lt3A_86 = arith.cmpi slt, %add3A_85, %lt3A : i32
        %convert_element_type3A_87 = arith.extui %lt3A_86 : i1 to i32
        %cond3A_88 = arith.constant 0 : i32
        %cond3A_89 = arith.cmpi ne, %convert_element_type3A_87, %cond3A_88 : i32
        scf.if %cond3A_89 {
          %add3A_100 = arith.constant 2 : i32
          %add3A_101 = arith.addi %mul3A_70, %add3A_100 : i32
          %dma_start3A_102 = arith.constant 0 : i32
          %dma_start3A_103 = tpu.memref_slice %arg10[%add3A_101, %dma_start3A_102] : memref<40x128xi32, #tpu.memory_space<vmem>> -> memref<1x128xi32, #tpu.memory_space<vmem>>
          %dma_start3A_104 = tpu.memref_squeeze %dma_start3A_103 : memref<1x128xi32, #tpu.memory_space<vmem>> -> memref<128xi32, #tpu.memory_space<vmem>>
          %dma_start3A_105 = arith.constant 0 : i32
          %dma_start3A_106 = arith.constant 0 : i32
          %dma_start3A_107 = tpu.memref_slice %arg2[%dma_start3A_105, %dma_start3A_106] : memref<10240x128xf32, #tpu.memory_space<hbm>> -> memref<10240x128xf32, #tpu.memory_space<hbm>>
          tpu.enqueue_indirect_dma source(%dma_start3A_107 : memref<10240x128xf32, #tpu.memory_space<hbm>>) target(%arg12 : memref<128x128xf32, #tpu.memory_space<vmem>>) offsets(%dma_start3A_104 : memref<128xi32, #tpu.memory_space<vmem>>) semaphore(%arg16 : memref<!tpu.dma_semaphore, #tpu.memory_space<semaphore_mem>>)
        } else {
        }
        %add3A_90 = arith.constant 1 : i32
        %add3A_91 = arith.addi %mul3A_70, %add3A_90 : i32
        %dma_wait3A_92 = arith.constant 0 : i32
        %dma_wait3A_93 = tpu.memref_slice %arg10[%add3A_91, %dma_wait3A_92] : memref<40x128xi32, #tpu.memory_space<vmem>> -> memref<1x128xi32, #tpu.memory_space<vmem>>
        %dma_wait3A_94 = tpu.memref_squeeze %dma_wait3A_93 : memref<1x128xi32, #tpu.memory_space<vmem>> -> memref<128xi32, #tpu.memory_space<vmem>>
        %dma_wait3A_95 = arith.constant 0 : i32
        %dma_wait3A_96 = arith.constant 0 : i32
        %dma_wait3A_97 = tpu.memref_slice %arg2[%dma_wait3A_95, %dma_wait3A_96] : memref<10240x128xf32, #tpu.memory_space<hbm>> -> memref<10240x128xf32, #tpu.memory_space<hbm>>
        tpu.wait_indirect_dma semaphore(%arg17 : memref<!tpu.dma_semaphore, #tpu.memory_space<semaphore_mem>>) src(%dma_wait3A_97 : memref<10240x128xf32, #tpu.memory_space<hbm>>) dst(%arg13 : memref<128x128xf32, #tpu.memory_space<vmem>>)
        %add3A_98 = arith.constant 1 : i32
        %add3A_99 = arith.addi %mul3A_70, %add3A_98 : i32
        "tpu.region"() ({
          %run_scoped3A = tpu.sem_alloc : memref<!tpu.dma_semaphore, #tpu.memory_space<semaphore_mem>>
          %dma_start3A_100 = arith.constant 0 : i32
          %dma_start3A_101 = tpu.memref_slice %arg11[%add3A_99, %dma_start3A_100] : memref<40x128xi32, #tpu.memory_space<vmem>> -> memref<1x128xi32, #tpu.memory_space<vmem>>
          %dma_start3A_102 = tpu.memref_squeeze %dma_start3A_101 : memref<1x128xi32, #tpu.memory_space<vmem>> -> memref<128xi32, #tpu.memory_space<vmem>>
          %dma_start3A_103 = arith.constant 0 : i32
          %dma_start3A_104 = arith.constant 0 : i32
          %dma_start3A_105 = tpu.memref_slice %arg15[%dma_start3A_103, %dma_start3A_104] : memref<10240x128xf32, #tpu.memory_space<vmem_shared>> -> memref<10240x128xf32, #tpu.memory_space<vmem_shared>>
          tpu.enqueue_indirect_dma source(%arg13 : memref<128x128xf32, #tpu.memory_space<vmem>>) target(%dma_start3A_105 : memref<10240x128xf32, #tpu.memory_space<vmem_shared>>) offsets(%dma_start3A_102 : memref<128xi32, #tpu.memory_space<vmem>>) semaphore(%run_scoped3A : memref<!tpu.dma_semaphore, #tpu.memory_space<semaphore_mem>>) {add = true}
          %dma_wait3A_106 = arith.constant 0 : i32
          %dma_wait3A_107 = tpu.memref_slice %arg11[%add3A_99, %dma_wait3A_106] : memref<40x128xi32, #tpu.memory_space<vmem>> -> memref<1x128xi32, #tpu.memory_space<vmem>>
          %dma_wait3A_108 = tpu.memref_squeeze %dma_wait3A_107 : memref<1x128xi32, #tpu.memory_space<vmem>> -> memref<128xi32, #tpu.memory_space<vmem>>
          %dma_wait3A_109 = arith.constant 0 : i32
          %dma_wait3A_110 = arith.constant 0 : i32
          %dma_wait3A_111 = tpu.memref_slice %arg15[%dma_wait3A_109, %dma_wait3A_110] : memref<10240x128xf32, #tpu.memory_space<vmem_shared>> -> memref<10240x128xf32, #tpu.memory_space<vmem_shared>>
          tpu.wait_indirect_dma semaphore(%run_scoped3A : memref<!tpu.dma_semaphore, #tpu.memory_space<semaphore_mem>>) src(%arg13 : memref<128x128xf32, #tpu.memory_space<vmem>>) dst(%dma_wait3A_111 : memref<10240x128xf32, #tpu.memory_space<vmem_shared>>)
          tpu.yield
        }) : () -> ()
      }
      %scan3A_67 = arith.constant 20 : i32
    } else {
    }
    %eq3A_20 = arith.constant 1 : i32
    %eq3A_21 = arith.cmpi eq, %arg0, %eq3A_20 : i32
    %convert_element_type3A_22 = arith.extui %eq3A_21 : i1 to i32
    %cond3A_23 = arith.constant 0 : i32
    %cond3A_24 = arith.cmpi ne, %convert_element_type3A_22, %cond3A_23 : i32
    scf.if %cond3A_24 {
      %mul3A_36 = arith.constant 80 : i32
      %mul3A_37 = arith.muli %arg1, %mul3A_36 : i32
      %add3A = arith.constant 0 : i32
      %add3A_38 = arith.addi %mul3A_37, %add3A : i32
      "tpu.region"() ({
        %run_scoped3A = tpu.sem_alloc : memref<!tpu.dma_semaphore, #tpu.memory_space<semaphore_mem>>
        %dma_start3A_68 = arith.constant 0 : i32
        %dma_start3A_69 = tpu.memref_slice %arg6[%add3A_38, %dma_start3A_68] : memref<1280x128xi32, #tpu.memory_space<hbm>> -> memref<40x128xi32, #tpu.memory_space<hbm>>
        %dma_start3A_70 = arith.constant 0 : i32
        %dma_start3A_71 = tpu.memref_slice %arg6[%add3A_38, %dma_start3A_70] : memref<1280x128xi32, #tpu.memory_space<hbm>> -> memref<40x128xi32, #tpu.memory_space<hbm>>
        tpu.enqueue_dma source(%dma_start3A_71 : memref<40x128xi32, #tpu.memory_space<hbm>>) target(%arg10 : memref<40x128xi32, #tpu.memory_space<vmem>>) target_semaphore(%run_scoped3A : memref<!tpu.dma_semaphore, #tpu.memory_space<semaphore_mem>>)
        %dma_wait3A = arith.constant 0 : i32
        %dma_wait3A_72 = tpu.memref_slice %arg6[%add3A_38, %dma_wait3A] : memref<1280x128xi32, #tpu.memory_space<hbm>> -> memref<40x128xi32, #tpu.memory_space<hbm>>
        %dma_wait3A_73 = arith.constant 0 : i32
        %dma_wait3A_74 = tpu.memref_slice %arg6[%add3A_38, %dma_wait3A_73] : memref<1280x128xi32, #tpu.memory_space<hbm>> -> memref<40x128xi32, #tpu.memory_space<hbm>>
        tpu.wait_dma2 semaphore(%run_scoped3A : memref<!tpu.dma_semaphore, #tpu.memory_space<semaphore_mem>>) src(%dma_wait3A_74 : memref<40x128xi32, #tpu.memory_space<hbm>>) dst(%arg10 : memref<40x128xi32, #tpu.memory_space<vmem>>)
        tpu.yield
      }) : () -> ()
      "tpu.region"() ({
        %run_scoped3A = tpu.sem_alloc : memref<!tpu.dma_semaphore, #tpu.memory_space<semaphore_mem>>
        %dma_start3A_68 = arith.constant 0 : i32
        %dma_start3A_69 = tpu.memref_slice %arg7[%add3A_38, %dma_start3A_68] : memref<1280x128xi32, #tpu.memory_space<hbm>> -> memref<40x128xi32, #tpu.memory_space<hbm>>
        %dma_start3A_70 = arith.constant 0 : i32
        %dma_start3A_71 = tpu.memref_slice %arg7[%add3A_38, %dma_start3A_70] : memref<1280x128xi32, #tpu.memory_space<hbm>> -> memref<40x128xi32, #tpu.memory_space<hbm>>
        tpu.enqueue_dma source(%dma_start3A_71 : memref<40x128xi32, #tpu.memory_space<hbm>>) target(%arg11 : memref<40x128xi32, #tpu.memory_space<vmem>>) target_semaphore(%run_scoped3A : memref<!tpu.dma_semaphore, #tpu.memory_space<semaphore_mem>>)
        %dma_wait3A = arith.constant 0 : i32
        %dma_wait3A_72 = tpu.memref_slice %arg7[%add3A_38, %dma_wait3A] : memref<1280x128xi32, #tpu.memory_space<hbm>> -> memref<40x128xi32, #tpu.memory_space<hbm>>
        %dma_wait3A_73 = arith.constant 0 : i32
        %dma_wait3A_74 = tpu.memref_slice %arg7[%add3A_38, %dma_wait3A_73] : memref<1280x128xi32, #tpu.memory_space<hbm>> -> memref<40x128xi32, #tpu.memory_space<hbm>>
        tpu.wait_dma2 semaphore(%run_scoped3A : memref<!tpu.dma_semaphore, #tpu.memory_space<semaphore_mem>>) src(%dma_wait3A_74 : memref<40x128xi32, #tpu.memory_space<hbm>>) dst(%arg11 : memref<40x128xi32, #tpu.memory_space<vmem>>)
        tpu.yield
      }) : () -> ()
      %dma_start3A = arith.constant 0 : i32
      %dma_start3A_39 = arith.constant 0 : i32
      %dma_start3A_40 = tpu.memref_slice %arg10[%dma_start3A, %dma_start3A_39] : memref<40x128xi32, #tpu.memory_space<vmem>> -> memref<1x128xi32, #tpu.memory_space<vmem>>
      %dma_start3A_41 = tpu.memref_squeeze %dma_start3A_40 : memref<1x128xi32, #tpu.memory_space<vmem>> -> memref<128xi32, #tpu.memory_space<vmem>>
      %dma_start3A_42 = arith.constant 0 : i32
      %dma_start3A_43 = arith.constant 0 : i32
      %dma_start3A_44 = tpu.memref_slice %arg3[%dma_start3A_42, %dma_start3A_43] : memref<10240x128xf32, #tpu.memory_space<hbm>> -> memref<10240x128xf32, #tpu.memory_space<hbm>>
      tpu.enqueue_indirect_dma source(%dma_start3A_44 : memref<10240x128xf32, #tpu.memory_space<hbm>>) target(%arg12 : memref<128x128xf32, #tpu.memory_space<vmem>>) offsets(%dma_start3A_41 : memref<128xi32, #tpu.memory_space<vmem>>) semaphore(%arg16 : memref<!tpu.dma_semaphore, #tpu.memory_space<semaphore_mem>>)
      %scan3A_45 = arith.constant 0 : i32
      %scan3A_46 = arith.constant 0 : i32
      %scan3A_47 = arith.constant 20 : i32
      %scan3A_48 = arith.addi %scan3A_46, %scan3A_47 : i32
      %scan3A_49 = arith.constant 1 : i32
      scf.for %scan3A_68 = %scan3A_46 to %scan3A_48 step %scan3A_49  : i32 {
        %mul3A_69 = arith.constant 2 : i32
        %mul3A_70 = arith.muli %mul3A_69, %scan3A_68 : i32
        %add3A_71 = arith.constant 1 : i32
        %add3A_72 = arith.addi %mul3A_70, %add3A_71 : i32
        %dma_start3A_73 = arith.constant 0 : i32
        %dma_start3A_74 = tpu.memref_slice %arg10[%add3A_72, %dma_start3A_73] : memref<40x128xi32, #tpu.memory_space<vmem>> -> memref<1x128xi32, #tpu.memory_space<vmem>>
        %dma_start3A_75 = tpu.memref_squeeze %dma_start3A_74 : memref<1x128xi32, #tpu.memory_space<vmem>> -> memref<128xi32, #tpu.memory_space<vmem>>
        %dma_start3A_76 = arith.constant 0 : i32
        %dma_start3A_77 = arith.constant 0 : i32
        %dma_start3A_78 = tpu.memref_slice %arg3[%dma_start3A_76, %dma_start3A_77] : memref<10240x128xf32, #tpu.memory_space<hbm>> -> memref<10240x128xf32, #tpu.memory_space<hbm>>
        tpu.enqueue_indirect_dma source(%dma_start3A_78 : memref<10240x128xf32, #tpu.memory_space<hbm>>) target(%arg13 : memref<128x128xf32, #tpu.memory_space<vmem>>) offsets(%dma_start3A_75 : memref<128xi32, #tpu.memory_space<vmem>>) semaphore(%arg17 : memref<!tpu.dma_semaphore, #tpu.memory_space<semaphore_mem>>)
        %dma_wait3A = arith.constant 0 : i32
        %dma_wait3A_79 = tpu.memref_slice %arg10[%mul3A_70, %dma_wait3A] : memref<40x128xi32, #tpu.memory_space<vmem>> -> memref<1x128xi32, #tpu.memory_space<vmem>>
        %dma_wait3A_80 = tpu.memref_squeeze %dma_wait3A_79 : memref<1x128xi32, #tpu.memory_space<vmem>> -> memref<128xi32, #tpu.memory_space<vmem>>
        %dma_wait3A_81 = arith.constant 0 : i32
        %dma_wait3A_82 = arith.constant 0 : i32
        %dma_wait3A_83 = tpu.memref_slice %arg3[%dma_wait3A_81, %dma_wait3A_82] : memref<10240x128xf32, #tpu.memory_space<hbm>> -> memref<10240x128xf32, #tpu.memory_space<hbm>>
        tpu.wait_indirect_dma semaphore(%arg16 : memref<!tpu.dma_semaphore, #tpu.memory_space<semaphore_mem>>) src(%dma_wait3A_83 : memref<10240x128xf32, #tpu.memory_space<hbm>>) dst(%arg12 : memref<128x128xf32, #tpu.memory_space<vmem>>)
        "tpu.region"() ({
          %run_scoped3A = tpu.sem_alloc : memref<!tpu.dma_semaphore, #tpu.memory_space<semaphore_mem>>
          %dma_start3A_100 = arith.constant 0 : i32
          %dma_start3A_101 = tpu.memref_slice %arg11[%mul3A_70, %dma_start3A_100] : memref<40x128xi32, #tpu.memory_space<vmem>> -> memref<1x128xi32, #tpu.memory_space<vmem>>
          %dma_start3A_102 = tpu.memref_squeeze %dma_start3A_101 : memref<1x128xi32, #tpu.memory_space<vmem>> -> memref<128xi32, #tpu.memory_space<vmem>>
          %dma_start3A_103 = arith.constant 0 : i32
          %dma_start3A_104 = arith.constant 0 : i32
          %dma_start3A_105 = tpu.memref_slice %arg15[%dma_start3A_103, %dma_start3A_104] : memref<10240x128xf32, #tpu.memory_space<vmem_shared>> -> memref<10240x128xf32, #tpu.memory_space<vmem_shared>>
          tpu.enqueue_indirect_dma source(%arg12 : memref<128x128xf32, #tpu.memory_space<vmem>>) target(%dma_start3A_105 : memref<10240x128xf32, #tpu.memory_space<vmem_shared>>) offsets(%dma_start3A_102 : memref<128xi32, #tpu.memory_space<vmem>>) semaphore(%run_scoped3A : memref<!tpu.dma_semaphore, #tpu.memory_space<semaphore_mem>>) {add = true}
          %dma_wait3A_106 = arith.constant 0 : i32
          %dma_wait3A_107 = tpu.memref_slice %arg11[%mul3A_70, %dma_wait3A_106] : memref<40x128xi32, #tpu.memory_space<vmem>> -> memref<1x128xi32, #tpu.memory_space<vmem>>
          %dma_wait3A_108 = tpu.memref_squeeze %dma_wait3A_107 : memref<1x128xi32, #tpu.memory_space<vmem>> -> memref<128xi32, #tpu.memory_space<vmem>>
          %dma_wait3A_109 = arith.constant 0 : i32
          %dma_wait3A_110 = arith.constant 0 : i32
          %dma_wait3A_111 = tpu.memref_slice %arg15[%dma_wait3A_109, %dma_wait3A_110] : memref<10240x128xf32, #tpu.memory_space<vmem_shared>> -> memref<10240x128xf32, #tpu.memory_space<vmem_shared>>
          tpu.wait_indirect_dma semaphore(%run_scoped3A : memref<!tpu.dma_semaphore, #tpu.memory_space<semaphore_mem>>) src(%arg12 : memref<128x128xf32, #tpu.memory_space<vmem>>) dst(%dma_wait3A_111 : memref<10240x128xf32, #tpu.memory_space<vmem_shared>>)
          tpu.yield
        }) : () -> ()
        %add3A_84 = arith.constant 2 : i32
        %add3A_85 = arith.addi %mul3A_70, %add3A_84 : i32
        %lt3A = arith.constant 40 : i32
        %lt3A_86 = arith.cmpi slt, %add3A_85, %lt3A : i32
        %convert_element_type3A_87 = arith.extui %lt3A_86 : i1 to i32
        %cond3A_88 = arith.constant 0 : i32
        %cond3A_89 = arith.cmpi ne, %convert_element_type3A_87, %cond3A_88 : i32
        scf.if %cond3A_89 {
          %add3A_100 = arith.constant 2 : i32
          %add3A_101 = arith.addi %mul3A_70, %add3A_100 : i32
          %dma_start3A_102 = arith.constant 0 : i32
          %dma_start3A_103 = tpu.memref_slice %arg10[%add3A_101, %dma_start3A_102] : memref<40x128xi32, #tpu.memory_space<vmem>> -> memref<1x128xi32, #tpu.memory_space<vmem>>
          %dma_start3A_104 = tpu.memref_squeeze %dma_start3A_103 : memref<1x128xi32, #tpu.memory_space<vmem>> -> memref<128xi32, #tpu.memory_space<vmem>>
          %dma_start3A_105 = arith.constant 0 : i32
          %dma_start3A_106 = arith.constant 0 : i32
          %dma_start3A_107 = tpu.memref_slice %arg3[%dma_start3A_105, %dma_start3A_106] : memref<10240x128xf32, #tpu.memory_space<hbm>> -> memref<10240x128xf32, #tpu.memory_space<hbm>>
          tpu.enqueue_indirect_dma source(%dma_start3A_107 : memref<10240x128xf32, #tpu.memory_space<hbm>>) target(%arg12 : memref<128x128xf32, #tpu.memory_space<vmem>>) offsets(%dma_start3A_104 : memref<128xi32, #tpu.memory_space<vmem>>) semaphore(%arg16 : memref<!tpu.dma_semaphore, #tpu.memory_space<semaphore_mem>>)
        } else {
        }
        %add3A_90 = arith.constant 1 : i32
        %add3A_91 = arith.addi %mul3A_70, %add3A_90 : i32
        %dma_wait3A_92 = arith.constant 0 : i32
        %dma_wait3A_93 = tpu.memref_slice %arg10[%add3A_91, %dma_wait3A_92] : memref<40x128xi32, #tpu.memory_space<vmem>> -> memref<1x128xi32, #tpu.memory_space<vmem>>
        %dma_wait3A_94 = tpu.memref_squeeze %dma_wait3A_93 : memref<1x128xi32, #tpu.memory_space<vmem>> -> memref<128xi32, #tpu.memory_space<vmem>>
        %dma_wait3A_95 = arith.constant 0 : i32
        %dma_wait3A_96 = arith.constant 0 : i32
        %dma_wait3A_97 = tpu.memref_slice %arg3[%dma_wait3A_95, %dma_wait3A_96] : memref<10240x128xf32, #tpu.memory_space<hbm>> -> memref<10240x128xf32, #tpu.memory_space<hbm>>
        tpu.wait_indirect_dma semaphore(%arg17 : memref<!tpu.dma_semaphore, #tpu.memory_space<semaphore_mem>>) src(%dma_wait3A_97 : memref<10240x128xf32, #tpu.memory_space<hbm>>) dst(%arg13 : memref<128x128xf32, #tpu.memory_space<vmem>>)
        %add3A_98 = arith.constant 1 : i32
        %add3A_99 = arith.addi %mul3A_70, %add3A_98 : i32
        "tpu.region"() ({
          %run_scoped3A = tpu.sem_alloc : memref<!tpu.dma_semaphore, #tpu.memory_space<semaphore_mem>>
          %dma_start3A_100 = arith.constant 0 : i32
          %dma_start3A_101 = tpu.memref_slice %arg11[%add3A_99, %dma_start3A_100] : memref<40x128xi32, #tpu.memory_space<vmem>> -> memref<1x128xi32, #tpu.memory_space<vmem>>
          %dma_start3A_102 = tpu.memref_squeeze %dma_start3A_101 : memref<1x128xi32, #tpu.memory_space<vmem>> -> memref<128xi32, #tpu.memory_space<vmem>>
          %dma_start3A_103 = arith.constant 0 : i32
          %dma_start3A_104 = arith.constant 0 : i32
          %dma_start3A_105 = tpu.memref_slice %arg15[%dma_start3A_103, %dma_start3A_104] : memref<10240x128xf32, #tpu.memory_space<vmem_shared>> -> memref<10240x128xf32, #tpu.memory_space<vmem_shared>>
          tpu.enqueue_indirect_dma source(%arg13 : memref<128x128xf32, #tpu.memory_space<vmem>>) target(%dma_start3A_105 : memref<10240x128xf32, #tpu.memory_space<vmem_shared>>) offsets(%dma_start3A_102 : memref<128xi32, #tpu.memory_space<vmem>>) semaphore(%run_scoped3A : memref<!tpu.dma_semaphore, #tpu.memory_space<semaphore_mem>>) {add = true}
          %dma_wait3A_106 = arith.constant 0 : i32
          %dma_wait3A_107 = tpu.memref_slice %arg11[%add3A_99, %dma_wait3A_106] : memref<40x128xi32, #tpu.memory_space<vmem>> -> memref<1x128xi32, #tpu.memory_space<vmem>>
          %dma_wait3A_108 = tpu.memref_squeeze %dma_wait3A_107 : memref<1x128xi32, #tpu.memory_space<vmem>> -> memref<128xi32, #tpu.memory_space<vmem>>
          %dma_wait3A_109 = arith.constant 0 : i32
          %dma_wait3A_110 = arith.constant 0 : i32
          %dma_wait3A_111 = tpu.memref_slice %arg15[%dma_wait3A_109, %dma_wait3A_110] : memref<10240x128xf32, #tpu.memory_space<vmem_shared>> -> memref<10240x128xf32, #tpu.memory_space<vmem_shared>>
          tpu.wait_indirect_dma semaphore(%run_scoped3A : memref<!tpu.dma_semaphore, #tpu.memory_space<semaphore_mem>>) src(%arg13 : memref<128x128xf32, #tpu.memory_space<vmem>>) dst(%dma_wait3A_111 : memref<10240x128xf32, #tpu.memory_space<vmem_shared>>)
          tpu.yield
        }) : () -> ()
      }
      %scan3A_50 = arith.constant 20 : i32
      %mul3A_51 = arith.constant 80 : i32
      %mul3A_52 = arith.muli %arg1, %mul3A_51 : i32
      %add3A_53 = arith.constant 40 : i32
      %add3A_54 = arith.addi %mul3A_52, %add3A_53 : i32
      "tpu.region"() ({
        %run_scoped3A = tpu.sem_alloc : memref<!tpu.dma_semaphore, #tpu.memory_space<semaphore_mem>>
        %dma_start3A_68 = arith.constant 0 : i32
        %dma_start3A_69 = tpu.memref_slice %arg6[%add3A_54, %dma_start3A_68] : memref<1280x128xi32, #tpu.memory_space<hbm>> -> memref<40x128xi32, #tpu.memory_space<hbm>>
        %dma_start3A_70 = arith.constant 0 : i32
        %dma_start3A_71 = tpu.memref_slice %arg6[%add3A_54, %dma_start3A_70] : memref<1280x128xi32, #tpu.memory_space<hbm>> -> memref<40x128xi32, #tpu.memory_space<hbm>>
        tpu.enqueue_dma source(%dma_start3A_71 : memref<40x128xi32, #tpu.memory_space<hbm>>) target(%arg10 : memref<40x128xi32, #tpu.memory_space<vmem>>) target_semaphore(%run_scoped3A : memref<!tpu.dma_semaphore, #tpu.memory_space<semaphore_mem>>)
        %dma_wait3A = arith.constant 0 : i32
        %dma_wait3A_72 = tpu.memref_slice %arg6[%add3A_54, %dma_wait3A] : memref<1280x128xi32, #tpu.memory_space<hbm>> -> memref<40x128xi32, #tpu.memory_space<hbm>>
        %dma_wait3A_73 = arith.constant 0 : i32
        %dma_wait3A_74 = tpu.memref_slice %arg6[%add3A_54, %dma_wait3A_73] : memref<1280x128xi32, #tpu.memory_space<hbm>> -> memref<40x128xi32, #tpu.memory_space<hbm>>
        tpu.wait_dma2 semaphore(%run_scoped3A : memref<!tpu.dma_semaphore, #tpu.memory_space<semaphore_mem>>) src(%dma_wait3A_74 : memref<40x128xi32, #tpu.memory_space<hbm>>) dst(%arg10 : memref<40x128xi32, #tpu.memory_space<vmem>>)
        tpu.yield
      }) : () -> ()
      "tpu.region"() ({
        %run_scoped3A = tpu.sem_alloc : memref<!tpu.dma_semaphore, #tpu.memory_space<semaphore_mem>>
        %dma_start3A_68 = arith.constant 0 : i32
        %dma_start3A_69 = tpu.memref_slice %arg7[%add3A_54, %dma_start3A_68] : memref<1280x128xi32, #tpu.memory_space<hbm>> -> memref<40x128xi32, #tpu.memory_space<hbm>>
        %dma_start3A_70 = arith.constant 0 : i32
        %dma_start3A_71 = tpu.memref_slice %arg7[%add3A_54, %dma_start3A_70] : memref<1280x128xi32, #tpu.memory_space<hbm>> -> memref<40x128xi32, #tpu.memory_space<hbm>>
        tpu.enqueue_dma source(%dma_start3A_71 : memref<40x128xi32, #tpu.memory_space<hbm>>) target(%arg11 : memref<40x128xi32, #tpu.memory_space<vmem>>) target_semaphore(%run_scoped3A : memref<!tpu.dma_semaphore, #tpu.memory_space<semaphore_mem>>)
        %dma_wait3A = arith.constant 0 : i32
        %dma_wait3A_72 = tpu.memref_slice %arg7[%add3A_54, %dma_wait3A] : memref<1280x128xi32, #tpu.memory_space<hbm>> -> memref<40x128xi32, #tpu.memory_space<hbm>>
        %dma_wait3A_73 = arith.constant 0 : i32
        %dma_wait3A_74 = tpu.memref_slice %arg7[%add3A_54, %dma_wait3A_73] : memref<1280x128xi32, #tpu.memory_space<hbm>> -> memref<40x128xi32, #tpu.memory_space<hbm>>
        tpu.wait_dma2 semaphore(%run_scoped3A : memref<!tpu.dma_semaphore, #tpu.memory_space<semaphore_mem>>) src(%dma_wait3A_74 : memref<40x128xi32, #tpu.memory_space<hbm>>) dst(%arg11 : memref<40x128xi32, #tpu.memory_space<vmem>>)
        tpu.yield
      }) : () -> ()
      %dma_start3A_55 = arith.constant 0 : i32
      %dma_start3A_56 = arith.constant 0 : i32
      %dma_start3A_57 = tpu.memref_slice %arg10[%dma_start3A_55, %dma_start3A_56] : memref<40x128xi32, #tpu.memory_space<vmem>> -> memref<1x128xi32, #tpu.memory_space<vmem>>
      %dma_start3A_58 = tpu.memref_squeeze %dma_start3A_57 : memref<1x128xi32, #tpu.memory_space<vmem>> -> memref<128xi32, #tpu.memory_space<vmem>>
      %dma_start3A_59 = arith.constant 0 : i32
      %dma_start3A_60 = arith.constant 0 : i32
      %dma_start3A_61 = tpu.memref_slice %arg3[%dma_start3A_59, %dma_start3A_60] : memref<10240x128xf32, #tpu.memory_space<hbm>> -> memref<10240x128xf32, #tpu.memory_space<hbm>>
      tpu.enqueue_indirect_dma source(%dma_start3A_61 : memref<10240x128xf32, #tpu.memory_space<hbm>>) target(%arg12 : memref<128x128xf32, #tpu.memory_space<vmem>>) offsets(%dma_start3A_58 : memref<128xi32, #tpu.memory_space<vmem>>) semaphore(%arg16 : memref<!tpu.dma_semaphore, #tpu.memory_space<semaphore_mem>>)
      %scan3A_62 = arith.constant 0 : i32
      %scan3A_63 = arith.constant 0 : i32
      %scan3A_64 = arith.constant 20 : i32
      %scan3A_65 = arith.addi %scan3A_63, %scan3A_64 : i32
      %scan3A_66 = arith.constant 1 : i32
      scf.for %scan3A_68 = %scan3A_63 to %scan3A_65 step %scan3A_66  : i32 {
        %mul3A_69 = arith.constant 2 : i32
        %mul3A_70 = arith.muli %mul3A_69, %scan3A_68 : i32
        %add3A_71 = arith.constant 1 : i32
        %add3A_72 = arith.addi %mul3A_70, %add3A_71 : i32
        %dma_start3A_73 = arith.constant 0 : i32
        %dma_start3A_74 = tpu.memref_slice %arg10[%add3A_72, %dma_start3A_73] : memref<40x128xi32, #tpu.memory_space<vmem>> -> memref<1x128xi32, #tpu.memory_space<vmem>>
        %dma_start3A_75 = tpu.memref_squeeze %dma_start3A_74 : memref<1x128xi32, #tpu.memory_space<vmem>> -> memref<128xi32, #tpu.memory_space<vmem>>
        %dma_start3A_76 = arith.constant 0 : i32
        %dma_start3A_77 = arith.constant 0 : i32
        %dma_start3A_78 = tpu.memref_slice %arg3[%dma_start3A_76, %dma_start3A_77] : memref<10240x128xf32, #tpu.memory_space<hbm>> -> memref<10240x128xf32, #tpu.memory_space<hbm>>
        tpu.enqueue_indirect_dma source(%dma_start3A_78 : memref<10240x128xf32, #tpu.memory_space<hbm>>) target(%arg13 : memref<128x128xf32, #tpu.memory_space<vmem>>) offsets(%dma_start3A_75 : memref<128xi32, #tpu.memory_space<vmem>>) semaphore(%arg17 : memref<!tpu.dma_semaphore, #tpu.memory_space<semaphore_mem>>)
        %dma_wait3A = arith.constant 0 : i32
        %dma_wait3A_79 = tpu.memref_slice %arg10[%mul3A_70, %dma_wait3A] : memref<40x128xi32, #tpu.memory_space<vmem>> -> memref<1x128xi32, #tpu.memory_space<vmem>>
        %dma_wait3A_80 = tpu.memref_squeeze %dma_wait3A_79 : memref<1x128xi32, #tpu.memory_space<vmem>> -> memref<128xi32, #tpu.memory_space<vmem>>
        %dma_wait3A_81 = arith.constant 0 : i32
        %dma_wait3A_82 = arith.constant 0 : i32
        %dma_wait3A_83 = tpu.memref_slice %arg3[%dma_wait3A_81, %dma_wait3A_82] : memref<10240x128xf32, #tpu.memory_space<hbm>> -> memref<10240x128xf32, #tpu.memory_space<hbm>>
        tpu.wait_indirect_dma semaphore(%arg16 : memref<!tpu.dma_semaphore, #tpu.memory_space<semaphore_mem>>) src(%dma_wait3A_83 : memref<10240x128xf32, #tpu.memory_space<hbm>>) dst(%arg12 : memref<128x128xf32, #tpu.memory_space<vmem>>)
        "tpu.region"() ({
          %run_scoped3A = tpu.sem_alloc : memref<!tpu.dma_semaphore, #tpu.memory_space<semaphore_mem>>
          %dma_start3A_100 = arith.constant 0 : i32
          %dma_start3A_101 = tpu.memref_slice %arg11[%mul3A_70, %dma_start3A_100] : memref<40x128xi32, #tpu.memory_space<vmem>> -> memref<1x128xi32, #tpu.memory_space<vmem>>
          %dma_start3A_102 = tpu.memref_squeeze %dma_start3A_101 : memref<1x128xi32, #tpu.memory_space<vmem>> -> memref<128xi32, #tpu.memory_space<vmem>>
          %dma_start3A_103 = arith.constant 0 : i32
          %dma_start3A_104 = arith.constant 0 : i32
          %dma_start3A_105 = tpu.memref_slice %arg15[%dma_start3A_103, %dma_start3A_104] : memref<10240x128xf32, #tpu.memory_space<vmem_shared>> -> memref<10240x128xf32, #tpu.memory_space<vmem_shared>>
          tpu.enqueue_indirect_dma source(%arg12 : memref<128x128xf32, #tpu.memory_space<vmem>>) target(%dma_start3A_105 : memref<10240x128xf32, #tpu.memory_space<vmem_shared>>) offsets(%dma_start3A_102 : memref<128xi32, #tpu.memory_space<vmem>>) semaphore(%run_scoped3A : memref<!tpu.dma_semaphore, #tpu.memory_space<semaphore_mem>>) {add = true}
          %dma_wait3A_106 = arith.constant 0 : i32
          %dma_wait3A_107 = tpu.memref_slice %arg11[%mul3A_70, %dma_wait3A_106] : memref<40x128xi32, #tpu.memory_space<vmem>> -> memref<1x128xi32, #tpu.memory_space<vmem>>
          %dma_wait3A_108 = tpu.memref_squeeze %dma_wait3A_107 : memref<1x128xi32, #tpu.memory_space<vmem>> -> memref<128xi32, #tpu.memory_space<vmem>>
          %dma_wait3A_109 = arith.constant 0 : i32
          %dma_wait3A_110 = arith.constant 0 : i32
          %dma_wait3A_111 = tpu.memref_slice %arg15[%dma_wait3A_109, %dma_wait3A_110] : memref<10240x128xf32, #tpu.memory_space<vmem_shared>> -> memref<10240x128xf32, #tpu.memory_space<vmem_shared>>
          tpu.wait_indirect_dma semaphore(%run_scoped3A : memref<!tpu.dma_semaphore, #tpu.memory_space<semaphore_mem>>) src(%arg12 : memref<128x128xf32, #tpu.memory_space<vmem>>) dst(%dma_wait3A_111 : memref<10240x128xf32, #tpu.memory_space<vmem_shared>>)
          tpu.yield
        }) : () -> ()
        %add3A_84 = arith.constant 2 : i32
        %add3A_85 = arith.addi %mul3A_70, %add3A_84 : i32
        %lt3A = arith.constant 40 : i32
        %lt3A_86 = arith.cmpi slt, %add3A_85, %lt3A : i32
        %convert_element_type3A_87 = arith.extui %lt3A_86 : i1 to i32
        %cond3A_88 = arith.constant 0 : i32
        %cond3A_89 = arith.cmpi ne, %convert_element_type3A_87, %cond3A_88 : i32
        scf.if %cond3A_89 {
          %add3A_100 = arith.constant 2 : i32
          %add3A_101 = arith.addi %mul3A_70, %add3A_100 : i32
          %dma_start3A_102 = arith.constant 0 : i32
          %dma_start3A_103 = tpu.memref_slice %arg10[%add3A_101, %dma_start3A_102] : memref<40x128xi32, #tpu.memory_space<vmem>> -> memref<1x128xi32, #tpu.memory_space<vmem>>
          %dma_start3A_104 = tpu.memref_squeeze %dma_start3A_103 : memref<1x128xi32, #tpu.memory_space<vmem>> -> memref<128xi32, #tpu.memory_space<vmem>>
          %dma_start3A_105 = arith.constant 0 : i32
          %dma_start3A_106 = arith.constant 0 : i32
          %dma_start3A_107 = tpu.memref_slice %arg3[%dma_start3A_105, %dma_start3A_106] : memref<10240x128xf32, #tpu.memory_space<hbm>> -> memref<10240x128xf32, #tpu.memory_space<hbm>>
          tpu.enqueue_indirect_dma source(%dma_start3A_107 : memref<10240x128xf32, #tpu.memory_space<hbm>>) target(%arg12 : memref<128x128xf32, #tpu.memory_space<vmem>>) offsets(%dma_start3A_104 : memref<128xi32, #tpu.memory_space<vmem>>) semaphore(%arg16 : memref<!tpu.dma_semaphore, #tpu.memory_space<semaphore_mem>>)
        } else {
        }
        %add3A_90 = arith.constant 1 : i32
        %add3A_91 = arith.addi %mul3A_70, %add3A_90 : i32
        %dma_wait3A_92 = arith.constant 0 : i32
        %dma_wait3A_93 = tpu.memref_slice %arg10[%add3A_91, %dma_wait3A_92] : memref<40x128xi32, #tpu.memory_space<vmem>> -> memref<1x128xi32, #tpu.memory_space<vmem>>
        %dma_wait3A_94 = tpu.memref_squeeze %dma_wait3A_93 : memref<1x128xi32, #tpu.memory_space<vmem>> -> memref<128xi32, #tpu.memory_space<vmem>>
        %dma_wait3A_95 = arith.constant 0 : i32
        %dma_wait3A_96 = arith.constant 0 : i32
        %dma_wait3A_97 = tpu.memref_slice %arg3[%dma_wait3A_95, %dma_wait3A_96] : memref<10240x128xf32, #tpu.memory_space<hbm>> -> memref<10240x128xf32, #tpu.memory_space<hbm>>
        tpu.wait_indirect_dma semaphore(%arg17 : memref<!tpu.dma_semaphore, #tpu.memory_space<semaphore_mem>>) src(%dma_wait3A_97 : memref<10240x128xf32, #tpu.memory_space<hbm>>) dst(%arg13 : memref<128x128xf32, #tpu.memory_space<vmem>>)
        %add3A_98 = arith.constant 1 : i32
        %add3A_99 = arith.addi %mul3A_70, %add3A_98 : i32
        "tpu.region"() ({
          %run_scoped3A = tpu.sem_alloc : memref<!tpu.dma_semaphore, #tpu.memory_space<semaphore_mem>>
          %dma_start3A_100 = arith.constant 0 : i32
          %dma_start3A_101 = tpu.memref_slice %arg11[%add3A_99, %dma_start3A_100] : memref<40x128xi32, #tpu.memory_space<vmem>> -> memref<1x128xi32, #tpu.memory_space<vmem>>
          %dma_start3A_102 = tpu.memref_squeeze %dma_start3A_101 : memref<1x128xi32, #tpu.memory_space<vmem>> -> memref<128xi32, #tpu.memory_space<vmem>>
          %dma_start3A_103 = arith.constant 0 : i32
          %dma_start3A_104 = arith.constant 0 : i32
          %dma_start3A_105 = tpu.memref_slice %arg15[%dma_start3A_103, %dma_start3A_104] : memref<10240x128xf32, #tpu.memory_space<vmem_shared>> -> memref<10240x128xf32, #tpu.memory_space<vmem_shared>>
          tpu.enqueue_indirect_dma source(%arg13 : memref<128x128xf32, #tpu.memory_space<vmem>>) target(%dma_start3A_105 : memref<10240x128xf32, #tpu.memory_space<vmem_shared>>) offsets(%dma_start3A_102 : memref<128xi32, #tpu.memory_space<vmem>>) semaphore(%run_scoped3A : memref<!tpu.dma_semaphore, #tpu.memory_space<semaphore_mem>>) {add = true}
          %dma_wait3A_106 = arith.constant 0 : i32
          %dma_wait3A_107 = tpu.memref_slice %arg11[%add3A_99, %dma_wait3A_106] : memref<40x128xi32, #tpu.memory_space<vmem>> -> memref<1x128xi32, #tpu.memory_space<vmem>>
          %dma_wait3A_108 = tpu.memref_squeeze %dma_wait3A_107 : memref<1x128xi32, #tpu.memory_space<vmem>> -> memref<128xi32, #tpu.memory_space<vmem>>
          %dma_wait3A_109 = arith.constant 0 : i32
          %dma_wait3A_110 = arith.constant 0 : i32
          %dma_wait3A_111 = tpu.memref_slice %arg15[%dma_wait3A_109, %dma_wait3A_110] : memref<10240x128xf32, #tpu.memory_space<vmem_shared>> -> memref<10240x128xf32, #tpu.memory_space<vmem_shared>>
          tpu.wait_indirect_dma semaphore(%run_scoped3A : memref<!tpu.dma_semaphore, #tpu.memory_space<semaphore_mem>>) src(%arg13 : memref<128x128xf32, #tpu.memory_space<vmem>>) dst(%dma_wait3A_111 : memref<10240x128xf32, #tpu.memory_space<vmem_shared>>)
          tpu.yield
        }) : () -> ()
      }
      %scan3A_67 = arith.constant 20 : i32
    } else {
    }
    %barrier3A_25 = arith.constant 0 : index
    tpu.barrier barrier_id(%barrier3A_25)
    %eq3A_26 = arith.constant 0 : i32
    %eq3A_27 = arith.cmpi eq, %arg0, %eq3A_26 : i32
    %convert_element_type3A_28 = arith.extui %eq3A_27 : i1 to i32
    %cond3A_29 = arith.constant 0 : i32
    %cond3A_30 = arith.cmpi ne, %convert_element_type3A_28, %cond3A_29 : i32
    scf.if %cond3A_30 {
      "tpu.region"() ({
        %run_scoped3A = tpu.sem_alloc : memref<!tpu.dma_semaphore, #tpu.memory_space<semaphore_mem>>
        %dma_start3A = arith.constant 0 : i32
        %dma_start3A_36 = tpu.memref_slice %arg8[%mul3A_0, %dma_start3A] : memref<10240x128xf32, #tpu.memory_space<hbm>> -> memref<640x128xf32, #tpu.memory_space<hbm>>
        %dma_start3A_37 = arith.constant 0 : i32
        %dma_start3A_38 = tpu.memref_slice %arg15[%mul3A_0, %dma_start3A_37] : memref<10240x128xf32, #tpu.memory_space<vmem_shared>> -> memref<640x128xf32, #tpu.memory_space<vmem_shared>>
        tpu.enqueue_dma source(%dma_start3A_38 : memref<640x128xf32, #tpu.memory_space<vmem_shared>>) target(%dma_start3A_36 : memref<640x128xf32, #tpu.memory_space<hbm>>) target_semaphore(%run_scoped3A : memref<!tpu.dma_semaphore, #tpu.memory_space<semaphore_mem>>)
        %dma_wait3A = arith.constant 0 : i32
        %dma_wait3A_39 = tpu.memref_slice %arg8[%mul3A_0, %dma_wait3A] : memref<10240x128xf32, #tpu.memory_space<hbm>> -> memref<640x128xf32, #tpu.memory_space<hbm>>
        %dma_wait3A_40 = arith.constant 0 : i32
        %dma_wait3A_41 = tpu.memref_slice %arg15[%mul3A_0, %dma_wait3A_40] : memref<10240x128xf32, #tpu.memory_space<vmem_shared>> -> memref<640x128xf32, #tpu.memory_space<vmem_shared>>
        tpu.wait_dma2 semaphore(%run_scoped3A : memref<!tpu.dma_semaphore, #tpu.memory_space<semaphore_mem>>) src(%dma_wait3A_41 : memref<640x128xf32, #tpu.memory_space<vmem_shared>>) dst(%dma_wait3A_39 : memref<640x128xf32, #tpu.memory_space<hbm>>)
        tpu.yield
      }) : () -> ()
    } else {
    }
    %eq3A_31 = arith.constant 1 : i32
    %eq3A_32 = arith.cmpi eq, %arg0, %eq3A_31 : i32
    %convert_element_type3A_33 = arith.extui %eq3A_32 : i1 to i32
    %cond3A_34 = arith.constant 0 : i32
    %cond3A_35 = arith.cmpi ne, %convert_element_type3A_33, %cond3A_34 : i32
    scf.if %cond3A_35 {
      "tpu.region"() ({
        %run_scoped3A = tpu.sem_alloc : memref<!tpu.dma_semaphore, #tpu.memory_space<semaphore_mem>>
        %dma_start3A = arith.constant 0 : i32
        %dma_start3A_36 = tpu.memref_slice %arg9[%mul3A_0, %dma_start3A] : memref<10240x128xf32, #tpu.memory_space<hbm>> -> memref<640x128xf32, #tpu.memory_space<hbm>>
        %dma_start3A_37 = arith.constant 0 : i32
        %dma_start3A_38 = tpu.memref_slice %arg15[%mul3A_0, %dma_start3A_37] : memref<10240x128xf32, #tpu.memory_space<vmem_shared>> -> memref<640x128xf32, #tpu.memory_space<vmem_shared>>
        tpu.enqueue_dma source(%dma_start3A_38 : memref<640x128xf32, #tpu.memory_space<vmem_shared>>) target(%dma_start3A_36 : memref<640x128xf32, #tpu.memory_space<hbm>>) target_semaphore(%run_scoped3A : memref<!tpu.dma_semaphore, #tpu.memory_space<semaphore_mem>>)
        %dma_wait3A = arith.constant 0 : i32
        %dma_wait3A_39 = tpu.memref_slice %arg9[%mul3A_0, %dma_wait3A] : memref<10240x128xf32, #tpu.memory_space<hbm>> -> memref<640x128xf32, #tpu.memory_space<hbm>>
        %dma_wait3A_40 = arith.constant 0 : i32
        %dma_wait3A_41 = tpu.memref_slice %arg15[%mul3A_0, %dma_wait3A_40] : memref<10240x128xf32, #tpu.memory_space<vmem_shared>> -> memref<640x128xf32, #tpu.memory_space<vmem_shared>>
        tpu.wait_dma2 semaphore(%run_scoped3A : memref<!tpu.dma_semaphore, #tpu.memory_space<semaphore_mem>>) src(%dma_wait3A_41 : memref<640x128xf32, #tpu.memory_space<vmem_shared>>) dst(%dma_wait3A_39 : memref<640x128xf32, #tpu.memory_space<hbm>>)
        tpu.yield
      }) : () -> ()
    } else {
    }
    return
  }
}

module attributes {stable_mosaic.version = 14 : i64} {
  func.func @_mm_body(%arg0: i32, %arg1: memref<2000x128xf32, #tpu.memory_space<vmem>>, %arg2: memref<128x128xf32, #tpu.memory_space<vmem>>, %arg3: memref<2000x128xf32, #tpu.memory_space<vmem>>) attributes {dimension_semantics = [#tpu.dimension_semantics<arbitrary>], iteration_bounds = array<i64: 5>, scalar_prefetch = 0 : i64, scratch_operands = 0 : i64, tpu.core_type = #tpu.core_type<tc>, window_params = [{transform_indices = @transform_0, window_bounds = array<i64: 2000, 128>}, {pipeline_mode = #tpu.pipeline_mode<synchronous>, transform_indices = @transform_1, window_bounds = array<i64: 128, 128>}, {transform_indices = @transform_2, window_bounds = array<i64: 2000, 128>}]} {
    %get3A = arith.constant 0 : index
    %get3A_0 = arith.constant 0 : index
    %get3A_1 = vector.load %arg1[%get3A, %get3A_0] : memref<2000x128xf32, #tpu.memory_space<vmem>>, vector<2000x128xf32>
    %get3A_2 = arith.constant 0 : index
    %get3A_3 = arith.constant 0 : index
    %get3A_4 = vector.load %arg2[%get3A_2, %get3A_3] : memref<128x128xf32, #tpu.memory_space<vmem>>, vector<128x128xf32>
    %dot_general3A = arith.constant dense<0.000000e+00> : vector<2000x128xf32>
    %dot_general3A_5 = tpu.matmul %get3A_1, %get3A_4, %dot_general3A {dimension_numbers = #tpu.dot_dimension_numbers<[1], [0], [0], [1], [0, 0, 1, 1], [], []>, transpose_lhs_hint = false} : vector<2000x128xf32>, vector<128x128xf32>, vector<2000x128xf32> -> vector<2000x128xf32>
    %swap3A = arith.constant 0 : index
    %swap3A_6 = arith.constant 0 : index
    %swap3A_7 = vector.load %arg3[%swap3A, %swap3A_6] : memref<2000x128xf32, #tpu.memory_space<vmem>>, vector<2000x128xf32>
    tpu.vector_store %arg3[%swap3A, %swap3A_6], %dot_general3A_5 {strides = array<i32>} : memref<2000x128xf32, #tpu.memory_space<vmem>>, vector<2000x128xf32>,
    return
  }
  func.func @transform_0(%arg0: i32) -> (i32, i32) {
    %c0_i32 = arith.constant 0 : i32
    %c0_i32_0 = arith.constant 0 : i32
    return %arg0, %c0_i32 : i32, i32
  }
  func.func @transform_1(%arg0: i32) -> (i32, i32) {
    %c0_i32 = arith.constant 0 : i32
    %c0_i32_0 = arith.constant 0 : i32
    %c0_i32_1 = arith.constant 0 : i32
    return %c0_i32, %c0_i32_0 : i32, i32
  }
  func.func @transform_2(%arg0: i32) -> (i32, i32) {
    %c0_i32 = arith.constant 0 : i32
    %c0_i32_0 = arith.constant 0 : i32
    return %arg0, %c0_i32 : i32, i32
  }
}

module attributes {stable_mosaic.version = 14 : i64} {
  func.func @_prescale_body(%arg0: i32, %arg1: memref<2000x128xf32, #tpu.memory_space<vmem>>, %arg2: memref<2000x1xf32, #tpu.memory_space<vmem>>, %arg3: memref<2000x1xf32, #tpu.memory_space<vmem>>, %arg4: memref<2000x128xf32, #tpu.memory_space<vmem>>, %arg5: memref<2000x128xf32, #tpu.memory_space<vmem>>) attributes {dimension_semantics = [#tpu.dimension_semantics<arbitrary>], iteration_bounds = array<i64: 5>, scalar_prefetch = 0 : i64, scratch_operands = 0 : i64, tpu.core_type = #tpu.core_type<tc>, window_params = [{transform_indices = @transform_0, window_bounds = array<i64: 2000, 128>}, {transform_indices = @transform_1, window_bounds = array<i64: 2000, 1>}, {transform_indices = @transform_2, window_bounds = array<i64: 2000, 1>}, {transform_indices = @transform_3, window_bounds = array<i64: 2000, 128>}, {transform_indices = @transform_4, window_bounds = array<i64: 2000, 128>}]} {
    %get3A = arith.constant 0 : index
    %get3A_0 = arith.constant 0 : index
    %get3A_1 = vector.load %arg1[%get3A, %get3A_0] : memref<2000x128xf32, #tpu.memory_space<vmem>>, vector<2000x128xf32>
    %get3A_2 = arith.constant 0 : index
    %get3A_3 = arith.constant 0 : index
    %get3A_4 = vector.load %arg2[%get3A_2, %get3A_3] : memref<2000x1xf32, #tpu.memory_space<vmem>>, vector<2000x1xf32>
    %gt3A = arith.constant 0.000000e+00 : f32
    %gt3A_5 = vector.broadcast %gt3A : f32 to vector<2000x1xf32>
    %gt3A_6 = arith.cmpf ogt, %get3A_4, %gt3A_5 : vector<2000x1xf32>
    %max3A = arith.constant 1.000000e+00 : f32
    %max3A_7 = vector.broadcast %max3A : f32 to vector<2000x1xf32>
    %max3A_8 = arith.maximumf %get3A_4, %max3A_7 : vector<2000x1xf32>
    %rsqrt3A = math.rsqrt %max3A_8 : vector<2000x1xf32>
    %jit3A = arith.constant 0.000000e+00 : f32
    %broadcast_in_dim3A = vector.broadcast %jit3A : f32 to vector<2000x1xf32>
    %select_n3A = arith.select %gt3A_6, %rsqrt3A, %broadcast_in_dim3A : vector<2000x1xi1>, vector<2000x1xf32>
    %mul3A = vector.broadcast %select_n3A : vector<2000x1xf32> to vector<2000x128xf32>
    %mul3A_9 = arith.mulf %get3A_1, %mul3A : vector<2000x128xf32>
    %swap3A = arith.constant 0 : index
    %swap3A_10 = arith.constant 0 : index
    %swap3A_11 = vector.load %arg4[%swap3A, %swap3A_10] : memref<2000x128xf32, #tpu.memory_space<vmem>>, vector<2000x128xf32>
    tpu.vector_store %arg4[%swap3A, %swap3A_10], %mul3A_9 {strides = array<i32>} : memref<2000x128xf32, #tpu.memory_space<vmem>>, vector<2000x128xf32>,
    %get3A_12 = arith.constant 0 : index
    %get3A_13 = arith.constant 0 : index
    %get3A_14 = vector.load %arg3[%get3A_12, %get3A_13] : memref<2000x1xf32, #tpu.memory_space<vmem>>, vector<2000x1xf32>
    %gt3A_15 = arith.constant 0.000000e+00 : f32
    %gt3A_16 = vector.broadcast %gt3A_15 : f32 to vector<2000x1xf32>
    %gt3A_17 = arith.cmpf ogt, %get3A_14, %gt3A_16 : vector<2000x1xf32>
    %max3A_18 = arith.constant 1.000000e+00 : f32
    %max3A_19 = vector.broadcast %max3A_18 : f32 to vector<2000x1xf32>
    %max3A_20 = arith.maximumf %get3A_14, %max3A_19 : vector<2000x1xf32>
    %rsqrt3A_21 = math.rsqrt %max3A_20 : vector<2000x1xf32>
    %jit3A_22 = arith.constant 0.000000e+00 : f32
    %broadcast_in_dim3A_23 = vector.broadcast %jit3A_22 : f32 to vector<2000x1xf32>
    %select_n3A_24 = arith.select %gt3A_17, %rsqrt3A_21, %broadcast_in_dim3A_23 : vector<2000x1xi1>, vector<2000x1xf32>
    %mul3A_25 = vector.broadcast %select_n3A_24 : vector<2000x1xf32> to vector<2000x128xf32>
    %mul3A_26 = arith.mulf %get3A_1, %mul3A_25 : vector<2000x128xf32>
    %swap3A_27 = arith.constant 0 : index
    %swap3A_28 = arith.constant 0 : index
    %swap3A_29 = vector.load %arg5[%swap3A_27, %swap3A_28] : memref<2000x128xf32, #tpu.memory_space<vmem>>, vector<2000x128xf32>
    tpu.vector_store %arg5[%swap3A_27, %swap3A_28], %mul3A_26 {strides = array<i32>} : memref<2000x128xf32, #tpu.memory_space<vmem>>, vector<2000x128xf32>,
    return
  }
  func.func @transform_0(%arg0: i32) -> (i32, i32) {
    %c0_i32 = arith.constant 0 : i32
    %c0_i32_0 = arith.constant 0 : i32
    return %arg0, %c0_i32 : i32, i32
  }
  func.func @transform_1(%arg0: i32) -> (i32, i32) {
    %c0_i32 = arith.constant 0 : i32
    %c0_i32_0 = arith.constant 0 : i32
    return %arg0, %c0_i32 : i32, i32
  }
  func.func @transform_2(%arg0: i32) -> (i32, i32) {
    %c0_i32 = arith.constant 0 : i32
    %c0_i32_0 = arith.constant 0 : i32
    return %arg0, %c0_i32 : i32, i32
  }
  func.func @transform_3(%arg0: i32) -> (i32, i32) {
    %c0_i32 = arith.constant 0 : i32
    %c0_i32_0 = arith.constant 0 : i32
    return %arg0, %c0_i32 : i32, i32
  }
  func.func @transform_4(%arg0: i32) -> (i32, i32) {
    %c0_i32 = arith.constant 0 : i32
    %c0_i32_0 = arith.constant 0 : i32
    return %arg0, %c0_i32 : i32, i32
  }
}

module attributes {stable_mosaic.version = 14 : i64} {
  func.func @_tc2_body(%arg0: i32, %arg1: memref<2000x128xf32, #tpu.memory_space<vmem>>, %arg2: memref<2000x128xf32, #tpu.memory_space<vmem>>, %arg3: memref<2000x1xf32, #tpu.memory_space<vmem>>, %arg4: memref<2000x1xf32, #tpu.memory_space<vmem>>, %arg5: memref<2000x1xf32, #tpu.memory_space<vmem>>, %arg6: memref<2000x1xf32, #tpu.memory_space<vmem>>, %arg7: memref<2xf32, #tpu.memory_space<smem>>, %arg8: memref<1x128xf32, #tpu.memory_space<vmem>>, %arg9: memref<128x64xf32, #tpu.memory_space<vmem>>, %arg10: memref<2000x64xf32, #tpu.memory_space<vmem>>, %arg11: memref<2000x64xf32, #tpu.memory_space<vmem>>) attributes {dimension_semantics = [#tpu.dimension_semantics<arbitrary>], iteration_bounds = array<i64: 5>, scalar_prefetch = 0 : i64, scratch_operands = 0 : i64, tpu.core_type = #tpu.core_type<tc>, window_params = [{transform_indices = @transform_0, window_bounds = array<i64: 2000, 128>}, {transform_indices = @transform_1, window_bounds = array<i64: 2000, 128>}, {transform_indices = @transform_2, window_bounds = array<i64: 2000, 1>}, {transform_indices = @transform_3, window_bounds = array<i64: 2000, 1>}, {transform_indices = @transform_4, window_bounds = array<i64: 2000, 1>}, {transform_indices = @transform_5, window_bounds = array<i64: 2000, 1>}, {transform_indices = @transform_6, window_bounds = array<i64: 2>}, {pipeline_mode = #tpu.pipeline_mode<synchronous>, transform_indices = @transform_7, window_bounds = array<i64: 1, 128>}, {pipeline_mode = #tpu.pipeline_mode<synchronous>, transform_indices = @transform_8, window_bounds = array<i64: 128, 64>}, {transform_indices = @transform_9, window_bounds = array<i64: 2000, 64>}, {transform_indices = @transform_10, window_bounds = array<i64: 2000, 64>}]} {
    %get3A = arith.constant 0 : index
    %get3A_0 = memref.load %arg7[%get3A] : memref<2xf32, #tpu.memory_space<smem>>
    %get3A_1 = arith.constant 1 : index
    %get3A_2 = memref.load %arg7[%get3A_1] : memref<2xf32, #tpu.memory_space<smem>>
    %get3A_3 = arith.constant 0 : index
    %get3A_4 = arith.constant 0 : index
    %get3A_5 = vector.load %arg1[%get3A_3, %get3A_4] : memref<2000x128xf32, #tpu.memory_space<vmem>>, vector<2000x128xf32>
    %get3A_6 = arith.constant 0 : index
    %get3A_7 = arith.constant 0 : index
    %get3A_8 = vector.load %arg4[%get3A_6, %get3A_7] : memref<2000x1xf32, #tpu.memory_space<vmem>>, vector<2000x1xf32>
    %gt3A = arith.constant 0.000000e+00 : f32
    %gt3A_9 = vector.broadcast %gt3A : f32 to vector<2000x1xf32>
    %gt3A_10 = arith.cmpf ogt, %get3A_8, %gt3A_9 : vector<2000x1xf32>
    %max3A = arith.constant 1.000000e+00 : f32
    %max3A_11 = vector.broadcast %max3A : f32 to vector<2000x1xf32>
    %max3A_12 = arith.maximumf %get3A_8, %max3A_11 : vector<2000x1xf32>
    %rsqrt3A = math.rsqrt %max3A_12 : vector<2000x1xf32>
    %jit3A = arith.constant 0.000000e+00 : f32
    %broadcast_in_dim3A = vector.broadcast %jit3A : f32 to vector<2000x1xf32>
    %select_n3A = arith.select %gt3A_10, %rsqrt3A, %broadcast_in_dim3A : vector<2000x1xi1>, vector<2000x1xf32>
    %mul3A = vector.broadcast %select_n3A : vector<2000x1xf32> to vector<2000x128xf32>
    %mul3A_13 = arith.mulf %get3A_5, %mul3A : vector<2000x128xf32>
    %mul3A_14 = vector.broadcast %get3A_0 : f32 to vector<2000x128xf32>
    %mul3A_15 = arith.mulf %mul3A_14, %mul3A_13 : vector<2000x128xf32>
    %get3A_16 = arith.constant 0 : index
    %get3A_17 = arith.constant 0 : index
    %get3A_18 = vector.load %arg2[%get3A_16, %get3A_17] : memref<2000x128xf32, #tpu.memory_space<vmem>>, vector<2000x128xf32>
    %get3A_19 = arith.constant 0 : index
    %get3A_20 = arith.constant 0 : index
    %get3A_21 = vector.load %arg6[%get3A_19, %get3A_20] : memref<2000x1xf32, #tpu.memory_space<vmem>>, vector<2000x1xf32>
    %gt3A_22 = arith.constant 0.000000e+00 : f32
    %gt3A_23 = vector.broadcast %gt3A_22 : f32 to vector<2000x1xf32>
    %gt3A_24 = arith.cmpf ogt, %get3A_21, %gt3A_23 : vector<2000x1xf32>
    %max3A_25 = arith.constant 1.000000e+00 : f32
    %max3A_26 = vector.broadcast %max3A_25 : f32 to vector<2000x1xf32>
    %max3A_27 = arith.maximumf %get3A_21, %max3A_26 : vector<2000x1xf32>
    %rsqrt3A_28 = math.rsqrt %max3A_27 : vector<2000x1xf32>
    %jit3A_29 = arith.constant 0.000000e+00 : f32
    %broadcast_in_dim3A_30 = vector.broadcast %jit3A_29 : f32 to vector<2000x1xf32>
    %select_n3A_31 = arith.select %gt3A_24, %rsqrt3A_28, %broadcast_in_dim3A_30 : vector<2000x1xi1>, vector<2000x1xf32>
    %mul3A_32 = vector.broadcast %select_n3A_31 : vector<2000x1xf32> to vector<2000x128xf32>
    %mul3A_33 = arith.mulf %get3A_18, %mul3A_32 : vector<2000x128xf32>
    %mul3A_34 = vector.broadcast %get3A_2 : f32 to vector<2000x128xf32>
    %mul3A_35 = arith.mulf %mul3A_34, %mul3A_33 : vector<2000x128xf32>
    %add3A = arith.addf %mul3A_15, %mul3A_35 : vector<2000x128xf32>
    %add3A_36 = arith.addf %get3A_0, %get3A_2 : f32
    %get3A_37 = arith.constant 0 : index
    %get3A_38 = arith.constant 0 : index
    %get3A_39 = vector.load %arg8[%get3A_37, %get3A_38] : memref<1x128xf32, #tpu.memory_space<vmem>>, vector<1x128xf32>
    %mul3A_40 = vector.broadcast %add3A_36 : f32 to vector<1x128xf32>
    %mul3A_41 = arith.mulf %mul3A_40, %get3A_39 : vector<1x128xf32>
    %add3A_42 = vector.broadcast %mul3A_41 : vector<1x128xf32> to vector<2000x128xf32>
    %add3A_43 = arith.addf %add3A, %add3A_42 : vector<2000x128xf32>
    %get3A_44 = arith.constant 0 : index
    %get3A_45 = arith.constant 0 : index
    %get3A_46 = vector.load %arg9[%get3A_44, %get3A_45] : memref<128x64xf32, #tpu.memory_space<vmem>>, vector<128x64xf32>
    %dot_general3A = arith.constant dense<0.000000e+00> : vector<2000x64xf32>
    %dot_general3A_47 = tpu.matmul %add3A_43, %get3A_46, %dot_general3A {dimension_numbers = #tpu.dot_dimension_numbers<[1], [0], [0], [1], [0, 0, 1, 1], [], []>, transpose_lhs_hint = false} : vector<2000x128xf32>, vector<128x64xf32>, vector<2000x64xf32> -> vector<2000x64xf32>
    %get3A_48 = arith.constant 0 : index
    %get3A_49 = arith.constant 0 : index
    %get3A_50 = vector.load %arg3[%get3A_48, %get3A_49] : memref<2000x1xf32, #tpu.memory_space<vmem>>, vector<2000x1xf32>
    %gt3A_51 = arith.constant 0.000000e+00 : f32
    %gt3A_52 = vector.broadcast %gt3A_51 : f32 to vector<2000x1xf32>
    %gt3A_53 = arith.cmpf ogt, %get3A_50, %gt3A_52 : vector<2000x1xf32>
    %max3A_54 = arith.constant 1.000000e+00 : f32
    %max3A_55 = vector.broadcast %max3A_54 : f32 to vector<2000x1xf32>
    %max3A_56 = arith.maximumf %get3A_50, %max3A_55 : vector<2000x1xf32>
    %rsqrt3A_57 = math.rsqrt %max3A_56 : vector<2000x1xf32>
    %jit3A_58 = arith.constant 0.000000e+00 : f32
    %broadcast_in_dim3A_59 = vector.broadcast %jit3A_58 : f32 to vector<2000x1xf32>
    %select_n3A_60 = arith.select %gt3A_53, %rsqrt3A_57, %broadcast_in_dim3A_59 : vector<2000x1xi1>, vector<2000x1xf32>
    %mul3A_61 = vector.broadcast %select_n3A_60 : vector<2000x1xf32> to vector<2000x64xf32>
    %mul3A_62 = arith.mulf %dot_general3A_47, %mul3A_61 : vector<2000x64xf32>
    %swap3A = arith.constant 0 : index
    %swap3A_63 = arith.constant 0 : index
    %swap3A_64 = vector.load %arg10[%swap3A, %swap3A_63] : memref<2000x64xf32, #tpu.memory_space<vmem>>, vector<2000x64xf32>
    tpu.vector_store %arg10[%swap3A, %swap3A_63], %mul3A_62 {strides = array<i32>} : memref<2000x64xf32, #tpu.memory_space<vmem>>, vector<2000x64xf32>,
    %get3A_65 = arith.constant 0 : index
    %get3A_66 = arith.constant 0 : index
    %get3A_67 = vector.load %arg5[%get3A_65, %get3A_66] : memref<2000x1xf32, #tpu.memory_space<vmem>>, vector<2000x1xf32>
    %gt3A_68 = arith.constant 0.000000e+00 : f32
    %gt3A_69 = vector.broadcast %gt3A_68 : f32 to vector<2000x1xf32>
    %gt3A_70 = arith.cmpf ogt, %get3A_67, %gt3A_69 : vector<2000x1xf32>
    %max3A_71 = arith.constant 1.000000e+00 : f32
    %max3A_72 = vector.broadcast %max3A_71 : f32 to vector<2000x1xf32>
    %max3A_73 = arith.maximumf %get3A_67, %max3A_72 : vector<2000x1xf32>
    %rsqrt3A_74 = math.rsqrt %max3A_73 : vector<2000x1xf32>
    %jit3A_75 = arith.constant 0.000000e+00 : f32
    %broadcast_in_dim3A_76 = vector.broadcast %jit3A_75 : f32 to vector<2000x1xf32>
    %select_n3A_77 = arith.select %gt3A_70, %rsqrt3A_74, %broadcast_in_dim3A_76 : vector<2000x1xi1>, vector<2000x1xf32>
    %mul3A_78 = vector.broadcast %select_n3A_77 : vector<2000x1xf32> to vector<2000x64xf32>
    %mul3A_79 = arith.mulf %dot_general3A_47, %mul3A_78 : vector<2000x64xf32>
    %swap3A_80 = arith.constant 0 : index
    %swap3A_81 = arith.constant 0 : index
    %swap3A_82 = vector.load %arg11[%swap3A_80, %swap3A_81] : memref<2000x64xf32, #tpu.memory_space<vmem>>, vector<2000x64xf32>
    tpu.vector_store %arg11[%swap3A_80, %swap3A_81], %mul3A_79 {strides = array<i32>} : memref<2000x64xf32, #tpu.memory_space<vmem>>, vector<2000x64xf32>,
    return
  }
  func.func @transform_0(%arg0: i32) -> (i32, i32) {
    %c0_i32 = arith.constant 0 : i32
    %c0_i32_0 = arith.constant 0 : i32
    return %arg0, %c0_i32 : i32, i32
  }
  func.func @transform_1(%arg0: i32) -> (i32, i32) {
    %c0_i32 = arith.constant 0 : i32
    %c0_i32_0 = arith.constant 0 : i32
    return %arg0, %c0_i32 : i32, i32
  }
  func.func @transform_2(%arg0: i32) -> (i32, i32) {
    %c0_i32 = arith.constant 0 : i32
    %c0_i32_0 = arith.constant 0 : i32
    return %arg0, %c0_i32 : i32, i32
  }
  func.func @transform_3(%arg0: i32) -> (i32, i32) {
    %c0_i32 = arith.constant 0 : i32
    %c0_i32_0 = arith.constant 0 : i32
    return %arg0, %c0_i32 : i32, i32
  }
  func.func @transform_4(%arg0: i32) -> (i32, i32) {
    %c0_i32 = arith.constant 0 : i32
    %c0_i32_0 = arith.constant 0 : i32
    return %arg0, %c0_i32 : i32, i32
  }
  func.func @transform_5(%arg0: i32) -> (i32, i32) {
    %c0_i32 = arith.constant 0 : i32
    %c0_i32_0 = arith.constant 0 : i32
    return %arg0, %c0_i32 : i32, i32
  }
  func.func @transform_6(%arg0: i32) -> i32 {
    %c0_i32 = arith.constant 0 : i32
    %c0_i32_0 = arith.constant 0 : i32
    return %c0_i32 : i32
  }
  func.func @transform_7(%arg0: i32) -> (i32, i32) {
    %c0_i32 = arith.constant 0 : i32
    %c0_i32_0 = arith.constant 0 : i32
    %c0_i32_1 = arith.constant 0 : i32
    return %c0_i32, %c0_i32_0 : i32, i32
  }
  func.func @transform_8(%arg0: i32) -> (i32, i32) {
    %c0_i32 = arith.constant 0 : i32
    %c0_i32_0 = arith.constant 0 : i32
    %c0_i32_1 = arith.constant 0 : i32
    return %c0_i32, %c0_i32_0 : i32, i32
  }
  func.func @transform_9(%arg0: i32) -> (i32, i32) {
    %c0_i32 = arith.constant 0 : i32
    %c0_i32_0 = arith.constant 0 : i32
    return %arg0, %c0_i32 : i32, i32
  }
  func.func @transform_10(%arg0: i32) -> (i32, i32) {
    %c0_i32 = arith.constant 0 : i32
    %c0_i32_0 = arith.constant 0 : i32
    return %arg0, %c0_i32 : i32, i32
  }
}

module attributes {stable_mosaic.version = 14 : i64} {
  func.func @_tc3_body(%arg0: i32, %arg1: memref<2000x64xf32, #tpu.memory_space<vmem>>, %arg2: memref<2000x64xf32, #tpu.memory_space<vmem>>, %arg3: memref<2000x1xf32, #tpu.memory_space<vmem>>, %arg4: memref<2000x1xf32, #tpu.memory_space<vmem>>, %arg5: memref<2xf32, #tpu.memory_space<smem>>, %arg6: memref<1x64xf32, #tpu.memory_space<vmem>>, %arg7: memref<2000x64xf32, #tpu.memory_space<vmem>>) attributes {dimension_semantics = [#tpu.dimension_semantics<arbitrary>], iteration_bounds = array<i64: 5>, scalar_prefetch = 0 : i64, scratch_operands = 0 : i64, tpu.core_type = #tpu.core_type<tc>, window_params = [{transform_indices = @transform_0, window_bounds = array<i64: 2000, 64>}, {transform_indices = @transform_1, window_bounds = array<i64: 2000, 64>}, {transform_indices = @transform_2, window_bounds = array<i64: 2000, 1>}, {transform_indices = @transform_3, window_bounds = array<i64: 2000, 1>}, {transform_indices = @transform_4, window_bounds = array<i64: 2>}, {pipeline_mode = #tpu.pipeline_mode<synchronous>, transform_indices = @transform_5, window_bounds = array<i64: 1, 64>}, {transform_indices = @transform_6, window_bounds = array<i64: 2000, 64>}]} {
    %get3A = arith.constant 0 : index
    %get3A_0 = memref.load %arg5[%get3A] : memref<2xf32, #tpu.memory_space<smem>>
    %get3A_1 = arith.constant 1 : index
    %get3A_2 = memref.load %arg5[%get3A_1] : memref<2xf32, #tpu.memory_space<smem>>
    %get3A_3 = arith.constant 0 : index
    %get3A_4 = arith.constant 0 : index
    %get3A_5 = vector.load %arg1[%get3A_3, %get3A_4] : memref<2000x64xf32, #tpu.memory_space<vmem>>, vector<2000x64xf32>
    %get3A_6 = arith.constant 0 : index
    %get3A_7 = arith.constant 0 : index
    %get3A_8 = vector.load %arg3[%get3A_6, %get3A_7] : memref<2000x1xf32, #tpu.memory_space<vmem>>, vector<2000x1xf32>
    %gt3A = arith.constant 0.000000e+00 : f32
    %gt3A_9 = vector.broadcast %gt3A : f32 to vector<2000x1xf32>
    %gt3A_10 = arith.cmpf ogt, %get3A_8, %gt3A_9 : vector<2000x1xf32>
    %max3A = arith.constant 1.000000e+00 : f32
    %max3A_11 = vector.broadcast %max3A : f32 to vector<2000x1xf32>
    %max3A_12 = arith.maximumf %get3A_8, %max3A_11 : vector<2000x1xf32>
    %rsqrt3A = math.rsqrt %max3A_12 : vector<2000x1xf32>
    %jit3A = arith.constant 0.000000e+00 : f32
    %broadcast_in_dim3A = vector.broadcast %jit3A : f32 to vector<2000x1xf32>
    %select_n3A = arith.select %gt3A_10, %rsqrt3A, %broadcast_in_dim3A : vector<2000x1xi1>, vector<2000x1xf32>
    %mul3A = vector.broadcast %select_n3A : vector<2000x1xf32> to vector<2000x64xf32>
    %mul3A_13 = arith.mulf %get3A_5, %mul3A : vector<2000x64xf32>
    %mul3A_14 = vector.broadcast %get3A_0 : f32 to vector<2000x64xf32>
    %mul3A_15 = arith.mulf %mul3A_14, %mul3A_13 : vector<2000x64xf32>
    %get3A_16 = arith.constant 0 : index
    %get3A_17 = arith.constant 0 : index
    %get3A_18 = vector.load %arg2[%get3A_16, %get3A_17] : memref<2000x64xf32, #tpu.memory_space<vmem>>, vector<2000x64xf32>
    %get3A_19 = arith.constant 0 : index
    %get3A_20 = arith.constant 0 : index
    %get3A_21 = vector.load %arg4[%get3A_19, %get3A_20] : memref<2000x1xf32, #tpu.memory_space<vmem>>, vector<2000x1xf32>
    %gt3A_22 = arith.constant 0.000000e+00 : f32
    %gt3A_23 = vector.broadcast %gt3A_22 : f32 to vector<2000x1xf32>
    %gt3A_24 = arith.cmpf ogt, %get3A_21, %gt3A_23 : vector<2000x1xf32>
    %max3A_25 = arith.constant 1.000000e+00 : f32
    %max3A_26 = vector.broadcast %max3A_25 : f32 to vector<2000x1xf32>
    %max3A_27 = arith.maximumf %get3A_21, %max3A_26 : vector<2000x1xf32>
    %rsqrt3A_28 = math.rsqrt %max3A_27 : vector<2000x1xf32>
    %jit3A_29 = arith.constant 0.000000e+00 : f32
    %broadcast_in_dim3A_30 = vector.broadcast %jit3A_29 : f32 to vector<2000x1xf32>
    %select_n3A_31 = arith.select %gt3A_24, %rsqrt3A_28, %broadcast_in_dim3A_30 : vector<2000x1xi1>, vector<2000x1xf32>
    %mul3A_32 = vector.broadcast %select_n3A_31 : vector<2000x1xf32> to vector<2000x64xf32>
    %mul3A_33 = arith.mulf %get3A_18, %mul3A_32 : vector<2000x64xf32>
    %mul3A_34 = vector.broadcast %get3A_2 : f32 to vector<2000x64xf32>
    %mul3A_35 = arith.mulf %mul3A_34, %mul3A_33 : vector<2000x64xf32>
    %add3A = arith.addf %mul3A_15, %mul3A_35 : vector<2000x64xf32>
    %add3A_36 = arith.addf %get3A_0, %get3A_2 : f32
    %get3A_37 = arith.constant 0 : index
    %get3A_38 = arith.constant 0 : index
    %get3A_39 = vector.load %arg6[%get3A_37, %get3A_38] : memref<1x64xf32, #tpu.memory_space<vmem>>, vector<1x64xf32>
    %mul3A_40 = vector.broadcast %add3A_36 : f32 to vector<1x64xf32>
    %mul3A_41 = arith.mulf %mul3A_40, %get3A_39 : vector<1x64xf32>
    %add3A_42 = vector.broadcast %mul3A_41 : vector<1x64xf32> to vector<2000x64xf32>
    %add3A_43 = arith.addf %add3A, %add3A_42 : vector<2000x64xf32>
    %swap3A = arith.constant 0 : index
    %swap3A_44 = arith.constant 0 : index
    %swap3A_45 = vector.load %arg7[%swap3A, %swap3A_44] : memref<2000x64xf32, #tpu.memory_space<vmem>>, vector<2000x64xf32>
    tpu.vector_store %arg7[%swap3A, %swap3A_44], %add3A_43 {strides = array<i32>} : memref<2000x64xf32, #tpu.memory_space<vmem>>, vector<2000x64xf32>,
    return
  }
  func.func @transform_0(%arg0: i32) -> (i32, i32) {
    %c0_i32 = arith.constant 0 : i32
    %c0_i32_0 = arith.constant 0 : i32
    return %arg0, %c0_i32 : i32, i32
  }
  func.func @transform_1(%arg0: i32) -> (i32, i32) {
    %c0_i32 = arith.constant 0 : i32
    %c0_i32_0 = arith.constant 0 : i32
    return %arg0, %c0_i32 : i32, i32
  }
  func.func @transform_2(%arg0: i32) -> (i32, i32) {
    %c0_i32 = arith.constant 0 : i32
    %c0_i32_0 = arith.constant 0 : i32
    return %arg0, %c0_i32 : i32, i32
  }
  func.func @transform_3(%arg0: i32) -> (i32, i32) {
    %c0_i32 = arith.constant 0 : i32
    %c0_i32_0 = arith.constant 0 : i32
    return %arg0, %c0_i32 : i32, i32
  }
  func.func @transform_4(%arg0: i32) -> i32 {
    %c0_i32 = arith.constant 0 : i32
    %c0_i32_0 = arith.constant 0 : i32
    return %c0_i32 : i32
  }
  func.func @transform_5(%arg0: i32) -> (i32, i32) {
    %c0_i32 = arith.constant 0 : i32
    %c0_i32_0 = arith.constant 0 : i32
    %c0_i32_1 = arith.constant 0 : i32
    return %c0_i32, %c0_i32_0 : i32, i32
  }
  func.func @transform_6(%arg0: i32) -> (i32, i32) {
    %c0_i32 = arith.constant 0 : i32
    %c0_i32_0 = arith.constant 0 : i32
    return %arg0, %c0_i32 : i32, i32
  }
}

</mosaic_0001>

<sc_bundles>
// kernel: kernel.12.cloned.1.call-start
scs
__scs_entry_jumppad:
0x0: {  	(pc) =	sbr.rel $0x88, $3  }
0x1: {  	(tag) =	ssettag $0x0;
	lr =	simm.s32 $0x1  }
0x2: {  	[smem:$0x3F99] =	sst lr;
	_ =	strace $0xD0000000  }
0x3: {  	_ = 	snop  }
0x4: {  	_ = 	snop  }
0x5: {  	_ = 	snop  }
0x6: {  	_ = 	snop  }
0x7: {  	_ = 	snop  }
__scs_overlays_trampoline_lowered:
0x8: {  	[smem:$0x3FA8] =	sst s0  }
0x9: {  	[smem:$0x3FA9] =	sst s1  }
0xa: {  	[smem:$0x3FAA] =	sst s2  }
0xb: {  	[smem:$0x3FAB] =	sst s3  }
0xc: {  	[smem:$0x3FAC] =	sst s4  }
0xd: {  	[smem:$0x3FAD] =	sst s5  }
0xe: {  	[smem:$0x3FAE] =	sst s6  }
0xf: {  	[smem:$0x3FAF] =	sst s7  }
0x10: {  	[smem:$0x3FB0] =	sst s8  }
0x11: {  	[smem:$0x3FB1] =	sst s9;
	s0 =	simm.s32 @!p0 $0x0  }
0x12: {  	s1 =	sld [smem:$0x3F97];
	s0 =	simm.s32 @p0 $0x1  }
0x13: {  	[smem:$0x3FB2] =	sst s0;
	s0 =	simm.s32 @!p1 $0x0  }
0x14: {  	s2 =	sld [smem:$0x3F96];
	s0 =	simm.s32 @p1 $0x1  }
0x15: {  	[smem:$0x3FB3] =	sst s0;
	s0 =	simm.s32 @!p2 $0x0  }
0x16: {  	s3 =	sld [smem:$0x3FDB];
	s0 =	simm.s32 @p2 $0x1  }
0x17: {  	s4 =	simm.s32 $0x1BF5;
	[smem:$0x3FB5] =	sst s0  }
0x18: {  	s0 =	sld [smem:$0x3F98];
	_ =	swait.ge [sflag:s4], $0x0  }
0x19: {  	s7 =	sld [smem:$0x3F99]  }
0x1a: {  	s8 =	sadd.s32 $0xFFFFE003, lr  }
0x1b: {  	s9 =	sadd.s32 $0xFFFFFEF7, lr;
	s5 =	simm.s32 $0xFFFFFFFF;
	p2 =	slt.u32 s8, $0xFFFFF086  }
0x1c: {  	p1 =	slt.u32 s9, $0xF7A;
	s5 =	simm.s32 @!p2 $0x0  }
0x1d: {  	s5 =	simm.s32 @p1 $0x1;
	p0 =	seq.s32 s7, s2  }
0x1e: {  	s7 =	smul.u32 @!p0 $0xF7A, s2;
	p2 =	seq.s32 @!p0 s5, $0x0  }
0x1f: {  	s9 =	smul.u32 $0xF7A, s1;
	s8 =	simm.s32 @!p0 $0x1BF5;
	p2 =	por !p2, p0  }
0x20: {  	[sflag:s8] =	ssyncset.s32 @!p0 $0xFFFFF086;
	s6 =	sadd.s32 @!p0 s3, s7;
	s7 =	simm.s32 @!p0 $0x108  }
0x21: {  	s3 =	sadd.s32 s3, s9;
	s6 =	sadd.s32 @!p0 $0x88, s6;
	s7 =	simm.s32 @p2 $0x1082  }
0x22: {  	[simem:s7], [sflag:s8] =	dma.local @!p0 [hbm:s6], $0xF7A  }
0x23: {  	s9 =	sor.u32 $0xD0000000, s2;
	s6 =	simm.s32 $0x108;
	_ =	swait.ge @!p0 [sflag:s8], $0x0  }
0x24: {  	s3 =	sadd.s32 $0x88, s3;
	s6 =	simm.s32 @!p1 $0x1082;
	[sflag:s4] =	ssyncset.s32 $0xFFFFF086  }
0x25: {  	[simem:s6], [sflag:s4] =	dma.local [hbm:s3], $0xF7A  }
0x26: {  	[smem:$0x3F99] =	sst s1;
	(tag) =	ssettag s2;
	_ =	strace s9  }
0x27: {  	s1 =	sld [smem:$0x3FA9]  }
0x28: {  	s2 =	sld [smem:$0x3FAA]  }
0x29: {  	s4 =	sld [smem:$0x3FAC]  }
0x2a: {  	p0 =	seq.s32 s5, $0x0;
	s5 =	sld [smem:$0x3FAD]  }
0x2b: {  	s6 =	sld [smem:$0x3FAE]  }
0x2c: {  	s7 =	sld [smem:$0x3FAF]  }
0x2d: {  	s3 =	simm.s32 $0x108;
	s8 =	sld [smem:$0x3FB0]  }
0x2e: {  	s3 =	simm.s32 @!p0 $0x1082;
	s9 =	sld [smem:$0x3FB1]  }
0x2f: {  	lr =	sadd.s32 s0, s3;
	s0 =	sld [smem:$0x3FA8]  }
0x30: {  	s3 =	sld [smem:$0x3FAB]  }
0x31: {  	[smem:$0x3FB4] =	sst s10  }
0x32: {  	s10 =	sld [smem:$0x3FB2];
	_ =	sdelay $0x3  }
0x33: {  	p0 =	seq.s32 s10, $0x1;
	s10 =	sld [smem:$0x3FB4];
	_ =	sdelay $0x3  }
0x34: {  	[smem:$0x3FB4] =	sst s10  }
0x35: {  	s10 =	sld [smem:$0x3FB3];
	_ =	sdelay $0x3  }
0x36: {  	p1 =	seq.s32 s10, $0x1;
	s10 =	sld [smem:$0x3FB4];
	_ =	sdelay $0x3  }
0x37: {  	[smem:$0x3FB4] =	sst s10  }
0x38: {  	s10 =	sld [smem:$0x3FB5]  }
0x39: {  	_ = 	snop;
	(pc) =	sbr.ind lr, $3  }
0x3a: {  	_ = 	snop  }
0x3b: {  	_ = 	snop  }
0x3c: {  	p2 =	seq.s32 s10, $0x1;
	s10 =	sld [smem:$0x3FB4]  }
0x3d: {  	_ =	shalt  }
0x3e: {  	_ =	shalt  }
0x3f: {  	_ =	shalt  }
0x40: {  	_ =	shalt  }
0x41: {  	_ =	shalt  }
0x42: {  	_ =	shalt  }
0x43: {  	_ =	shalt  }
0x44: {  	_ =	shalt  }
0x45: {  	_ =	shalt  }
0x46: {  	_ =	shalt  }
0x47: {  	_ =	shalt  }
0x48: {  	_ =	shalt  }
0x49: {  	_ =	shalt  }
0x4a: {  	_ =	shalt  }
0x4b: {  	_ =	shalt  }
0x4c: {  	_ =	shalt  }
0x4d: {  	_ =	shalt  }
0x4e: {  	_ =	shalt  }
0x4f: {  	_ =	shalt  }
0x50: {  	_ =	shalt  }
0x51: {  	_ =	shalt  }
0x52: {  	_ =	shalt  }
0x53: {  	_ =	shalt  }
0x54: {  	_ =	shalt  }
0x55: {  	_ =	shalt  }
0x56: {  	_ =	shalt  }
0x57: {  	_ =	shalt  }
0x58: {  	_ =	shalt  }
0x59: {  	_ =	shalt  }
0x5a: {  	_ =	shalt  }
0x5b: {  	_ =	shalt  }
0x5c: {  	_ =	shalt  }
0x5d: {  	_ =	shalt  }
0x5e: {  	_ =	shalt  }
0x5f: {  	_ =	shalt  }
0x60: {  	_ =	shalt  }
0x61: {  	_ =	shalt  }
0x62: {  	_ =	shalt  }
0x63: {  	_ =	shalt  }
0x64: {  	_ =	shalt  }
0x65: {  	_ =	shalt  }
0x66: {  	_ =	shalt  }
0x67: {  	_ =	shalt  }
0x68: {  	_ =	shalt  }
0x69: {  	_ =	shalt  }
0x6a: {  	_ =	shalt  }
0x6b: {  	_ =	shalt  }
0x6c: {  	_ =	shalt  }
0x6d: {  	_ =	shalt  }
0x6e: {  	_ =	shalt  }
0x6f: {  	_ =	shalt  }
0x70: {  	_ =	shalt  }
0x71: {  	_ =	shalt  }
0x72: {  	_ =	shalt  }
0x73: {  	_ =	shalt  }
0x74: {  	_ =	shalt  }
0x75: {  	_ =	shalt  }
0x76: {  	_ =	shalt  }
0x77: {  	_ =	shalt  }
0x78: {  	_ =	shalt  }
0x79: {  	_ =	shalt  }
0x7a: {  	_ =	shalt  }
0x7b: {  	_ =	shalt  }
0x7c: {  	_ =	shalt  }
0x7d: {  	_ =	shalt  }
0x7e: {  	_ =	shalt  }
0x7f: {  	_ =	shalt  }
0x80: {  	_ =	shalt  }
0x81: {  	_ =	shalt  }
0x82: {  	_ =	shalt  }
0x83: {  	_ =	shalt  }
0x84: {  	_ =	shalt  }
0x85: {  	_ =	shalt  }
0x86: {  	_ =	shalt  }
0x87: {  	_ =	shalt  }
.Lfunc_end0:
.L_simem_size_0:
called_computation.1_lowered:
.L_overlay_start_0:
0x88: {  	s2 =	sld [smem:$0x3FD9]  }
0x89: {  	s3 =	sld [smem:$0x3FFE];
	_ =	sdelay $0x1  }
0x8a: {  	s1 =	srdreg.scid  }
0x8b: {  	s0 =	sand.u32 $0x1, s1  }
0x8c: {  	s17 =	sshll.u32 s0, $0xA;
	s2 =	sadd.s32 s3, s2  }
0x8d: {  	s2 =	sadd.s32 s2, s17  }
0x8e: {  	[smem:$0x3FC0] =	sst s2  }
0x8f: {  	_ = 	snop  }
0x90: {  	s2 =	sld [smem:$0x3FD0];
	(tm) =	ssettm $0x1  }
0x91: {  	s18 =	sld [smem:$0x3FFB];
	_ =	sdelay $0x3  }
0x92: {  	_ =	strace s18  }
0x93: {  	s3 =	sld [smem:$0x3FFC];
	_ =	sdelay $0x3  }
0x94: {  	_ =	strace s3  }
0x95: {  	s3 =	sld [smem:$0x3FFD];
	_ =	sdelay $0x3  }
0x96: {  	_ =	strace s3  }
0x97: {  	_ =	strace $0x8FFFFFFF  }
0x98: {  	s19 =	sld [smem:$0x3FDB];
	_ =	sdelay $0x1  }
0x99: {  	s4 =	simm.s32 $_scs_section_size  }
0x9a: {  	s5 =	simm.s32 $_size__tile_overlayer_lowered;
	s6 =	simm.s32 $_tile_overlayer_lowered  }
0x9b: {  	s22 =	simm.s32 $0x1BFF;
	s21 =	sshll.u32 s6, $0x1;
	s3 =	sadd.s32 s4, s19  }
0x9c: {  	s7 =	simm.s32 $0x0;
	s20 =	sshll.u32 s5, $0x1;
	s5 =	sadd.s32 s21, s3  }
0x9d: {  	[timem:s7], [sflag:s22] =	dma.local [hbm:s5], s20  }
0x9e: {  	_ =	swait.ge [sflag:s22], s20  }
0x9f: {  	s4 =	ssub.s32 $0x0, s20;
	[sflag:s22] =	ssyncset.done $0x0  }
0xa0: {  	[sflag:s22] =	ssyncadd.s32 s4;
	_ =	sdelay $0x1  }
0xa1: {  	s23 =	simm.s32 $0x1B8B  }
0xa2: {  	_ =	swait.ge [sflag:s23], $0x1  }
0xa3: {  	[sflag:s23] =	ssyncset.done $0x0  }
0xa4: {  	s25 =	simm.s32 $0x1B8E;
	s24 =	sld [smem:$0x3FFE];
	[sflag:s23] =	ssyncadd.s32 $0xFFFFFFFF  }
0xa5: {  	s26 =	simm.s32 $execute0_lowered;
	[smem:$0x3FD2] =	sst s25  }
0xa6: {  	s5 =	sshll.u32 s26, $0x1;
	_ =	strace $0x80000049;
	[dreg:$0x1] =	wrdreg $0xFFFFFFFF  }
0xa7: {  	s28 =	simm.s32 $_size_execute0_lowered;
	s3 =	sadd.s32 s3, s5;
	[dreg:$0x0] =	wrdreg $0x0  }
0xa8: {  	s5 =	sshll.u32 s28, $0x1;
	[dreg:$0x2] =	wrdreg s3  }
0xa9: {  	[dreg:$0x3] =	wrdreg s5  }
0xaa: {  	[dreg:$0x4] =	wrdreg $0xC0  }
0xab: {  	_ =	task [dreg:s7], $0x5FFFF  }
0xac: {  	[dreg:$0x1] =	wrdreg $0xFFFFFFFF  }
0xad: {  	[dreg:$0x0] =	wrdreg $0x60  }
0xae: {  	[dreg:$0x2] =	wrdreg s24  }
0xaf: {  	[dreg:$0x3] =	wrdreg s2  }
0xb0: {  	[dreg:$0x4] =	wrdreg $0xB8000  }
0xb1: {  	[dreg:$0x5] =	wrdreg $0x9  }
0xb2: {  	_ =	task.clear_ibuf [dreg:s7], $0x6FFFF;
	_ =	strace $0x90000049  }
0xb3: {  	s29 =	simm.s32 $0x9;
	_ =	strace $0x8000004B  }
0xb4: {  	_ =	swait.ge [sflag:s29], $0x1  }
0xb5: {  	[sflag:s29] =	ssyncadd.s32 $0xFFFFFFFF  }
0xb6: {  	_ =	strace $0x9000004B  }
0xb7: {  	_ =	sfence  }
0xb8: {  	s30 =	sld [smem:$0x0];
	_ =	sdelay $0x2  }
0xb9: {  	s31 =	sshll.u32 s1, $0xD;
	s1 =	sshrl.u32 s1, $0x2  }
0xba: {  	s3 =	sand.u32 $0x4000, s31;
	s1 =	sadd.s32 s1, s30  }
0xbb: {  	s0 =	sor.u32 s3, s0;
	s1 =	sshll.u32 s1, $0x11  }
0xbc: {  	s0 =	sor.u32 s1, s0  }
0xbd: {  	s0 =	sadd.s32 $0x8F2B, s0  }
0xbe: {  	[sflag:s0] =	ssyncadd.remote.s32 $0x1  }
0xbf: {  	_ =	sfence.sel $0xFFFF  }
0xc0: {  	[dreg:$0x0] =	wrdreg $0xFFFFFFFF;
	(pc) =	sbr.abs _section_cstart, $3  }
0xc1: {  	[dreg:$0x1] =	wrdreg $0xFFFFFFFF  }
0xc2: {  	_ =	task.clear_ibuf [dreg:s7], $0x2FFFF;
	_ =	strace $0x9FFFFFFF  }
0xc3: {  	(tm) =	ssettm $0x7FFFFFFF  }
tec
execute0_lowered:
.L_overlay_start_1:
0x0: {  	(tag) =	ssettag $0x1  }
0x1: {  	s0 =	rddreg [dreg:$0x0]  }
0x2: {  	s5 =	rddreg [dreg:$0x1]  }
0x3: {  	s1 =	rddreg [dreg:$0x2]  }
0x4: {  	s2 =	simm.s32 $0x0;
	s8 =	srdreg.scid;
	s14 =	stileid.u32  }
0x5: {  	[smem:$0x7FF] =	sst s2;
	s3 =	sadd.s32 $0x63E00, s0;
	s24 =	smul.u32 $0x50000, s14  }
0x6: {  	s4 =	sadd.s32 $0x8BE00, s0;
	s6 =	sadd.s32 $0xD600, s0;
	s11 =	smul.u32 $0x2800, s14  }
0x7: {  	s7 =	sadd.s32 $0x3600, s0;
	s9 =	sadd.s32 $0x8600, s0;
	s13 =	smul.u32 $0x500, s14  }
0x8: {  	s10 =	sadd.s32 $0xB3E00, s0;
	s0 =	sadd.s32 $0xDBE00, s0;
	s28 =	smul.u32 $0x14000, s14  }
0x9: {  	_ =	strace $0x8000004A;
	[dreg:$0x4] =	wrdreg s10;
	s10 =	sand.u32 $0x1, s8  }
0xa: {  	[dreg:$0x5] =	wrdreg s0;
	s25 =	ssub.s32 $0x2, s10;
	s8 =	sshrl.u32 s24, $0x2  }
0xb: {  	s11 =	sshrl.u32 s11, $0x3;
	s26 =	sadd.s32 s9, s13;
	s29 =	sadd.s32 s5, s13  }
0xc: {  	s14 =	sshrl.u32 s28, $0x3;
	s15 =	sadd.s32 s28, s1;
	[dreg:$0x6] =	wrdreg s26  }
0xd: {  	s16 =	sadd.s32 s6, s13;
	s17 =	sadd.s32 s7, s13;
	[dreg:$0x7] =	wrdreg s29  }
0xe: {  	p0 =	sne.s32 s10, $0x0;
	s13 =	simm.s32 $0x80;
	[dreg:$0xa] =	wrdreg s14  }
0xf: {  	s12 =	sshrl.u32 s25, $0x1;
	s11 =	sadd.s32 $0x280, s11;
	[dreg:$0xb] =	wrdreg s16  }
0x10: {  	s8 =	sadd.s32 s8, s1;
	[dreg:$0xc] =	wrdreg s17;
	s9 =	sadd.s32 s9, s11  }
0x11: {  	s16 =	simm.s32 $0x1;
	s5 =	sadd.s32 s5, s11;
	[dreg:$0x8] =	wrdreg s9  }
0x12: {  	s17 =	simm.s32 $0x3;
	s6 =	sadd.s32 s6, s11;
	[dreg:$0x9] =	wrdreg s5  }
0x13: {  	s0 =	ssub.s32 s25, s12;
	s18 =	sadd.s32 s7, s11;
	[dreg:$0xd] =	wrdreg s6  }
0x14: {  	s19 =	sadd.s32 $0x1000, s8;
	s20 =	sadd.s32 $0x2000, s8;
	[dreg:$0xe] =	wrdreg s18  }
0x15: {  	s21 =	sadd.s32 $0x3000, s8;
	s22 =	sadd.s32 $0x4000, s8;
	[dreg:$0x10] =	wrdreg s19  }
0x16: {  	s23 =	sadd.s32 $0x5000, s8;
	s24 =	sadd.s32 $0x6000, s8;
	[dreg:$0x11] =	wrdreg s20  }
0x17: {  	s25 =	sshrl.u32 s15, $0x3;
	s26 =	sadd.s32 $0x7000, s8;
	[dreg:$0x12] =	wrdreg s21  }
0x18: {  	s28 =	sadd.s32 $0x8000, s8;
	s29 =	sadd.s32 $0x9000, s8;
	[dreg:$0x13] =	wrdreg s22  }
0x19: {  	s30 =	sadd.s32 $0xA000, s8;
	s31 =	sadd.s32 $0xB000, s8;
	[dreg:$0x14] =	wrdreg s23  }
0x1a: {  	s7 =	sadd.s32 $0xE000, s8;
	s10 =	sadd.s32 $0x10000, s8;
	[dreg:$0x15] =	wrdreg s24  }
0x1b: {  	s11 =	sadd.s32 $0x11000, s8;
	s12 =	sadd.s32 $0x12000, s8;
	[dreg:$0x16] =	wrdreg s25  }
0x1c: {  	s14 =	sadd.s32 $0x13000, s8;
	s15 =	simm.s32 $0xA800;
	[dreg:$0x17] =	wrdreg s26  }
.Ltmp0:
0x1d: {  	s0 =	smax.u32 s0, $0x1;
	[dreg:$0x18] =	wrdreg s28;
	(pc) =	sbr.rel .LBB2_1-.Ltmp0, $4  }
0x1e: {  	[dreg:$0x19] =	wrdreg s29;
	s6 =	sadd.s32 $0xD000, s8;
	s9 =	sadd.s32 $0xF000, s8  }
0x1f: {  	s5 =	simm.s32 $0x1400;
	s18 =	simm.s32 $0x2800;
	s19 =	simm.s32 $0x6800  }
0x20: {  	s20 =	simm.s32 $0x2;
	s21 =	simm.s32 $0x1380;
	s22 =	simm.s32 $0x2700  }
0x21: {  	v0 =	vimm.f32 $0.0e+00;
	s23 =	simm.s32 $0x2780;
	[dreg:$0xf] =	wrdreg s0;
	s0 =	sadd.s32 $0xC000, s8  }
.LBB2_13:
0x22: {  	s25 =	sadd.s32 $0x80, s24;
	[sflag:s17] =	ssyncadd.s32 $0xFFFFC000  }
0x23: {  	[tilespmem:s19], [sflag:$0x2] =	stream.indirect.gather [hbm4b:s4+s13], $0x80, s25, s13, $0xb8;
	[tilespmem:$0x1F800] =	vst v63  }
0x24: {  	_ =	swait.ge [sflag:s16], $0x4000  }
0x25: {  	[sflag:s16] =	ssyncset.done $0x0  }
0x26: {  	s26 =	sadd.s32 $0x1400, s24;
	[sflag:s16] =	ssyncadd.s32 $0xFFFFC000  }
0x27: {  	[spmem:s1] =	stream.indirect.scatter.add.f32 [tilespmem:s18], [sflag:$0x3], $0x80, s26, s13, $0xb8;
	[tilespmem:$0x1F800] =	vst v63  }
0x28: {  	_ =	swait.ge [sflag:s17], $0x4000  }
0x29: {  	[sflag:s17] =	ssyncset.done $0x0  }
0x2a: {  	s28 =	sadd.s32 $0x100, s24;
	[sflag:s17] =	ssyncadd.s32 $0xFFFFC000  }
0x2b: {  	[tilespmem:s18], [sflag:$0x1] =	stream.indirect.gather [hbm4b:s4+s13], $0x80, s28, s13, $0xb8;
	[tilespmem:$0x1F800] =	vst v63  }
0x2c: {  	_ =	swait.ge [sflag:s20], $0x4000  }
0x2d: {  	[sflag:s20] =	ssyncset.done $0x0  }
0x2e: {  	s29 =	sadd.s32 $0x1480, s24;
	[sflag:s20] =	ssyncadd.s32 $0xFFFFC000  }
0x2f: {  	[spmem:s1] =	stream.indirect.scatter.add.f32 [tilespmem:s19], [sflag:$0x3], $0x80, s29, s13, $0xb8;
	[tilespmem:$0x1F800] =	vst v63  }
0x30: {  	_ =	swait.ge [sflag:s17], $0x4000  }
0x31: {  	[sflag:s17] =	ssyncset.done $0x0  }
0x32: {  	s24 =	rddreg [dreg:$0x5];
	[sflag:s17] =	ssyncadd.s32 $0xFFFFC000  }
0x33: {  	[tilespmem:s19], [sflag:$0x2] =	stream.indirect.gather [hbm4b:s4+s13], $0x80, s21, s13, $0xb8;
	[tilespmem:$0x1F800] =	vst v63  }
.LBB2_14:
0x34: {  	_ =	swait.ge [sflag:s16], $0x4000  }
0x35: {  	[sflag:s16] =	ssyncset.done $0x0  }
0x36: {  	[sflag:s16] =	ssyncadd.s32 $0xFFFFC000  }
0x37: {  	[spmem:s1] =	stream.indirect.scatter.add.f32 [tilespmem:s18], [sflag:$0x3], $0x80, s22, s13, $0xb8;
	[tilespmem:$0x1F800] =	vst v63  }
0x38: {  	_ =	swait.ge [sflag:s17], $0x4000  }
0x39: {  	[sflag:s17] =	ssyncset.done $0x0  }
0x3a: {  	[sflag:s17] =	ssyncadd.s32 $0xFFFFC000  }
0x3b: {  	_ =	swait.ge [sflag:s20], $0x4000  }
0x3c: {  	[sflag:s20] =	ssyncset.done $0x0  }
0x3d: {  	[sflag:s20] =	ssyncadd.s32 $0xFFFFC000  }
0x3e: {  	[spmem:s1] =	stream.indirect.scatter.add.f32 [tilespmem:s19], [sflag:$0x3], $0x80, s23, s13, $0xb8;
	[tilespmem:$0x1F800] =	vst v63  }
0x3f: {  	_ =	swait.ge [sflag:s17], $0x4000  }
0x40: {  	[sflag:s17] =	ssyncset.done $0x0  }
0x41: {  	s25 =	stileid.u32;
	[sflag:s17] =	ssyncadd.s32 $0xFFFFC000  }
0x42: {  	s25 =	sshll.u32 s25, $0x6;
	s26 =	rddreg [dreg:$0xa];
	[bflag:$0x0] =	sbarrier.arrive $0xFFFF  }
0x43: {  	s25 =	sor.u32 $0x1C03, s25;
	s24 =	sadd.s32 s24, s26;
	s28 =	rddreg [dreg:$0x16]  }
0x44: {  	[hbm:s24], [sflag:s25] =	dma.local [spmem:s28], $0x2800  }
0x45: {  	_ =	swait.ge [sflag:s17], $0x2800  }
0x46: {  	s2 =	sadd.s32 $0x1, s2;
	s29 =	rddreg [dreg:$0xf]  }
0x47: {  	p1 =	sne.s32 s2, s29  }
.Ltmp1:
0x48: {  	_ = 	snop;
	(pc) =	sbr.rel @!p1 .LBB2_15-.Ltmp1, $3  }
0x49: {  	_ =	sdelay $0x1  }
0x4a: {  	[sflag:s17] =	ssyncset.done $0x0  }
0x4b: {  	[sflag:s17] =	ssyncadd.s32 $0xFFFFD800  }
.LBB2_1:
0x4c: {  	s24 =	simm.s32 $0x0;
	s25 =	simm.s32 $0x200  }
.LBB2_2:
0x4d: {  	p1 =	sne.s32 s25, $0x3E00;
	[tilespmem:s24+$0xA870] =	vst v0  }
0x4e: {  	[tilespmem:s24+$0xA800] =	vst v0  }
0x4f: {  	[tilespmem:s24+$0xA810] =	vst v0  }
.Ltmp2:
0x50: {  	[tilespmem:s24+$0xA820] =	vst v0;
	(pc) =	sbr.rel @p1 .LBB2_2-.Ltmp2, $4  }
0x51: {  	[tilespmem:s24+$0xA830] =	vst v0  }
0x52: {  	[tilespmem:s24+$0xA840] =	vst v0  }
0x53: {  	[tilespmem:s24+$0xA850] =	vst v0  }
0x54: {  	[tilespmem:s24+$0xA860] =	vst v0;
	s24 =	sshra.s32 s25, $0x2;
	s25 =	sadd.s32 $0x200, s25  }
0x55: {  	[tilespmem:s24+$0xA870] =	vst v0  }
0x56: {  	[tilespmem:s24+$0xA800] =	vst v0  }
0x57: {  	[tilespmem:s24+$0xA810] =	vst v0  }
0x58: {  	[tilespmem:s24+$0xA820] =	vst v0  }
0x59: {  	[tilespmem:s24+$0xA830] =	vst v0  }
0x5a: {  	[tilespmem:s24+$0xA840] =	vst v0  }
0x5b: {  	[tilespmem:s24+$0xA850] =	vst v0  }
0x5c: {  	[tilespmem:s24+$0xA860] =	vst v0  }
0x5d: {  	[spmem:s8] =	stream.linear.scatter [tilespmem:s15], [sflag:$0x1], $0x1000, $0x38;
	[tilespmem:$0x1F800] =	vst v63  }
0x5e: {  	s29 =	rddreg [dreg:$0x10]  }
0x5f: {  	[spmem:s29] =	stream.linear.scatter [tilespmem:s15], [sflag:$0x1], $0x1000, $0x38;
	[tilespmem:$0x1F800] =	vst v63  }
0x60: {  	s25 =	rddreg [dreg:$0x11]  }
0x61: {  	[spmem:s25] =	stream.linear.scatter [tilespmem:s15], [sflag:$0x1], $0x1000, $0x38;
	[tilespmem:$0x1F800] =	vst v63  }
0x62: {  	s26 =	rddreg [dreg:$0x12]  }
0x63: {  	[spmem:s26] =	stream.linear.scatter [tilespmem:s15], [sflag:$0x1], $0x1000, $0x38;
	[tilespmem:$0x1F800] =	vst v63  }
0x64: {  	s28 =	rddreg [dreg:$0x13]  }
0x65: {  	[spmem:s28] =	stream.linear.scatter [tilespmem:s15], [sflag:$0x1], $0x1000, $0x38;
	[tilespmem:$0x1F800] =	vst v63  }
0x66: {  	s29 =	rddreg [dreg:$0x14]  }
0x67: {  	[spmem:s29] =	stream.linear.scatter [tilespmem:s15], [sflag:$0x1], $0x1000, $0x38;
	[tilespmem:$0x1F800] =	vst v63  }
0x68: {  	s25 =	rddreg [dreg:$0x15]  }
0x69: {  	[spmem:s25] =	stream.linear.scatter [tilespmem:s15], [sflag:$0x1], $0x1000, $0x38;
	[tilespmem:$0x1F800] =	vst v63  }
0x6a: {  	s26 =	rddreg [dreg:$0x17]  }
0x6b: {  	[spmem:s26] =	stream.linear.scatter [tilespmem:s15], [sflag:$0x1], $0x1000, $0x38;
	[tilespmem:$0x1F800] =	vst v63  }
0x6c: {  	s28 =	rddreg [dreg:$0x18]  }
0x6d: {  	[spmem:s28] =	stream.linear.scatter [tilespmem:s15], [sflag:$0x1], $0x1000, $0x38;
	[tilespmem:$0x1F800] =	vst v63  }
0x6e: {  	s29 =	rddreg [dreg:$0x19]  }
0x6f: {  	[spmem:s29] =	stream.linear.scatter [tilespmem:s15], [sflag:$0x1], $0x1000, $0x38;
	[tilespmem:$0x1F800] =	vst v63  }
0x70: {  	_ = 	snop  }
0x71: {  	[spmem:s30] =	stream.linear.scatter [tilespmem:s15], [sflag:$0x1], $0x1000, $0x38;
	[tilespmem:$0x1F800] =	vst v63  }
0x72: {  	_ = 	snop  }
0x73: {  	[spmem:s31] =	stream.linear.scatter [tilespmem:s15], [sflag:$0x1], $0x1000, $0x38;
	[tilespmem:$0x1F800] =	vst v63  }
0x74: {  	_ = 	snop  }
0x75: {  	[spmem:s0] =	stream.linear.scatter [tilespmem:s15], [sflag:$0x1], $0x1000, $0x38;
	[tilespmem:$0x1F800] =	vst v63  }
0x76: {  	_ = 	snop  }
0x77: {  	[spmem:s6] =	stream.linear.scatter [tilespmem:s15], [sflag:$0x1], $0x1000, $0x38;
	[tilespmem:$0x1F800] =	vst v63  }
0x78: {  	_ = 	snop  }
0x79: {  	[spmem:s7] =	stream.linear.scatter [tilespmem:s15], [sflag:$0x1], $0x1000, $0x38;
	[tilespmem:$0x1F800] =	vst v63  }
0x7a: {  	_ = 	snop  }
0x7b: {  	[spmem:s9] =	stream.linear.scatter [tilespmem:s15], [sflag:$0x1], $0x1000, $0x38;
	[tilespmem:$0x1F800] =	vst v63  }
0x7c: {  	_ = 	snop  }
0x7d: {  	[spmem:s10] =	stream.linear.scatter [tilespmem:s15], [sflag:$0x1], $0x1000, $0x38;
	[tilespmem:$0x1F800] =	vst v63  }
0x7e: {  	_ = 	snop  }
0x7f: {  	[spmem:s11] =	stream.linear.scatter [tilespmem:s15], [sflag:$0x1], $0x1000, $0x38;
	[tilespmem:$0x1F800] =	vst v63  }
0x80: {  	_ = 	snop  }
0x81: {  	[spmem:s12] =	stream.linear.scatter [tilespmem:s15], [sflag:$0x1], $0x1000, $0x38;
	[tilespmem:$0x1F800] =	vst v63  }
0x82: {  	_ = 	snop  }
0x83: {  	[spmem:s14] =	stream.linear.scatter [tilespmem:s15], [sflag:$0x1], $0x1000, $0x38;
	[tilespmem:$0x1F800] =	vst v63  }
0x84: {  	_ =	swait.ge [sflag:s16], $0x1000  }
0x85: {  	[sflag:s16] =	ssyncset.done $0x0  }
0x86: {  	[sflag:s16] =	ssyncadd.s32 $0xFFFFF000  }
0x87: {  	_ =	swait.ge [sflag:s16], $0x1000  }
0x88: {  	[sflag:s16] =	ssyncset.done $0x0  }
0x89: {  	[sflag:s16] =	ssyncadd.s32 $0xFFFFF000  }
0x8a: {  	_ =	swait.ge [sflag:s16], $0x1000  }
0x8b: {  	[sflag:s16] =	ssyncset.done $0x0  }
0x8c: {  	[sflag:s16] =	ssyncadd.s32 $0xFFFFF000  }
0x8d: {  	_ =	swait.ge [sflag:s16], $0x1000  }
0x8e: {  	[sflag:s16] =	ssyncset.done $0x0  }
0x8f: {  	[sflag:s16] =	ssyncadd.s32 $0xFFFFF000  }
0x90: {  	_ =	swait.ge [sflag:s16], $0x1000  }
0x91: {  	[sflag:s16] =	ssyncset.done $0x0  }
0x92: {  	[sflag:s16] =	ssyncadd.s32 $0xFFFFF000  }
0x93: {  	_ =	swait.ge [sflag:s16], $0x1000  }
0x94: {  	[sflag:s16] =	ssyncset.done $0x0  }
0x95: {  	[sflag:s16] =	ssyncadd.s32 $0xFFFFF000  }
0x96: {  	_ =	swait.ge [sflag:s16], $0x1000  }
0x97: {  	[sflag:s16] =	ssyncset.done $0x0  }
0x98: {  	[sflag:s16] =	ssyncadd.s32 $0xFFFFF000  }
0x99: {  	_ =	swait.ge [sflag:s16], $0x1000  }
0x9a: {  	[sflag:s16] =	ssyncset.done $0x0  }
0x9b: {  	[sflag:s16] =	ssyncadd.s32 $0xFFFFF000  }
0x9c: {  	_ =	swait.ge [sflag:s16], $0x1000  }
0x9d: {  	[sflag:s16] =	ssyncset.done $0x0  }
0x9e: {  	[sflag:s16] =	ssyncadd.s32 $0xFFFFF000  }
0x9f: {  	_ =	swait.ge [sflag:s16], $0x1000  }
0xa0: {  	[sflag:s16] =	ssyncset.done $0x0  }
0xa1: {  	[sflag:s16] =	ssyncadd.s32 $0xFFFFF000  }
0xa2: {  	_ =	swait.ge [sflag:s16], $0x1000  }
0xa3: {  	[sflag:s16] =	ssyncset.done $0x0  }
0xa4: {  	[sflag:s16] =	ssyncadd.s32 $0xFFFFF000  }
0xa5: {  	_ =	swait.ge [sflag:s16], $0x1000  }
0xa6: {  	[sflag:s16] =	ssyncset.done $0x0  }
0xa7: {  	[sflag:s16] =	ssyncadd.s32 $0xFFFFF000  }
0xa8: {  	_ =	swait.ge [sflag:s16], $0x1000  }
0xa9: {  	[sflag:s16] =	ssyncset.done $0x0  }
0xaa: {  	[sflag:s16] =	ssyncadd.s32 $0xFFFFF000  }
0xab: {  	_ =	swait.ge [sflag:s16], $0x1000  }
0xac: {  	[sflag:s16] =	ssyncset.done $0x0  }
0xad: {  	[sflag:s16] =	ssyncadd.s32 $0xFFFFF000  }
0xae: {  	_ =	swait.ge [sflag:s16], $0x1000  }
0xaf: {  	[sflag:s16] =	ssyncset.done $0x0  }
0xb0: {  	[sflag:s16] =	ssyncadd.s32 $0xFFFFF000  }
0xb1: {  	_ =	swait.ge [sflag:s16], $0x1000  }
0xb2: {  	[sflag:s16] =	ssyncset.done $0x0  }
0xb3: {  	[sflag:s16] =	ssyncadd.s32 $0xFFFFF000  }
0xb4: {  	_ =	swait.ge [sflag:s16], $0x1000  }
0xb5: {  	[sflag:s16] =	ssyncset.done $0x0  }
0xb6: {  	[sflag:s16] =	ssyncadd.s32 $0xFFFFF000  }
0xb7: {  	_ =	swait.ge [sflag:s16], $0x1000  }
0xb8: {  	[sflag:s16] =	ssyncset.done $0x0  }
0xb9: {  	[sflag:s16] =	ssyncadd.s32 $0xFFFFF000  }
0xba: {  	_ =	swait.ge [sflag:s16], $0x1000  }
0xbb: {  	[sflag:s16] =	ssyncset.done $0x0  }
0xbc: {  	[sflag:s16] =	ssyncadd.s32 $0xFFFFF000  }
.Ltmp3:
0xbd: {  	_ =	swait.ge [sflag:s16], $0x1000;
	(pc) =	sbr.rel @p0 .LBB2_9-.Ltmp3, $4  }
0xbe: {  	[sflag:s16] =	ssyncset.done $0x0  }
0xbf: {  	[sflag:s16] =	ssyncadd.s32 $0xFFFFF000  }
0xc0: {  	[bflag:$0x0] =	sbarrier.arrive $0xFFFF  }
0xc1: {  	s24 =	simm.s32 $0x0  }
0xc2: {  	s25 =	rddreg [dreg:$0xb]  }
0xc3: {  	[tilespmem:s24], [sflag:$0x3] =	stream.linear.gather [hbm4b:s25+s24], $0x1400, $0x38;
	[tilespmem:$0x1F800] =	vst v63  }
0xc4: {  	_ =	swait.ge [sflag:s17], $0x1400  }
0xc5: {  	[sflag:s17] =	ssyncset.done $0x0  }
0xc6: {  	s29 =	rddreg [dreg:$0xc];
	[sflag:s17] =	ssyncadd.s32 $0xFFFFEC00  }
0xc7: {  	[tilespmem:s5], [sflag:$0x3] =	stream.linear.gather [hbm4b:s29+s24], $0x1400, $0x38;
	[tilespmem:$0x1F800] =	vst v63  }
0xc8: {  	_ =	swait.ge [sflag:s17], $0x1400  }
0xc9: {  	[sflag:s17] =	ssyncset.done $0x0  }
0xca: {  	[sflag:s17] =	ssyncadd.s32 $0xFFFFEC00  }
0xcb: {  	[tilespmem:s18], [sflag:$0x1] =	stream.indirect.gather [hbm4b:s3+s13], $0x80, s24, s13, $0xb8;
	[tilespmem:$0x1F800] =	vst v63  }
0xcc: {  	s25 =	simm.s32 $0x80  }
0xcd: {  	[tilespmem:s19], [sflag:$0x2] =	stream.indirect.gather [hbm4b:s3+s13], $0x80, s25, s13, $0xb8;
	[tilespmem:$0x1F800] =	vst v63  }
0xce: {  	_ =	swait.ge [sflag:s16], $0x4000  }
0xcf: {  	[sflag:s16] =	ssyncset.done $0x0  }
0xd0: {  	s26 =	simm.s32 $0x1400;
	[sflag:s16] =	ssyncadd.s32 $0xFFFFC000  }
0xd1: {  	[spmem:s1] =	stream.indirect.scatter.add.f32 [tilespmem:s18], [sflag:$0x3], $0x80, s26, s13, $0xb8;
	[tilespmem:$0x1F800] =	vst v63  }
0xd2: {  	_ =	swait.ge [sflag:s17], $0x4000  }
0xd3: {  	[sflag:s17] =	ssyncset.done $0x0  }
0xd4: {  	s28 =	simm.s32 $0x100;
	[sflag:s17] =	ssyncadd.s32 $0xFFFFC000  }
0xd5: {  	[tilespmem:s18], [sflag:$0x1] =	stream.indirect.gather [hbm4b:s3+s13], $0x80, s28, s13, $0xb8;
	[tilespmem:$0x1F800] =	vst v63  }
0xd6: {  	_ =	swait.ge [sflag:s20], $0x4000  }
0xd7: {  	[sflag:s20] =	ssyncset.done $0x0  }
0xd8: {  	s29 =	simm.s32 $0x1480;
	[sflag:s20] =	ssyncadd.s32 $0xFFFFC000  }
0xd9: {  	[spmem:s1] =	stream.indirect.scatter.add.f32 [tilespmem:s19], [sflag:$0x3], $0x80, s29, s13, $0xb8;
	[tilespmem:$0x1F800] =	vst v63  }
0xda: {  	_ =	swait.ge [sflag:s17], $0x4000  }
0xdb: {  	s24 =	simm.s32 $0x100;
	s25 =	simm.s32 $0x800;
	[sflag:s17] =	ssyncset.done $0x0  }
.LBB2_5:
0xdc: {  	s26 =	sadd.s32 $0x80, s24  }
0xdd: {  	[sflag:s17] =	ssyncadd.s32 $0xFFFFC000;
	s28 =	smov.u32 s25;
	s29 =	sadd.s32 $0x400, s25  }
0xde: {  	[tilespmem:s19], [sflag:$0x2] =	stream.indirect.gather [hbm4b:s3+s13], $0x80, s26, s13, $0xb8;
	[tilespmem:$0x1F800] =	vst v63  }
0xdf: {  	p1 =	sne.s32 s25, $0x4800;
	_ =	swait.ge [sflag:s16], $0x4000  }
0xe0: {  	[sflag:s16] =	ssyncset.done $0x0  }
0xe1: {  	s25 =	sadd.s32 $0x1400, s24;
	[sflag:s16] =	ssyncadd.s32 $0xFFFFC000  }
0xe2: {  	[spmem:s1] =	stream.indirect.scatter.add.f32 [tilespmem:s18], [sflag:$0x3], $0x80, s25, s13, $0xb8;
	[tilespmem:$0x1F800] =	vst v63  }
0xe3: {  	_ =	swait.ge [sflag:s17], $0x4000  }
0xe4: {  	[sflag:s17] =	ssyncset.done $0x0  }
0xe5: {  	s25 =	sadd.s32 $0x100, s24;
	[sflag:s17] =	ssyncadd.s32 $0xFFFFC000  }
0xe6: {  	[tilespmem:s18], [sflag:$0x1] =	stream.indirect.gather [hbm4b:s3+s13], $0x80, s25, s13, $0xb8;
	[tilespmem:$0x1F800] =	vst v63  }
0xe7: {  	_ =	swait.ge [sflag:s20], $0x4000  }
.Ltmp4:
0xe8: {  	[sflag:s20] =	ssyncset.done $0x0;
	(pc) =	sbr.rel @p1 .LBB2_5-.Ltmp4, $4  }
0xe9: {  	s24 =	sadd.s32 $0x1480, s24;
	[sflag:s20] =	ssyncadd.s32 $0xFFFFC000  }
0xea: {  	[spmem:s1] =	stream.indirect.scatter.add.f32 [tilespmem:s19], [sflag:$0x3], $0x80, s24, s13, $0xb8;
	[tilespmem:$0x1F800] =	vst v63  }
0xeb: {  	_ =	swait.ge [sflag:s17], $0x4000  }
0xec: {  	s25 =	smov.u32 s29;
	s24 =	sshra.s32 s28, $0x2;
	[sflag:s17] =	ssyncset.done $0x0  }
0xed: {  	s25 =	sadd.s32 $0x80, s24;
	[sflag:s17] =	ssyncadd.s32 $0xFFFFC000  }
0xee: {  	[tilespmem:s19], [sflag:$0x2] =	stream.indirect.gather [hbm4b:s3+s13], $0x80, s25, s13, $0xb8;
	[tilespmem:$0x1F800] =	vst v63  }
0xef: {  	_ =	swait.ge [sflag:s16], $0x4000  }
0xf0: {  	[sflag:s16] =	ssyncset.done $0x0  }
0xf1: {  	s28 =	sadd.s32 $0x1400, s24;
	[sflag:s16] =	ssyncadd.s32 $0xFFFFC000  }
0xf2: {  	[spmem:s1] =	stream.indirect.scatter.add.f32 [tilespmem:s18], [sflag:$0x3], $0x80, s28, s13, $0xb8;
	[tilespmem:$0x1F800] =	vst v63  }
0xf3: {  	_ =	swait.ge [sflag:s17], $0x4000  }
0xf4: {  	[sflag:s17] =	ssyncset.done $0x0  }
0xf5: {  	s29 =	sadd.s32 $0x100, s24;
	[sflag:s17] =	ssyncadd.s32 $0xFFFFC000  }
0xf6: {  	[tilespmem:s18], [sflag:$0x1] =	stream.indirect.gather [hbm4b:s3+s13], $0x80, s29, s13, $0xb8;
	[tilespmem:$0x1F800] =	vst v63  }
0xf7: {  	_ =	swait.ge [sflag:s20], $0x4000  }
0xf8: {  	[sflag:s20] =	ssyncset.done $0x0  }
0xf9: {  	s25 =	sadd.s32 $0x1480, s24;
	[sflag:s20] =	ssyncadd.s32 $0xFFFFC000  }
0xfa: {  	[spmem:s1] =	stream.indirect.scatter.add.f32 [tilespmem:s19], [sflag:$0x3], $0x80, s25, s13, $0xb8;
	[tilespmem:$0x1F800] =	vst v63  }
0xfb: {  	_ =	swait.ge [sflag:s17], $0x4000  }
0xfc: {  	[sflag:s17] =	ssyncset.done $0x0  }
0xfd: {  	[sflag:s17] =	ssyncadd.s32 $0xFFFFC000  }
0xfe: {  	[tilespmem:s19], [sflag:$0x2] =	stream.indirect.gather [hbm4b:s3+s13], $0x80, s21, s13, $0xb8;
	[tilespmem:$0x1F800] =	vst v63  }
0xff: {  	_ =	swait.ge [sflag:s16], $0x4000  }
0x100: {  	[sflag:s16] =	ssyncset.done $0x0  }
0x101: {  	[sflag:s16] =	ssyncadd.s32 $0xFFFFC000  }
0x102: {  	[spmem:s1] =	stream.indirect.scatter.add.f32 [tilespmem:s18], [sflag:$0x3], $0x80, s22, s13, $0xb8;
	[tilespmem:$0x1F800] =	vst v63  }
0x103: {  	_ =	swait.ge [sflag:s17], $0x4000  }
0x104: {  	[sflag:s17] =	ssyncset.done $0x0  }
0x105: {  	[sflag:s17] =	ssyncadd.s32 $0xFFFFC000  }
0x106: {  	_ =	swait.ge [sflag:s20], $0x4000  }
0x107: {  	[sflag:s20] =	ssyncset.done $0x0  }
0x108: {  	[sflag:s20] =	ssyncadd.s32 $0xFFFFC000  }
0x109: {  	[spmem:s1] =	stream.indirect.scatter.add.f32 [tilespmem:s19], [sflag:$0x3], $0x80, s23, s13, $0xb8;
	[tilespmem:$0x1F800] =	vst v63  }
0x10a: {  	_ =	swait.ge [sflag:s17], $0x4000  }
0x10b: {  	[sflag:s17] =	ssyncset.done $0x0  }
0x10c: {  	s26 =	simm.s32 $0x0;
	s28 =	rddreg [dreg:$0xd];
	[sflag:s17] =	ssyncadd.s32 $0xFFFFC000  }
0x10d: {  	[tilespmem:s26], [sflag:$0x3] =	stream.linear.gather [hbm4b:s28+s26], $0x1400, $0x38;
	[tilespmem:$0x1F800] =	vst v63  }
0x10e: {  	_ =	swait.ge [sflag:s17], $0x1400  }
0x10f: {  	[sflag:s17] =	ssyncset.done $0x0  }
0x110: {  	s29 =	rddreg [dreg:$0xe];
	[sflag:s17] =	ssyncadd.s32 $0xFFFFEC00  }
0x111: {  	[tilespmem:s5], [sflag:$0x3] =	stream.linear.gather [hbm4b:s29+s26], $0x1400, $0x38;
	[tilespmem:$0x1F800] =	vst v63  }
0x112: {  	_ =	swait.ge [sflag:s17], $0x1400  }
0x113: {  	[sflag:s17] =	ssyncset.done $0x0  }
0x114: {  	[sflag:s17] =	ssyncadd.s32 $0xFFFFEC00  }
0x115: {  	[tilespmem:s18], [sflag:$0x1] =	stream.indirect.gather [hbm4b:s3+s13], $0x80, s26, s13, $0xb8;
	[tilespmem:$0x1F800] =	vst v63  }
0x116: {  	s25 =	simm.s32 $0x80  }
0x117: {  	[tilespmem:s19], [sflag:$0x2] =	stream.indirect.gather [hbm4b:s3+s13], $0x80, s25, s13, $0xb8;
	[tilespmem:$0x1F800] =	vst v63  }
0x118: {  	_ =	swait.ge [sflag:s16], $0x4000  }
0x119: {  	[sflag:s16] =	ssyncset.done $0x0  }
0x11a: {  	s26 =	simm.s32 $0x1400;
	[sflag:s16] =	ssyncadd.s32 $0xFFFFC000  }
0x11b: {  	[spmem:s1] =	stream.indirect.scatter.add.f32 [tilespmem:s18], [sflag:$0x3], $0x80, s26, s13, $0xb8;
	[tilespmem:$0x1F800] =	vst v63  }
0x11c: {  	_ =	swait.ge [sflag:s17], $0x4000  }
0x11d: {  	[sflag:s17] =	ssyncset.done $0x0  }
0x11e: {  	s28 =	simm.s32 $0x100;
	[sflag:s17] =	ssyncadd.s32 $0xFFFFC000  }
0x11f: {  	[tilespmem:s18], [sflag:$0x1] =	stream.indirect.gather [hbm4b:s3+s13], $0x80, s28, s13, $0xb8;
	[tilespmem:$0x1F800] =	vst v63  }
0x120: {  	_ =	swait.ge [sflag:s20], $0x4000  }
0x121: {  	[sflag:s20] =	ssyncset.done $0x0  }
0x122: {  	s29 =	simm.s32 $0x1480;
	[sflag:s20] =	ssyncadd.s32 $0xFFFFC000  }
0x123: {  	[spmem:s1] =	stream.indirect.scatter.add.f32 [tilespmem:s19], [sflag:$0x3], $0x80, s29, s13, $0xb8;
	[tilespmem:$0x1F800] =	vst v63  }
0x124: {  	_ =	swait.ge [sflag:s17], $0x4000  }
0x125: {  	s24 =	simm.s32 $0x100;
	s25 =	simm.s32 $0x800;
	[sflag:s17] =	ssyncset.done $0x0  }
.LBB2_7:
0x126: {  	s26 =	sadd.s32 $0x80, s24  }
0x127: {  	[sflag:s17] =	ssyncadd.s32 $0xFFFFC000;
	s28 =	smov.u32 s25;
	s29 =	sadd.s32 $0x400, s25  }
0x128: {  	[tilespmem:s19], [sflag:$0x2] =	stream.indirect.gather [hbm4b:s3+s13], $0x80, s26, s13, $0xb8;
	[tilespmem:$0x1F800] =	vst v63  }
0x129: {  	p1 =	sne.s32 s25, $0x4800;
	_ =	swait.ge [sflag:s16], $0x4000  }
0x12a: {  	[sflag:s16] =	ssyncset.done $0x0  }
0x12b: {  	s25 =	sadd.s32 $0x1400, s24;
	[sflag:s16] =	ssyncadd.s32 $0xFFFFC000  }
0x12c: {  	[spmem:s1] =	stream.indirect.scatter.add.f32 [tilespmem:s18], [sflag:$0x3], $0x80, s25, s13, $0xb8;
	[tilespmem:$0x1F800] =	vst v63  }
0x12d: {  	_ =	swait.ge [sflag:s17], $0x4000  }
0x12e: {  	[sflag:s17] =	ssyncset.done $0x0  }
0x12f: {  	s25 =	sadd.s32 $0x100, s24;
	[sflag:s17] =	ssyncadd.s32 $0xFFFFC000  }
0x130: {  	[tilespmem:s18], [sflag:$0x1] =	stream.indirect.gather [hbm4b:s3+s13], $0x80, s25, s13, $0xb8;
	[tilespmem:$0x1F800] =	vst v63  }
0x131: {  	_ =	swait.ge [sflag:s20], $0x4000  }
.Ltmp5:
0x132: {  	[sflag:s20] =	ssyncset.done $0x0;
	(pc) =	sbr.rel @p1 .LBB2_7-.Ltmp5, $4  }
0x133: {  	s24 =	sadd.s32 $0x1480, s24;
	[sflag:s20] =	ssyncadd.s32 $0xFFFFC000  }
0x134: {  	[spmem:s1] =	stream.indirect.scatter.add.f32 [tilespmem:s19], [sflag:$0x3], $0x80, s24, s13, $0xb8;
	[tilespmem:$0x1F800] =	vst v63  }
0x135: {  	_ =	swait.ge [sflag:s17], $0x4000  }
0x136: {  	s25 =	smov.u32 s29;
	s24 =	sshra.s32 s28, $0x2;
	[sflag:s17] =	ssyncset.done $0x0  }
0x137: {  	s25 =	sadd.s32 $0x80, s24;
	[sflag:s17] =	ssyncadd.s32 $0xFFFFC000  }
0x138: {  	[tilespmem:s19], [sflag:$0x2] =	stream.indirect.gather [hbm4b:s3+s13], $0x80, s25, s13, $0xb8;
	[tilespmem:$0x1F800] =	vst v63  }
0x139: {  	_ =	swait.ge [sflag:s16], $0x4000  }
0x13a: {  	[sflag:s16] =	ssyncset.done $0x0  }
0x13b: {  	s26 =	sadd.s32 $0x1400, s24;
	[sflag:s16] =	ssyncadd.s32 $0xFFFFC000  }
0x13c: {  	[spmem:s1] =	stream.indirect.scatter.add.f32 [tilespmem:s18], [sflag:$0x3], $0x80, s26, s13, $0xb8;
	[tilespmem:$0x1F800] =	vst v63  }
0x13d: {  	_ =	swait.ge [sflag:s17], $0x4000  }
0x13e: {  	[sflag:s17] =	ssyncset.done $0x0  }
0x13f: {  	s28 =	sadd.s32 $0x100, s24;
	[sflag:s17] =	ssyncadd.s32 $0xFFFFC000  }
0x140: {  	[tilespmem:s18], [sflag:$0x1] =	stream.indirect.gather [hbm4b:s3+s13], $0x80, s28, s13, $0xb8;
	[tilespmem:$0x1F800] =	vst v63  }
0x141: {  	_ =	swait.ge [sflag:s20], $0x4000  }
0x142: {  	[sflag:s20] =	ssyncset.done $0x0  }
0x143: {  	s29 =	sadd.s32 $0x1480, s24;
	[sflag:s20] =	ssyncadd.s32 $0xFFFFC000  }
0x144: {  	[spmem:s1] =	stream.indirect.scatter.add.f32 [tilespmem:s19], [sflag:$0x3], $0x80, s29, s13, $0xb8;
	[tilespmem:$0x1F800] =	vst v63  }
.Ltmp6:
0x145: {  	_ = 	snop;
	(pc) =	sbr.rel .LBB2_14-.Ltmp6, $4  }
0x146: {  	_ =	swait.ge [sflag:s17], $0x4000  }
0x147: {  	[sflag:s17] =	ssyncset.done $0x0  }
0x148: {  	s24 =	rddreg [dreg:$0x4];
	[sflag:s17] =	ssyncadd.s32 $0xFFFFC000  }
0x149: {  	[tilespmem:s19], [sflag:$0x2] =	stream.indirect.gather [hbm4b:s3+s13], $0x80, s21, s13, $0xb8;
	[tilespmem:$0x1F800] =	vst v63  }
.LBB2_9:
0x14a: {  	s25 =	rddreg [dreg:$0x6]  }
0x14b: {  	[tilespmem:s24], [sflag:$0x3] =	stream.linear.gather [hbm4b:s25+s24], $0x1400, $0x38;
	[tilespmem:$0x1F800] =	vst v63  }
0x14c: {  	_ =	swait.ge [sflag:s17], $0x1400  }
0x14d: {  	[sflag:s17] =	ssyncset.done $0x0  }
0x14e: {  	s29 =	rddreg [dreg:$0x7];
	[sflag:s17] =	ssyncadd.s32 $0xFFFFEC00  }
0x14f: {  	[tilespmem:s5], [sflag:$0x3] =	stream.linear.gather [hbm4b:s29+s24], $0x1400, $0x38;
	[tilespmem:$0x1F800] =	vst v63  }
0x150: {  	_ =	swait.ge [sflag:s17], $0x1400  }
0x151: {  	[sflag:s17] =	ssyncset.done $0x0  }
0x152: {  	[sflag:s17] =	ssyncadd.s32 $0xFFFFEC00  }
0x153: {  	[tilespmem:s18], [sflag:$0x1] =	stream.indirect.gather [hbm4b:s4+s13], $0x80, s24, s13, $0xb8;
	[tilespmem:$0x1F800] =	vst v63  }
0x154: {  	s25 =	simm.s32 $0x80  }
0x155: {  	[tilespmem:s19], [sflag:$0x2] =	stream.indirect.gather [hbm4b:s4+s13], $0x80, s25, s13, $0xb8;
	[tilespmem:$0x1F800] =	vst v63  }
0x156: {  	_ =	swait.ge [sflag:s16], $0x4000  }
0x157: {  	[sflag:s16] =	ssyncset.done $0x0  }
0x158: {  	s26 =	simm.s32 $0x1400;
	[sflag:s16] =	ssyncadd.s32 $0xFFFFC000  }
0x159: {  	[spmem:s1] =	stream.indirect.scatter.add.f32 [tilespmem:s18], [sflag:$0x3], $0x80, s26, s13, $0xb8;
	[tilespmem:$0x1F800] =	vst v63  }
0x15a: {  	_ =	swait.ge [sflag:s17], $0x4000  }
0x15b: {  	[sflag:s17] =	ssyncset.done $0x0  }
0x15c: {  	s28 =	simm.s32 $0x100;
	[sflag:s17] =	ssyncadd.s32 $0xFFFFC000  }
0x15d: {  	[tilespmem:s18], [sflag:$0x1] =	stream.indirect.gather [hbm4b:s4+s13], $0x80, s28, s13, $0xb8;
	[tilespmem:$0x1F800] =	vst v63  }
0x15e: {  	_ =	swait.ge [sflag:s20], $0x4000  }
0x15f: {  	[sflag:s20] =	ssyncset.done $0x0  }
0x160: {  	s29 =	simm.s32 $0x1480;
	[sflag:s20] =	ssyncadd.s32 $0xFFFFC000  }
0x161: {  	[spmem:s1] =	stream.indirect.scatter.add.f32 [tilespmem:s19], [sflag:$0x3], $0x80, s29, s13, $0xb8;
	[tilespmem:$0x1F800] =	vst v63  }
0x162: {  	_ =	swait.ge [sflag:s17], $0x4000  }
0x163: {  	s24 =	simm.s32 $0x100;
	s25 =	simm.s32 $0x800;
	[sflag:s17] =	ssyncset.done $0x0  }
.LBB2_10:
0x164: {  	s26 =	sadd.s32 $0x80, s24  }
0x165: {  	[sflag:s17] =	ssyncadd.s32 $0xFFFFC000;
	s28 =	smov.u32 s25;
	s29 =	sadd.s32 $0x400, s25  }
0x166: {  	[tilespmem:s19], [sflag:$0x2] =	stream.indirect.gather [hbm4b:s4+s13], $0x80, s26, s13, $0xb8;
	[tilespmem:$0x1F800] =	vst v63  }
0x167: {  	p1 =	sne.s32 s25, $0x4800;
	_ =	swait.ge [sflag:s16], $0x4000  }
0x168: {  	[sflag:s16] =	ssyncset.done $0x0  }
0x169: {  	s25 =	sadd.s32 $0x1400, s24;
	[sflag:s16] =	ssyncadd.s32 $0xFFFFC000  }
0x16a: {  	[spmem:s1] =	stream.indirect.scatter.add.f32 [tilespmem:s18], [sflag:$0x3], $0x80, s25, s13, $0xb8;
	[tilespmem:$0x1F800] =	vst v63  }
0x16b: {  	_ =	swait.ge [sflag:s17], $0x4000  }
0x16c: {  	[sflag:s17] =	ssyncset.done $0x0  }
0x16d: {  	s25 =	sadd.s32 $0x100, s24;
	[sflag:s17] =	ssyncadd.s32 $0xFFFFC000  }
0x16e: {  	[tilespmem:s18], [sflag:$0x1] =	stream.indirect.gather [hbm4b:s4+s13], $0x80, s25, s13, $0xb8;
	[tilespmem:$0x1F800] =	vst v63  }
0x16f: {  	_ =	swait.ge [sflag:s20], $0x4000  }
.Ltmp7:
0x170: {  	[sflag:s20] =	ssyncset.done $0x0;
	(pc) =	sbr.rel @p1 .LBB2_10-.Ltmp7, $4  }
0x171: {  	s24 =	sadd.s32 $0x1480, s24;
	[sflag:s20] =	ssyncadd.s32 $0xFFFFC000  }
0x172: {  	[spmem:s1] =	stream.indirect.scatter.add.f32 [tilespmem:s19], [sflag:$0x3], $0x80, s24, s13, $0xb8;
	[tilespmem:$0x1F800] =	vst v63  }
0x173: {  	_ =	swait.ge [sflag:s17], $0x4000  }
0x174: {  	s25 =	smov.u32 s29;
	s24 =	sshra.s32 s28, $0x2;
	[sflag:s17] =	ssyncset.done $0x0  }
0x175: {  	s25 =	sadd.s32 $0x80, s24;
	[sflag:s17] =	ssyncadd.s32 $0xFFFFC000  }
0x176: {  	[tilespmem:s19], [sflag:$0x2] =	stream.indirect.gather [hbm4b:s4+s13], $0x80, s25, s13, $0xb8;
	[tilespmem:$0x1F800] =	vst v63  }
0x177: {  	_ =	swait.ge [sflag:s16], $0x4000  }
0x178: {  	[sflag:s16] =	ssyncset.done $0x0  }
0x179: {  	s28 =	sadd.s32 $0x1400, s24;
	[sflag:s16] =	ssyncadd.s32 $0xFFFFC000  }
0x17a: {  	[spmem:s1] =	stream.indirect.scatter.add.f32 [tilespmem:s18], [sflag:$0x3], $0x80, s28, s13, $0xb8;
	[tilespmem:$0x1F800] =	vst v63  }
0x17b: {  	_ =	swait.ge [sflag:s17], $0x4000  }
0x17c: {  	[sflag:s17] =	ssyncset.done $0x0  }
0x17d: {  	s29 =	sadd.s32 $0x100, s24;
	[sflag:s17] =	ssyncadd.s32 $0xFFFFC000  }
0x17e: {  	[tilespmem:s18], [sflag:$0x1] =	stream.indirect.gather [hbm4b:s4+s13], $0x80, s29, s13, $0xb8;
	[tilespmem:$0x1F800] =	vst v63  }
0x17f: {  	_ =	swait.ge [sflag:s20], $0x4000  }
0x180: {  	[sflag:s20] =	ssyncset.done $0x0  }
0x181: {  	s25 =	sadd.s32 $0x1480, s24;
	[sflag:s20] =	ssyncadd.s32 $0xFFFFC000  }
0x182: {  	[spmem:s1] =	stream.indirect.scatter.add.f32 [tilespmem:s19], [sflag:$0x3], $0x80, s25, s13, $0xb8;
	[tilespmem:$0x1F800] =	vst v63  }
0x183: {  	_ =	swait.ge [sflag:s17], $0x4000  }
0x184: {  	[sflag:s17] =	ssyncset.done $0x0  }
0x185: {  	[sflag:s17] =	ssyncadd.s32 $0xFFFFC000  }
0x186: {  	[tilespmem:s19], [sflag:$0x2] =	stream.indirect.gather [hbm4b:s4+s13], $0x80, s21, s13, $0xb8;
	[tilespmem:$0x1F800] =	vst v63  }
0x187: {  	_ =	swait.ge [sflag:s16], $0x4000  }
0x188: {  	[sflag:s16] =	ssyncset.done $0x0  }
0x189: {  	[sflag:s16] =	ssyncadd.s32 $0xFFFFC000  }
0x18a: {  	[spmem:s1] =	stream.indirect.scatter.add.f32 [tilespmem:s18], [sflag:$0x3], $0x80, s22, s13, $0xb8;
	[tilespmem:$0x1F800] =	vst v63  }
0x18b: {  	_ =	swait.ge [sflag:s17], $0x4000  }
0x18c: {  	[sflag:s17] =	ssyncset.done $0x0  }
0x18d: {  	[sflag:s17] =	ssyncadd.s32 $0xFFFFC000  }
0x18e: {  	_ =	swait.ge [sflag:s20], $0x4000  }
0x18f: {  	[sflag:s20] =	ssyncset.done $0x0  }
0x190: {  	[sflag:s20] =	ssyncadd.s32 $0xFFFFC000  }
0x191: {  	[spmem:s1] =	stream.indirect.scatter.add.f32 [tilespmem:s19], [sflag:$0x3], $0x80, s23, s13, $0xb8;
	[tilespmem:$0x1F800] =	vst v63  }
0x192: {  	_ =	swait.ge [sflag:s17], $0x4000  }
0x193: {  	[sflag:s17] =	ssyncset.done $0x0  }
0x194: {  	s26 =	simm.s32 $0x0;
	s28 =	rddreg [dreg:$0x8];
	[sflag:s17] =	ssyncadd.s32 $0xFFFFC000  }
0x195: {  	[tilespmem:s26], [sflag:$0x3] =	stream.linear.gather [hbm4b:s28+s26], $0x1400, $0x38;
	[tilespmem:$0x1F800] =	vst v63  }
0x196: {  	_ =	swait.ge [sflag:s17], $0x1400  }
0x197: {  	[sflag:s17] =	ssyncset.done $0x0  }
0x198: {  	s29 =	rddreg [dreg:$0x9];
	[sflag:s17] =	ssyncadd.s32 $0xFFFFEC00  }
0x199: {  	[tilespmem:s5], [sflag:$0x3] =	stream.linear.gather [hbm4b:s29+s26], $0x1400, $0x38;
	[tilespmem:$0x1F800] =	vst v63  }
0x19a: {  	_ =	swait.ge [sflag:s17], $0x1400  }
0x19b: {  	[sflag:s17] =	ssyncset.done $0x0  }
0x19c: {  	[sflag:s17] =	ssyncadd.s32 $0xFFFFEC00  }
0x19d: {  	[tilespmem:s18], [sflag:$0x1] =	stream.indirect.gather [hbm4b:s4+s13], $0x80, s26, s13, $0xb8;
	[tilespmem:$0x1F800] =	vst v63  }
0x19e: {  	s25 =	simm.s32 $0x80  }
0x19f: {  	[tilespmem:s19], [sflag:$0x2] =	stream.indirect.gather [hbm4b:s4+s13], $0x80, s25, s13, $0xb8;
	[tilespmem:$0x1F800] =	vst v63  }
0x1a0: {  	_ =	swait.ge [sflag:s16], $0x4000  }
0x1a1: {  	[sflag:s16] =	ssyncset.done $0x0  }
0x1a2: {  	s26 =	simm.s32 $0x1400;
	[sflag:s16] =	ssyncadd.s32 $0xFFFFC000  }
0x1a3: {  	[spmem:s1] =	stream.indirect.scatter.add.f32 [tilespmem:s18], [sflag:$0x3], $0x80, s26, s13, $0xb8;
	[tilespmem:$0x1F800] =	vst v63  }
0x1a4: {  	_ =	swait.ge [sflag:s17], $0x4000  }
0x1a5: {  	[sflag:s17] =	ssyncset.done $0x0  }
0x1a6: {  	s28 =	simm.s32 $0x100;
	[sflag:s17] =	ssyncadd.s32 $0xFFFFC000  }
0x1a7: {  	[tilespmem:s18], [sflag:$0x1] =	stream.indirect.gather [hbm4b:s4+s13], $0x80, s28, s13, $0xb8;
	[tilespmem:$0x1F800] =	vst v63  }
0x1a8: {  	_ =	swait.ge [sflag:s20], $0x4000  }
0x1a9: {  	[sflag:s20] =	ssyncset.done $0x0  }
0x1aa: {  	s29 =	simm.s32 $0x1480;
	[sflag:s20] =	ssyncadd.s32 $0xFFFFC000  }
0x1ab: {  	[spmem:s1] =	stream.indirect.scatter.add.f32 [tilespmem:s19], [sflag:$0x3], $0x80, s29, s13, $0xb8;
	[tilespmem:$0x1F800] =	vst v63  }
0x1ac: {  	_ =	swait.ge [sflag:s17], $0x4000  }
0x1ad: {  	s24 =	simm.s32 $0x100;
	s25 =	simm.s32 $0x800;
	[sflag:s17] =	ssyncset.done $0x0  }
.LBB2_12:
0x1ae: {  	s26 =	sadd.s32 $0x80, s24  }
0x1af: {  	[sflag:s17] =	ssyncadd.s32 $0xFFFFC000;
	s28 =	smov.u32 s25;
	s29 =	sadd.s32 $0x400, s25  }
0x1b0: {  	[tilespmem:s19], [sflag:$0x2] =	stream.indirect.gather [hbm4b:s4+s13], $0x80, s26, s13, $0xb8;
	[tilespmem:$0x1F800] =	vst v63  }
0x1b1: {  	p1 =	sne.s32 s25, $0x4800;
	_ =	swait.ge [sflag:s16], $0x4000  }
0x1b2: {  	[sflag:s16] =	ssyncset.done $0x0  }
0x1b3: {  	s25 =	sadd.s32 $0x1400, s24;
	[sflag:s16] =	ssyncadd.s32 $0xFFFFC000  }
0x1b4: {  	[spmem:s1] =	stream.indirect.scatter.add.f32 [tilespmem:s18], [sflag:$0x3], $0x80, s25, s13, $0xb8;
	[tilespmem:$0x1F800] =	vst v63  }
0x1b5: {  	_ =	swait.ge [sflag:s17], $0x4000  }
0x1b6: {  	[sflag:s17] =	ssyncset.done $0x0  }
0x1b7: {  	s25 =	sadd.s32 $0x100, s24;
	[sflag:s17] =	ssyncadd.s32 $0xFFFFC000  }
0x1b8: {  	[tilespmem:s18], [sflag:$0x1] =	stream.indirect.gather [hbm4b:s4+s13], $0x80, s25, s13, $0xb8;
	[tilespmem:$0x1F800] =	vst v63  }
0x1b9: {  	_ =	swait.ge [sflag:s20], $0x4000  }
.Ltmp8:
0x1ba: {  	[sflag:s20] =	ssyncset.done $0x0;
	(pc) =	sbr.rel @p1 .LBB2_12-.Ltmp8, $4  }
0x1bb: {  	s24 =	sadd.s32 $0x1480, s24;
	[sflag:s20] =	ssyncadd.s32 $0xFFFFC000  }
0x1bc: {  	[spmem:s1] =	stream.indirect.scatter.add.f32 [tilespmem:s19], [sflag:$0x3], $0x80, s24, s13, $0xb8;
	[tilespmem:$0x1F800] =	vst v63  }
0x1bd: {  	_ =	swait.ge [sflag:s17], $0x4000  }
0x1be: {  	s25 =	smov.u32 s29;
	s24 =	sshra.s32 s28, $0x2;
	[sflag:s17] =	ssyncset.done $0x0  }
.Ltmp9:
0x1bf: {  	_ = 	snop;
	(pc) =	sbr.rel .LBB2_13-.Ltmp9, $1  }
0x1c0: {  	_ =	sdelay $0x3  }
.LBB2_15:
0x1c1: {  	_ =	sfence.sel $0x180000  }
0x1c2: {  	[bflag:$0x0] =	sbarrier.arrive $0xFFFF  }
0x1c3: {  	_ =	strace $0x9000004A  }
0x1c4: {  	s0 =	stileid.u32;
	[bflag:$0x2] =	sbarrier.arrive $0xFFFF  }
0x1c5: {  	p0 =	sne.s32 s0, $0x0;
	s0 =	rddreg [dreg:$0x3]  }
0x1c6: {  	s0 =	sadd.s32 @!p0 $0x100000, s0  }
0x1c7: {  	[sflag:s0] =	ssyncadd.tile.s32 @!p0 $0x1;
	_ =	shalt  }
.Lfunc_end2:
_tile_overlayer_lowered:
.L_overlay_start_2:
0x1c8: {  	(tag) =	ssettag $0x2  }
0x1c9: {  	s0 =	rddreg [dreg:$0x0];
	s2 =	stileid.u32  }
0x1ca: {  	s1 =	rddreg [dreg:$0x1];
	p0 =	sne.s32 s2, $0x0  }
0x1cb: {  	s3 =	rddreg [dreg:$0x2];
	[bflag:$0x3] =	sbarrier.arrive $0xFFFF;
	s2 =	simm.s32 @!p0 $0x1C03  }
0x1cc: {  	[timem:s3], [sflag:s2] =	dma.local @!p0 [hbm:s0], s1  }
0x1cd: {  	s0 =	simm.s32 @!p0 $0x3  }
0x1ce: {  	_ =	swait.ge @!p0 [sflag:s0], s1  }
0x1cf: {  	s1 =	ssub.s32 @!p0 $0x0, s1;
	[sflag:s0] =	ssyncset.done @!p0 $0x0  }
0x1d0: {  	[sflag:s0] =	ssyncadd.s32 @!p0 s1  }
0x1d1: {  	[bflag:$0x3] =	sbarrier.arrive $0xFFFF  }
0x1d2: {  	_ =	shalt  }

// kernel: kernel.15.cloned.1.call-start
scs
__scs_entry_jumppad:
0x0: {  	(pc) =	sbr.rel $0x88, $3  }
0x1: {  	(tag) =	ssettag $0x0;
	lr =	simm.s32 $0x1  }
0x2: {  	[smem:$0x3F99] =	sst lr;
	_ =	strace $0xD0000000  }
0x3: {  	_ = 	snop  }
0x4: {  	_ = 	snop  }
0x5: {  	_ = 	snop  }
0x6: {  	_ = 	snop  }
0x7: {  	_ = 	snop  }
__scs_overlays_trampoline_lowered:
0x8: {  	[smem:$0x3FA8] =	sst s0  }
0x9: {  	[smem:$0x3FA9] =	sst s1  }
0xa: {  	[smem:$0x3FAA] =	sst s2  }
0xb: {  	[smem:$0x3FAB] =	sst s3  }
0xc: {  	[smem:$0x3FAC] =	sst s4  }
0xd: {  	[smem:$0x3FAD] =	sst s5  }
0xe: {  	[smem:$0x3FAE] =	sst s6  }
0xf: {  	[smem:$0x3FAF] =	sst s7  }
0x10: {  	[smem:$0x3FB0] =	sst s8  }
0x11: {  	[smem:$0x3FB1] =	sst s9;
	s0 =	simm.s32 @!p0 $0x0  }
0x12: {  	s1 =	sld [smem:$0x3F97];
	s0 =	simm.s32 @p0 $0x1  }
0x13: {  	[smem:$0x3FB2] =	sst s0;
	s0 =	simm.s32 @!p1 $0x0  }
0x14: {  	s2 =	sld [smem:$0x3F96];
	s0 =	simm.s32 @p1 $0x1  }
0x15: {  	[smem:$0x3FB3] =	sst s0;
	s0 =	simm.s32 @!p2 $0x0  }
0x16: {  	s3 =	sld [smem:$0x3FDB];
	s0 =	simm.s32 @p2 $0x1  }
0x17: {  	s4 =	simm.s32 $0x1BF5;
	[smem:$0x3FB5] =	sst s0  }
0x18: {  	s0 =	sld [smem:$0x3F98];
	_ =	swait.ge [sflag:s4], $0x0  }
0x19: {  	s7 =	sld [smem:$0x3F99]  }
0x1a: {  	s8 =	sadd.s32 $0xFFFFE003, lr  }
0x1b: {  	s9 =	sadd.s32 $0xFFFFFEF7, lr;
	s5 =	simm.s32 $0xFFFFFFFF;
	p2 =	slt.u32 s8, $0xFFFFF086  }
0x1c: {  	p1 =	slt.u32 s9, $0xF7A;
	s5 =	simm.s32 @!p2 $0x0  }
0x1d: {  	s5 =	simm.s32 @p1 $0x1;
	p0 =	seq.s32 s7, s2  }
0x1e: {  	s7 =	smul.u32 @!p0 $0xF7A, s2;
	p2 =	seq.s32 @!p0 s5, $0x0  }
0x1f: {  	s9 =	smul.u32 $0xF7A, s1;
	s8 =	simm.s32 @!p0 $0x1BF5;
	p2 =	por !p2, p0  }
0x20: {  	[sflag:s8] =	ssyncset.s32 @!p0 $0xFFFFF086;
	s6 =	sadd.s32 @!p0 s3, s7;
	s7 =	simm.s32 @!p0 $0x108  }
0x21: {  	s3 =	sadd.s32 s3, s9;
	s6 =	sadd.s32 @!p0 $0x88, s6;
	s7 =	simm.s32 @p2 $0x1082  }
0x22: {  	[simem:s7], [sflag:s8] =	dma.local @!p0 [hbm:s6], $0xF7A  }
0x23: {  	s9 =	sor.u32 $0xD0000000, s2;
	s6 =	simm.s32 $0x108;
	_ =	swait.ge @!p0 [sflag:s8], $0x0  }
0x24: {  	s3 =	sadd.s32 $0x88, s3;
	s6 =	simm.s32 @!p1 $0x1082;
	[sflag:s4] =	ssyncset.s32 $0xFFFFF086  }
0x25: {  	[simem:s6], [sflag:s4] =	dma.local [hbm:s3], $0xF7A  }
0x26: {  	[smem:$0x3F99] =	sst s1;
	(tag) =	ssettag s2;
	_ =	strace s9  }
0x27: {  	s1 =	sld [smem:$0x3FA9]  }
0x28: {  	s2 =	sld [smem:$0x3FAA]  }
0x29: {  	s4 =	sld [smem:$0x3FAC]  }
0x2a: {  	p0 =	seq.s32 s5, $0x0;
	s5 =	sld [smem:$0x3FAD]  }
0x2b: {  	s6 =	sld [smem:$0x3FAE]  }
0x2c: {  	s7 =	sld [smem:$0x3FAF]  }
0x2d: {  	s3 =	simm.s32 $0x108;
	s8 =	sld [smem:$0x3FB0]  }
0x2e: {  	s3 =	simm.s32 @!p0 $0x1082;
	s9 =	sld [smem:$0x3FB1]  }
0x2f: {  	lr =	sadd.s32 s0, s3;
	s0 =	sld [smem:$0x3FA8]  }
0x30: {  	s3 =	sld [smem:$0x3FAB]  }
0x31: {  	[smem:$0x3FB4] =	sst s10  }
0x32: {  	s10 =	sld [smem:$0x3FB2];
	_ =	sdelay $0x3  }
0x33: {  	p0 =	seq.s32 s10, $0x1;
	s10 =	sld [smem:$0x3FB4];
	_ =	sdelay $0x3  }
0x34: {  	[smem:$0x3FB4] =	sst s10  }
0x35: {  	s10 =	sld [smem:$0x3FB3];
	_ =	sdelay $0x3  }
0x36: {  	p1 =	seq.s32 s10, $0x1;
	s10 =	sld [smem:$0x3FB4];
	_ =	sdelay $0x3  }
0x37: {  	[smem:$0x3FB4] =	sst s10  }
0x38: {  	s10 =	sld [smem:$0x3FB5]  }
0x39: {  	_ = 	snop;
	(pc) =	sbr.ind lr, $3  }
0x3a: {  	_ = 	snop  }
0x3b: {  	_ = 	snop  }
0x3c: {  	p2 =	seq.s32 s10, $0x1;
	s10 =	sld [smem:$0x3FB4]  }
0x3d: {  	_ =	shalt  }
0x3e: {  	_ =	shalt  }
0x3f: {  	_ =	shalt  }
0x40: {  	_ =	shalt  }
0x41: {  	_ =	shalt  }
0x42: {  	_ =	shalt  }
0x43: {  	_ =	shalt  }
0x44: {  	_ =	shalt  }
0x45: {  	_ =	shalt  }
0x46: {  	_ =	shalt  }
0x47: {  	_ =	shalt  }
0x48: {  	_ =	shalt  }
0x49: {  	_ =	shalt  }
0x4a: {  	_ =	shalt  }
0x4b: {  	_ =	shalt  }
0x4c: {  	_ =	shalt  }
0x4d: {  	_ =	shalt  }
0x4e: {  	_ =	shalt  }
0x4f: {  	_ =	shalt  }
0x50: {  	_ =	shalt  }
0x51: {  	_ =	shalt  }
0x52: {  	_ =	shalt  }
0x53: {  	_ =	shalt  }
0x54: {  	_ =	shalt  }
0x55: {  	_ =	shalt  }
0x56: {  	_ =	shalt  }
0x57: {  	_ =	shalt  }
0x58: {  	_ =	shalt  }
0x59: {  	_ =	shalt  }
0x5a: {  	_ =	shalt  }
0x5b: {  	_ =	shalt  }
0x5c: {  	_ =	shalt  }
0x5d: {  	_ =	shalt  }
0x5e: {  	_ =	shalt  }
0x5f: {  	_ =	shalt  }
0x60: {  	_ =	shalt  }
0x61: {  	_ =	shalt  }
0x62: {  	_ =	shalt  }
0x63: {  	_ =	shalt  }
0x64: {  	_ =	shalt  }
0x65: {  	_ =	shalt  }
0x66: {  	_ =	shalt  }
0x67: {  	_ =	shalt  }
0x68: {  	_ =	shalt  }
0x69: {  	_ =	shalt  }
0x6a: {  	_ =	shalt  }
0x6b: {  	_ =	shalt  }
0x6c: {  	_ =	shalt  }
0x6d: {  	_ =	shalt  }
0x6e: {  	_ =	shalt  }
0x6f: {  	_ =	shalt  }
0x70: {  	_ =	shalt  }
0x71: {  	_ =	shalt  }
0x72: {  	_ =	shalt  }
0x73: {  	_ =	shalt  }
0x74: {  	_ =	shalt  }
0x75: {  	_ =	shalt  }
0x76: {  	_ =	shalt  }
0x77: {  	_ =	shalt  }
0x78: {  	_ =	shalt  }
0x79: {  	_ =	shalt  }
0x7a: {  	_ =	shalt  }
0x7b: {  	_ =	shalt  }
0x7c: {  	_ =	shalt  }
0x7d: {  	_ =	shalt  }
0x7e: {  	_ =	shalt  }
0x7f: {  	_ =	shalt  }
0x80: {  	_ =	shalt  }
0x81: {  	_ =	shalt  }
0x82: {  	_ =	shalt  }
0x83: {  	_ =	shalt  }
0x84: {  	_ =	shalt  }
0x85: {  	_ =	shalt  }
0x86: {  	_ =	shalt  }
0x87: {  	_ =	shalt  }
.Lfunc_end0:
.L_simem_size_0:
called_computation.2_lowered:
.L_overlay_start_0:
0x88: {  	s2 =	sld [smem:$0x3FD9]  }
0x89: {  	s3 =	sld [smem:$0x3FFE];
	_ =	sdelay $0x1  }
0x8a: {  	s1 =	srdreg.scid  }
0x8b: {  	s0 =	sand.u32 $0x1, s1  }
0x8c: {  	s17 =	sshll.u32 s0, $0xA;
	s2 =	sadd.s32 s3, s2  }
0x8d: {  	s2 =	sadd.s32 s2, s17  }
0x8e: {  	[smem:$0x3FC0] =	sst s2  }
0x8f: {  	_ = 	snop  }
0x90: {  	s2 =	sld [smem:$0x3FD0];
	(tm) =	ssettm $0x1  }
0x91: {  	s18 =	sld [smem:$0x3FFB];
	_ =	sdelay $0x3  }
0x92: {  	_ =	strace s18  }
0x93: {  	s3 =	sld [smem:$0x3FFC];
	_ =	sdelay $0x3  }
0x94: {  	_ =	strace s3  }
0x95: {  	s3 =	sld [smem:$0x3FFD];
	_ =	sdelay $0x3  }
0x96: {  	_ =	strace s3  }
0x97: {  	_ =	strace $0x8FFFFFFF  }
0x98: {  	s19 =	sld [smem:$0x3FDB];
	_ =	sdelay $0x1  }
0x99: {  	s4 =	simm.s32 $_scs_section_size  }
0x9a: {  	s5 =	simm.s32 $_size__tile_overlayer_lowered;
	s6 =	simm.s32 $_tile_overlayer_lowered  }
0x9b: {  	s22 =	simm.s32 $0x1BFF;
	s21 =	sshll.u32 s6, $0x1;
	s3 =	sadd.s32 s4, s19  }
0x9c: {  	s7 =	simm.s32 $0x0;
	s20 =	sshll.u32 s5, $0x1;
	s5 =	sadd.s32 s21, s3  }
0x9d: {  	[timem:s7], [sflag:s22] =	dma.local [hbm:s5], s20  }
0x9e: {  	_ =	swait.ge [sflag:s22], s20  }
0x9f: {  	s4 =	ssub.s32 $0x0, s20;
	[sflag:s22] =	ssyncset.done $0x0  }
0xa0: {  	[sflag:s22] =	ssyncadd.s32 s4;
	_ =	sdelay $0x1  }
0xa1: {  	s23 =	simm.s32 $0x1B8B  }
0xa2: {  	_ =	swait.ge [sflag:s23], $0x1  }
0xa3: {  	[sflag:s23] =	ssyncset.done $0x0  }
0xa4: {  	s25 =	simm.s32 $0x1B8E;
	s24 =	sld [smem:$0x3FFE];
	[sflag:s23] =	ssyncadd.s32 $0xFFFFFFFF  }
0xa5: {  	s26 =	simm.s32 $execute0_lowered;
	[smem:$0x3FD2] =	sst s25  }
0xa6: {  	s5 =	sshll.u32 s26, $0x1;
	_ =	strace $0x8000004C;
	[dreg:$0x1] =	wrdreg $0xFFFFFFFF  }
0xa7: {  	s28 =	simm.s32 $_size_execute0_lowered;
	s3 =	sadd.s32 s3, s5;
	[dreg:$0x0] =	wrdreg $0x0  }
0xa8: {  	s5 =	sshll.u32 s28, $0x1;
	[dreg:$0x2] =	wrdreg s3  }
0xa9: {  	[dreg:$0x3] =	wrdreg s5  }
0xaa: {  	[dreg:$0x4] =	wrdreg $0xC0  }
0xab: {  	_ =	task [dreg:s7], $0x5FFFF  }
0xac: {  	[dreg:$0x1] =	wrdreg $0xFFFFFFFF  }
0xad: {  	[dreg:$0x0] =	wrdreg $0x60  }
0xae: {  	[dreg:$0x2] =	wrdreg s24  }
0xaf: {  	[dreg:$0x3] =	wrdreg s2  }
0xb0: {  	[dreg:$0x4] =	wrdreg $0xD8000  }
0xb1: {  	[dreg:$0x5] =	wrdreg $0x9  }
0xb2: {  	_ =	task.clear_ibuf [dreg:s7], $0x6FFFF;
	_ =	strace $0x9000004C  }
0xb3: {  	s29 =	simm.s32 $0x9;
	_ =	strace $0x8000004E  }
0xb4: {  	_ =	swait.ge [sflag:s29], $0x1  }
0xb5: {  	[sflag:s29] =	ssyncadd.s32 $0xFFFFFFFF  }
0xb6: {  	_ =	strace $0x9000004E  }
0xb7: {  	_ =	sfence  }
0xb8: {  	s30 =	sld [smem:$0x0];
	_ =	sdelay $0x2  }
0xb9: {  	s31 =	sshll.u32 s1, $0xD;
	s1 =	sshrl.u32 s1, $0x2  }
0xba: {  	s3 =	sand.u32 $0x4000, s31;
	s1 =	sadd.s32 s1, s30  }
0xbb: {  	s0 =	sor.u32 s3, s0;
	s1 =	sshll.u32 s1, $0x11  }
0xbc: {  	s0 =	sor.u32 s1, s0  }
0xbd: {  	s0 =	sadd.s32 $0x8F2B, s0  }
0xbe: {  	[sflag:s0] =	ssyncadd.remote.s32 $0x1  }
0xbf: {  	_ =	sfence.sel $0xFFFF  }
0xc0: {  	[dreg:$0x0] =	wrdreg $0xFFFFFFFF;
	(pc) =	sbr.abs _section_cstart, $3  }
0xc1: {  	[dreg:$0x1] =	wrdreg $0xFFFFFFFF  }
0xc2: {  	_ =	task.clear_ibuf [dreg:s7], $0x2FFFF;
	_ =	strace $0x9FFFFFFF  }
0xc3: {  	(tm) =	ssettm $0x7FFFFFFF  }
tec
execute0_lowered:
.L_overlay_start_1:
0x0: {  	(tag) =	ssettag $0x1  }
0x1: {  	s0 =	rddreg [dreg:$0x0]  }
0x2: {  	s2 =	rddreg [dreg:$0x1]  }
0x3: {  	s1 =	rddreg [dreg:$0x2];
	s3 =	simm.s32 $0x0;
	s12 =	stileid.u32  }
0x4: {  	s7 =	srdreg.scid;
	[smem:$0x7FF] =	sst s3  }
0x5: {  	s4 =	sadd.s32 $0x26600, s0;
	s6 =	smul.u32 $0x500, s12;
	s5 =	sadd.s32 $0x12600, s0  }
0x6: {  	s7 =	sand.u32 $0x1, s7;
	s8 =	smul.u32 $0x28000, s12;
	s10 =	sadd.s32 $0x4E600, s0  }
0x7: {  	s12 =	smul.u32 $0xA000, s12;
	_ =	strace $0x8000004D;
	[dreg:$0x4] =	wrdreg s10  }
0x8: {  	s25 =	ssub.s32 $0x2, s7;
	s9 =	sadd.s32 s6, s0;
	s0 =	sadd.s32 $0x3A600, s0  }
0x9: {  	p0 =	sne.s32 s7, $0x0;
	s2 =	sadd.s32 s2, s6;
	[dreg:$0x5] =	wrdreg s0  }
0xa: {  	s11 =	sshrl.u32 s25, $0x1;
	s28 =	sadd.s32 $0x8600, s9;
	[dreg:$0x7] =	wrdreg s2  }
0xb: {  	s26 =	ssub.s32 s25, s11;
	s11 =	sshrl.u32 s12, $0x3;
	[dreg:$0x6] =	wrdreg s28  }
0xc: {  	s7 =	simm.s32 $0xD000;
	s13 =	sadd.s32 $0xD600, s9;
	[dreg:$0x8] =	wrdreg s11  }
0xd: {  	s8 =	sshrl.u32 s8, $0x2;
	s14 =	sadd.s32 $0x3600, s9;
	[dreg:$0x9] =	wrdreg s13  }
0xe: {  	s8 =	sadd.s32 s8, s1;
	[dreg:$0xa] =	wrdreg s14;
	s0 =	smax.u32 s26, $0x1  }
0xf: {  	s12 =	sadd.s32 s12, s1;
	s15 =	sadd.s32 $0x800, s8;
	[dreg:$0xb] =	wrdreg s0  }
0x10: {  	s2 =	simm.s32 $0x2800;
	s16 =	sadd.s32 $0x1000, s8;
	[dreg:$0xc] =	wrdreg s15  }
0x11: {  	s17 =	sadd.s32 $0x1800, s8;
	s18 =	sadd.s32 $0x2000, s8;
	[dreg:$0xd] =	wrdreg s16  }
0x12: {  	s19 =	sadd.s32 $0x2800, s8;
	s20 =	sadd.s32 $0x3000, s8;
	[dreg:$0xe] =	wrdreg s17  }
0x13: {  	s21 =	sadd.s32 $0x3800, s8;
	s22 =	sadd.s32 $0x4000, s8;
	[dreg:$0xf] =	wrdreg s18  }
0x14: {  	s23 =	sadd.s32 $0x4800, s8;
	s24 =	sadd.s32 $0x5000, s8;
	[dreg:$0x10] =	wrdreg s19  }
0x15: {  	s25 =	sshrl.u32 s12, $0x3;
	s26 =	sadd.s32 $0x5800, s8;
	[dreg:$0x11] =	wrdreg s20  }
0x16: {  	s28 =	sadd.s32 $0x6000, s8;
	s29 =	sadd.s32 $0x6800, s8;
	[dreg:$0x12] =	wrdreg s21  }
0x17: {  	s30 =	sadd.s32 $0x7000, s8;
	s31 =	sadd.s32 $0x7800, s8;
	[dreg:$0x13] =	wrdreg s22  }
0x18: {  	s6 =	sadd.s32 $0x8800, s8;
	s9 =	sadd.s32 $0x9000, s8;
	[dreg:$0x14] =	wrdreg s23  }
0x19: {  	s10 =	sadd.s32 $0x9800, s8;
	s12 =	simm.s32 $0x1;
	[dreg:$0x15] =	wrdreg s24  }
0x1a: {  	s13 =	simm.s32 $0x9;
	s11 =	simm.s32 $0x80;
	[dreg:$0x16] =	wrdreg s25  }
.Ltmp0:
0x1b: {  	s14 =	simm.s32 $0x5000;
	[dreg:$0x17] =	wrdreg s26;
	(pc) =	sbr.rel .LBB2_1-.Ltmp0, $4  }
0x1c: {  	[dreg:$0x18] =	wrdreg s28;
	s0 =	sadd.s32 $0x8000, s8;
	s15 =	simm.s32 $0x7000  }
0x1d: {  	s16 =	simm.s32 $0x9000;
	s17 =	simm.s32 $0xB000;
	s18 =	simm.s32 $0x2  }
0x1e: {  	s19 =	simm.s32 $0x5;
	s20 =	simm.s32 $0x3;
	s21 =	simm.s32 $0x6  }
0x1f: {  	v0 =	vimm.f32 $0.0e+00;
	s22 =	simm.s32 $0x4;
	s23 =	simm.s32 $0x7;
	s24 =	simm.s32 $0x8  }
.LBB2_9:
0x20: {  	[spmem:s1] =	stream.indirect.scatter.add.f32 [tilespmem:s17], [sflag:$0x8], $0x40, s26, s11, $0xb8;
	[tilespmem:$0x17800] =	vst v63  }
0x21: {  	_ =	swait.ge [sflag:s23], $0x2000  }
0x22: {  	[sflag:s23] =	ssyncset.done $0x0  }
0x23: {  	s25 =	simm.s32 $0x2700;
	[sflag:s23] =	ssyncadd.s32 $0xFFFFE000  }
0x24: {  	[tilespmem:s16], [sflag:$0x3] =	stream.indirect.gather [hbm4b:s5+s11], $0x40, s25, s11, $0xb8;
	[tilespmem:$0x17800] =	vst v63  }
0x25: {  	_ =	swait.ge [sflag:s12], $0x2000  }
0x26: {  	[sflag:s12] =	ssyncset.done $0x0  }
0x27: {  	s28 =	simm.s32 $0x4E00;
	[sflag:s12] =	ssyncadd.s32 $0xFFFFE000  }
0x28: {  	[spmem:s1] =	stream.indirect.scatter.add.f32 [tilespmem:s14], [sflag:$0x5], $0x40, s28, s11, $0xb8;
	[tilespmem:$0x17800] =	vst v63  }
0x29: {  	_ =	swait.ge [sflag:s24], $0x2000  }
0x2a: {  	[sflag:s24] =	ssyncset.done $0x0  }
0x2b: {  	s26 =	simm.s32 $0x2780;
	[sflag:s24] =	ssyncadd.s32 $0xFFFFE000  }
0x2c: {  	[tilespmem:s17], [sflag:$0x4] =	stream.indirect.gather [hbm4b:s5+s11], $0x40, s26, s11, $0xb8;
	[tilespmem:$0x17800] =	vst v63  }
0x2d: {  	_ =	swait.ge [sflag:s18], $0x2000  }
0x2e: {  	[sflag:s18] =	ssyncset.done $0x0  }
0x2f: {  	s28 =	simm.s32 $0x4E80;
	[sflag:s18] =	ssyncadd.s32 $0xFFFFE000  }
0x30: {  	[spmem:s1] =	stream.indirect.scatter.add.f32 [tilespmem:s15], [sflag:$0x6], $0x40, s28, s11, $0xb8;
	[tilespmem:$0x17800] =	vst v63  }
0x31: {  	_ =	swait.ge [sflag:s20], $0x2000  }
0x32: {  	[sflag:s20] =	ssyncset.done $0x0  }
0x33: {  	s26 =	simm.s32 $0x4F00;
	[sflag:s20] =	ssyncadd.s32 $0xFFFFE000  }
0x34: {  	[spmem:s1] =	stream.indirect.scatter.add.f32 [tilespmem:s16], [sflag:$0x7], $0x40, s26, s11, $0xb8;
	[tilespmem:$0x17800] =	vst v63  }
0x35: {  	_ =	swait.ge [sflag:s22], $0x2000  }
0x36: {  	[sflag:s22] =	ssyncset.done $0x0  }
0x37: {  	s28 =	simm.s32 $0x4F80;
	s25 =	rddreg [dreg:$0x5];
	[sflag:s22] =	ssyncadd.s32 $0xFFFFE000  }
0x38: {  	[spmem:s1] =	stream.indirect.scatter.add.f32 [tilespmem:s17], [sflag:$0x8], $0x40, s28, s11, $0xb8;
	[tilespmem:$0x17800] =	vst v63  }
.LBB2_10:
0x39: {  	_ =	swait.ge [sflag:s19], $0x2000  }
0x3a: {  	[sflag:s19] =	ssyncset.done $0x0  }
0x3b: {  	[sflag:s19] =	ssyncadd.s32 $0xFFFFE000  }
0x3c: {  	_ =	swait.ge [sflag:s21], $0x2000  }
0x3d: {  	[sflag:s21] =	ssyncset.done $0x0  }
0x3e: {  	[sflag:s21] =	ssyncadd.s32 $0xFFFFE000  }
0x3f: {  	_ =	swait.ge [sflag:s23], $0x2000  }
0x40: {  	[sflag:s23] =	ssyncset.done $0x0  }
0x41: {  	[sflag:s23] =	ssyncadd.s32 $0xFFFFE000  }
0x42: {  	_ =	swait.ge [sflag:s24], $0x2000  }
0x43: {  	[sflag:s24] =	ssyncset.done $0x0  }
0x44: {  	s26 =	stileid.u32;
	[sflag:s24] =	ssyncadd.s32 $0xFFFFE000  }
0x45: {  	s26 =	sshll.u32 s26, $0x6;
	s28 =	rddreg [dreg:$0x8];
	[bflag:$0x0] =	sbarrier.arrive $0xFFFF  }
0x46: {  	s26 =	sor.u32 $0x1C09, s26;
	s25 =	sadd.s32 s25, s28;
	s28 =	rddreg [dreg:$0x16]  }
0x47: {  	[hbm:s25], [sflag:s26] =	dma.local [spmem:s28], $0x1400  }
0x48: {  	_ =	swait.ge [sflag:s13], $0x1400  }
0x49: {  	s3 =	sadd.s32 $0x1, s3;
	s28 =	rddreg [dreg:$0xb]  }
0x4a: {  	p1 =	sne.s32 s3, s28  }
.Ltmp1:
0x4b: {  	_ = 	snop;
	(pc) =	sbr.rel @!p1 .LBB2_11-.Ltmp1, $3  }
0x4c: {  	_ =	sdelay $0x1  }
0x4d: {  	[sflag:s13] =	ssyncset.done $0x0  }
0x4e: {  	[sflag:s13] =	ssyncadd.s32 $0xFFFFEC00  }
.LBB2_1:
0x4f: {  	s26 =	simm.s32 $0x100;
	s25 =	simm.s32 $0x0  }
.LBB2_2:
0x50: {  	p1 =	sne.s32 s26, $0x1F00;
	[tilespmem:s25+$0xD030] =	vst v0;
	s28 =	smov.u32 s26;
	s26 =	sadd.s32 $0x100, s26  }
.Ltmp2:
0x51: {  	[tilespmem:s25+$0xD020] =	vst v0;
	(pc) =	sbr.rel @p1 .LBB2_2-.Ltmp2, $3  }
0x52: {  	[tilespmem:s25+$0xD000] =	vst v0  }
0x53: {  	[tilespmem:s25+$0xD010] =	vst v0;
	_ =	sdelay $0x1  }
0x54: {  	s25 =	sshra.s32 s28, $0x2  }
0x55: {  	[tilespmem:s25+$0xD030] =	vst v0  }
0x56: {  	[tilespmem:s25+$0xD020] =	vst v0  }
0x57: {  	[tilespmem:s25+$0xD000] =	vst v0  }
0x58: {  	[tilespmem:s25+$0xD010] =	vst v0  }
0x59: {  	[spmem:s8] =	stream.linear.scatter [tilespmem:s7], [sflag:$0x1], $0x800, $0x38;
	[tilespmem:$0x17800] =	vst v63  }
0x5a: {  	s26 =	rddreg [dreg:$0xc]  }
0x5b: {  	[spmem:s26] =	stream.linear.scatter [tilespmem:s7], [sflag:$0x1], $0x800, $0x38;
	[tilespmem:$0x17800] =	vst v63  }
0x5c: {  	s28 =	rddreg [dreg:$0xd]  }
0x5d: {  	[spmem:s28] =	stream.linear.scatter [tilespmem:s7], [sflag:$0x1], $0x800, $0x38;
	[tilespmem:$0x17800] =	vst v63  }
0x5e: {  	s26 =	rddreg [dreg:$0xe]  }
0x5f: {  	[spmem:s26] =	stream.linear.scatter [tilespmem:s7], [sflag:$0x1], $0x800, $0x38;
	[tilespmem:$0x17800] =	vst v63  }
0x60: {  	s28 =	rddreg [dreg:$0xf]  }
0x61: {  	[spmem:s28] =	stream.linear.scatter [tilespmem:s7], [sflag:$0x1], $0x800, $0x38;
	[tilespmem:$0x17800] =	vst v63  }
0x62: {  	s26 =	rddreg [dreg:$0x10]  }
0x63: {  	[spmem:s26] =	stream.linear.scatter [tilespmem:s7], [sflag:$0x1], $0x800, $0x38;
	[tilespmem:$0x17800] =	vst v63  }
0x64: {  	s28 =	rddreg [dreg:$0x11]  }
0x65: {  	[spmem:s28] =	stream.linear.scatter [tilespmem:s7], [sflag:$0x1], $0x800, $0x38;
	[tilespmem:$0x17800] =	vst v63  }
0x66: {  	s26 =	rddreg [dreg:$0x12]  }
0x67: {  	[spmem:s26] =	stream.linear.scatter [tilespmem:s7], [sflag:$0x1], $0x800, $0x38;
	[tilespmem:$0x17800] =	vst v63  }
0x68: {  	s28 =	rddreg [dreg:$0x13]  }
0x69: {  	[spmem:s28] =	stream.linear.scatter [tilespmem:s7], [sflag:$0x1], $0x800, $0x38;
	[tilespmem:$0x17800] =	vst v63  }
0x6a: {  	s26 =	rddreg [dreg:$0x14]  }
0x6b: {  	[spmem:s26] =	stream.linear.scatter [tilespmem:s7], [sflag:$0x1], $0x800, $0x38;
	[tilespmem:$0x17800] =	vst v63  }
0x6c: {  	s28 =	rddreg [dreg:$0x15]  }
0x6d: {  	[spmem:s28] =	stream.linear.scatter [tilespmem:s7], [sflag:$0x1], $0x800, $0x38;
	[tilespmem:$0x17800] =	vst v63  }
0x6e: {  	s26 =	rddreg [dreg:$0x17]  }
0x6f: {  	[spmem:s26] =	stream.linear.scatter [tilespmem:s7], [sflag:$0x1], $0x800, $0x38;
	[tilespmem:$0x17800] =	vst v63  }
0x70: {  	s28 =	rddreg [dreg:$0x18]  }
0x71: {  	[spmem:s28] =	stream.linear.scatter [tilespmem:s7], [sflag:$0x1], $0x800, $0x38;
	[tilespmem:$0x17800] =	vst v63  }
0x72: {  	_ = 	snop  }
0x73: {  	[spmem:s29] =	stream.linear.scatter [tilespmem:s7], [sflag:$0x1], $0x800, $0x38;
	[tilespmem:$0x17800] =	vst v63  }
0x74: {  	_ = 	snop  }
0x75: {  	[spmem:s30] =	stream.linear.scatter [tilespmem:s7], [sflag:$0x1], $0x800, $0x38;
	[tilespmem:$0x17800] =	vst v63  }
0x76: {  	_ = 	snop  }
0x77: {  	[spmem:s31] =	stream.linear.scatter [tilespmem:s7], [sflag:$0x1], $0x800, $0x38;
	[tilespmem:$0x17800] =	vst v63  }
0x78: {  	_ = 	snop  }
0x79: {  	[spmem:s0] =	stream.linear.scatter [tilespmem:s7], [sflag:$0x1], $0x800, $0x38;
	[tilespmem:$0x17800] =	vst v63  }
0x7a: {  	_ = 	snop  }
0x7b: {  	[spmem:s6] =	stream.linear.scatter [tilespmem:s7], [sflag:$0x1], $0x800, $0x38;
	[tilespmem:$0x17800] =	vst v63  }
0x7c: {  	_ = 	snop  }
0x7d: {  	[spmem:s9] =	stream.linear.scatter [tilespmem:s7], [sflag:$0x1], $0x800, $0x38;
	[tilespmem:$0x17800] =	vst v63  }
0x7e: {  	_ = 	snop  }
0x7f: {  	[spmem:s10] =	stream.linear.scatter [tilespmem:s7], [sflag:$0x1], $0x800, $0x38;
	[tilespmem:$0x17800] =	vst v63  }
0x80: {  	_ =	swait.ge [sflag:s12], $0x800  }
0x81: {  	[sflag:s12] =	ssyncset.done $0x0  }
0x82: {  	[sflag:s12] =	ssyncadd.s32 $0xFFFFF800  }
0x83: {  	_ =	swait.ge [sflag:s12], $0x800  }
0x84: {  	[sflag:s12] =	ssyncset.done $0x0  }
0x85: {  	[sflag:s12] =	ssyncadd.s32 $0xFFFFF800  }
0x86: {  	_ =	swait.ge [sflag:s12], $0x800  }
0x87: {  	[sflag:s12] =	ssyncset.done $0x0  }
0x88: {  	[sflag:s12] =	ssyncadd.s32 $0xFFFFF800  }
0x89: {  	_ =	swait.ge [sflag:s12], $0x800  }
0x8a: {  	[sflag:s12] =	ssyncset.done $0x0  }
0x8b: {  	[sflag:s12] =	ssyncadd.s32 $0xFFFFF800  }
0x8c: {  	_ =	swait.ge [sflag:s12], $0x800  }
0x8d: {  	[sflag:s12] =	ssyncset.done $0x0  }
0x8e: {  	[sflag:s12] =	ssyncadd.s32 $0xFFFFF800  }
0x8f: {  	_ =	swait.ge [sflag:s12], $0x800  }
0x90: {  	[sflag:s12] =	ssyncset.done $0x0  }
0x91: {  	[sflag:s12] =	ssyncadd.s32 $0xFFFFF800  }
0x92: {  	_ =	swait.ge [sflag:s12], $0x800  }
0x93: {  	[sflag:s12] =	ssyncset.done $0x0  }
0x94: {  	[sflag:s12] =	ssyncadd.s32 $0xFFFFF800  }
0x95: {  	_ =	swait.ge [sflag:s12], $0x800  }
0x96: {  	[sflag:s12] =	ssyncset.done $0x0  }
0x97: {  	[sflag:s12] =	ssyncadd.s32 $0xFFFFF800  }
0x98: {  	_ =	swait.ge [sflag:s12], $0x800  }
0x99: {  	[sflag:s12] =	ssyncset.done $0x0  }
0x9a: {  	[sflag:s12] =	ssyncadd.s32 $0xFFFFF800  }
0x9b: {  	_ =	swait.ge [sflag:s12], $0x800  }
0x9c: {  	[sflag:s12] =	ssyncset.done $0x0  }
0x9d: {  	[sflag:s12] =	ssyncadd.s32 $0xFFFFF800  }
0x9e: {  	_ =	swait.ge [sflag:s12], $0x800  }
0x9f: {  	[sflag:s12] =	ssyncset.done $0x0  }
0xa0: {  	[sflag:s12] =	ssyncadd.s32 $0xFFFFF800  }
0xa1: {  	_ =	swait.ge [sflag:s12], $0x800  }
0xa2: {  	[sflag:s12] =	ssyncset.done $0x0  }
0xa3: {  	[sflag:s12] =	ssyncadd.s32 $0xFFFFF800  }
0xa4: {  	_ =	swait.ge [sflag:s12], $0x800  }
0xa5: {  	[sflag:s12] =	ssyncset.done $0x0  }
0xa6: {  	[sflag:s12] =	ssyncadd.s32 $0xFFFFF800  }
0xa7: {  	_ =	swait.ge [sflag:s12], $0x800  }
0xa8: {  	[sflag:s12] =	ssyncset.done $0x0  }
0xa9: {  	[sflag:s12] =	ssyncadd.s32 $0xFFFFF800  }
0xaa: {  	_ =	swait.ge [sflag:s12], $0x800  }
0xab: {  	[sflag:s12] =	ssyncset.done $0x0  }
0xac: {  	[sflag:s12] =	ssyncadd.s32 $0xFFFFF800  }
0xad: {  	_ =	swait.ge [sflag:s12], $0x800  }
0xae: {  	[sflag:s12] =	ssyncset.done $0x0  }
0xaf: {  	[sflag:s12] =	ssyncadd.s32 $0xFFFFF800  }
0xb0: {  	_ =	swait.ge [sflag:s12], $0x800  }
0xb1: {  	[sflag:s12] =	ssyncset.done $0x0  }
0xb2: {  	[sflag:s12] =	ssyncadd.s32 $0xFFFFF800  }
0xb3: {  	_ =	swait.ge [sflag:s12], $0x800  }
0xb4: {  	[sflag:s12] =	ssyncset.done $0x0  }
0xb5: {  	[sflag:s12] =	ssyncadd.s32 $0xFFFFF800  }
0xb6: {  	_ =	swait.ge [sflag:s12], $0x800  }
0xb7: {  	[sflag:s12] =	ssyncset.done $0x0  }
0xb8: {  	[sflag:s12] =	ssyncadd.s32 $0xFFFFF800  }
.Ltmp3:
0xb9: {  	_ =	swait.ge [sflag:s12], $0x800;
	(pc) =	sbr.rel @p0 .LBB2_7-.Ltmp3, $4  }
0xba: {  	[sflag:s12] =	ssyncset.done $0x0  }
0xbb: {  	[sflag:s12] =	ssyncadd.s32 $0xFFFFF800  }
0xbc: {  	[bflag:$0x0] =	sbarrier.arrive $0xFFFF  }
0xbd: {  	s25 =	simm.s32 $0x0  }
0xbe: {  	s26 =	rddreg [dreg:$0x9]  }
0xbf: {  	[tilespmem:s25], [sflag:$0x9] =	stream.linear.gather [hbm4b:s26+s25], $0x2800, $0x38;
	[tilespmem:$0x17800] =	vst v63  }
0xc0: {  	_ =	swait.ge [sflag:s13], $0x2800  }
0xc1: {  	[sflag:s13] =	ssyncset.done $0x0  }
0xc2: {  	s28 =	rddreg [dreg:$0xa];
	[sflag:s13] =	ssyncadd.s32 $0xFFFFD800  }
0xc3: {  	[tilespmem:s2], [sflag:$0x9] =	stream.linear.gather [hbm4b:s28+s25], $0x2800, $0x38;
	[tilespmem:$0x17800] =	vst v63  }
0xc4: {  	_ =	swait.ge [sflag:s13], $0x2800  }
0xc5: {  	[sflag:s13] =	ssyncset.done $0x0  }
0xc6: {  	[sflag:s13] =	ssyncadd.s32 $0xFFFFD800  }
0xc7: {  	[tilespmem:s14], [sflag:$0x1] =	stream.indirect.gather [hbm4b:s4+s11], $0x40, s25, s11, $0xb8;
	[tilespmem:$0x17800] =	vst v63  }
0xc8: {  	_ = 	snop  }
0xc9: {  	[tilespmem:s15], [sflag:$0x2] =	stream.indirect.gather [hbm4b:s4+s11], $0x40, s11, s11, $0xb8;
	[tilespmem:$0x17800] =	vst v63  }
0xca: {  	s26 =	simm.s32 $0x100  }
0xcb: {  	[tilespmem:s16], [sflag:$0x3] =	stream.indirect.gather [hbm4b:s4+s11], $0x40, s26, s11, $0xb8;
	[tilespmem:$0x17800] =	vst v63  }
0xcc: {  	_ =	swait.ge [sflag:s12], $0x2000  }
0xcd: {  	[sflag:s12] =	ssyncset.done $0x0  }
0xce: {  	[sflag:s12] =	ssyncadd.s32 $0xFFFFE000  }
0xcf: {  	[spmem:s1] =	stream.indirect.scatter.add.f32 [tilespmem:s14], [sflag:$0x5], $0x40, s2, s11, $0xb8;
	[tilespmem:$0x17800] =	vst v63  }
0xd0: {  	s28 =	simm.s32 $0x180  }
0xd1: {  	[tilespmem:s17], [sflag:$0x4] =	stream.indirect.gather [hbm4b:s4+s11], $0x40, s28, s11, $0xb8;
	[tilespmem:$0x17800] =	vst v63  }
0xd2: {  	_ =	swait.ge [sflag:s18], $0x2000  }
0xd3: {  	[sflag:s18] =	ssyncset.done $0x0  }
0xd4: {  	s26 =	simm.s32 $0x2880;
	[sflag:s18] =	ssyncadd.s32 $0xFFFFE000  }
0xd5: {  	[spmem:s1] =	stream.indirect.scatter.add.f32 [tilespmem:s15], [sflag:$0x6], $0x40, s26, s11, $0xb8;
	[tilespmem:$0x17800] =	vst v63  }
0xd6: {  	_ =	swait.ge [sflag:s19], $0x2000  }
0xd7: {  	[sflag:s19] =	ssyncset.done $0x0  }
0xd8: {  	s28 =	simm.s32 $0x200;
	[sflag:s19] =	ssyncadd.s32 $0xFFFFE000  }
0xd9: {  	[tilespmem:s14], [sflag:$0x1] =	stream.indirect.gather [hbm4b:s4+s11], $0x40, s28, s11, $0xb8;
	[tilespmem:$0x17800] =	vst v63  }
0xda: {  	_ =	swait.ge [sflag:s20], $0x2000  }
0xdb: {  	[sflag:s20] =	ssyncset.done $0x0  }
0xdc: {  	s26 =	simm.s32 $0x2900;
	[sflag:s20] =	ssyncadd.s32 $0xFFFFE000  }
0xdd: {  	[spmem:s1] =	stream.indirect.scatter.add.f32 [tilespmem:s16], [sflag:$0x7], $0x40, s26, s11, $0xb8;
	[tilespmem:$0x17800] =	vst v63  }
0xde: {  	_ =	swait.ge [sflag:s21], $0x2000  }
0xdf: {  	[sflag:s21] =	ssyncset.done $0x0  }
0xe0: {  	s28 =	simm.s32 $0x280;
	[sflag:s21] =	ssyncadd.s32 $0xFFFFE000  }
0xe1: {  	[tilespmem:s15], [sflag:$0x2] =	stream.indirect.gather [hbm4b:s4+s11], $0x40, s28, s11, $0xb8;
	[tilespmem:$0x17800] =	vst v63  }
0xe2: {  	_ =	swait.ge [sflag:s22], $0x2000  }
0xe3: {  	[sflag:s22] =	ssyncset.done $0x0  }
0xe4: {  	s26 =	simm.s32 $0x2980;
	[sflag:s22] =	ssyncadd.s32 $0xFFFFE000  }
0xe5: {  	[spmem:s1] =	stream.indirect.scatter.add.f32 [tilespmem:s17], [sflag:$0x8], $0x40, s26, s11, $0xb8;
	[tilespmem:$0x17800] =	vst v63  }
0xe6: {  	_ =	swait.ge [sflag:s23], $0x2000  }
0xe7: {  	[sflag:s23] =	ssyncset.done $0x0  }
0xe8: {  	s28 =	simm.s32 $0x300;
	[sflag:s23] =	ssyncadd.s32 $0xFFFFE000  }
0xe9: {  	[tilespmem:s16], [sflag:$0x3] =	stream.indirect.gather [hbm4b:s4+s11], $0x40, s28, s11, $0xb8;
	[tilespmem:$0x17800] =	vst v63  }
0xea: {  	_ =	swait.ge [sflag:s12], $0x2000  }
0xeb: {  	[sflag:s12] =	ssyncset.done $0x0  }
0xec: {  	s26 =	simm.s32 $0x2A00;
	[sflag:s12] =	ssyncadd.s32 $0xFFFFE000  }
0xed: {  	[spmem:s1] =	stream.indirect.scatter.add.f32 [tilespmem:s14], [sflag:$0x5], $0x40, s26, s11, $0xb8;
	[tilespmem:$0x17800] =	vst v63  }
0xee: {  	_ =	swait.ge [sflag:s24], $0x2000  }
0xef: {  	[sflag:s24] =	ssyncset.done $0x0  }
0xf0: {  	s28 =	simm.s32 $0x380;
	[sflag:s24] =	ssyncadd.s32 $0xFFFFE000  }
0xf1: {  	[tilespmem:s17], [sflag:$0x4] =	stream.indirect.gather [hbm4b:s4+s11], $0x40, s28, s11, $0xb8;
	[tilespmem:$0x17800] =	vst v63  }
0xf2: {  	_ =	swait.ge [sflag:s18], $0x2000  }
0xf3: {  	[sflag:s18] =	ssyncset.done $0x0  }
0xf4: {  	s26 =	simm.s32 $0x2A80;
	[sflag:s18] =	ssyncadd.s32 $0xFFFFE000  }
0xf5: {  	[spmem:s1] =	stream.indirect.scatter.add.f32 [tilespmem:s15], [sflag:$0x6], $0x40, s26, s11, $0xb8;
	[tilespmem:$0x17800] =	vst v63  }
0xf6: {  	_ =	swait.ge [sflag:s19], $0x2000  }
0xf7: {  	[sflag:s19] =	ssyncset.done $0x0  }
0xf8: {  	s28 =	simm.s32 $0x400;
	[sflag:s19] =	ssyncadd.s32 $0xFFFFE000  }
0xf9: {  	[tilespmem:s14], [sflag:$0x1] =	stream.indirect.gather [hbm4b:s4+s11], $0x40, s28, s11, $0xb8;
	[tilespmem:$0x17800] =	vst v63  }
0xfa: {  	_ =	swait.ge [sflag:s20], $0x2000  }
0xfb: {  	[sflag:s20] =	ssyncset.done $0x0  }
0xfc: {  	s26 =	simm.s32 $0x2B00;
	[sflag:s20] =	ssyncadd.s32 $0xFFFFE000  }
0xfd: {  	[spmem:s1] =	stream.indirect.scatter.add.f32 [tilespmem:s16], [sflag:$0x7], $0x40, s26, s11, $0xb8;
	[tilespmem:$0x17800] =	vst v63  }
0xfe: {  	_ =	swait.ge [sflag:s21], $0x2000  }
0xff: {  	[sflag:s21] =	ssyncset.done $0x0  }
0x100: {  	s28 =	simm.s32 $0x480;
	[sflag:s21] =	ssyncadd.s32 $0xFFFFE000  }
0x101: {  	[tilespmem:s15], [sflag:$0x2] =	stream.indirect.gather [hbm4b:s4+s11], $0x40, s28, s11, $0xb8;
	[tilespmem:$0x17800] =	vst v63  }
0x102: {  	_ =	swait.ge [sflag:s22], $0x2000  }
0x103: {  	[sflag:s22] =	ssyncset.done $0x0  }
0x104: {  	s25 =	simm.s32 $0x800;
	s26 =	simm.s32 $0x2B80;
	[sflag:s22] =	ssyncadd.s32 $0xFFFFE000  }
.LBB2_5:
0x105: {  	[spmem:s1] =	stream.indirect.scatter.add.f32 [tilespmem:s17], [sflag:$0x8], $0x40, s26, s11, $0xb8;
	[tilespmem:$0x17800] =	vst v63  }
0x106: {  	s26 =	smov.u32 s25  }
0x107: {  	p1 =	seq.s32 s25, $0x8800;
	s25 =	sadd.s32 $0x800, s25;
	_ =	swait.ge [sflag:s23], $0x2000  }
0x108: {  	s26 =	sshra.s32 s26, $0x2;
	[sflag:s23] =	ssyncset.done $0x0  }
0x109: {  	s28 =	sadd.s32 $0x300, s26;
	[sflag:s23] =	ssyncadd.s32 $0xFFFFE000  }
0x10a: {  	[tilespmem:s16], [sflag:$0x3] =	stream.indirect.gather [hbm4b:s4+s11], $0x40, s28, s11, $0xb8;
	[tilespmem:$0x17800] =	vst v63  }
0x10b: {  	_ =	swait.ge [sflag:s12], $0x2000  }
0x10c: {  	[sflag:s12] =	ssyncset.done $0x0  }
0x10d: {  	s28 =	sadd.s32 $0x2A00, s26;
	[sflag:s12] =	ssyncadd.s32 $0xFFFFE000  }
0x10e: {  	[spmem:s1] =	stream.indirect.scatter.add.f32 [tilespmem:s14], [sflag:$0x5], $0x40, s28, s11, $0xb8;
	[tilespmem:$0x17800] =	vst v63  }
0x10f: {  	_ =	swait.ge [sflag:s24], $0x2000  }
0x110: {  	[sflag:s24] =	ssyncset.done $0x0  }
0x111: {  	s28 =	sadd.s32 $0x380, s26;
	[sflag:s24] =	ssyncadd.s32 $0xFFFFE000  }
0x112: {  	[tilespmem:s17], [sflag:$0x4] =	stream.indirect.gather [hbm4b:s4+s11], $0x40, s28, s11, $0xb8;
	[tilespmem:$0x17800] =	vst v63  }
0x113: {  	_ =	swait.ge [sflag:s18], $0x2000  }
0x114: {  	[sflag:s18] =	ssyncset.done $0x0  }
0x115: {  	s28 =	sadd.s32 $0x2A80, s26;
	[sflag:s18] =	ssyncadd.s32 $0xFFFFE000  }
0x116: {  	[spmem:s1] =	stream.indirect.scatter.add.f32 [tilespmem:s15], [sflag:$0x6], $0x40, s28, s11, $0xb8;
	[tilespmem:$0x17800] =	vst v63  }
0x117: {  	_ =	swait.ge [sflag:s19], $0x2000  }
0x118: {  	[sflag:s19] =	ssyncset.done $0x0  }
0x119: {  	s28 =	sadd.s32 $0x400, s26;
	[sflag:s19] =	ssyncadd.s32 $0xFFFFE000  }
0x11a: {  	[tilespmem:s14], [sflag:$0x1] =	stream.indirect.gather [hbm4b:s4+s11], $0x40, s28, s11, $0xb8;
	[tilespmem:$0x17800] =	vst v63  }
0x11b: {  	_ =	swait.ge [sflag:s20], $0x2000  }
0x11c: {  	[sflag:s20] =	ssyncset.done $0x0  }
0x11d: {  	s28 =	sadd.s32 $0x2B00, s26;
	[sflag:s20] =	ssyncadd.s32 $0xFFFFE000  }
0x11e: {  	[spmem:s1] =	stream.indirect.scatter.add.f32 [tilespmem:s16], [sflag:$0x7], $0x40, s28, s11, $0xb8;
	[tilespmem:$0x17800] =	vst v63  }
0x11f: {  	_ =	swait.ge [sflag:s21], $0x2000  }
0x120: {  	[sflag:s21] =	ssyncset.done $0x0  }
.Ltmp4:
0x121: {  	s28 =	sadd.s32 $0x480, s26;
	[sflag:s21] =	ssyncadd.s32 $0xFFFFE000;
	(pc) =	sbr.rel @!p1 .LBB2_5-.Ltmp4, $4  }
0x122: {  	[tilespmem:s15], [sflag:$0x2] =	stream.indirect.gather [hbm4b:s4+s11], $0x40, s28, s11, $0xb8;
	[tilespmem:$0x17800] =	vst v63  }
0x123: {  	_ =	swait.ge [sflag:s22], $0x2000  }
0x124: {  	[sflag:s22] =	ssyncset.done $0x0  }
0x125: {  	s26 =	sadd.s32 $0x2B80, s26;
	[sflag:s22] =	ssyncadd.s32 $0xFFFFE000  }
0x126: {  	[spmem:s1] =	stream.indirect.scatter.add.f32 [tilespmem:s17], [sflag:$0x8], $0x40, s26, s11, $0xb8;
	[tilespmem:$0x17800] =	vst v63  }
0x127: {  	_ =	swait.ge [sflag:s23], $0x2000  }
0x128: {  	[sflag:s23] =	ssyncset.done $0x0  }
0x129: {  	s25 =	simm.s32 $0x2700;
	[sflag:s23] =	ssyncadd.s32 $0xFFFFE000  }
0x12a: {  	[tilespmem:s16], [sflag:$0x3] =	stream.indirect.gather [hbm4b:s4+s11], $0x40, s25, s11, $0xb8;
	[tilespmem:$0x17800] =	vst v63  }
0x12b: {  	_ =	swait.ge [sflag:s12], $0x2000  }
0x12c: {  	[sflag:s12] =	ssyncset.done $0x0  }
0x12d: {  	s28 =	simm.s32 $0x4E00;
	[sflag:s12] =	ssyncadd.s32 $0xFFFFE000  }
0x12e: {  	[spmem:s1] =	stream.indirect.scatter.add.f32 [tilespmem:s14], [sflag:$0x5], $0x40, s28, s11, $0xb8;
	[tilespmem:$0x17800] =	vst v63  }
0x12f: {  	_ =	swait.ge [sflag:s24], $0x2000  }
0x130: {  	[sflag:s24] =	ssyncset.done $0x0  }
0x131: {  	s26 =	simm.s32 $0x2780;
	[sflag:s24] =	ssyncadd.s32 $0xFFFFE000  }
0x132: {  	[tilespmem:s17], [sflag:$0x4] =	stream.indirect.gather [hbm4b:s4+s11], $0x40, s26, s11, $0xb8;
	[tilespmem:$0x17800] =	vst v63  }
0x133: {  	_ =	swait.ge [sflag:s18], $0x2000  }
0x134: {  	[sflag:s18] =	ssyncset.done $0x0  }
0x135: {  	s28 =	simm.s32 $0x4E80;
	[sflag:s18] =	ssyncadd.s32 $0xFFFFE000  }
0x136: {  	[spmem:s1] =	stream.indirect.scatter.add.f32 [tilespmem:s15], [sflag:$0x6], $0x40, s28, s11, $0xb8;
	[tilespmem:$0x17800] =	vst v63  }
0x137: {  	_ =	swait.ge [sflag:s20], $0x2000  }
0x138: {  	[sflag:s20] =	ssyncset.done $0x0  }
0x139: {  	s26 =	simm.s32 $0x4F00;
	[sflag:s20] =	ssyncadd.s32 $0xFFFFE000  }
0x13a: {  	[spmem:s1] =	stream.indirect.scatter.add.f32 [tilespmem:s16], [sflag:$0x7], $0x40, s26, s11, $0xb8;
	[tilespmem:$0x17800] =	vst v63  }
.Ltmp5:
0x13b: {  	_ = 	snop;
	(pc) =	sbr.rel .LBB2_10-.Ltmp5, $4  }
0x13c: {  	_ =	swait.ge [sflag:s22], $0x2000  }
0x13d: {  	[sflag:s22] =	ssyncset.done $0x0  }
0x13e: {  	s28 =	simm.s32 $0x4F80;
	s25 =	rddreg [dreg:$0x4];
	[sflag:s22] =	ssyncadd.s32 $0xFFFFE000  }
0x13f: {  	[spmem:s1] =	stream.indirect.scatter.add.f32 [tilespmem:s17], [sflag:$0x8], $0x40, s28, s11, $0xb8;
	[tilespmem:$0x17800] =	vst v63  }
.LBB2_7:
0x140: {  	s26 =	rddreg [dreg:$0x6]  }
0x141: {  	[tilespmem:s25], [sflag:$0x9] =	stream.linear.gather [hbm4b:s26+s25], $0x2800, $0x38;
	[tilespmem:$0x17800] =	vst v63  }
0x142: {  	_ =	swait.ge [sflag:s13], $0x2800  }
0x143: {  	[sflag:s13] =	ssyncset.done $0x0  }
0x144: {  	s28 =	rddreg [dreg:$0x7];
	[sflag:s13] =	ssyncadd.s32 $0xFFFFD800  }
0x145: {  	[tilespmem:s2], [sflag:$0x9] =	stream.linear.gather [hbm4b:s28+s25], $0x2800, $0x38;
	[tilespmem:$0x17800] =	vst v63  }
0x146: {  	_ =	swait.ge [sflag:s13], $0x2800  }
0x147: {  	[sflag:s13] =	ssyncset.done $0x0  }
0x148: {  	[sflag:s13] =	ssyncadd.s32 $0xFFFFD800  }
0x149: {  	[tilespmem:s14], [sflag:$0x1] =	stream.indirect.gather [hbm4b:s5+s11], $0x40, s25, s11, $0xb8;
	[tilespmem:$0x17800] =	vst v63  }
0x14a: {  	_ = 	snop  }
0x14b: {  	[tilespmem:s15], [sflag:$0x2] =	stream.indirect.gather [hbm4b:s5+s11], $0x40, s11, s11, $0xb8;
	[tilespmem:$0x17800] =	vst v63  }
0x14c: {  	s26 =	simm.s32 $0x100  }
0x14d: {  	[tilespmem:s16], [sflag:$0x3] =	stream.indirect.gather [hbm4b:s5+s11], $0x40, s26, s11, $0xb8;
	[tilespmem:$0x17800] =	vst v63  }
0x14e: {  	_ =	swait.ge [sflag:s12], $0x2000  }
0x14f: {  	[sflag:s12] =	ssyncset.done $0x0  }
0x150: {  	[sflag:s12] =	ssyncadd.s32 $0xFFFFE000  }
0x151: {  	[spmem:s1] =	stream.indirect.scatter.add.f32 [tilespmem:s14], [sflag:$0x5], $0x40, s2, s11, $0xb8;
	[tilespmem:$0x17800] =	vst v63  }
0x152: {  	s28 =	simm.s32 $0x180  }
0x153: {  	[tilespmem:s17], [sflag:$0x4] =	stream.indirect.gather [hbm4b:s5+s11], $0x40, s28, s11, $0xb8;
	[tilespmem:$0x17800] =	vst v63  }
0x154: {  	_ =	swait.ge [sflag:s18], $0x2000  }
0x155: {  	[sflag:s18] =	ssyncset.done $0x0  }
0x156: {  	s26 =	simm.s32 $0x2880;
	[sflag:s18] =	ssyncadd.s32 $0xFFFFE000  }
0x157: {  	[spmem:s1] =	stream.indirect.scatter.add.f32 [tilespmem:s15], [sflag:$0x6], $0x40, s26, s11, $0xb8;
	[tilespmem:$0x17800] =	vst v63  }
0x158: {  	_ =	swait.ge [sflag:s19], $0x2000  }
0x159: {  	[sflag:s19] =	ssyncset.done $0x0  }
0x15a: {  	s28 =	simm.s32 $0x200;
	[sflag:s19] =	ssyncadd.s32 $0xFFFFE000  }
0x15b: {  	[tilespmem:s14], [sflag:$0x1] =	stream.indirect.gather [hbm4b:s5+s11], $0x40, s28, s11, $0xb8;
	[tilespmem:$0x17800] =	vst v63  }
0x15c: {  	_ =	swait.ge [sflag:s20], $0x2000  }
0x15d: {  	[sflag:s20] =	ssyncset.done $0x0  }
0x15e: {  	s26 =	simm.s32 $0x2900;
	[sflag:s20] =	ssyncadd.s32 $0xFFFFE000  }
0x15f: {  	[spmem:s1] =	stream.indirect.scatter.add.f32 [tilespmem:s16], [sflag:$0x7], $0x40, s26, s11, $0xb8;
	[tilespmem:$0x17800] =	vst v63  }
0x160: {  	_ =	swait.ge [sflag:s21], $0x2000  }
0x161: {  	[sflag:s21] =	ssyncset.done $0x0  }
0x162: {  	s28 =	simm.s32 $0x280;
	[sflag:s21] =	ssyncadd.s32 $0xFFFFE000  }
0x163: {  	[tilespmem:s15], [sflag:$0x2] =	stream.indirect.gather [hbm4b:s5+s11], $0x40, s28, s11, $0xb8;
	[tilespmem:$0x17800] =	vst v63  }
0x164: {  	_ =	swait.ge [sflag:s22], $0x2000  }
0x165: {  	[sflag:s22] =	ssyncset.done $0x0  }
0x166: {  	s26 =	simm.s32 $0x2980;
	[sflag:s22] =	ssyncadd.s32 $0xFFFFE000  }
0x167: {  	[spmem:s1] =	stream.indirect.scatter.add.f32 [tilespmem:s17], [sflag:$0x8], $0x40, s26, s11, $0xb8;
	[tilespmem:$0x17800] =	vst v63  }
0x168: {  	_ =	swait.ge [sflag:s23], $0x2000  }
0x169: {  	[sflag:s23] =	ssyncset.done $0x0  }
0x16a: {  	s28 =	simm.s32 $0x300;
	[sflag:s23] =	ssyncadd.s32 $0xFFFFE000  }
0x16b: {  	[tilespmem:s16], [sflag:$0x3] =	stream.indirect.gather [hbm4b:s5+s11], $0x40, s28, s11, $0xb8;
	[tilespmem:$0x17800] =	vst v63  }
0x16c: {  	_ =	swait.ge [sflag:s12], $0x2000  }
0x16d: {  	[sflag:s12] =	ssyncset.done $0x0  }
0x16e: {  	s26 =	simm.s32 $0x2A00;
	[sflag:s12] =	ssyncadd.s32 $0xFFFFE000  }
0x16f: {  	[spmem:s1] =	stream.indirect.scatter.add.f32 [tilespmem:s14], [sflag:$0x5], $0x40, s26, s11, $0xb8;
	[tilespmem:$0x17800] =	vst v63  }
0x170: {  	_ =	swait.ge [sflag:s24], $0x2000  }
0x171: {  	[sflag:s24] =	ssyncset.done $0x0  }
0x172: {  	s28 =	simm.s32 $0x380;
	[sflag:s24] =	ssyncadd.s32 $0xFFFFE000  }
0x173: {  	[tilespmem:s17], [sflag:$0x4] =	stream.indirect.gather [hbm4b:s5+s11], $0x40, s28, s11, $0xb8;
	[tilespmem:$0x17800] =	vst v63  }
0x174: {  	_ =	swait.ge [sflag:s18], $0x2000  }
0x175: {  	[sflag:s18] =	ssyncset.done $0x0  }
0x176: {  	s26 =	simm.s32 $0x2A80;
	[sflag:s18] =	ssyncadd.s32 $0xFFFFE000  }
0x177: {  	[spmem:s1] =	stream.indirect.scatter.add.f32 [tilespmem:s15], [sflag:$0x6], $0x40, s26, s11, $0xb8;
	[tilespmem:$0x17800] =	vst v63  }
0x178: {  	_ =	swait.ge [sflag:s19], $0x2000  }
0x179: {  	[sflag:s19] =	ssyncset.done $0x0  }
0x17a: {  	s28 =	simm.s32 $0x400;
	[sflag:s19] =	ssyncadd.s32 $0xFFFFE000  }
0x17b: {  	[tilespmem:s14], [sflag:$0x1] =	stream.indirect.gather [hbm4b:s5+s11], $0x40, s28, s11, $0xb8;
	[tilespmem:$0x17800] =	vst v63  }
0x17c: {  	_ =	swait.ge [sflag:s20], $0x2000  }
0x17d: {  	[sflag:s20] =	ssyncset.done $0x0  }
0x17e: {  	s26 =	simm.s32 $0x2B00;
	[sflag:s20] =	ssyncadd.s32 $0xFFFFE000  }
0x17f: {  	[spmem:s1] =	stream.indirect.scatter.add.f32 [tilespmem:s16], [sflag:$0x7], $0x40, s26, s11, $0xb8;
	[tilespmem:$0x17800] =	vst v63  }
0x180: {  	_ =	swait.ge [sflag:s21], $0x2000  }
0x181: {  	[sflag:s21] =	ssyncset.done $0x0  }
0x182: {  	s28 =	simm.s32 $0x480;
	[sflag:s21] =	ssyncadd.s32 $0xFFFFE000  }
0x183: {  	[tilespmem:s15], [sflag:$0x2] =	stream.indirect.gather [hbm4b:s5+s11], $0x40, s28, s11, $0xb8;
	[tilespmem:$0x17800] =	vst v63  }
0x184: {  	_ =	swait.ge [sflag:s22], $0x2000  }
0x185: {  	[sflag:s22] =	ssyncset.done $0x0  }
0x186: {  	s25 =	simm.s32 $0x800;
	s26 =	simm.s32 $0x2B80;
	[sflag:s22] =	ssyncadd.s32 $0xFFFFE000  }
.LBB2_8:
0x187: {  	[spmem:s1] =	stream.indirect.scatter.add.f32 [tilespmem:s17], [sflag:$0x8], $0x40, s26, s11, $0xb8;
	[tilespmem:$0x17800] =	vst v63  }
0x188: {  	s26 =	smov.u32 s25  }
0x189: {  	p1 =	seq.s32 s25, $0x8800;
	s25 =	sadd.s32 $0x800, s25;
	_ =	swait.ge [sflag:s23], $0x2000  }
0x18a: {  	s26 =	sshra.s32 s26, $0x2;
	[sflag:s23] =	ssyncset.done $0x0  }
0x18b: {  	s28 =	sadd.s32 $0x300, s26;
	[sflag:s23] =	ssyncadd.s32 $0xFFFFE000  }
0x18c: {  	[tilespmem:s16], [sflag:$0x3] =	stream.indirect.gather [hbm4b:s5+s11], $0x40, s28, s11, $0xb8;
	[tilespmem:$0x17800] =	vst v63  }
0x18d: {  	_ =	swait.ge [sflag:s12], $0x2000  }
0x18e: {  	[sflag:s12] =	ssyncset.done $0x0  }
0x18f: {  	s28 =	sadd.s32 $0x2A00, s26;
	[sflag:s12] =	ssyncadd.s32 $0xFFFFE000  }
0x190: {  	[spmem:s1] =	stream.indirect.scatter.add.f32 [tilespmem:s14], [sflag:$0x5], $0x40, s28, s11, $0xb8;
	[tilespmem:$0x17800] =	vst v63  }
0x191: {  	_ =	swait.ge [sflag:s24], $0x2000  }
0x192: {  	[sflag:s24] =	ssyncset.done $0x0  }
0x193: {  	s28 =	sadd.s32 $0x380, s26;
	[sflag:s24] =	ssyncadd.s32 $0xFFFFE000  }
0x194: {  	[tilespmem:s17], [sflag:$0x4] =	stream.indirect.gather [hbm4b:s5+s11], $0x40, s28, s11, $0xb8;
	[tilespmem:$0x17800] =	vst v63  }
0x195: {  	_ =	swait.ge [sflag:s18], $0x2000  }
0x196: {  	[sflag:s18] =	ssyncset.done $0x0  }
0x197: {  	s28 =	sadd.s32 $0x2A80, s26;
	[sflag:s18] =	ssyncadd.s32 $0xFFFFE000  }
0x198: {  	[spmem:s1] =	stream.indirect.scatter.add.f32 [tilespmem:s15], [sflag:$0x6], $0x40, s28, s11, $0xb8;
	[tilespmem:$0x17800] =	vst v63  }
0x199: {  	_ =	swait.ge [sflag:s19], $0x2000  }
0x19a: {  	[sflag:s19] =	ssyncset.done $0x0  }
0x19b: {  	s28 =	sadd.s32 $0x400, s26;
	[sflag:s19] =	ssyncadd.s32 $0xFFFFE000  }
0x19c: {  	[tilespmem:s14], [sflag:$0x1] =	stream.indirect.gather [hbm4b:s5+s11], $0x40, s28, s11, $0xb8;
	[tilespmem:$0x17800] =	vst v63  }
0x19d: {  	_ =	swait.ge [sflag:s20], $0x2000  }
0x19e: {  	[sflag:s20] =	ssyncset.done $0x0  }
0x19f: {  	s28 =	sadd.s32 $0x2B00, s26;
	[sflag:s20] =	ssyncadd.s32 $0xFFFFE000  }
0x1a0: {  	[spmem:s1] =	stream.indirect.scatter.add.f32 [tilespmem:s16], [sflag:$0x7], $0x40, s28, s11, $0xb8;
	[tilespmem:$0x17800] =	vst v63  }
0x1a1: {  	_ =	swait.ge [sflag:s21], $0x2000  }
0x1a2: {  	[sflag:s21] =	ssyncset.done $0x0  }
.Ltmp6:
0x1a3: {  	s28 =	sadd.s32 $0x480, s26;
	[sflag:s21] =	ssyncadd.s32 $0xFFFFE000;
	(pc) =	sbr.rel @!p1 .LBB2_8-.Ltmp6, $4  }
0x1a4: {  	[tilespmem:s15], [sflag:$0x2] =	stream.indirect.gather [hbm4b:s5+s11], $0x40, s28, s11, $0xb8;
	[tilespmem:$0x17800] =	vst v63  }
0x1a5: {  	_ =	swait.ge [sflag:s22], $0x2000  }
0x1a6: {  	[sflag:s22] =	ssyncset.done $0x0  }
0x1a7: {  	s26 =	sadd.s32 $0x2B80, s26;
	[sflag:s22] =	ssyncadd.s32 $0xFFFFE000  }
.Ltmp7:
0x1a8: {  	_ = 	snop;
	(pc) =	sbr.rel .LBB2_9-.Ltmp7, $1  }
0x1a9: {  	_ =	sdelay $0x3  }
.LBB2_11:
0x1aa: {  	_ =	sfence.sel $0x180000  }
0x1ab: {  	[bflag:$0x0] =	sbarrier.arrive $0xFFFF  }
0x1ac: {  	_ =	strace $0x9000004D  }
0x1ad: {  	s0 =	stileid.u32;
	[bflag:$0x2] =	sbarrier.arrive $0xFFFF  }
0x1ae: {  	p0 =	sne.s32 s0, $0x0;
	s0 =	rddreg [dreg:$0x3]  }
0x1af: {  	s0 =	sadd.s32 @!p0 $0x100000, s0  }
0x1b0: {  	[sflag:s0] =	ssyncadd.tile.s32 @!p0 $0x1;
	_ =	shalt  }
.Lfunc_end2:
_tile_overlayer_lowered:
.L_overlay_start_2:
0x1b1: {  	(tag) =	ssettag $0x2  }
0x1b2: {  	s0 =	rddreg [dreg:$0x0];
	s2 =	stileid.u32  }
0x1b3: {  	s1 =	rddreg [dreg:$0x1];
	p0 =	sne.s32 s2, $0x0  }
0x1b4: {  	s3 =	rddreg [dreg:$0x2];
	[bflag:$0x3] =	sbarrier.arrive $0xFFFF;
	s2 =	simm.s32 @!p0 $0x1C09  }
0x1b5: {  	[timem:s3], [sflag:s2] =	dma.local @!p0 [hbm:s0], s1  }
0x1b6: {  	s0 =	simm.s32 @!p0 $0x9  }
0x1b7: {  	_ =	swait.ge @!p0 [sflag:s0], s1  }
0x1b8: {  	s1 =	ssub.s32 @!p0 $0x0, s1;
	[sflag:s0] =	ssyncset.done @!p0 $0x0  }
0x1b9: {  	[sflag:s0] =	ssyncadd.s32 @!p0 s1  }
0x1ba: {  	[bflag:$0x3] =	sbarrier.arrive $0xFFFF  }
0x1bb: {  	_ =	shalt  }

// kernel: kernel.9.cloned.1.call-start
scs
__scs_entry_jumppad:
0x0: {  	(pc) =	sbr.rel $0x88, $3  }
0x1: {  	(tag) =	ssettag $0x0;
	lr =	simm.s32 $0x1  }
0x2: {  	[smem:$0x3F99] =	sst lr;
	_ =	strace $0xD0000000  }
0x3: {  	_ = 	snop  }
0x4: {  	_ = 	snop  }
0x5: {  	_ = 	snop  }
0x6: {  	_ = 	snop  }
0x7: {  	_ = 	snop  }
__scs_overlays_trampoline_lowered:
0x8: {  	[smem:$0x3FA8] =	sst s0  }
0x9: {  	[smem:$0x3FA9] =	sst s1  }
0xa: {  	[smem:$0x3FAA] =	sst s2  }
0xb: {  	[smem:$0x3FAB] =	sst s3  }
0xc: {  	[smem:$0x3FAC] =	sst s4  }
0xd: {  	[smem:$0x3FAD] =	sst s5  }
0xe: {  	[smem:$0x3FAE] =	sst s6  }
0xf: {  	[smem:$0x3FAF] =	sst s7  }
0x10: {  	[smem:$0x3FB0] =	sst s8  }
0x11: {  	[smem:$0x3FB1] =	sst s9;
	s0 =	simm.s32 @!p0 $0x0  }
0x12: {  	s1 =	sld [smem:$0x3F97];
	s0 =	simm.s32 @p0 $0x1  }
0x13: {  	[smem:$0x3FB2] =	sst s0;
	s0 =	simm.s32 @!p1 $0x0  }
0x14: {  	s2 =	sld [smem:$0x3F96];
	s0 =	simm.s32 @p1 $0x1  }
0x15: {  	[smem:$0x3FB3] =	sst s0;
	s0 =	simm.s32 @!p2 $0x0  }
0x16: {  	s3 =	sld [smem:$0x3FDB];
	s0 =	simm.s32 @p2 $0x1  }
0x17: {  	s4 =	simm.s32 $0x1BF5;
	[smem:$0x3FB5] =	sst s0  }
0x18: {  	s0 =	sld [smem:$0x3F98];
	_ =	swait.ge [sflag:s4], $0x0  }
0x19: {  	s7 =	sld [smem:$0x3F99]  }
0x1a: {  	s8 =	sadd.s32 $0xFFFFE003, lr  }
0x1b: {  	s9 =	sadd.s32 $0xFFFFFEF7, lr;
	s5 =	simm.s32 $0xFFFFFFFF;
	p2 =	slt.u32 s8, $0xFFFFF086  }
0x1c: {  	p1 =	slt.u32 s9, $0xF7A;
	s5 =	simm.s32 @!p2 $0x0  }
0x1d: {  	s5 =	simm.s32 @p1 $0x1;
	p0 =	seq.s32 s7, s2  }
0x1e: {  	s7 =	smul.u32 @!p0 $0xF7A, s2;
	p2 =	seq.s32 @!p0 s5, $0x0  }
0x1f: {  	s9 =	smul.u32 $0xF7A, s1;
	s8 =	simm.s32 @!p0 $0x1BF5;
	p2 =	por !p2, p0  }
0x20: {  	[sflag:s8] =	ssyncset.s32 @!p0 $0xFFFFF086;
	s6 =	sadd.s32 @!p0 s3, s7;
	s7 =	simm.s32 @!p0 $0x108  }
0x21: {  	s3 =	sadd.s32 s3, s9;
	s6 =	sadd.s32 @!p0 $0x88, s6;
	s7 =	simm.s32 @p2 $0x1082  }
0x22: {  	[simem:s7], [sflag:s8] =	dma.local @!p0 [hbm:s6], $0xF7A  }
0x23: {  	s9 =	sor.u32 $0xD0000000, s2;
	s6 =	simm.s32 $0x108;
	_ =	swait.ge @!p0 [sflag:s8], $0x0  }
0x24: {  	s3 =	sadd.s32 $0x88, s3;
	s6 =	simm.s32 @!p1 $0x1082;
	[sflag:s4] =	ssyncset.s32 $0xFFFFF086  }
0x25: {  	[simem:s6], [sflag:s4] =	dma.local [hbm:s3], $0xF7A  }
0x26: {  	[smem:$0x3F99] =	sst s1;
	(tag) =	ssettag s2;
	_ =	strace s9  }
0x27: {  	s1 =	sld [smem:$0x3FA9]  }
0x28: {  	s2 =	sld [smem:$0x3FAA]  }
0x29: {  	s4 =	sld [smem:$0x3FAC]  }
0x2a: {  	p0 =	seq.s32 s5, $0x0;
	s5 =	sld [smem:$0x3FAD]  }
0x2b: {  	s6 =	sld [smem:$0x3FAE]  }
0x2c: {  	s7 =	sld [smem:$0x3FAF]  }
0x2d: {  	s3 =	simm.s32 $0x108;
	s8 =	sld [smem:$0x3FB0]  }
0x2e: {  	s3 =	simm.s32 @!p0 $0x1082;
	s9 =	sld [smem:$0x3FB1]  }
0x2f: {  	lr =	sadd.s32 s0, s3;
	s0 =	sld [smem:$0x3FA8]  }
0x30: {  	s3 =	sld [smem:$0x3FAB]  }
0x31: {  	[smem:$0x3FB4] =	sst s10  }
0x32: {  	s10 =	sld [smem:$0x3FB2];
	_ =	sdelay $0x3  }
0x33: {  	p0 =	seq.s32 s10, $0x1;
	s10 =	sld [smem:$0x3FB4];
	_ =	sdelay $0x3  }
0x34: {  	[smem:$0x3FB4] =	sst s10  }
0x35: {  	s10 =	sld [smem:$0x3FB3];
	_ =	sdelay $0x3  }
0x36: {  	p1 =	seq.s32 s10, $0x1;
	s10 =	sld [smem:$0x3FB4];
	_ =	sdelay $0x3  }
0x37: {  	[smem:$0x3FB4] =	sst s10  }
0x38: {  	s10 =	sld [smem:$0x3FB5]  }
0x39: {  	_ = 	snop;
	(pc) =	sbr.ind lr, $3  }
0x3a: {  	_ = 	snop  }
0x3b: {  	_ = 	snop  }
0x3c: {  	p2 =	seq.s32 s10, $0x1;
	s10 =	sld [smem:$0x3FB4]  }
0x3d: {  	_ =	shalt  }
0x3e: {  	_ =	shalt  }
0x3f: {  	_ =	shalt  }
0x40: {  	_ =	shalt  }
0x41: {  	_ =	shalt  }
0x42: {  	_ =	shalt  }
0x43: {  	_ =	shalt  }
0x44: {  	_ =	shalt  }
0x45: {  	_ =	shalt  }
0x46: {  	_ =	shalt  }
0x47: {  	_ =	shalt  }
0x48: {  	_ =	shalt  }
0x49: {  	_ =	shalt  }
0x4a: {  	_ =	shalt  }
0x4b: {  	_ =	shalt  }
0x4c: {  	_ =	shalt  }
0x4d: {  	_ =	shalt  }
0x4e: {  	_ =	shalt  }
0x4f: {  	_ =	shalt  }
0x50: {  	_ =	shalt  }
0x51: {  	_ =	shalt  }
0x52: {  	_ =	shalt  }
0x53: {  	_ =	shalt  }
0x54: {  	_ =	shalt  }
0x55: {  	_ =	shalt  }
0x56: {  	_ =	shalt  }
0x57: {  	_ =	shalt  }
0x58: {  	_ =	shalt  }
0x59: {  	_ =	shalt  }
0x5a: {  	_ =	shalt  }
0x5b: {  	_ =	shalt  }
0x5c: {  	_ =	shalt  }
0x5d: {  	_ =	shalt  }
0x5e: {  	_ =	shalt  }
0x5f: {  	_ =	shalt  }
0x60: {  	_ =	shalt  }
0x61: {  	_ =	shalt  }
0x62: {  	_ =	shalt  }
0x63: {  	_ =	shalt  }
0x64: {  	_ =	shalt  }
0x65: {  	_ =	shalt  }
0x66: {  	_ =	shalt  }
0x67: {  	_ =	shalt  }
0x68: {  	_ =	shalt  }
0x69: {  	_ =	shalt  }
0x6a: {  	_ =	shalt  }
0x6b: {  	_ =	shalt  }
0x6c: {  	_ =	shalt  }
0x6d: {  	_ =	shalt  }
0x6e: {  	_ =	shalt  }
0x6f: {  	_ =	shalt  }
0x70: {  	_ =	shalt  }
0x71: {  	_ =	shalt  }
0x72: {  	_ =	shalt  }
0x73: {  	_ =	shalt  }
0x74: {  	_ =	shalt  }
0x75: {  	_ =	shalt  }
0x76: {  	_ =	shalt  }
0x77: {  	_ =	shalt  }
0x78: {  	_ =	shalt  }
0x79: {  	_ =	shalt  }
0x7a: {  	_ =	shalt  }
0x7b: {  	_ =	shalt  }
0x7c: {  	_ =	shalt  }
0x7d: {  	_ =	shalt  }
0x7e: {  	_ =	shalt  }
0x7f: {  	_ =	shalt  }
0x80: {  	_ =	shalt  }
0x81: {  	_ =	shalt  }
0x82: {  	_ =	shalt  }
0x83: {  	_ =	shalt  }
0x84: {  	_ =	shalt  }
0x85: {  	_ =	shalt  }
0x86: {  	_ =	shalt  }
0x87: {  	_ =	shalt  }
.Lfunc_end0:
.L_simem_size_0:
called_computation_lowered:
.L_overlay_start_0:
0x88: {  	s2 =	sld [smem:$0x3FD9]  }
0x89: {  	s3 =	sld [smem:$0x3FFE];
	_ =	sdelay $0x1  }
0x8a: {  	s1 =	srdreg.scid  }
0x8b: {  	s0 =	sand.u32 $0x1, s1  }
0x8c: {  	s17 =	sshll.u32 s0, $0xA;
	s2 =	sadd.s32 s3, s2  }
0x8d: {  	s2 =	sadd.s32 s2, s17  }
0x8e: {  	[smem:$0x3FC0] =	sst s2  }
0x8f: {  	_ = 	snop  }
0x90: {  	s2 =	sld [smem:$0x3FD0];
	(tm) =	ssettm $0x1  }
0x91: {  	s18 =	sld [smem:$0x3FFB];
	_ =	sdelay $0x3  }
0x92: {  	_ =	strace s18  }
0x93: {  	s3 =	sld [smem:$0x3FFC];
	_ =	sdelay $0x3  }
0x94: {  	_ =	strace s3  }
0x95: {  	s3 =	sld [smem:$0x3FFD];
	_ =	sdelay $0x3  }
0x96: {  	_ =	strace s3  }
0x97: {  	_ =	strace $0x8FFFFFFF  }
0x98: {  	s19 =	sld [smem:$0x3FDB];
	_ =	sdelay $0x1  }
0x99: {  	s4 =	simm.s32 $_scs_section_size  }
0x9a: {  	s5 =	simm.s32 $_size__tile_overlayer_lowered;
	s6 =	simm.s32 $_tile_overlayer_lowered  }
0x9b: {  	s22 =	simm.s32 $0x1BFF;
	s21 =	sshll.u32 s6, $0x1;
	s3 =	sadd.s32 s4, s19  }
0x9c: {  	s7 =	simm.s32 $0x0;
	s20 =	sshll.u32 s5, $0x1;
	s5 =	sadd.s32 s21, s3  }
0x9d: {  	[timem:s7], [sflag:s22] =	dma.local [hbm:s5], s20  }
0x9e: {  	_ =	swait.ge [sflag:s22], s20  }
0x9f: {  	s4 =	ssub.s32 $0x0, s20;
	[sflag:s22] =	ssyncset.done $0x0  }
0xa0: {  	[sflag:s22] =	ssyncadd.s32 s4;
	_ =	sdelay $0x1  }
0xa1: {  	s23 =	simm.s32 $0x1B8B  }
0xa2: {  	_ =	swait.ge [sflag:s23], $0x1  }
0xa3: {  	[sflag:s23] =	ssyncset.done $0x0  }
0xa4: {  	s25 =	simm.s32 $0x1B8E;
	s24 =	sld [smem:$0x3FFE];
	[sflag:s23] =	ssyncadd.s32 $0xFFFFFFFF  }
0xa5: {  	s26 =	simm.s32 $execute0_lowered;
	[smem:$0x3FD2] =	sst s25  }
0xa6: {  	s5 =	sshll.u32 s26, $0x1;
	_ =	strace $0x80000046;
	[dreg:$0x1] =	wrdreg $0xFFFFFFFF  }
0xa7: {  	s28 =	simm.s32 $_size_execute0_lowered;
	s3 =	sadd.s32 s3, s5;
	[dreg:$0x0] =	wrdreg $0x0  }
0xa8: {  	s5 =	sshll.u32 s28, $0x1;
	[dreg:$0x2] =	wrdreg s3  }
0xa9: {  	[dreg:$0x3] =	wrdreg s5  }
0xaa: {  	[dreg:$0x4] =	wrdreg $0xC0  }
0xab: {  	_ =	task [dreg:s7], $0x5FFFF  }
0xac: {  	[dreg:$0x1] =	wrdreg $0xFFFFFFFF  }
0xad: {  	[dreg:$0x0] =	wrdreg $0x60  }
0xae: {  	[dreg:$0x2] =	wrdreg s24  }
0xaf: {  	[dreg:$0x3] =	wrdreg s2  }
0xb0: {  	[dreg:$0x4] =	wrdreg $0x53000  }
0xb1: {  	[dreg:$0x5] =	wrdreg $0x55800  }
0xb2: {  	[dreg:$0x6] =	wrdreg $0x9  }
0xb3: {  	_ =	task.clear_ibuf [dreg:s7], $0x7FFFF;
	_ =	strace $0x90000046  }
0xb4: {  	s29 =	simm.s32 $0x9;
	_ =	strace $0x80000048  }
0xb5: {  	_ =	swait.ge [sflag:s29], $0x1  }
0xb6: {  	[sflag:s29] =	ssyncadd.s32 $0xFFFFFFFF  }
0xb7: {  	_ =	strace $0x90000048  }
0xb8: {  	_ =	sfence  }
0xb9: {  	s30 =	sld [smem:$0x0];
	_ =	sdelay $0x2  }
0xba: {  	s31 =	sshll.u32 s1, $0xD;
	s1 =	sshrl.u32 s1, $0x2  }
0xbb: {  	s3 =	sand.u32 $0x4000, s31;
	s1 =	sadd.s32 s1, s30  }
0xbc: {  	s0 =	sor.u32 s3, s0;
	s1 =	sshll.u32 s1, $0x11  }
0xbd: {  	s0 =	sor.u32 s1, s0  }
0xbe: {  	s0 =	sadd.s32 $0x8F2B, s0  }
0xbf: {  	[sflag:s0] =	ssyncadd.remote.s32 $0x1  }
0xc0: {  	_ =	sfence.sel $0xFFFF  }
0xc1: {  	[dreg:$0x0] =	wrdreg $0xFFFFFFFF;
	(pc) =	sbr.abs _section_cstart, $3  }
0xc2: {  	[dreg:$0x1] =	wrdreg $0xFFFFFFFF  }
0xc3: {  	_ =	task.clear_ibuf [dreg:s7], $0x2FFFF;
	_ =	strace $0x9FFFFFFF  }
0xc4: {  	(tm) =	ssettm $0x7FFFFFFF  }
0xc5: {  	_ =	shalt  }
tec
execute0_lowered:
.L_overlay_start_1:
0x0: {  	(tag) =	ssettag $0x1  }
0x1: {  	s8 =	rddreg [dreg:$0x0]  }
0x2: {  	s12 =	rddreg [dreg:$0x1]  }
0x3: {  	s1 =	rddreg [dreg:$0x2]  }
0x4: {  	s3 =	rddreg [dreg:$0x3]  }
0x5: {  	s0 =	rddreg [dreg:$0x4];
	s4 =	simm.s32 $0x0;
	s2 =	stileid.u32  }
0x6: {  	s5 =	srdreg.scid;
	s18 =	simm.s32 $0x1;
	s19 =	simm.s32 $0x2  }
0x7: {  	s20 =	simm.s32 $0x2800;
	s21 =	simm.s32 $0x80;
	s22 =	simm.s32 $0x5000  }
0x8: {  	[smem:$0x7FF] =	sst s4;
	s13 =	smul.u32 $0x500, s2;
	s17 =	sand.u32 $0x1, s5  }
0x9: {  	s5 =	sadd.s32 $0x12600, s8;
	s6 =	sadd.s32 $0x13200, s8;
	s14 =	smul.u32 $0x280, s2  }
0xa: {  	s7 =	sadd.s32 $0x12C00, s8;
	_ =	strace $0x80000047;
	s9 =	ssub.s32 $0x2, s17  }
.Ltmp0:
0xb: {  	p0 =	sne.s32 s17, $0x0;
	s17 =	simm.s32 $0x5080;
	(pc) =	sbr.rel .LBB2_1-.Ltmp0, $4  }
0xc: {  	s15 =	sadd.s32 s13, s8;
	s10 =	sshrl.u32 s9, $0x1;
	s8 =	sadd.s32 $0x13800, s8  }
0xd: {  	s12 =	sadd.s32 s12, s13;
	s13 =	sshrl.u32 s14, $0x3;
	s16 =	ssub.s32 s9, s10  }
0xe: {  	s9 =	sadd.s32 s14, s1;
	s10 =	sadd.s32 s14, s3;
	s11 =	sadd.s32 $0x8600, s15  }
0xf: {  	v0 =	vimm.f32 $1.000000000e+00;
	v1 =	vimm.f32 $0.0e+00;
	s14 =	sadd.s32 $0xD600, s15;
	s15 =	sadd.s32 $0x3600, s15;
	s16 =	smax.u32 s16, $0x1  }
.LBB2_7:
0x10: {  	s23 =	sshra.s32 s23, $0x2;
	[sflag:s18] =	ssyncadd.s32 $0xFFFFFF80  }
0x11: {  	[spmem:s1] =	stream.indirect.scatter.add.f32 [tilespmem:s22], [sflag:$0x1], $0x1, s23, s21, $0xb8;
	[tilespmem:$0x5800] =	vst v63  }
0x12: {  	s24 =	sadd.s32 $0x2800, s23  }
0x13: {  	[spmem:s3] =	stream.indirect.scatter.add.f32 [tilespmem:s22], [sflag:$0x1], $0x1, s24, s21, $0xb8;
	[tilespmem:$0x5800] =	vst v63  }
0x14: {  	s31 =	sadd.s32 $0x80, s23  }
0x15: {  	[spmem:s1] =	stream.indirect.scatter.add.f32 [tilespmem:s22], [sflag:$0x1], $0x1, s31, s21, $0xb8;
	[tilespmem:$0x5800] =	vst v63  }
0x16: {  	s25 =	sadd.s32 $0x2880, s23  }
0x17: {  	[spmem:s3] =	stream.indirect.scatter.add.f32 [tilespmem:s22], [sflag:$0x1], $0x1, s25, s21, $0xb8;
	[tilespmem:$0x5800] =	vst v63  }
0x18: {  	s26 =	sadd.s32 $0x100, s23  }
0x19: {  	[spmem:s1] =	stream.indirect.scatter.add.f32 [tilespmem:s22], [sflag:$0x1], $0x1, s26, s21, $0xb8;
	[tilespmem:$0x5800] =	vst v63  }
0x1a: {  	s28 =	sadd.s32 $0x2900, s23  }
0x1b: {  	[spmem:s3] =	stream.indirect.scatter.add.f32 [tilespmem:s22], [sflag:$0x1], $0x1, s28, s21, $0xb8;
	[tilespmem:$0x5800] =	vst v63  }
0x1c: {  	s29 =	sadd.s32 $0x180, s23  }
0x1d: {  	[spmem:s1] =	stream.indirect.scatter.add.f32 [tilespmem:s22], [sflag:$0x1], $0x1, s29, s21, $0xb8;
	[tilespmem:$0x5800] =	vst v63  }
0x1e: {  	s30 =	sadd.s32 $0x2980, s23  }
0x1f: {  	[spmem:s3] =	stream.indirect.scatter.add.f32 [tilespmem:s22], [sflag:$0x1], $0x1, s30, s21, $0xb8;
	[tilespmem:$0x5800] =	vst v63  }
0x20: {  	s31 =	sadd.s32 $0x200, s23  }
0x21: {  	[spmem:s1] =	stream.indirect.scatter.add.f32 [tilespmem:s22], [sflag:$0x1], $0x1, s31, s21, $0xb8;
	[tilespmem:$0x5800] =	vst v63  }
0x22: {  	s25 =	sadd.s32 $0x2A00, s23  }
0x23: {  	[spmem:s3] =	stream.indirect.scatter.add.f32 [tilespmem:s22], [sflag:$0x1], $0x1, s25, s21, $0xb8;
	[tilespmem:$0x5800] =	vst v63  }
0x24: {  	s26 =	sadd.s32 $0x280, s23  }
0x25: {  	[spmem:s1] =	stream.indirect.scatter.add.f32 [tilespmem:s22], [sflag:$0x1], $0x1, s26, s21, $0xb8;
	[tilespmem:$0x5800] =	vst v63  }
0x26: {  	s28 =	sadd.s32 $0x2A80, s23  }
0x27: {  	[spmem:s3] =	stream.indirect.scatter.add.f32 [tilespmem:s22], [sflag:$0x1], $0x1, s28, s21, $0xb8;
	[tilespmem:$0x5800] =	vst v63  }
0x28: {  	s29 =	sadd.s32 $0x300, s23  }
0x29: {  	[spmem:s1] =	stream.indirect.scatter.add.f32 [tilespmem:s22], [sflag:$0x1], $0x1, s29, s21, $0xb8;
	[tilespmem:$0x5800] =	vst v63  }
0x2a: {  	s30 =	sadd.s32 $0x2B00, s23  }
0x2b: {  	[spmem:s3] =	stream.indirect.scatter.add.f32 [tilespmem:s22], [sflag:$0x1], $0x1, s30, s21, $0xb8;
	[tilespmem:$0x5800] =	vst v63  }
0x2c: {  	s31 =	sadd.s32 $0x380, s23  }
0x2d: {  	[spmem:s1] =	stream.indirect.scatter.add.f32 [tilespmem:s22], [sflag:$0x1], $0x1, s31, s21, $0xb8;
	[tilespmem:$0x5800] =	vst v63  }
0x2e: {  	s23 =	sadd.s32 $0x2B80, s23  }
0x2f: {  	[spmem:s3] =	stream.indirect.scatter.add.f32 [tilespmem:s22], [sflag:$0x1], $0x1, s23, s21, $0xb8;
	[tilespmem:$0x5800] =	vst v63  }
0x30: {  	_ =	swait.ge [sflag:s18], $0x80  }
0x31: {  	[sflag:s18] =	ssyncset.done $0x0  }
0x32: {  	[sflag:s18] =	ssyncadd.s32 $0xFFFFFF80  }
0x33: {  	_ =	swait.ge [sflag:s18], $0x80  }
0x34: {  	[sflag:s18] =	ssyncset.done $0x0  }
0x35: {  	[sflag:s18] =	ssyncadd.s32 $0xFFFFFF80  }
0x36: {  	_ =	swait.ge [sflag:s18], $0x80  }
0x37: {  	[sflag:s18] =	ssyncset.done $0x0  }
0x38: {  	[sflag:s18] =	ssyncadd.s32 $0xFFFFFF80  }
0x39: {  	_ =	swait.ge [sflag:s18], $0x80  }
0x3a: {  	[sflag:s18] =	ssyncset.done $0x0  }
0x3b: {  	[sflag:s18] =	ssyncadd.s32 $0xFFFFFF80  }
0x3c: {  	_ =	swait.ge [sflag:s18], $0x80  }
0x3d: {  	[sflag:s18] =	ssyncset.done $0x0  }
0x3e: {  	[sflag:s18] =	ssyncadd.s32 $0xFFFFFF80  }
0x3f: {  	_ =	swait.ge [sflag:s18], $0x80  }
0x40: {  	[sflag:s18] =	ssyncset.done $0x0  }
0x41: {  	[sflag:s18] =	ssyncadd.s32 $0xFFFFFF80  }
0x42: {  	_ =	swait.ge [sflag:s18], $0x80  }
0x43: {  	[sflag:s18] =	ssyncset.done $0x0  }
0x44: {  	[sflag:s18] =	ssyncadd.s32 $0xFFFFFF80  }
0x45: {  	_ =	swait.ge [sflag:s18], $0x80  }
0x46: {  	[sflag:s18] =	ssyncset.done $0x0  }
0x47: {  	[sflag:s18] =	ssyncadd.s32 $0xFFFFFF80  }
0x48: {  	_ =	swait.ge [sflag:s18], $0x80  }
0x49: {  	[sflag:s18] =	ssyncset.done $0x0  }
0x4a: {  	[sflag:s18] =	ssyncadd.s32 $0xFFFFFF80  }
0x4b: {  	_ =	swait.ge [sflag:s18], $0x80  }
0x4c: {  	[sflag:s18] =	ssyncset.done $0x0  }
0x4d: {  	[sflag:s18] =	ssyncadd.s32 $0xFFFFFF80  }
0x4e: {  	_ =	swait.ge [sflag:s18], $0x80  }
0x4f: {  	[sflag:s18] =	ssyncset.done $0x0  }
0x50: {  	[sflag:s18] =	ssyncadd.s32 $0xFFFFFF80  }
0x51: {  	_ =	swait.ge [sflag:s18], $0x80  }
0x52: {  	[sflag:s18] =	ssyncset.done $0x0  }
0x53: {  	[sflag:s18] =	ssyncadd.s32 $0xFFFFFF80  }
0x54: {  	_ =	swait.ge [sflag:s18], $0x80  }
0x55: {  	[sflag:s18] =	ssyncset.done $0x0  }
0x56: {  	[sflag:s18] =	ssyncadd.s32 $0xFFFFFF80  }
0x57: {  	_ =	swait.ge [sflag:s18], $0x80  }
0x58: {  	[sflag:s18] =	ssyncset.done $0x0  }
0x59: {  	[sflag:s18] =	ssyncadd.s32 $0xFFFFFF80  }
0x5a: {  	_ =	swait.ge [sflag:s18], $0x80  }
0x5b: {  	[sflag:s18] =	ssyncset.done $0x0  }
0x5c: {  	[sflag:s18] =	ssyncadd.s32 $0xFFFFFF80  }
0x5d: {  	_ =	swait.ge [sflag:s18], $0x80  }
0x5e: {  	[sflag:s18] =	ssyncset.done $0x0  }
0x5f: {  	s24 =	smov.u32 s7;
	s23 =	smov.u32 s8;
	[sflag:s18] =	ssyncadd.s32 $0xFFFFFF80  }
.LBB2_8:
0x60: {  	s24 =	sadd.s32 s24, s13;
	s25 =	sshll.u32 s2, $0x6  }
0x61: {  	[bflag:$0x0] =	sbarrier.arrive $0xFFFF;
	s26 =	sshrl.u32 s9, $0x3;
	s25 =	sor.u32 $0x1C02, s25  }
0x62: {  	[hbm:s24], [sflag:s25] =	dma.local [spmem:s26], $0x50  }
0x63: {  	s4 =	sadd.s32 $0x1, s4;
	_ =	swait.ge [sflag:s19], $0x50  }
0x64: {  	s23 =	sadd.s32 s23, s13;
	p1 =	sne.s32 s4, s16;
	[sflag:s19] =	ssyncset.done $0x0  }
.Ltmp1:
0x65: {  	s31 =	sshrl.u32 s10, $0x3;
	[sflag:s19] =	ssyncadd.s32 $0xFFFFFFB0;
	(pc) =	sbr.rel @!p1 .LBB2_9-.Ltmp1, $4  }
0x66: {  	[hbm:s23], [sflag:s25] =	dma.local [spmem:s31], $0x50  }
0x67: {  	_ =	swait.ge [sflag:s19], $0x50  }
0x68: {  	[sflag:s19] =	ssyncset.done $0x0  }
0x69: {  	[sflag:s19] =	ssyncadd.s32 $0xFFFFFFB0  }
.LBB2_1:
0x6a: {  	[tilespmem:$0x5000] =	vst v0  }
0x6b: {  	[tilespmem:$0x5010] =	vst v0  }
0x6c: {  	[tilespmem:$0x5020] =	vst v0  }
0x6d: {  	[tilespmem:$0x5030] =	vst v0  }
0x6e: {  	[tilespmem:$0x5040] =	vst v0  }
0x6f: {  	[tilespmem:$0x5050] =	vst v0  }
0x70: {  	[tilespmem:$0x5060] =	vst v0  }
0x71: {  	[tilespmem:$0x5070] =	vst v0  }
0x72: {  	[tilespmem:$0x5080] =	vst v1  }
0x73: {  	[tilespmem:$0x5090] =	vst v1  }
0x74: {  	[tilespmem:$0x50A0] =	vst v1  }
0x75: {  	[tilespmem:$0x50B0] =	vst v1  }
0x76: {  	[tilespmem:$0x50C0] =	vst v1  }
0x77: {  	[tilespmem:$0x50D0] =	vst v1  }
0x78: {  	[tilespmem:$0x50E0] =	vst v1  }
0x79: {  	[tilespmem:$0x50F0] =	vst v1  }
0x7a: {  	[tilespmem:$0x5100] =	vst v1  }
0x7b: {  	[tilespmem:$0x5110] =	vst v1  }
0x7c: {  	[tilespmem:$0x5120] =	vst v1  }
0x7d: {  	[tilespmem:$0x5130] =	vst v1  }
0x7e: {  	[tilespmem:$0x5140] =	vst v1  }
0x7f: {  	[tilespmem:$0x5150] =	vst v1  }
0x80: {  	[tilespmem:$0x5160] =	vst v1  }
0x81: {  	[tilespmem:$0x5170] =	vst v1  }
0x82: {  	[tilespmem:$0x5180] =	vst v1  }
0x83: {  	[tilespmem:$0x5190] =	vst v1  }
0x84: {  	[tilespmem:$0x51A0] =	vst v1  }
0x85: {  	[tilespmem:$0x51B0] =	vst v1  }
0x86: {  	[tilespmem:$0x51C0] =	vst v1  }
0x87: {  	[tilespmem:$0x51D0] =	vst v1  }
0x88: {  	[tilespmem:$0x51E0] =	vst v1  }
0x89: {  	[tilespmem:$0x51F0] =	vst v1  }
0x8a: {  	[tilespmem:$0x5200] =	vst v1  }
0x8b: {  	[tilespmem:$0x5210] =	vst v1  }
0x8c: {  	[tilespmem:$0x5220] =	vst v1  }
0x8d: {  	[tilespmem:$0x5230] =	vst v1  }
0x8e: {  	[tilespmem:$0x5240] =	vst v1  }
0x8f: {  	[tilespmem:$0x5250] =	vst v1  }
0x90: {  	[tilespmem:$0x5260] =	vst v1  }
0x91: {  	[tilespmem:$0x5270] =	vst v1  }
0x92: {  	[tilespmem:$0x5280] =	vst v1  }
0x93: {  	[tilespmem:$0x5290] =	vst v1  }
0x94: {  	[tilespmem:$0x52A0] =	vst v1  }
0x95: {  	[tilespmem:$0x52B0] =	vst v1  }
0x96: {  	[tilespmem:$0x52C0] =	vst v1  }
0x97: {  	[tilespmem:$0x52D0] =	vst v1  }
0x98: {  	[tilespmem:$0x52E0] =	vst v1  }
0x99: {  	[tilespmem:$0x52F0] =	vst v1  }
0x9a: {  	[spmem:s9] =	stream.linear.scatter [tilespmem:s17], [sflag:$0x1], $0x280, $0x38;
	[tilespmem:$0x5800] =	vst v63  }
0x9b: {  	_ = 	snop  }
0x9c: {  	[spmem:s10] =	stream.linear.scatter [tilespmem:s17], [sflag:$0x1], $0x280, $0x38;
	[tilespmem:$0x5800] =	vst v63  }
0x9d: {  	_ =	swait.ge [sflag:s18], $0x280  }
0x9e: {  	[sflag:s18] =	ssyncset.done $0x0  }
0x9f: {  	[sflag:s18] =	ssyncadd.s32 $0xFFFFFD80  }
.Ltmp2:
0xa0: {  	_ =	swait.ge [sflag:s18], $0x280;
	(pc) =	sbr.rel @p0 .LBB2_5-.Ltmp2, $4  }
0xa1: {  	[sflag:s18] =	ssyncset.done $0x0  }
0xa2: {  	[sflag:s18] =	ssyncadd.s32 $0xFFFFFD80  }
0xa3: {  	[bflag:$0x0] =	sbarrier.arrive $0xFFFF  }
0xa4: {  	s23 =	simm.s32 $0x0  }
0xa5: {  	[tilespmem:s23], [sflag:$0x2] =	stream.linear.gather [hbm4b:s14+s23], $0x2800, $0x38;
	[tilespmem:$0x5800] =	vst v63  }
0xa6: {  	_ =	swait.ge [sflag:s19], $0x2800  }
0xa7: {  	[sflag:s19] =	ssyncset.done $0x0  }
0xa8: {  	[sflag:s19] =	ssyncadd.s32 $0xFFFFD800  }
0xa9: {  	[tilespmem:s20], [sflag:$0x2] =	stream.linear.gather [hbm4b:s15+s23], $0x2800, $0x38;
	[tilespmem:$0x5800] =	vst v63  }
0xaa: {  	_ =	swait.ge [sflag:s19], $0x2800  }
0xab: {  	[sflag:s19] =	ssyncset.done $0x0  }
0xac: {  	s30 =	simm.s32 $0x0;
	[sflag:s19] =	ssyncadd.s32 $0xFFFFD800  }
0xad: {  	[spmem:s1] =	stream.indirect.scatter.add.f32 [tilespmem:s22], [sflag:$0x1], $0x1, s30, s21, $0xb8;
	[tilespmem:$0x5800] =	vst v63  }
0xae: {  	s31 =	simm.s32 $0x2800  }
0xaf: {  	[spmem:s3] =	stream.indirect.scatter.add.f32 [tilespmem:s22], [sflag:$0x1], $0x1, s31, s21, $0xb8;
	[tilespmem:$0x5800] =	vst v63  }
0xb0: {  	s24 =	simm.s32 $0x80  }
0xb1: {  	[spmem:s1] =	stream.indirect.scatter.add.f32 [tilespmem:s22], [sflag:$0x1], $0x1, s24, s21, $0xb8;
	[tilespmem:$0x5800] =	vst v63  }
0xb2: {  	s25 =	simm.s32 $0x2880  }
0xb3: {  	[spmem:s3] =	stream.indirect.scatter.add.f32 [tilespmem:s22], [sflag:$0x1], $0x1, s25, s21, $0xb8;
	[tilespmem:$0x5800] =	vst v63  }
0xb4: {  	s26 =	simm.s32 $0x100  }
0xb5: {  	[spmem:s1] =	stream.indirect.scatter.add.f32 [tilespmem:s22], [sflag:$0x1], $0x1, s26, s21, $0xb8;
	[tilespmem:$0x5800] =	vst v63  }
0xb6: {  	s28 =	simm.s32 $0x2900  }
0xb7: {  	[spmem:s3] =	stream.indirect.scatter.add.f32 [tilespmem:s22], [sflag:$0x1], $0x1, s28, s21, $0xb8;
	[tilespmem:$0x5800] =	vst v63  }
0xb8: {  	s29 =	simm.s32 $0x180  }
0xb9: {  	[spmem:s1] =	stream.indirect.scatter.add.f32 [tilespmem:s22], [sflag:$0x1], $0x1, s29, s21, $0xb8;
	[tilespmem:$0x5800] =	vst v63  }
0xba: {  	s30 =	simm.s32 $0x2980  }
0xbb: {  	[spmem:s3] =	stream.indirect.scatter.add.f32 [tilespmem:s22], [sflag:$0x1], $0x1, s30, s21, $0xb8;
	[tilespmem:$0x5800] =	vst v63  }
0xbc: {  	s31 =	simm.s32 $0x200  }
0xbd: {  	[spmem:s1] =	stream.indirect.scatter.add.f32 [tilespmem:s22], [sflag:$0x1], $0x1, s31, s21, $0xb8;
	[tilespmem:$0x5800] =	vst v63  }
0xbe: {  	s24 =	simm.s32 $0x2A00  }
0xbf: {  	[spmem:s3] =	stream.indirect.scatter.add.f32 [tilespmem:s22], [sflag:$0x1], $0x1, s24, s21, $0xb8;
	[tilespmem:$0x5800] =	vst v63  }
0xc0: {  	s25 =	simm.s32 $0x280  }
0xc1: {  	[spmem:s1] =	stream.indirect.scatter.add.f32 [tilespmem:s22], [sflag:$0x1], $0x1, s25, s21, $0xb8;
	[tilespmem:$0x5800] =	vst v63  }
0xc2: {  	s26 =	simm.s32 $0x2A80  }
0xc3: {  	[spmem:s3] =	stream.indirect.scatter.add.f32 [tilespmem:s22], [sflag:$0x1], $0x1, s26, s21, $0xb8;
	[tilespmem:$0x5800] =	vst v63  }
0xc4: {  	s28 =	simm.s32 $0x300  }
0xc5: {  	[spmem:s1] =	stream.indirect.scatter.add.f32 [tilespmem:s22], [sflag:$0x1], $0x1, s28, s21, $0xb8;
	[tilespmem:$0x5800] =	vst v63  }
0xc6: {  	s29 =	simm.s32 $0x2B00  }
0xc7: {  	[spmem:s3] =	stream.indirect.scatter.add.f32 [tilespmem:s22], [sflag:$0x1], $0x1, s29, s21, $0xb8;
	[tilespmem:$0x5800] =	vst v63  }
0xc8: {  	s30 =	simm.s32 $0x380  }
0xc9: {  	[spmem:s1] =	stream.indirect.scatter.add.f32 [tilespmem:s22], [sflag:$0x1], $0x1, s30, s21, $0xb8;
	[tilespmem:$0x5800] =	vst v63  }
0xca: {  	s31 =	simm.s32 $0x2B80  }
0xcb: {  	[spmem:s3] =	stream.indirect.scatter.add.f32 [tilespmem:s22], [sflag:$0x1], $0x1, s31, s21, $0xb8;
	[tilespmem:$0x5800] =	vst v63  }
0xcc: {  	_ =	swait.ge [sflag:s18], $0x80  }
0xcd: {  	[sflag:s18] =	ssyncset.done $0x0  }
0xce: {  	[sflag:s18] =	ssyncadd.s32 $0xFFFFFF80  }
0xcf: {  	_ =	swait.ge [sflag:s18], $0x80  }
0xd0: {  	[sflag:s18] =	ssyncset.done $0x0  }
0xd1: {  	[sflag:s18] =	ssyncadd.s32 $0xFFFFFF80  }
0xd2: {  	_ =	swait.ge [sflag:s18], $0x80  }
0xd3: {  	[sflag:s18] =	ssyncset.done $0x0  }
0xd4: {  	[sflag:s18] =	ssyncadd.s32 $0xFFFFFF80  }
0xd5: {  	_ =	swait.ge [sflag:s18], $0x80  }
0xd6: {  	[sflag:s18] =	ssyncset.done $0x0  }
0xd7: {  	[sflag:s18] =	ssyncadd.s32 $0xFFFFFF80  }
0xd8: {  	_ =	swait.ge [sflag:s18], $0x80  }
0xd9: {  	[sflag:s18] =	ssyncset.done $0x0  }
0xda: {  	[sflag:s18] =	ssyncadd.s32 $0xFFFFFF80  }
0xdb: {  	_ =	swait.ge [sflag:s18], $0x80  }
0xdc: {  	[sflag:s18] =	ssyncset.done $0x0  }
0xdd: {  	[sflag:s18] =	ssyncadd.s32 $0xFFFFFF80  }
0xde: {  	_ =	swait.ge [sflag:s18], $0x80  }
0xdf: {  	[sflag:s18] =	ssyncset.done $0x0  }
0xe0: {  	[sflag:s18] =	ssyncadd.s32 $0xFFFFFF80  }
0xe1: {  	_ =	swait.ge [sflag:s18], $0x80  }
0xe2: {  	[sflag:s18] =	ssyncset.done $0x0  }
0xe3: {  	[sflag:s18] =	ssyncadd.s32 $0xFFFFFF80  }
0xe4: {  	_ =	swait.ge [sflag:s18], $0x80  }
0xe5: {  	[sflag:s18] =	ssyncset.done $0x0  }
0xe6: {  	[sflag:s18] =	ssyncadd.s32 $0xFFFFFF80  }
0xe7: {  	_ =	swait.ge [sflag:s18], $0x80  }
0xe8: {  	[sflag:s18] =	ssyncset.done $0x0  }
0xe9: {  	[sflag:s18] =	ssyncadd.s32 $0xFFFFFF80  }
0xea: {  	_ =	swait.ge [sflag:s18], $0x80  }
0xeb: {  	[sflag:s18] =	ssyncset.done $0x0  }
0xec: {  	[sflag:s18] =	ssyncadd.s32 $0xFFFFFF80  }
0xed: {  	_ =	swait.ge [sflag:s18], $0x80  }
0xee: {  	[sflag:s18] =	ssyncset.done $0x0  }
0xef: {  	[sflag:s18] =	ssyncadd.s32 $0xFFFFFF80  }
0xf0: {  	_ =	swait.ge [sflag:s18], $0x80  }
0xf1: {  	[sflag:s18] =	ssyncset.done $0x0  }
0xf2: {  	[sflag:s18] =	ssyncadd.s32 $0xFFFFFF80  }
0xf3: {  	_ =	swait.ge [sflag:s18], $0x80  }
0xf4: {  	[sflag:s18] =	ssyncset.done $0x0  }
0xf5: {  	[sflag:s18] =	ssyncadd.s32 $0xFFFFFF80  }
0xf6: {  	_ =	swait.ge [sflag:s18], $0x80  }
0xf7: {  	[sflag:s18] =	ssyncset.done $0x0  }
0xf8: {  	[sflag:s18] =	ssyncadd.s32 $0xFFFFFF80  }
0xf9: {  	_ =	swait.ge [sflag:s18], $0x80  }
0xfa: {  	s23 =	simm.s32 $0x1000;
	s26 =	simm.s32 $0x2000;
	[sflag:s18] =	ssyncset.done $0x0  }
.LBB2_3:
0xfb: {  	s25 =	sshra.s32 s23, $0x2  }
0xfc: {  	[sflag:s18] =	ssyncadd.s32 $0xFFFFFF80;
	s23 =	smov.u32 s26;
	s24 =	sadd.s32 $0x1000, s26  }
0xfd: {  	[spmem:s1] =	stream.indirect.scatter.add.f32 [tilespmem:s22], [sflag:$0x1], $0x1, s25, s21, $0xb8;
	[tilespmem:$0x5800] =	vst v63  }
0xfe: {  	p1 =	seq.s32 s26, $0x9000;
	s26 =	sadd.s32 $0x2800, s25  }
0xff: {  	[spmem:s3] =	stream.indirect.scatter.add.f32 [tilespmem:s22], [sflag:$0x1], $0x1, s26, s21, $0xb8;
	[tilespmem:$0x5800] =	vst v63  }
0x100: {  	s26 =	sadd.s32 $0x80, s25  }
0x101: {  	[spmem:s1] =	stream.indirect.scatter.add.f32 [tilespmem:s22], [sflag:$0x1], $0x1, s26, s21, $0xb8;
	[tilespmem:$0x5800] =	vst v63  }
0x102: {  	s26 =	sadd.s32 $0x2880, s25  }
0x103: {  	[spmem:s3] =	stream.indirect.scatter.add.f32 [tilespmem:s22], [sflag:$0x1], $0x1, s26, s21, $0xb8;
	[tilespmem:$0x5800] =	vst v63  }
0x104: {  	s26 =	sadd.s32 $0x100, s25  }
0x105: {  	[spmem:s1] =	stream.indirect.scatter.add.f32 [tilespmem:s22], [sflag:$0x1], $0x1, s26, s21, $0xb8;
	[tilespmem:$0x5800] =	vst v63  }
0x106: {  	s26 =	sadd.s32 $0x2900, s25  }
0x107: {  	[spmem:s3] =	stream.indirect.scatter.add.f32 [tilespmem:s22], [sflag:$0x1], $0x1, s26, s21, $0xb8;
	[tilespmem:$0x5800] =	vst v63  }
0x108: {  	s26 =	sadd.s32 $0x180, s25  }
0x109: {  	[spmem:s1] =	stream.indirect.scatter.add.f32 [tilespmem:s22], [sflag:$0x1], $0x1, s26, s21, $0xb8;
	[tilespmem:$0x5800] =	vst v63  }
0x10a: {  	s26 =	sadd.s32 $0x2980, s25  }
0x10b: {  	[spmem:s3] =	stream.indirect.scatter.add.f32 [tilespmem:s22], [sflag:$0x1], $0x1, s26, s21, $0xb8;
	[tilespmem:$0x5800] =	vst v63  }
0x10c: {  	s26 =	sadd.s32 $0x200, s25  }
0x10d: {  	[spmem:s1] =	stream.indirect.scatter.add.f32 [tilespmem:s22], [sflag:$0x1], $0x1, s26, s21, $0xb8;
	[tilespmem:$0x5800] =	vst v63  }
0x10e: {  	s26 =	sadd.s32 $0x2A00, s25  }
0x10f: {  	[spmem:s3] =	stream.indirect.scatter.add.f32 [tilespmem:s22], [sflag:$0x1], $0x1, s26, s21, $0xb8;
	[tilespmem:$0x5800] =	vst v63  }
0x110: {  	s26 =	sadd.s32 $0x280, s25  }
0x111: {  	[spmem:s1] =	stream.indirect.scatter.add.f32 [tilespmem:s22], [sflag:$0x1], $0x1, s26, s21, $0xb8;
	[tilespmem:$0x5800] =	vst v63  }
0x112: {  	s26 =	sadd.s32 $0x2A80, s25  }
0x113: {  	[spmem:s3] =	stream.indirect.scatter.add.f32 [tilespmem:s22], [sflag:$0x1], $0x1, s26, s21, $0xb8;
	[tilespmem:$0x5800] =	vst v63  }
0x114: {  	s26 =	sadd.s32 $0x300, s25  }
0x115: {  	[spmem:s1] =	stream.indirect.scatter.add.f32 [tilespmem:s22], [sflag:$0x1], $0x1, s26, s21, $0xb8;
	[tilespmem:$0x5800] =	vst v63  }
0x116: {  	s26 =	sadd.s32 $0x2B00, s25  }
0x117: {  	[spmem:s3] =	stream.indirect.scatter.add.f32 [tilespmem:s22], [sflag:$0x1], $0x1, s26, s21, $0xb8;
	[tilespmem:$0x5800] =	vst v63  }
0x118: {  	s26 =	sadd.s32 $0x380, s25  }
0x119: {  	[spmem:s1] =	stream.indirect.scatter.add.f32 [tilespmem:s22], [sflag:$0x1], $0x1, s26, s21, $0xb8;
	[tilespmem:$0x5800] =	vst v63  }
0x11a: {  	s25 =	sadd.s32 $0x2B80, s25  }
0x11b: {  	[spmem:s3] =	stream.indirect.scatter.add.f32 [tilespmem:s22], [sflag:$0x1], $0x1, s25, s21, $0xb8;
	[tilespmem:$0x5800] =	vst v63  }
0x11c: {  	_ =	swait.ge [sflag:s18], $0x80  }
0x11d: {  	[sflag:s18] =	ssyncset.done $0x0  }
0x11e: {  	[sflag:s18] =	ssyncadd.s32 $0xFFFFFF80  }
0x11f: {  	_ =	swait.ge [sflag:s18], $0x80  }
0x120: {  	[sflag:s18] =	ssyncset.done $0x0  }
0x121: {  	[sflag:s18] =	ssyncadd.s32 $0xFFFFFF80  }
0x122: {  	_ =	swait.ge [sflag:s18], $0x80  }
0x123: {  	[sflag:s18] =	ssyncset.done $0x0  }
0x124: {  	[sflag:s18] =	ssyncadd.s32 $0xFFFFFF80  }
0x125: {  	_ =	swait.ge [sflag:s18], $0x80  }
0x126: {  	[sflag:s18] =	ssyncset.done $0x0  }
0x127: {  	[sflag:s18] =	ssyncadd.s32 $0xFFFFFF80  }
0x128: {  	_ =	swait.ge [sflag:s18], $0x80  }
0x129: {  	[sflag:s18] =	ssyncset.done $0x0  }
0x12a: {  	[sflag:s18] =	ssyncadd.s32 $0xFFFFFF80  }
0x12b: {  	_ =	swait.ge [sflag:s18], $0x80  }
0x12c: {  	[sflag:s18] =	ssyncset.done $0x0  }
0x12d: {  	[sflag:s18] =	ssyncadd.s32 $0xFFFFFF80  }
0x12e: {  	_ =	swait.ge [sflag:s18], $0x80  }
0x12f: {  	[sflag:s18] =	ssyncset.done $0x0  }
0x130: {  	[sflag:s18] =	ssyncadd.s32 $0xFFFFFF80  }
0x131: {  	_ =	swait.ge [sflag:s18], $0x80  }
0x132: {  	[sflag:s18] =	ssyncset.done $0x0  }
0x133: {  	[sflag:s18] =	ssyncadd.s32 $0xFFFFFF80  }
0x134: {  	_ =	swait.ge [sflag:s18], $0x80  }
0x135: {  	[sflag:s18] =	ssyncset.done $0x0  }
0x136: {  	[sflag:s18] =	ssyncadd.s32 $0xFFFFFF80  }
0x137: {  	_ =	swait.ge [sflag:s18], $0x80  }
0x138: {  	[sflag:s18] =	ssyncset.done $0x0  }
0x139: {  	[sflag:s18] =	ssyncadd.s32 $0xFFFFFF80  }
0x13a: {  	_ =	swait.ge [sflag:s18], $0x80  }
0x13b: {  	[sflag:s18] =	ssyncset.done $0x0  }
0x13c: {  	[sflag:s18] =	ssyncadd.s32 $0xFFFFFF80  }
0x13d: {  	_ =	swait.ge [sflag:s18], $0x80  }
0x13e: {  	[sflag:s18] =	ssyncset.done $0x0  }
0x13f: {  	[sflag:s18] =	ssyncadd.s32 $0xFFFFFF80  }
0x140: {  	_ =	swait.ge [sflag:s18], $0x80  }
0x141: {  	[sflag:s18] =	ssyncset.done $0x0  }
0x142: {  	[sflag:s18] =	ssyncadd.s32 $0xFFFFFF80  }
0x143: {  	_ =	swait.ge [sflag:s18], $0x80  }
0x144: {  	[sflag:s18] =	ssyncset.done $0x0  }
0x145: {  	[sflag:s18] =	ssyncadd.s32 $0xFFFFFF80  }
.Ltmp3:
0x146: {  	_ =	swait.ge [sflag:s18], $0x80;
	(pc) =	sbr.rel @!p1 .LBB2_3-.Ltmp3, $4  }
0x147: {  	[sflag:s18] =	ssyncset.done $0x0  }
0x148: {  	[sflag:s18] =	ssyncadd.s32 $0xFFFFFF80  }
0x149: {  	_ =	swait.ge [sflag:s18], $0x80  }
0x14a: {  	s26 =	smov.u32 s24;
	[sflag:s18] =	ssyncset.done $0x0  }
0x14b: {  	s23 =	sshra.s32 s23, $0x2;
	[sflag:s18] =	ssyncadd.s32 $0xFFFFFF80  }
0x14c: {  	[spmem:s1] =	stream.indirect.scatter.add.f32 [tilespmem:s22], [sflag:$0x1], $0x1, s23, s21, $0xb8;
	[tilespmem:$0x5800] =	vst v63  }
0x14d: {  	s24 =	sadd.s32 $0x2800, s23  }
0x14e: {  	[spmem:s3] =	stream.indirect.scatter.add.f32 [tilespmem:s22], [sflag:$0x1], $0x1, s24, s21, $0xb8;
	[tilespmem:$0x5800] =	vst v63  }
0x14f: {  	s31 =	sadd.s32 $0x80, s23  }
0x150: {  	[spmem:s1] =	stream.indirect.scatter.add.f32 [tilespmem:s22], [sflag:$0x1], $0x1, s31, s21, $0xb8;
	[tilespmem:$0x5800] =	vst v63  }
0x151: {  	s25 =	sadd.s32 $0x2880, s23  }
0x152: {  	[spmem:s3] =	stream.indirect.scatter.add.f32 [tilespmem:s22], [sflag:$0x1], $0x1, s25, s21, $0xb8;
	[tilespmem:$0x5800] =	vst v63  }
0x153: {  	s26 =	sadd.s32 $0x100, s23  }
0x154: {  	[spmem:s1] =	stream.indirect.scatter.add.f32 [tilespmem:s22], [sflag:$0x1], $0x1, s26, s21, $0xb8;
	[tilespmem:$0x5800] =	vst v63  }
0x155: {  	s28 =	sadd.s32 $0x2900, s23  }
0x156: {  	[spmem:s3] =	stream.indirect.scatter.add.f32 [tilespmem:s22], [sflag:$0x1], $0x1, s28, s21, $0xb8;
	[tilespmem:$0x5800] =	vst v63  }
0x157: {  	s29 =	sadd.s32 $0x180, s23  }
0x158: {  	[spmem:s1] =	stream.indirect.scatter.add.f32 [tilespmem:s22], [sflag:$0x1], $0x1, s29, s21, $0xb8;
	[tilespmem:$0x5800] =	vst v63  }
0x159: {  	s30 =	sadd.s32 $0x2980, s23  }
0x15a: {  	[spmem:s3] =	stream.indirect.scatter.add.f32 [tilespmem:s22], [sflag:$0x1], $0x1, s30, s21, $0xb8;
	[tilespmem:$0x5800] =	vst v63  }
0x15b: {  	s31 =	sadd.s32 $0x200, s23  }
0x15c: {  	[spmem:s1] =	stream.indirect.scatter.add.f32 [tilespmem:s22], [sflag:$0x1], $0x1, s31, s21, $0xb8;
	[tilespmem:$0x5800] =	vst v63  }
0x15d: {  	s25 =	sadd.s32 $0x2A00, s23  }
0x15e: {  	[spmem:s3] =	stream.indirect.scatter.add.f32 [tilespmem:s22], [sflag:$0x1], $0x1, s25, s21, $0xb8;
	[tilespmem:$0x5800] =	vst v63  }
0x15f: {  	s26 =	sadd.s32 $0x280, s23  }
0x160: {  	[spmem:s1] =	stream.indirect.scatter.add.f32 [tilespmem:s22], [sflag:$0x1], $0x1, s26, s21, $0xb8;
	[tilespmem:$0x5800] =	vst v63  }
0x161: {  	s28 =	sadd.s32 $0x2A80, s23  }
0x162: {  	[spmem:s3] =	stream.indirect.scatter.add.f32 [tilespmem:s22], [sflag:$0x1], $0x1, s28, s21, $0xb8;
	[tilespmem:$0x5800] =	vst v63  }
0x163: {  	s29 =	sadd.s32 $0x300, s23  }
0x164: {  	[spmem:s1] =	stream.indirect.scatter.add.f32 [tilespmem:s22], [sflag:$0x1], $0x1, s29, s21, $0xb8;
	[tilespmem:$0x5800] =	vst v63  }
0x165: {  	s30 =	sadd.s32 $0x2B00, s23  }
0x166: {  	[spmem:s3] =	stream.indirect.scatter.add.f32 [tilespmem:s22], [sflag:$0x1], $0x1, s30, s21, $0xb8;
	[tilespmem:$0x5800] =	vst v63  }
0x167: {  	s31 =	sadd.s32 $0x380, s23  }
0x168: {  	[spmem:s1] =	stream.indirect.scatter.add.f32 [tilespmem:s22], [sflag:$0x1], $0x1, s31, s21, $0xb8;
	[tilespmem:$0x5800] =	vst v63  }
0x169: {  	s23 =	sadd.s32 $0x2B80, s23  }
0x16a: {  	[spmem:s3] =	stream.indirect.scatter.add.f32 [tilespmem:s22], [sflag:$0x1], $0x1, s23, s21, $0xb8;
	[tilespmem:$0x5800] =	vst v63  }
0x16b: {  	_ =	swait.ge [sflag:s18], $0x80  }
0x16c: {  	[sflag:s18] =	ssyncset.done $0x0  }
0x16d: {  	[sflag:s18] =	ssyncadd.s32 $0xFFFFFF80  }
0x16e: {  	_ =	swait.ge [sflag:s18], $0x80  }
0x16f: {  	[sflag:s18] =	ssyncset.done $0x0  }
0x170: {  	[sflag:s18] =	ssyncadd.s32 $0xFFFFFF80  }
0x171: {  	_ =	swait.ge [sflag:s18], $0x80  }
0x172: {  	[sflag:s18] =	ssyncset.done $0x0  }
0x173: {  	[sflag:s18] =	ssyncadd.s32 $0xFFFFFF80  }
0x174: {  	_ =	swait.ge [sflag:s18], $0x80  }
0x175: {  	[sflag:s18] =	ssyncset.done $0x0  }
0x176: {  	[sflag:s18] =	ssyncadd.s32 $0xFFFFFF80  }
0x177: {  	_ =	swait.ge [sflag:s18], $0x80  }
0x178: {  	[sflag:s18] =	ssyncset.done $0x0  }
0x179: {  	[sflag:s18] =	ssyncadd.s32 $0xFFFFFF80  }
0x17a: {  	_ =	swait.ge [sflag:s18], $0x80  }
0x17b: {  	[sflag:s18] =	ssyncset.done $0x0  }
0x17c: {  	[sflag:s18] =	ssyncadd.s32 $0xFFFFFF80  }
0x17d: {  	_ =	swait.ge [sflag:s18], $0x80  }
0x17e: {  	[sflag:s18] =	ssyncset.done $0x0  }
0x17f: {  	[sflag:s18] =	ssyncadd.s32 $0xFFFFFF80  }
0x180: {  	_ =	swait.ge [sflag:s18], $0x80  }
0x181: {  	[sflag:s18] =	ssyncset.done $0x0  }
0x182: {  	[sflag:s18] =	ssyncadd.s32 $0xFFFFFF80  }
0x183: {  	_ =	swait.ge [sflag:s18], $0x80  }
0x184: {  	[sflag:s18] =	ssyncset.done $0x0  }
0x185: {  	[sflag:s18] =	ssyncadd.s32 $0xFFFFFF80  }
0x186: {  	_ =	swait.ge [sflag:s18], $0x80  }
0x187: {  	[sflag:s18] =	ssyncset.done $0x0  }
0x188: {  	[sflag:s18] =	ssyncadd.s32 $0xFFFFFF80  }
0x189: {  	_ =	swait.ge [sflag:s18], $0x80  }
0x18a: {  	[sflag:s18] =	ssyncset.done $0x0  }
0x18b: {  	[sflag:s18] =	ssyncadd.s32 $0xFFFFFF80  }
0x18c: {  	_ =	swait.ge [sflag:s18], $0x80  }
0x18d: {  	[sflag:s18] =	ssyncset.done $0x0  }
0x18e: {  	[sflag:s18] =	ssyncadd.s32 $0xFFFFFF80  }
0x18f: {  	_ =	swait.ge [sflag:s18], $0x80  }
0x190: {  	[sflag:s18] =	ssyncset.done $0x0  }
0x191: {  	[sflag:s18] =	ssyncadd.s32 $0xFFFFFF80  }
0x192: {  	_ =	swait.ge [sflag:s18], $0x80  }
0x193: {  	[sflag:s18] =	ssyncset.done $0x0  }
0x194: {  	[sflag:s18] =	ssyncadd.s32 $0xFFFFFF80  }
0x195: {  	_ =	swait.ge [sflag:s18], $0x80  }
.Ltmp4:
0x196: {  	[sflag:s18] =	ssyncset.done $0x0;
	(pc) =	sbr.rel .LBB2_8-.Ltmp4, $4  }
0x197: {  	[sflag:s18] =	ssyncadd.s32 $0xFFFFFF80  }
0x198: {  	_ =	swait.ge [sflag:s18], $0x80  }
0x199: {  	[sflag:s18] =	ssyncset.done $0x0  }
0x19a: {  	s24 =	smov.u32 s5;
	s23 =	smov.u32 s6;
	[sflag:s18] =	ssyncadd.s32 $0xFFFFFF80  }
.LBB2_5:
0x19b: {  	[tilespmem:s23], [sflag:$0x2] =	stream.linear.gather [hbm4b:s11+s23], $0x2800, $0x38;
	[tilespmem:$0x5800] =	vst v63  }
0x19c: {  	_ =	swait.ge [sflag:s19], $0x2800  }
0x19d: {  	[sflag:s19] =	ssyncset.done $0x0  }
0x19e: {  	[sflag:s19] =	ssyncadd.s32 $0xFFFFD800  }
0x19f: {  	[tilespmem:s20], [sflag:$0x2] =	stream.linear.gather [hbm4b:s12+s23], $0x2800, $0x38;
	[tilespmem:$0x5800] =	vst v63  }
0x1a0: {  	_ =	swait.ge [sflag:s19], $0x2800  }
0x1a1: {  	[sflag:s19] =	ssyncset.done $0x0  }
0x1a2: {  	s30 =	simm.s32 $0x0;
	[sflag:s19] =	ssyncadd.s32 $0xFFFFD800  }
0x1a3: {  	[spmem:s1] =	stream.indirect.scatter.add.f32 [tilespmem:s22], [sflag:$0x1], $0x1, s30, s21, $0xb8;
	[tilespmem:$0x5800] =	vst v63  }
0x1a4: {  	s31 =	simm.s32 $0x2800  }
0x1a5: {  	[spmem:s3] =	stream.indirect.scatter.add.f32 [tilespmem:s22], [sflag:$0x1], $0x1, s31, s21, $0xb8;
	[tilespmem:$0x5800] =	vst v63  }
0x1a6: {  	s24 =	simm.s32 $0x80  }
0x1a7: {  	[spmem:s1] =	stream.indirect.scatter.add.f32 [tilespmem:s22], [sflag:$0x1], $0x1, s24, s21, $0xb8;
	[tilespmem:$0x5800] =	vst v63  }
0x1a8: {  	s25 =	simm.s32 $0x2880  }
0x1a9: {  	[spmem:s3] =	stream.indirect.scatter.add.f32 [tilespmem:s22], [sflag:$0x1], $0x1, s25, s21, $0xb8;
	[tilespmem:$0x5800] =	vst v63  }
0x1aa: {  	s26 =	simm.s32 $0x100  }
0x1ab: {  	[spmem:s1] =	stream.indirect.scatter.add.f32 [tilespmem:s22], [sflag:$0x1], $0x1, s26, s21, $0xb8;
	[tilespmem:$0x5800] =	vst v63  }
0x1ac: {  	s28 =	simm.s32 $0x2900  }
0x1ad: {  	[spmem:s3] =	stream.indirect.scatter.add.f32 [tilespmem:s22], [sflag:$0x1], $0x1, s28, s21, $0xb8;
	[tilespmem:$0x5800] =	vst v63  }
0x1ae: {  	s29 =	simm.s32 $0x180  }
0x1af: {  	[spmem:s1] =	stream.indirect.scatter.add.f32 [tilespmem:s22], [sflag:$0x1], $0x1, s29, s21, $0xb8;
	[tilespmem:$0x5800] =	vst v63  }
0x1b0: {  	s30 =	simm.s32 $0x2980  }
0x1b1: {  	[spmem:s3] =	stream.indirect.scatter.add.f32 [tilespmem:s22], [sflag:$0x1], $0x1, s30, s21, $0xb8;
	[tilespmem:$0x5800] =	vst v63  }
0x1b2: {  	s31 =	simm.s32 $0x200  }
0x1b3: {  	[spmem:s1] =	stream.indirect.scatter.add.f32 [tilespmem:s22], [sflag:$0x1], $0x1, s31, s21, $0xb8;
	[tilespmem:$0x5800] =	vst v63  }
0x1b4: {  	s24 =	simm.s32 $0x2A00  }
0x1b5: {  	[spmem:s3] =	stream.indirect.scatter.add.f32 [tilespmem:s22], [sflag:$0x1], $0x1, s24, s21, $0xb8;
	[tilespmem:$0x5800] =	vst v63  }
0x1b6: {  	s25 =	simm.s32 $0x280  }
0x1b7: {  	[spmem:s1] =	stream.indirect.scatter.add.f32 [tilespmem:s22], [sflag:$0x1], $0x1, s25, s21, $0xb8;
	[tilespmem:$0x5800] =	vst v63  }
0x1b8: {  	s26 =	simm.s32 $0x2A80  }
0x1b9: {  	[spmem:s3] =	stream.indirect.scatter.add.f32 [tilespmem:s22], [sflag:$0x1], $0x1, s26, s21, $0xb8;
	[tilespmem:$0x5800] =	vst v63  }
0x1ba: {  	s28 =	simm.s32 $0x300  }
0x1bb: {  	[spmem:s1] =	stream.indirect.scatter.add.f32 [tilespmem:s22], [sflag:$0x1], $0x1, s28, s21, $0xb8;
	[tilespmem:$0x5800] =	vst v63  }
0x1bc: {  	s29 =	simm.s32 $0x2B00  }
0x1bd: {  	[spmem:s3] =	stream.indirect.scatter.add.f32 [tilespmem:s22], [sflag:$0x1], $0x1, s29, s21, $0xb8;
	[tilespmem:$0x5800] =	vst v63  }
0x1be: {  	s30 =	simm.s32 $0x380  }
0x1bf: {  	[spmem:s1] =	stream.indirect.scatter.add.f32 [tilespmem:s22], [sflag:$0x1], $0x1, s30, s21, $0xb8;
	[tilespmem:$0x5800] =	vst v63  }
0x1c0: {  	s31 =	simm.s32 $0x2B80  }
0x1c1: {  	[spmem:s3] =	stream.indirect.scatter.add.f32 [tilespmem:s22], [sflag:$0x1], $0x1, s31, s21, $0xb8;
	[tilespmem:$0x5800] =	vst v63  }
0x1c2: {  	_ =	swait.ge [sflag:s18], $0x80  }
0x1c3: {  	[sflag:s18] =	ssyncset.done $0x0  }
0x1c4: {  	[sflag:s18] =	ssyncadd.s32 $0xFFFFFF80  }
0x1c5: {  	_ =	swait.ge [sflag:s18], $0x80  }
0x1c6: {  	[sflag:s18] =	ssyncset.done $0x0  }
0x1c7: {  	[sflag:s18] =	ssyncadd.s32 $0xFFFFFF80  }
0x1c8: {  	_ =	swait.ge [sflag:s18], $0x80  }
0x1c9: {  	[sflag:s18] =	ssyncset.done $0x0  }
0x1ca: {  	[sflag:s18] =	ssyncadd.s32 $0xFFFFFF80  }
0x1cb: {  	_ =	swait.ge [sflag:s18], $0x80  }
0x1cc: {  	[sflag:s18] =	ssyncset.done $0x0  }
0x1cd: {  	[sflag:s18] =	ssyncadd.s32 $0xFFFFFF80  }
0x1ce: {  	_ =	swait.ge [sflag:s18], $0x80  }
0x1cf: {  	[sflag:s18] =	ssyncset.done $0x0  }
0x1d0: {  	[sflag:s18] =	ssyncadd.s32 $0xFFFFFF80  }
0x1d1: {  	_ =	swait.ge [sflag:s18], $0x80  }
0x1d2: {  	[sflag:s18] =	ssyncset.done $0x0  }
0x1d3: {  	[sflag:s18] =	ssyncadd.s32 $0xFFFFFF80  }
0x1d4: {  	_ =	swait.ge [sflag:s18], $0x80  }
0x1d5: {  	[sflag:s18] =	ssyncset.done $0x0  }
0x1d6: {  	[sflag:s18] =	ssyncadd.s32 $0xFFFFFF80  }
0x1d7: {  	_ =	swait.ge [sflag:s18], $0x80  }
0x1d8: {  	[sflag:s18] =	ssyncset.done $0x0  }
0x1d9: {  	[sflag:s18] =	ssyncadd.s32 $0xFFFFFF80  }
0x1da: {  	_ =	swait.ge [sflag:s18], $0x80  }
0x1db: {  	[sflag:s18] =	ssyncset.done $0x0  }
0x1dc: {  	[sflag:s18] =	ssyncadd.s32 $0xFFFFFF80  }
0x1dd: {  	_ =	swait.ge [sflag:s18], $0x80  }
0x1de: {  	[sflag:s18] =	ssyncset.done $0x0  }
0x1df: {  	[sflag:s18] =	ssyncadd.s32 $0xFFFFFF80  }
0x1e0: {  	_ =	swait.ge [sflag:s18], $0x80  }
0x1e1: {  	[sflag:s18] =	ssyncset.done $0x0  }
0x1e2: {  	[sflag:s18] =	ssyncadd.s32 $0xFFFFFF80  }
0x1e3: {  	_ =	swait.ge [sflag:s18], $0x80  }
0x1e4: {  	[sflag:s18] =	ssyncset.done $0x0  }
0x1e5: {  	[sflag:s18] =	ssyncadd.s32 $0xFFFFFF80  }
0x1e6: {  	_ =	swait.ge [sflag:s18], $0x80  }
0x1e7: {  	[sflag:s18] =	ssyncset.done $0x0  }
0x1e8: {  	[sflag:s18] =	ssyncadd.s32 $0xFFFFFF80  }
0x1e9: {  	_ =	swait.ge [sflag:s18], $0x80  }
0x1ea: {  	[sflag:s18] =	ssyncset.done $0x0  }
0x1eb: {  	[sflag:s18] =	ssyncadd.s32 $0xFFFFFF80  }
0x1ec: {  	_ =	swait.ge [sflag:s18], $0x80  }
0x1ed: {  	[sflag:s18] =	ssyncset.done $0x0  }
0x1ee: {  	[sflag:s18] =	ssyncadd.s32 $0xFFFFFF80  }
0x1ef: {  	_ =	swait.ge [sflag:s18], $0x80  }
0x1f0: {  	s23 =	simm.s32 $0x1000;
	s26 =	simm.s32 $0x2000;
	[sflag:s18] =	ssyncset.done $0x0  }
.LBB2_6:
0x1f1: {  	s25 =	sshra.s32 s23, $0x2  }
0x1f2: {  	[sflag:s18] =	ssyncadd.s32 $0xFFFFFF80;
	s23 =	smov.u32 s26;
	s24 =	sadd.s32 $0x1000, s26  }
0x1f3: {  	[spmem:s1] =	stream.indirect.scatter.add.f32 [tilespmem:s22], [sflag:$0x1], $0x1, s25, s21, $0xb8;
	[tilespmem:$0x5800] =	vst v63  }
0x1f4: {  	p1 =	sne.s32 s26, $0x9000;
	s26 =	sadd.s32 $0x2800, s25  }
0x1f5: {  	[spmem:s3] =	stream.indirect.scatter.add.f32 [tilespmem:s22], [sflag:$0x1], $0x1, s26, s21, $0xb8;
	[tilespmem:$0x5800] =	vst v63  }
0x1f6: {  	s26 =	sadd.s32 $0x80, s25  }
0x1f7: {  	[spmem:s1] =	stream.indirect.scatter.add.f32 [tilespmem:s22], [sflag:$0x1], $0x1, s26, s21, $0xb8;
	[tilespmem:$0x5800] =	vst v63  }
0x1f8: {  	s26 =	sadd.s32 $0x2880, s25  }
0x1f9: {  	[spmem:s3] =	stream.indirect.scatter.add.f32 [tilespmem:s22], [sflag:$0x1], $0x1, s26, s21, $0xb8;
	[tilespmem:$0x5800] =	vst v63  }
0x1fa: {  	s26 =	sadd.s32 $0x100, s25  }
0x1fb: {  	[spmem:s1] =	stream.indirect.scatter.add.f32 [tilespmem:s22], [sflag:$0x1], $0x1, s26, s21, $0xb8;
	[tilespmem:$0x5800] =	vst v63  }
0x1fc: {  	s26 =	sadd.s32 $0x2900, s25  }
0x1fd: {  	[spmem:s3] =	stream.indirect.scatter.add.f32 [tilespmem:s22], [sflag:$0x1], $0x1, s26, s21, $0xb8;
	[tilespmem:$0x5800] =	vst v63  }
0x1fe: {  	s26 =	sadd.s32 $0x180, s25  }
0x1ff: {  	[spmem:s1] =	stream.indirect.scatter.add.f32 [tilespmem:s22], [sflag:$0x1], $0x1, s26, s21, $0xb8;
	[tilespmem:$0x5800] =	vst v63  }
0x200: {  	s26 =	sadd.s32 $0x2980, s25  }
0x201: {  	[spmem:s3] =	stream.indirect.scatter.add.f32 [tilespmem:s22], [sflag:$0x1], $0x1, s26, s21, $0xb8;
	[tilespmem:$0x5800] =	vst v63  }
0x202: {  	s26 =	sadd.s32 $0x200, s25  }
0x203: {  	[spmem:s1] =	stream.indirect.scatter.add.f32 [tilespmem:s22], [sflag:$0x1], $0x1, s26, s21, $0xb8;
	[tilespmem:$0x5800] =	vst v63  }
0x204: {  	s26 =	sadd.s32 $0x2A00, s25  }
0x205: {  	[spmem:s3] =	stream.indirect.scatter.add.f32 [tilespmem:s22], [sflag:$0x1], $0x1, s26, s21, $0xb8;
	[tilespmem:$0x5800] =	vst v63  }
0x206: {  	s26 =	sadd.s32 $0x280, s25  }
0x207: {  	[spmem:s1] =	stream.indirect.scatter.add.f32 [tilespmem:s22], [sflag:$0x1], $0x1, s26, s21, $0xb8;
	[tilespmem:$0x5800] =	vst v63  }
0x208: {  	s26 =	sadd.s32 $0x2A80, s25  }
0x209: {  	[spmem:s3] =	stream.indirect.scatter.add.f32 [tilespmem:s22], [sflag:$0x1], $0x1, s26, s21, $0xb8;
	[tilespmem:$0x5800] =	vst v63  }
0x20a: {  	s26 =	sadd.s32 $0x300, s25  }
0x20b: {  	[spmem:s1] =	stream.indirect.scatter.add.f32 [tilespmem:s22], [sflag:$0x1], $0x1, s26, s21, $0xb8;
	[tilespmem:$0x5800] =	vst v63  }
0x20c: {  	s26 =	sadd.s32 $0x2B00, s25  }
0x20d: {  	[spmem:s3] =	stream.indirect.scatter.add.f32 [tilespmem:s22], [sflag:$0x1], $0x1, s26, s21, $0xb8;
	[tilespmem:$0x5800] =	vst v63  }
0x20e: {  	s26 =	sadd.s32 $0x380, s25  }
0x20f: {  	[spmem:s1] =	stream.indirect.scatter.add.f32 [tilespmem:s22], [sflag:$0x1], $0x1, s26, s21, $0xb8;
	[tilespmem:$0x5800] =	vst v63  }
0x210: {  	s25 =	sadd.s32 $0x2B80, s25  }
0x211: {  	[spmem:s3] =	stream.indirect.scatter.add.f32 [tilespmem:s22], [sflag:$0x1], $0x1, s25, s21, $0xb8;
	[tilespmem:$0x5800] =	vst v63  }
0x212: {  	_ =	swait.ge [sflag:s18], $0x80  }
0x213: {  	[sflag:s18] =	ssyncset.done $0x0  }
0x214: {  	[sflag:s18] =	ssyncadd.s32 $0xFFFFFF80  }
0x215: {  	_ =	swait.ge [sflag:s18], $0x80  }
0x216: {  	[sflag:s18] =	ssyncset.done $0x0  }
0x217: {  	[sflag:s18] =	ssyncadd.s32 $0xFFFFFF80  }
0x218: {  	_ =	swait.ge [sflag:s18], $0x80  }
0x219: {  	[sflag:s18] =	ssyncset.done $0x0  }
0x21a: {  	[sflag:s18] =	ssyncadd.s32 $0xFFFFFF80  }
0x21b: {  	_ =	swait.ge [sflag:s18], $0x80  }
0x21c: {  	[sflag:s18] =	ssyncset.done $0x0  }
0x21d: {  	[sflag:s18] =	ssyncadd.s32 $0xFFFFFF80  }
0x21e: {  	_ =	swait.ge [sflag:s18], $0x80  }
0x21f: {  	[sflag:s18] =	ssyncset.done $0x0  }
0x220: {  	[sflag:s18] =	ssyncadd.s32 $0xFFFFFF80  }
0x221: {  	_ =	swait.ge [sflag:s18], $0x80  }
0x222: {  	[sflag:s18] =	ssyncset.done $0x0  }
0x223: {  	[sflag:s18] =	ssyncadd.s32 $0xFFFFFF80  }
0x224: {  	_ =	swait.ge [sflag:s18], $0x80  }
0x225: {  	[sflag:s18] =	ssyncset.done $0x0  }
0x226: {  	[sflag:s18] =	ssyncadd.s32 $0xFFFFFF80  }
0x227: {  	_ =	swait.ge [sflag:s18], $0x80  }
0x228: {  	[sflag:s18] =	ssyncset.done $0x0  }
0x229: {  	[sflag:s18] =	ssyncadd.s32 $0xFFFFFF80  }
0x22a: {  	_ =	swait.ge [sflag:s18], $0x80  }
0x22b: {  	[sflag:s18] =	ssyncset.done $0x0  }
0x22c: {  	[sflag:s18] =	ssyncadd.s32 $0xFFFFFF80  }
0x22d: {  	_ =	swait.ge [sflag:s18], $0x80  }
0x22e: {  	[sflag:s18] =	ssyncset.done $0x0  }
0x22f: {  	[sflag:s18] =	ssyncadd.s32 $0xFFFFFF80  }
0x230: {  	_ =	swait.ge [sflag:s18], $0x80  }
0x231: {  	[sflag:s18] =	ssyncset.done $0x0  }
0x232: {  	[sflag:s18] =	ssyncadd.s32 $0xFFFFFF80  }
0x233: {  	_ =	swait.ge [sflag:s18], $0x80  }
0x234: {  	[sflag:s18] =	ssyncset.done $0x0  }
0x235: {  	[sflag:s18] =	ssyncadd.s32 $0xFFFFFF80  }
0x236: {  	_ =	swait.ge [sflag:s18], $0x80  }
0x237: {  	[sflag:s18] =	ssyncset.done $0x0  }
0x238: {  	[sflag:s18] =	ssyncadd.s32 $0xFFFFFF80  }
0x239: {  	_ =	swait.ge [sflag:s18], $0x80  }
0x23a: {  	[sflag:s18] =	ssyncset.done $0x0  }
0x23b: {  	[sflag:s18] =	ssyncadd.s32 $0xFFFFFF80  }
.Ltmp5:
0x23c: {  	_ =	swait.ge [sflag:s18], $0x80;
	(pc) =	sbr.rel @p1 .LBB2_6-.Ltmp5, $4  }
0x23d: {  	[sflag:s18] =	ssyncset.done $0x0  }
0x23e: {  	[sflag:s18] =	ssyncadd.s32 $0xFFFFFF80  }
0x23f: {  	_ =	swait.ge [sflag:s18], $0x80  }
0x240: {  	s26 =	smov.u32 s24;
	[sflag:s18] =	ssyncset.done $0x0  }
.Ltmp6:
0x241: {  	_ = 	snop;
	(pc) =	sbr.rel .LBB2_7-.Ltmp6, $1  }
0x242: {  	_ =	sdelay $0x3  }
.LBB2_9:
0x243: {  	_ =	sfence.sel $0x180000  }
0x244: {  	[bflag:$0x0] =	sbarrier.arrive $0xFFFF  }
0x245: {  	p0 =	sne.s32 s2, $0x0;
	_ =	strace $0x90000047  }
0x246: {  	s0 =	sadd.s32 @!p0 $0x100000, s0;
	[bflag:$0x2] =	sbarrier.arrive $0xFFFF  }
0x247: {  	[sflag:s0] =	ssyncadd.tile.s32 @!p0 $0x1;
	_ =	shalt  }
.Lfunc_end2:
_tile_overlayer_lowered:
.L_overlay_start_2:
0x248: {  	(tag) =	ssettag $0x2  }
0x249: {  	s0 =	rddreg [dreg:$0x0];
	s2 =	stileid.u32  }
0x24a: {  	s1 =	rddreg [dreg:$0x1];
	p0 =	sne.s32 s2, $0x0  }
0x24b: {  	s3 =	rddreg [dreg:$0x2];
	[bflag:$0x3] =	sbarrier.arrive $0xFFFF;
	s2 =	simm.s32 @!p0 $0x1C02  }
0x24c: {  	[timem:s3], [sflag:s2] =	dma.local @!p0 [hbm:s0], s1  }
0x24d: {  	s0 =	simm.s32 @!p0 $0x2  }
0x24e: {  	_ =	swait.ge @!p0 [sflag:s0], s1  }
0x24f: {  	s1 =	ssub.s32 @!p0 $0x0, s1;
	[sflag:s0] =	ssyncset.done @!p0 $0x0  }
0x250: {  	[sflag:s0] =	ssyncadd.s32 @!p0 s1  }
0x251: {  	[bflag:$0x3] =	sbarrier.arrive $0xFFFF  }
0x252: {  	_ =	shalt  }

</sc_bundles>
